<compile_context>
chip_gen: v7x
topology: tpu7x:2x2x1
jax: 0.10.2.dev20260603
libtpu: 0.0.44.dev20260713+nightly
codegen_flags: <defaults>
</compile_context>

<pallas_src>
import functools

import jax
import jax.numpy as jnp
from jax import lax
from jax.experimental import pallas as pl
from jax.experimental.pallas import tpu as pltpu
from jax.experimental.pallas import tpu_sc as plsc

N = 10000
E = 320000
B = 256
D = 128
CODE = 256
FINAL = 128

NPAD = 10240
BR = 512
NB = NPAD // BR

NC = 2
NS = 16
EPT = E // (NC * NS)
CH = 64
NCH = EPT // CH
TAIL = EPT - NCH * CH
NRING = 4
NOUT = NCH // NRING
RPT = NPAD // NS
DEGW = 16

_HIGH = jax.lax.Precision.HIGHEST


def _mesh():
    return plsc.VectorSubcoreMesh(core_axis_name="c", subcore_axis_name="s")


@functools.cache
def _make_deg_kernel():
    return functools.partial(
        pl.kernel,
        mesh=_mesh(),
        out_type=jax.ShapeDtypeStruct((NC, NPAD), jnp.float32),
        compiler_params=pltpu.CompilerParams(needs_layout_passes=False),
        scratch_types=[
            pltpu.VMEM((EPT,), jnp.int32),
            pltpu.VMEM((NPAD,), jnp.float32),
            pltpu.VMEM((NS, RPT), jnp.float32),
            pltpu.VMEM_SHARED((NS, NPAD), jnp.float32),
            pltpu.SemaphoreType.DMA,
        ],
    )(_deg_body)


def _deg_body(edge_hbm, deg_out, idx_v, hist_v, tmp_v, hists_sh, sem):
    cid = lax.axis_index("c")
    sid = lax.axis_index("s")
    wid = cid * NS + sid

    def zf(i, _):
        hist_v[pl.ds(i * 16, 16)] = jnp.zeros((16,), jnp.float32)
        return 0

    lax.fori_loop(0, NPAD // 16, zf, 0)
    pltpu.sync_copy(edge_hbm.at[pl.ds(E + wid * EPT, EPT)], idx_v)
    ones = jnp.full((16,), 1.0, jnp.float32)

    def body(k, _):
        for u in range(5):
            idx16 = idx_v[pl.ds((5 * k + u) * 16, 16)]
            plsc.addupdate_scatter(hist_v, [idx16], ones)
        return 0

    lax.fori_loop(0, EPT // 80, body, 0)
    pltpu.sync_copy(hist_v, hists_sh.at[sid])
    plsc.subcore_barrier()
    for t in range(NS):
        pltpu.async_copy(hists_sh.at[t, pl.ds(sid * RPT, RPT)],
                         tmp_v.at[t], sem)
    for t in range(NS):
        pltpu.make_async_copy(hists_sh.at[t, pl.ds(sid * RPT, RPT)],
                              tmp_v.at[t], sem).wait()

    def red(j, _):
        s = tmp_v[0, pl.ds(j * 16, 16)]
        for t in range(1, NS):
            s = s + tmp_v[t, pl.ds(j * 16, 16)]
        hist_v[pl.ds(j * 16, 16)] = s
        return 0

    lax.fori_loop(0, RPT // 16, red, 0)
    pltpu.sync_copy(hist_v.at[pl.ds(0, RPT)],
                    deg_out.at[cid, pl.ds(sid * RPT, RPT)])


@functools.cache
def _make_agg_kernel():
    return functools.partial(
        pl.kernel,
        mesh=_mesh(),
        out_type=jax.ShapeDtypeStruct((NC, NPAD, D), jnp.float32),
        scratch_types=[
            pltpu.VMEM((NRING, CH), jnp.int32),
            pltpu.VMEM((NRING, CH), jnp.int32),
            pltpu.VMEM((NRING, CH, D), jnp.float32),
            pltpu.VMEM((TAIL,), jnp.int32),
            pltpu.VMEM((TAIL,), jnp.int32),
            pltpu.VMEM((TAIL, D), jnp.float32),
            pltpu.VMEM_SHARED((NPAD, D), jnp.float32),
        ]
        + [pltpu.SemaphoreType.DMA] * (4 * NRING + 1),
    )(_agg_body)


def _agg_body(g_hbm, edge_hbm, out_hbm, isrc, idst, rows, tsrc, tdst, trows,
              acc_s, *sems):
    gsem = sems[0:NRING]
    ssem = sems[NRING:2 * NRING]
    isem = sems[2 * NRING:3 * NRING]
    dsem = sems[3 * NRING:4 * NRING]
    tsem = sems[4 * NRING]
    cid = lax.axis_index("c")
    sid = lax.axis_index("s")
    wid = cid * NS + sid
    base = wid * EPT

    def _src(c):
        return edge_hbm.at[pl.ds(base + c * CH, CH)]

    def _dst(c):
        return edge_hbm.at[pl.ds(E + base + c * CH, CH)]

    def zfill(i, _):
        for j in range(D // 16):
            rows[0, i, pl.ds(j * 16, 16)] = jnp.zeros((16,), jnp.float32)
        return 0

    lax.fori_loop(0, CH, zfill, 0)
    pltpu.async_copy(edge_hbm.at[pl.ds(base + NCH * CH, TAIL)], tsrc, tsem)
    pltpu.async_copy(edge_hbm.at[pl.ds(E + base + NCH * CH, TAIL)], tdst, tsem)
    for r in range(RPT // CH):
        pltpu.sync_copy(rows.at[0], acc_s.at[pl.ds(sid * RPT + r * CH, CH)])
    plsc.subcore_barrier()

    for j in range(NRING):
        pltpu.async_copy(_src(j), isrc.at[j], isem[j])
    for j in range(NRING - 1):
        pltpu.async_copy(_dst(j), idst.at[j], dsem[j])
        pltpu.make_async_copy(_src(j), isrc.at[j], isem[j]).wait()
        pltpu.async_copy(g_hbm.at[isrc.at[j]], rows.at[j], gsem[j])

    def body(o, _):
        for j in range(NRING):
            c = NRING * o + j
            b3 = (j + 3) % NRING
            pltpu.make_async_copy(g_hbm.at[isrc.at[j]], rows.at[j],
                                  gsem[j]).wait()
            pltpu.make_async_copy(_dst(c), idst.at[j], dsem[j]).wait()
            pltpu.async_copy(rows.at[j], acc_s.at[idst.at[j]], ssem[j],
                             add=True)

            @pl.when(o < NOUT - 1)
            def _pf():
                pltpu.async_copy(_src(c + NRING), isrc.at[j], isem[j])

            def _recycle():
                pltpu.make_async_copy(rows.at[b3], acc_s.at[idst.at[b3]],
                                      ssem[b3]).wait()
                pltpu.make_async_copy(_src(c), isrc.at[b3], isem[b3]).wait()
                pltpu.async_copy(g_hbm.at[isrc.at[b3]], rows.at[b3],
                                 gsem[b3])
                pltpu.async_copy(_dst(c + 3), idst.at[b3], dsem[b3])

            if j == 0:
                @pl.when(o > 0)
                def _w0():
                    pltpu.make_async_copy(rows.at[b3], acc_s.at[idst.at[b3]],
                                          ssem[b3]).wait()

                pltpu.make_async_copy(_src(c), isrc.at[b3], isem[b3]).wait()
                pltpu.async_copy(g_hbm.at[isrc.at[b3]], rows.at[b3],
                                 gsem[b3])
                pltpu.async_copy(_dst(c + 3), idst.at[b3], dsem[b3])
            else:
                @pl.when(o < NOUT - 1)
                def _wj():
                    _recycle()

        return 0

    lax.fori_loop(0, NOUT, body, 0)
    for j in range(NRING):
        pltpu.make_async_copy(rows.at[j], acc_s.at[idst.at[j]],
                              ssem[j]).wait()
    pltpu.make_async_copy(edge_hbm.at[pl.ds(base + NCH * CH, TAIL)],
                          tsrc, tsem).wait()
    pltpu.make_async_copy(edge_hbm.at[pl.ds(E + base + NCH * CH, TAIL)],
                          tdst, tsem).wait()
    pltpu.async_copy(g_hbm.at[tsrc], trows, tsem).wait()
    pltpu.sync_copy(trows, acc_s.at[tdst], add=True)
    plsc.subcore_barrier()
    pltpu.sync_copy(acc_s.at[pl.ds(sid * RPT, RPT)],
                    out_hbm.at[cid, pl.ds(sid * RPT, RPT)])


def _tc1_body(x_ref, w_ref, deg_ref, g_ref, dinv_ref):
    dtot = deg_ref[0] + deg_ref[1] + 1.0
    dinv = lax.rsqrt(jnp.maximum(dtot, 1.0))
    y = jnp.dot(x_ref[...], w_ref[...],
                preferred_element_type=jnp.float32, precision=_HIGH)
    g_ref[...] = y * dinv
    dinv_ref[...] = dinv


def _tc1(x_pad, W1, degp):
    return pl.pallas_call(
        _tc1_body,
        grid=(NB,),
        in_specs=[
            pl.BlockSpec((BR, D), lambda k: (k, 0)),
            pl.BlockSpec((D, D), lambda k: (0, 0)),
            pl.BlockSpec((NC, BR, 1), lambda k: (0, k, 0)),
        ],
        out_specs=[
            pl.BlockSpec((BR, D), lambda k: (k, 0)),
            pl.BlockSpec((BR, 1), lambda k: (k, 0)),
        ],
        out_shape=[
            jax.ShapeDtypeStruct((NPAD, D), jnp.float32),
            jax.ShapeDtypeStruct((NPAD, 1), jnp.float32),
        ],
    )(x_pad, W1, degp)


def _tc2_body(g_ref, p_ref, dinv_ref, b_ref, w_ref, o_ref):
    dinv = dinv_ref[...]
    s = p_ref[0] + p_ref[1] + g_ref[...]
    h = jnp.maximum(s * dinv + b_ref[...], 0.0)
    y = jnp.dot(h, w_ref[...],
                preferred_element_type=jnp.float32, precision=_HIGH)
    o_ref[...] = y * dinv


def _tc2(g1, p1, dinv16, b1, W2):
    return pl.pallas_call(
        _tc2_body,
        grid=(NB,),
        in_specs=[
            pl.BlockSpec((BR, D), lambda k: (k, 0)),
            pl.BlockSpec((NC, BR, D), lambda k: (0, k, 0)),
            pl.BlockSpec((BR, 1), lambda k: (k, 0)),
            pl.BlockSpec((1, D), lambda k: (0, 0)),
            pl.BlockSpec((D, D), lambda k: (0, 0)),
        ],
        out_specs=pl.BlockSpec((BR, D), lambda k: (k, 0)),
        out_shape=jax.ShapeDtypeStruct((NPAD, D), jnp.float32),
    )(g1, p1, dinv16, b1, W2)


def _log_softmax(z):
    m = jnp.max(z, axis=-1, keepdims=True)
    zs = z - m
    return zs - jnp.log(jnp.sum(jnp.exp(zs), axis=-1, keepdims=True))


def _tc3_body(g_ref, p_ref, dinv_ref, b2_ref, batch_ref, cx_ref,
              wc_ref, bc_ref, wt_ref, bt_ref, wfc_ref, wft_ref, bf_ref,
              o1_ref, o2_ref, o3_ref, sums, counts):
    k = pl.program_id(0)

    @pl.when(k == 0)
    def _init():
        sums[...] = jnp.zeros_like(sums)
        counts[...] = jnp.zeros_like(counts)

    dinv = dinv_ref[...]
    h2 = (p_ref[0] + p_ref[1] + g_ref[...]) * dinv + b2_ref[...]
    bvec = batch_ref[0]
    seg = lax.broadcasted_iota(jnp.int32, (B, BR), 0)
    onehot = (bvec == seg).astype(jnp.float32)
    sums[...] += jnp.dot(onehot, h2,
                         preferred_element_type=jnp.float32, precision=_HIGH)
    counts[...] += jnp.sum(onehot, axis=1, keepdims=True)

    @pl.when(k == NB - 1)
    def _final():
        cnt = jnp.maximum(counts[:, 0:1], 1.0)
        trans = sums[...] / cnt
        code = cx_ref[...]
        z1 = jnp.dot(code, wc_ref[...],
                     preferred_element_type=jnp.float32, precision=_HIGH) + bc_ref[...]
        o1_ref[...] = _log_softmax(z1)
        z2 = jnp.dot(trans, wt_ref[...],
                     preferred_element_type=jnp.float32, precision=_HIGH) + bt_ref[...]
        o2_ref[...] = _log_softmax(z2)
        z3 = (jnp.dot(code, wfc_ref[...],
                      preferred_element_type=jnp.float32, precision=_HIGH)
              + jnp.dot(trans, wft_ref[...],
                        preferred_element_type=jnp.float32, precision=_HIGH)
              + bf_ref[...])
        o3_ref[...] = _log_softmax(z3)


def _tc3(g2, p2, dinv16, b2, batch3, code_x, Wc, bc, Wt, bt, Wfc, Wft, bf):
    return pl.pallas_call(
        _tc3_body,
        grid=(NB,),
        in_specs=[
            pl.BlockSpec((BR, D), lambda k: (k, 0)),
            pl.BlockSpec((NC, BR, D), lambda k: (0, k, 0)),
            pl.BlockSpec((BR, 1), lambda k: (k, 0)),
            pl.BlockSpec((1, D), lambda k: (0, 0)),
            pl.BlockSpec((1, 1, BR), lambda k: (k, 0, 0)),
            pl.BlockSpec((B, CODE), lambda k: (0, 0)),
            pl.BlockSpec((CODE, FINAL), lambda k: (0, 0)),
            pl.BlockSpec((1, FINAL), lambda k: (0, 0)),
            pl.BlockSpec((D, FINAL), lambda k: (0, 0)),
            pl.BlockSpec((1, FINAL), lambda k: (0, 0)),
            pl.BlockSpec((CODE, FINAL), lambda k: (0, 0)),
            pl.BlockSpec((D, FINAL), lambda k: (0, 0)),
            pl.BlockSpec((1, FINAL), lambda k: (0, 0)),
        ],
        out_specs=[
            pl.BlockSpec((B, FINAL), lambda k: (0, 0)),
            pl.BlockSpec((B, FINAL), lambda k: (0, 0)),
            pl.BlockSpec((B, FINAL), lambda k: (0, 0)),
        ],
        out_shape=[
            jax.ShapeDtypeStruct((B, FINAL), jnp.float32),
            jax.ShapeDtypeStruct((B, FINAL), jnp.float32),
            jax.ShapeDtypeStruct((B, FINAL), jnp.float32),
        ],
        scratch_shapes=[
            pltpu.VMEM((B, FINAL), jnp.float32),
            pltpu.VMEM((B, FINAL), jnp.float32),
        ],
    )(g2, p2, dinv16, b2, batch3, code_x, Wc, bc, Wt, bt, Wfc, Wft, bf)


def kernel(x, edge_index, batch, code_x, W1, b1, W2, b2, Wc, bc, Wt, bt, Wf, bf):
    x_pad = jnp.pad(x, ((0, NPAD - N), (0, 0)))
    edges = edge_index.astype(jnp.int32).reshape(2 * E)
    batch3 = jnp.concatenate(
        [batch.astype(jnp.int32), jnp.full((NPAD - N,), 1 << 20, jnp.int32)]
    ).reshape(NB, 1, BR)

    b1r = b1.reshape(1, D)
    b2r = b2.reshape(1, D)
    bcr = bc.reshape(1, FINAL)
    btr = bt.reshape(1, FINAL)
    bfr = bf.reshape(1, FINAL)
    Wfc = Wf[:CODE]
    Wft = Wf[CODE:]

    deg_kernel = _make_deg_kernel()
    agg_kernel = _make_agg_kernel()
    degp = deg_kernel(edges).reshape(NC, NPAD, 1)
    g1, dinv16 = _tc1(x_pad, W1, degp)
    p1 = agg_kernel(g1, edges)
    g2 = _tc2(g1, p1, dinv16, b1r, W2)
    p2 = agg_kernel(g2, edges)
    code_prob, trans_prob, final_prob = _tc3(
        g2, p2, dinv16, b2r, batch3, code_x, Wc, bcr, Wt, btr, Wfc, Wft, bfr)
    return (code_prob, trans_prob, final_prob)

# --- scband reference (transcript-rebuilt; emitter-appended) ---
"""Pipeline reference for scband-all-concat-model-no-mlp-gcn-test-81243601371583 (READ-ONLY COPY).

The authoritative reference and input builder live on the scoring server;
editing this copy changes nothing except your own understanding.
"""

import jax, jax.numpy as jnp
import numpy as np

N = 10000
E = 320000
B = 256
D_IN = 128
HID = 128
OUT = 128
CODE = 256
FINAL = 128


def setup_inputs(seed: int = 0) -> dict:
    key = jax.random.key(seed)
    ks = jax.random.split(key, 16)
    x = jax.random.normal(ks[0], (N, D_IN), dtype=jnp.float32)
    edge_index = jax.random.randint(ks[1], (2, E), 0, N)
    batch = jnp.sort(jax.random.randint(ks[2], (N,), 0, B))
    code_x = jax.random.normal(ks[3], (B, CODE), dtype=jnp.float32)
    W1 = jax.random.normal(ks[4], (D_IN, HID), dtype=jnp.float32) * 0.05
    b1 = jnp.zeros((HID,), dtype=jnp.float32)
    W2 = jax.random.normal(ks[5], (HID, OUT), dtype=jnp.float32) * 0.05
    b2 = jnp.zeros((OUT,), dtype=jnp.float32)
    Wc = jax.random.normal(ks[6], (CODE, FINAL), dtype=jnp.float32) * 0.05
    bc = jnp.zeros((FINAL,), dtype=jnp.float32)
    Wt = jax.random.normal(ks[7], (OUT, FINAL), dtype=jnp.float32) * 0.05
    bt = jnp.zeros((FINAL,), dtype=jnp.float32)
    Wf = jax.random.normal(ks[8], (CODE + OUT, FINAL), dtype=jnp.float32) * 0.05
    bf = jnp.zeros((FINAL,), dtype=jnp.float32)
    return {"x": x, "edge_index": edge_index, "batch": batch, "code_x": code_x,
            "W1": W1, "b1": b1, "W2": W2, "b2": b2,
            "Wc": Wc, "bc": bc, "Wt": Wt, "bt": bt, "Wf": Wf, "bf": bf}


def _gcn_conv(h, src, dst, norm, W, b, n):
    h = h @ W
    msg = h[src] * norm[:, None]
    out = jnp.zeros((n, h.shape[1]), dtype=h.dtype).at[dst].add(msg)
    return out + b


def reference(x, edge_index, batch, code_x, W1, b1, W2, b2, Wc, bc, Wt, bt, Wf, bf):
    n = x.shape[0]
    loop = jnp.arange(n, dtype=edge_index.dtype)
    src = jnp.concatenate([edge_index[0], loop])
    dst = jnp.concatenate([edge_index[1], loop])
    deg = jnp.zeros((n,), dtype=jnp.float32).at[dst].add(1.0)
    dinv = jax.lax.rsqrt(jnp.maximum(deg, 1.0))
    norm = dinv[src] * dinv[dst]
    # GCN layer 1 (+ReLU), layer 2
    h = _gcn_conv(x, src, dst, norm, W1, b1, n)
    h = jax.nn.relu(h)
    h = _gcn_conv(h, src, dst, norm, W2, b2, n)
    # global mean pooling per graph
    sums = jax.ops.segment_sum(h, batch, num_segments=B)
    counts = jax.ops.segment_sum(jnp.ones((n,), dtype=jnp.float32), batch, num_segments=B)
    trans_emb = sums / jnp.maximum(counts, 1.0)[:, None]
    code_emb = code_x
    code_prob = jax.nn.log_softmax(code_emb @ Wc + bc, axis=-1)
    trans_prob = jax.nn.log_softmax(trans_emb @ Wt + bt, axis=-1)
    concat_emb = jnp.concatenate([code_emb, trans_emb], axis=1)
    final_prob = jax.nn.log_softmax(concat_emb @ Wf + bf, axis=-1)
    return (code_prob, trans_prob, final_prob)

if __name__ == "__main__":
    import jax
    _d = setup_inputs()
    print(jax.jit(kernel)(*tuple(_d.values())))

</pallas_src>

<mosaic_0001>
#map = affine_map<(d0, d1) -> (0, 0)>
#map1 = affine_map<(d0, d1) -> (0)>
#map2 = affine_map<(d0, d1) -> (0, 0, 0)>
module attributes {stable_mosaic.version = 14 : i64} {
  func.func @_agg_body(%arg0: i32, %arg1: i32, %arg2: memref<10240x128xf32, #tpu.memory_space<hbm>>, %arg3: memref<640000xi32, #tpu.memory_space<hbm>>, %arg4: memref<2x10240x128xf32, #tpu.memory_space<hbm>>, %arg5: memref<4x64xi32, #tpu.memory_space<vmem>>, %arg6: memref<4x64xi32, #tpu.memory_space<vmem>>, %arg7: memref<4x64x128xf32, #tpu.memory_space<vmem>>, %arg8: memref<16xi32, #tpu.memory_space<vmem>>, %arg9: memref<16xi32, #tpu.memory_space<vmem>>, %arg10: memref<16x128xf32, #tpu.memory_space<vmem>>, %arg11: memref<10240x128xf32, #tpu.memory_space<vmem_shared>>, %arg12: memref<!tpu.dma_semaphore, #tpu.memory_space<semaphore_mem>>, %arg13: memref<!tpu.dma_semaphore, #tpu.memory_space<semaphore_mem>>, %arg14: memref<!tpu.dma_semaphore, #tpu.memory_space<semaphore_mem>>, %arg15: memref<!tpu.dma_semaphore, #tpu.memory_space<semaphore_mem>>, %arg16: memref<!tpu.dma_semaphore, #tpu.memory_space<semaphore_mem>>, %arg17: memref<!tpu.dma_semaphore, #tpu.memory_space<semaphore_mem>>, %arg18: memref<!tpu.dma_semaphore, #tpu.memory_space<semaphore_mem>>, %arg19: memref<!tpu.dma_semaphore, #tpu.memory_space<semaphore_mem>>, %arg20: memref<!tpu.dma_semaphore, #tpu.memory_space<semaphore_mem>>, %arg21: memref<!tpu.dma_semaphore, #tpu.memory_space<semaphore_mem>>, %arg22: memref<!tpu.dma_semaphore, #tpu.memory_space<semaphore_mem>>, %arg23: memref<!tpu.dma_semaphore, #tpu.memory_space<semaphore_mem>>, %arg24: memref<!tpu.dma_semaphore, #tpu.memory_space<semaphore_mem>>, %arg25: memref<!tpu.dma_semaphore, #tpu.memory_space<semaphore_mem>>, %arg26: memref<!tpu.dma_semaphore, #tpu.memory_space<semaphore_mem>>, %arg27: memref<!tpu.dma_semaphore, #tpu.memory_space<semaphore_mem>>, %arg28: memref<!tpu.dma_semaphore, #tpu.memory_space<semaphore_mem>>) attributes {dimension_semantics = [#tpu.dimension_semantics<core_parallel>, #tpu.dimension_semantics<subcore_parallel>], iteration_bounds = array<i64: 2, 16>, scalar_prefetch = 0 : i64, scratch_operands = 24 : i64, tpu.core_type = #tpu.core_type<sc_vector_subcore>, window_params = [{transform_indices = #map}, {transform_indices = #map1}, {transform_indices = #map2}]} {
    %mul3A = arith.constant 16 : i32
    %mul3A_0 = arith.muli %arg0, %mul3A : i32
    %add3A = arith.addi %mul3A_0, %arg1 : i32
    %mul3A_1 = arith.constant 10000 : i32
    %mul3A_2 = arith.muli %add3A, %mul3A_1 : i32
    %scan3A = arith.constant 0 : i32
    %scan3A_3 = arith.constant 0 : i32
    %scan3A_4 = arith.constant 64 : i32
    %scan3A_5 = arith.addi %scan3A_3, %scan3A_4 : i32
    %scan3A_6 = arith.constant 1 : i32
    %scan3A_7 = scf.for %scan3A_294 = %scan3A_3 to %scan3A_5 step %scan3A_6 iter_args(%scan3A_295 = %scan3A) -> (i32)  : i32 {
      %broadcast_in_dim3A = arith.constant 0.000000e+00 : f32
      %broadcast_in_dim3A_296 = vector.broadcast %broadcast_in_dim3A : f32 to vector<16xf32>
      %swap3A = arith.constant 0 : i32
      %swap3A_297 = arith.index_cast %swap3A : i32 to index
      %swap3A_298 = arith.index_cast %scan3A_294 : i32 to index
      %swap3A_299 = arith.constant 0 : index
      %swap3A_300 = tpu.vector_load %arg7[%swap3A_297, %swap3A_298, %swap3A_299] {strides = array<i32>} : memref<4x64x128xf32, #tpu.memory_space<vmem>>, vector<1x1x16xf32>,
      %swap3A_301 = vector.shape_cast %swap3A_300 : vector<1x1x16xf32> to vector<16xf32>
      %swap3A_302 = vector.shape_cast %broadcast_in_dim3A_296 : vector<16xf32> to vector<1x1x16xf32>
      tpu.vector_store %arg7[%swap3A_297, %swap3A_298, %swap3A_299], %swap3A_302 {strides = array<i32>} : memref<4x64x128xf32, #tpu.memory_space<vmem>>, vector<1x1x16xf32>,
      %broadcast_in_dim3A_303 = arith.constant 0.000000e+00 : f32
      %broadcast_in_dim3A_304 = vector.broadcast %broadcast_in_dim3A_303 : f32 to vector<16xf32>
      %swap3A_305 = arith.constant 0 : i32
      %swap3A_306 = arith.index_cast %swap3A_305 : i32 to index
      %swap3A_307 = arith.index_cast %scan3A_294 : i32 to index
      %swap3A_308 = arith.constant 16 : index
      %swap3A_309 = tpu.vector_load %arg7[%swap3A_306, %swap3A_307, %swap3A_308] {strides = array<i32>} : memref<4x64x128xf32, #tpu.memory_space<vmem>>, vector<1x1x16xf32>,
      %swap3A_310 = vector.shape_cast %swap3A_309 : vector<1x1x16xf32> to vector<16xf32>
      %swap3A_311 = vector.shape_cast %broadcast_in_dim3A_304 : vector<16xf32> to vector<1x1x16xf32>
      tpu.vector_store %arg7[%swap3A_306, %swap3A_307, %swap3A_308], %swap3A_311 {strides = array<i32>} : memref<4x64x128xf32, #tpu.memory_space<vmem>>, vector<1x1x16xf32>,
      %broadcast_in_dim3A_312 = arith.constant 0.000000e+00 : f32
      %broadcast_in_dim3A_313 = vector.broadcast %broadcast_in_dim3A_312 : f32 to vector<16xf32>
      %swap3A_314 = arith.constant 0 : i32
      %swap3A_315 = arith.index_cast %swap3A_314 : i32 to index
      %swap3A_316 = arith.index_cast %scan3A_294 : i32 to index
      %swap3A_317 = arith.constant 32 : index
      %swap3A_318 = tpu.vector_load %arg7[%swap3A_315, %swap3A_316, %swap3A_317] {strides = array<i32>} : memref<4x64x128xf32, #tpu.memory_space<vmem>>, vector<1x1x16xf32>,
      %swap3A_319 = vector.shape_cast %swap3A_318 : vector<1x1x16xf32> to vector<16xf32>
      %swap3A_320 = vector.shape_cast %broadcast_in_dim3A_313 : vector<16xf32> to vector<1x1x16xf32>
      tpu.vector_store %arg7[%swap3A_315, %swap3A_316, %swap3A_317], %swap3A_320 {strides = array<i32>} : memref<4x64x128xf32, #tpu.memory_space<vmem>>, vector<1x1x16xf32>,
      %broadcast_in_dim3A_321 = arith.constant 0.000000e+00 : f32
      %broadcast_in_dim3A_322 = vector.broadcast %broadcast_in_dim3A_321 : f32 to vector<16xf32>
      %swap3A_323 = arith.constant 0 : i32
      %swap3A_324 = arith.index_cast %swap3A_323 : i32 to index
      %swap3A_325 = arith.index_cast %scan3A_294 : i32 to index
      %swap3A_326 = arith.constant 48 : index
      %swap3A_327 = tpu.vector_load %arg7[%swap3A_324, %swap3A_325, %swap3A_326] {strides = array<i32>} : memref<4x64x128xf32, #tpu.memory_space<vmem>>, vector<1x1x16xf32>,
      %swap3A_328 = vector.shape_cast %swap3A_327 : vector<1x1x16xf32> to vector<16xf32>
      %swap3A_329 = vector.shape_cast %broadcast_in_dim3A_322 : vector<16xf32> to vector<1x1x16xf32>
      tpu.vector_store %arg7[%swap3A_324, %swap3A_325, %swap3A_326], %swap3A_329 {strides = array<i32>} : memref<4x64x128xf32, #tpu.memory_space<vmem>>, vector<1x1x16xf32>,
      %broadcast_in_dim3A_330 = arith.constant 0.000000e+00 : f32
      %broadcast_in_dim3A_331 = vector.broadcast %broadcast_in_dim3A_330 : f32 to vector<16xf32>
      %swap3A_332 = arith.constant 0 : i32
      %swap3A_333 = arith.index_cast %swap3A_332 : i32 to index
      %swap3A_334 = arith.index_cast %scan3A_294 : i32 to index
      %swap3A_335 = arith.constant 64 : index
      %swap3A_336 = tpu.vector_load %arg7[%swap3A_333, %swap3A_334, %swap3A_335] {strides = array<i32>} : memref<4x64x128xf32, #tpu.memory_space<vmem>>, vector<1x1x16xf32>,
      %swap3A_337 = vector.shape_cast %swap3A_336 : vector<1x1x16xf32> to vector<16xf32>
      %swap3A_338 = vector.shape_cast %broadcast_in_dim3A_331 : vector<16xf32> to vector<1x1x16xf32>
      tpu.vector_store %arg7[%swap3A_333, %swap3A_334, %swap3A_335], %swap3A_338 {strides = array<i32>} : memref<4x64x128xf32, #tpu.memory_space<vmem>>, vector<1x1x16xf32>,
      %broadcast_in_dim3A_339 = arith.constant 0.000000e+00 : f32
      %broadcast_in_dim3A_340 = vector.broadcast %broadcast_in_dim3A_339 : f32 to vector<16xf32>
      %swap3A_341 = arith.constant 0 : i32
      %swap3A_342 = arith.index_cast %swap3A_341 : i32 to index
      %swap3A_343 = arith.index_cast %scan3A_294 : i32 to index
      %swap3A_344 = arith.constant 80 : index
      %swap3A_345 = tpu.vector_load %arg7[%swap3A_342, %swap3A_343, %swap3A_344] {strides = array<i32>} : memref<4x64x128xf32, #tpu.memory_space<vmem>>, vector<1x1x16xf32>,
      %swap3A_346 = vector.shape_cast %swap3A_345 : vector<1x1x16xf32> to vector<16xf32>
      %swap3A_347 = vector.shape_cast %broadcast_in_dim3A_340 : vector<16xf32> to vector<1x1x16xf32>
      tpu.vector_store %arg7[%swap3A_342, %swap3A_343, %swap3A_344], %swap3A_347 {strides = array<i32>} : memref<4x64x128xf32, #tpu.memory_space<vmem>>, vector<1x1x16xf32>,
      %broadcast_in_dim3A_348 = arith.constant 0.000000e+00 : f32
      %broadcast_in_dim3A_349 = vector.broadcast %broadcast_in_dim3A_348 : f32 to vector<16xf32>
      %swap3A_350 = arith.constant 0 : i32
      %swap3A_351 = arith.index_cast %swap3A_350 : i32 to index
      %swap3A_352 = arith.index_cast %scan3A_294 : i32 to index
      %swap3A_353 = arith.constant 96 : index
      %swap3A_354 = tpu.vector_load %arg7[%swap3A_351, %swap3A_352, %swap3A_353] {strides = array<i32>} : memref<4x64x128xf32, #tpu.memory_space<vmem>>, vector<1x1x16xf32>,
      %swap3A_355 = vector.shape_cast %swap3A_354 : vector<1x1x16xf32> to vector<16xf32>
      %swap3A_356 = vector.shape_cast %broadcast_in_dim3A_349 : vector<16xf32> to vector<1x1x16xf32>
      tpu.vector_store %arg7[%swap3A_351, %swap3A_352, %swap3A_353], %swap3A_356 {strides = array<i32>} : memref<4x64x128xf32, #tpu.memory_space<vmem>>, vector<1x1x16xf32>,
      %broadcast_in_dim3A_357 = arith.constant 0.000000e+00 : f32
      %broadcast_in_dim3A_358 = vector.broadcast %broadcast_in_dim3A_357 : f32 to vector<16xf32>
      %swap3A_359 = arith.constant 0 : i32
      %swap3A_360 = arith.index_cast %swap3A_359 : i32 to index
      %swap3A_361 = arith.index_cast %scan3A_294 : i32 to index
      %swap3A_362 = arith.constant 112 : index
      %swap3A_363 = tpu.vector_load %arg7[%swap3A_360, %swap3A_361, %swap3A_362] {strides = array<i32>} : memref<4x64x128xf32, #tpu.memory_space<vmem>>, vector<1x1x16xf32>,
      %swap3A_364 = vector.shape_cast %swap3A_363 : vector<1x1x16xf32> to vector<16xf32>
      %swap3A_365 = vector.shape_cast %broadcast_in_dim3A_358 : vector<16xf32> to vector<1x1x16xf32>
      tpu.vector_store %arg7[%swap3A_360, %swap3A_361, %swap3A_362], %swap3A_365 {strides = array<i32>} : memref<4x64x128xf32, #tpu.memory_space<vmem>>, vector<1x1x16xf32>,
      %scan3A_366 = arith.constant 0 : i32
      scf.yield %scan3A_366 : i32
    }
    %scan3A_8 = arith.constant 64 : i32
    %add3A_9 = arith.constant 9984 : i32
    %add3A_10 = arith.addi %mul3A_2, %add3A_9 : i32
    %dma_start3A = tpu.memref_slice %arg3[%add3A_10] : memref<640000xi32, #tpu.memory_space<hbm>> -> memref<16xi32, #tpu.memory_space<hbm>>
    %dma_start3A_11 = tpu.memref_slice %arg3[%add3A_10] : memref<640000xi32, #tpu.memory_space<hbm>> -> memref<16xi32, #tpu.memory_space<hbm>>
    tpu.enqueue_dma source(%dma_start3A_11 : memref<16xi32, #tpu.memory_space<hbm>>) target(%arg8 : memref<16xi32, #tpu.memory_space<vmem>>) target_semaphore(%arg28 : memref<!tpu.dma_semaphore, #tpu.memory_space<semaphore_mem>>)
    %add3A_12 = arith.constant 320000 : i32
    %add3A_13 = arith.addi %add3A_12, %mul3A_2 : i32
    %add3A_14 = arith.constant 9984 : i32
    %add3A_15 = arith.addi %add3A_13, %add3A_14 : i32
    %dma_start3A_16 = tpu.memref_slice %arg3[%add3A_15] : memref<640000xi32, #tpu.memory_space<hbm>> -> memref<16xi32, #tpu.memory_space<hbm>>
    %dma_start3A_17 = tpu.memref_slice %arg3[%add3A_15] : memref<640000xi32, #tpu.memory_space<hbm>> -> memref<16xi32, #tpu.memory_space<hbm>>
    tpu.enqueue_dma source(%dma_start3A_17 : memref<16xi32, #tpu.memory_space<hbm>>) target(%arg9 : memref<16xi32, #tpu.memory_space<vmem>>) target_semaphore(%arg28 : memref<!tpu.dma_semaphore, #tpu.memory_space<semaphore_mem>>)
    %mul3A_18 = arith.constant 640 : i32
    %mul3A_19 = arith.muli %arg1, %mul3A_18 : i32
    %add3A_20 = arith.constant 0 : i32
    %add3A_21 = arith.addi %mul3A_19, %add3A_20 : i32
    %run_scoped3A = arith.constant 0 : i32
    "tpu.region"() ({
      %run_scoped3A_294 = tpu.sem_alloc : memref<!tpu.dma_semaphore, #tpu.memory_space<semaphore_mem>>
      %dma_start3A_295 = arith.constant 0 : i32
      %dma_start3A_296 = arith.constant 0 : i32
      %dma_start3A_297 = tpu.memref_slice %arg7[%run_scoped3A, %dma_start3A_295, %dma_start3A_296] : memref<4x64x128xf32, #tpu.memory_space<vmem>> -> memref<1x64x128xf32, #tpu.memory_space<vmem>>
      %dma_start3A_298 = tpu.memref_squeeze %dma_start3A_297 : memref<1x64x128xf32, #tpu.memory_space<vmem>> -> memref<64x128xf32, #tpu.memory_space<vmem>>
      %dma_start3A_299 = arith.constant 0 : i32
      %dma_start3A_300 = tpu.memref_slice %arg11[%add3A_21, %dma_start3A_299] : memref<10240x128xf32, #tpu.memory_space<vmem_shared>> -> memref<64x128xf32, #tpu.memory_space<vmem_shared>>
      %dma_start3A_301 = arith.constant 0 : i32
      %dma_start3A_302 = tpu.memref_slice %arg11[%add3A_21, %dma_start3A_301] : memref<10240x128xf32, #tpu.memory_space<vmem_shared>> -> memref<64x128xf32, #tpu.memory_space<vmem_shared>>
      %dma_start3A_303 = arith.constant 0 : i32
      %dma_start3A_304 = arith.constant 0 : i32
      %dma_start3A_305 = tpu.memref_slice %arg7[%run_scoped3A, %dma_start3A_303, %dma_start3A_304] : memref<4x64x128xf32, #tpu.memory_space<vmem>> -> memref<1x64x128xf32, #tpu.memory_space<vmem>>
      %dma_start3A_306 = tpu.memref_squeeze %dma_start3A_305 : memref<1x64x128xf32, #tpu.memory_space<vmem>> -> memref<64x128xf32, #tpu.memory_space<vmem>>
      tpu.enqueue_dma source(%dma_start3A_306 : memref<64x128xf32, #tpu.memory_space<vmem>>) target(%dma_start3A_302 : memref<64x128xf32, #tpu.memory_space<vmem_shared>>) target_semaphore(%run_scoped3A_294 : memref<!tpu.dma_semaphore, #tpu.memory_space<semaphore_mem>>)
      %dma_wait3A_307 = arith.constant 0 : i32
      %dma_wait3A_308 = arith.constant 0 : i32
      %dma_wait3A_309 = tpu.memref_slice %arg7[%run_scoped3A, %dma_wait3A_307, %dma_wait3A_308] : memref<4x64x128xf32, #tpu.memory_space<vmem>> -> memref<1x64x128xf32, #tpu.memory_space<vmem>>
      %dma_wait3A_310 = tpu.memref_squeeze %dma_wait3A_309 : memref<1x64x128xf32, #tpu.memory_space<vmem>> -> memref<64x128xf32, #tpu.memory_space<vmem>>
      %dma_wait3A_311 = arith.constant 0 : i32
      %dma_wait3A_312 = tpu.memref_slice %arg11[%add3A_21, %dma_wait3A_311] : memref<10240x128xf32, #tpu.memory_space<vmem_shared>> -> memref<64x128xf32, #tpu.memory_space<vmem_shared>>
      %dma_wait3A_313 = arith.constant 0 : i32
      %dma_wait3A_314 = tpu.memref_slice %arg11[%add3A_21, %dma_wait3A_313] : memref<10240x128xf32, #tpu.memory_space<vmem_shared>> -> memref<64x128xf32, #tpu.memory_space<vmem_shared>>
      %dma_wait3A_315 = arith.constant 0 : i32
      %dma_wait3A_316 = arith.constant 0 : i32
      %dma_wait3A_317 = tpu.memref_slice %arg7[%run_scoped3A, %dma_wait3A_315, %dma_wait3A_316] : memref<4x64x128xf32, #tpu.memory_space<vmem>> -> memref<1x64x128xf32, #tpu.memory_space<vmem>>
      %dma_wait3A_318 = tpu.memref_squeeze %dma_wait3A_317 : memref<1x64x128xf32, #tpu.memory_space<vmem>> -> memref<64x128xf32, #tpu.memory_space<vmem>>
      tpu.wait_dma2 semaphore(%run_scoped3A_294 : memref<!tpu.dma_semaphore, #tpu.memory_space<semaphore_mem>>) src(%dma_wait3A_318 : memref<64x128xf32, #tpu.memory_space<vmem>>) dst(%dma_wait3A_314 : memref<64x128xf32, #tpu.memory_space<vmem_shared>>)
      tpu.yield
    }) : () -> ()
    %mul3A_22 = arith.constant 640 : i32
    %mul3A_23 = arith.muli %arg1, %mul3A_22 : i32
    %add3A_24 = arith.constant 64 : i32
    %add3A_25 = arith.addi %mul3A_23, %add3A_24 : i32
    %run_scoped3A_26 = arith.constant 0 : i32
    "tpu.region"() ({
      %run_scoped3A_294 = tpu.sem_alloc : memref<!tpu.dma_semaphore, #tpu.memory_space<semaphore_mem>>
      %dma_start3A_295 = arith.constant 0 : i32
      %dma_start3A_296 = arith.constant 0 : i32
      %dma_start3A_297 = tpu.memref_slice %arg7[%run_scoped3A_26, %dma_start3A_295, %dma_start3A_296] : memref<4x64x128xf32, #tpu.memory_space<vmem>> -> memref<1x64x128xf32, #tpu.memory_space<vmem>>
      %dma_start3A_298 = tpu.memref_squeeze %dma_start3A_297 : memref<1x64x128xf32, #tpu.memory_space<vmem>> -> memref<64x128xf32, #tpu.memory_space<vmem>>
      %dma_start3A_299 = arith.constant 0 : i32
      %dma_start3A_300 = tpu.memref_slice %arg11[%add3A_25, %dma_start3A_299] : memref<10240x128xf32, #tpu.memory_space<vmem_shared>> -> memref<64x128xf32, #tpu.memory_space<vmem_shared>>
      %dma_start3A_301 = arith.constant 0 : i32
      %dma_start3A_302 = tpu.memref_slice %arg11[%add3A_25, %dma_start3A_301] : memref<10240x128xf32, #tpu.memory_space<vmem_shared>> -> memref<64x128xf32, #tpu.memory_space<vmem_shared>>
      %dma_start3A_303 = arith.constant 0 : i32
      %dma_start3A_304 = arith.constant 0 : i32
      %dma_start3A_305 = tpu.memref_slice %arg7[%run_scoped3A_26, %dma_start3A_303, %dma_start3A_304] : memref<4x64x128xf32, #tpu.memory_space<vmem>> -> memref<1x64x128xf32, #tpu.memory_space<vmem>>
      %dma_start3A_306 = tpu.memref_squeeze %dma_start3A_305 : memref<1x64x128xf32, #tpu.memory_space<vmem>> -> memref<64x128xf32, #tpu.memory_space<vmem>>
      tpu.enqueue_dma source(%dma_start3A_306 : memref<64x128xf32, #tpu.memory_space<vmem>>) target(%dma_start3A_302 : memref<64x128xf32, #tpu.memory_space<vmem_shared>>) target_semaphore(%run_scoped3A_294 : memref<!tpu.dma_semaphore, #tpu.memory_space<semaphore_mem>>)
      %dma_wait3A_307 = arith.constant 0 : i32
      %dma_wait3A_308 = arith.constant 0 : i32
      %dma_wait3A_309 = tpu.memref_slice %arg7[%run_scoped3A_26, %dma_wait3A_307, %dma_wait3A_308] : memref<4x64x128xf32, #tpu.memory_space<vmem>> -> memref<1x64x128xf32, #tpu.memory_space<vmem>>
      %dma_wait3A_310 = tpu.memref_squeeze %dma_wait3A_309 : memref<1x64x128xf32, #tpu.memory_space<vmem>> -> memref<64x128xf32, #tpu.memory_space<vmem>>
      %dma_wait3A_311 = arith.constant 0 : i32
      %dma_wait3A_312 = tpu.memref_slice %arg11[%add3A_25, %dma_wait3A_311] : memref<10240x128xf32, #tpu.memory_space<vmem_shared>> -> memref<64x128xf32, #tpu.memory_space<vmem_shared>>
      %dma_wait3A_313 = arith.constant 0 : i32
      %dma_wait3A_314 = tpu.memref_slice %arg11[%add3A_25, %dma_wait3A_313] : memref<10240x128xf32, #tpu.memory_space<vmem_shared>> -> memref<64x128xf32, #tpu.memory_space<vmem_shared>>
      %dma_wait3A_315 = arith.constant 0 : i32
      %dma_wait3A_316 = arith.constant 0 : i32
      %dma_wait3A_317 = tpu.memref_slice %arg7[%run_scoped3A_26, %dma_wait3A_315, %dma_wait3A_316] : memref<4x64x128xf32, #tpu.memory_space<vmem>> -> memref<1x64x128xf32, #tpu.memory_space<vmem>>
      %dma_wait3A_318 = tpu.memref_squeeze %dma_wait3A_317 : memref<1x64x128xf32, #tpu.memory_space<vmem>> -> memref<64x128xf32, #tpu.memory_space<vmem>>
      tpu.wait_dma2 semaphore(%run_scoped3A_294 : memref<!tpu.dma_semaphore, #tpu.memory_space<semaphore_mem>>) src(%dma_wait3A_318 : memref<64x128xf32, #tpu.memory_space<vmem>>) dst(%dma_wait3A_314 : memref<64x128xf32, #tpu.memory_space<vmem_shared>>)
      tpu.yield
    }) : () -> ()
    %mul3A_27 = arith.constant 640 : i32
    %mul3A_28 = arith.muli %arg1, %mul3A_27 : i32
    %add3A_29 = arith.constant 128 : i32
    %add3A_30 = arith.addi %mul3A_28, %add3A_29 : i32
    %run_scoped3A_31 = arith.constant 0 : i32
    "tpu.region"() ({
      %run_scoped3A_294 = tpu.sem_alloc : memref<!tpu.dma_semaphore, #tpu.memory_space<semaphore_mem>>
      %dma_start3A_295 = arith.constant 0 : i32
      %dma_start3A_296 = arith.constant 0 : i32
      %dma_start3A_297 = tpu.memref_slice %arg7[%run_scoped3A_31, %dma_start3A_295, %dma_start3A_296] : memref<4x64x128xf32, #tpu.memory_space<vmem>> -> memref<1x64x128xf32, #tpu.memory_space<vmem>>
      %dma_start3A_298 = tpu.memref_squeeze %dma_start3A_297 : memref<1x64x128xf32, #tpu.memory_space<vmem>> -> memref<64x128xf32, #tpu.memory_space<vmem>>
      %dma_start3A_299 = arith.constant 0 : i32
      %dma_start3A_300 = tpu.memref_slice %arg11[%add3A_30, %dma_start3A_299] : memref<10240x128xf32, #tpu.memory_space<vmem_shared>> -> memref<64x128xf32, #tpu.memory_space<vmem_shared>>
      %dma_start3A_301 = arith.constant 0 : i32
      %dma_start3A_302 = tpu.memref_slice %arg11[%add3A_30, %dma_start3A_301] : memref<10240x128xf32, #tpu.memory_space<vmem_shared>> -> memref<64x128xf32, #tpu.memory_space<vmem_shared>>
      %dma_start3A_303 = arith.constant 0 : i32
      %dma_start3A_304 = arith.constant 0 : i32
      %dma_start3A_305 = tpu.memref_slice %arg7[%run_scoped3A_31, %dma_start3A_303, %dma_start3A_304] : memref<4x64x128xf32, #tpu.memory_space<vmem>> -> memref<1x64x128xf32, #tpu.memory_space<vmem>>
      %dma_start3A_306 = tpu.memref_squeeze %dma_start3A_305 : memref<1x64x128xf32, #tpu.memory_space<vmem>> -> memref<64x128xf32, #tpu.memory_space<vmem>>
      tpu.enqueue_dma source(%dma_start3A_306 : memref<64x128xf32, #tpu.memory_space<vmem>>) target(%dma_start3A_302 : memref<64x128xf32, #tpu.memory_space<vmem_shared>>) target_semaphore(%run_scoped3A_294 : memref<!tpu.dma_semaphore, #tpu.memory_space<semaphore_mem>>)
      %dma_wait3A_307 = arith.constant 0 : i32
      %dma_wait3A_308 = arith.constant 0 : i32
      %dma_wait3A_309 = tpu.memref_slice %arg7[%run_scoped3A_31, %dma_wait3A_307, %dma_wait3A_308] : memref<4x64x128xf32, #tpu.memory_space<vmem>> -> memref<1x64x128xf32, #tpu.memory_space<vmem>>
      %dma_wait3A_310 = tpu.memref_squeeze %dma_wait3A_309 : memref<1x64x128xf32, #tpu.memory_space<vmem>> -> memref<64x128xf32, #tpu.memory_space<vmem>>
      %dma_wait3A_311 = arith.constant 0 : i32
      %dma_wait3A_312 = tpu.memref_slice %arg11[%add3A_30, %dma_wait3A_311] : memref<10240x128xf32, #tpu.memory_space<vmem_shared>> -> memref<64x128xf32, #tpu.memory_space<vmem_shared>>
      %dma_wait3A_313 = arith.constant 0 : i32
      %dma_wait3A_314 = tpu.memref_slice %arg11[%add3A_30, %dma_wait3A_313] : memref<10240x128xf32, #tpu.memory_space<vmem_shared>> -> memref<64x128xf32, #tpu.memory_space<vmem_shared>>
      %dma_wait3A_315 = arith.constant 0 : i32
      %dma_wait3A_316 = arith.constant 0 : i32
      %dma_wait3A_317 = tpu.memref_slice %arg7[%run_scoped3A_31, %dma_wait3A_315, %dma_wait3A_316] : memref<4x64x128xf32, #tpu.memory_space<vmem>> -> memref<1x64x128xf32, #tpu.memory_space<vmem>>
      %dma_wait3A_318 = tpu.memref_squeeze %dma_wait3A_317 : memref<1x64x128xf32, #tpu.memory_space<vmem>> -> memref<64x128xf32, #tpu.memory_space<vmem>>
      tpu.wait_dma2 semaphore(%run_scoped3A_294 : memref<!tpu.dma_semaphore, #tpu.memory_space<semaphore_mem>>) src(%dma_wait3A_318 : memref<64x128xf32, #tpu.memory_space<vmem>>) dst(%dma_wait3A_314 : memref<64x128xf32, #tpu.memory_space<vmem_shared>>)
      tpu.yield
    }) : () -> ()
    %mul3A_32 = arith.constant 640 : i32
    %mul3A_33 = arith.muli %arg1, %mul3A_32 : i32
    %add3A_34 = arith.constant 192 : i32
    %add3A_35 = arith.addi %mul3A_33, %add3A_34 : i32
    %run_scoped3A_36 = arith.constant 0 : i32
    "tpu.region"() ({
      %run_scoped3A_294 = tpu.sem_alloc : memref<!tpu.dma_semaphore, #tpu.memory_space<semaphore_mem>>
      %dma_start3A_295 = arith.constant 0 : i32
      %dma_start3A_296 = arith.constant 0 : i32
      %dma_start3A_297 = tpu.memref_slice %arg7[%run_scoped3A_36, %dma_start3A_295, %dma_start3A_296] : memref<4x64x128xf32, #tpu.memory_space<vmem>> -> memref<1x64x128xf32, #tpu.memory_space<vmem>>
      %dma_start3A_298 = tpu.memref_squeeze %dma_start3A_297 : memref<1x64x128xf32, #tpu.memory_space<vmem>> -> memref<64x128xf32, #tpu.memory_space<vmem>>
      %dma_start3A_299 = arith.constant 0 : i32
      %dma_start3A_300 = tpu.memref_slice %arg11[%add3A_35, %dma_start3A_299] : memref<10240x128xf32, #tpu.memory_space<vmem_shared>> -> memref<64x128xf32, #tpu.memory_space<vmem_shared>>
      %dma_start3A_301 = arith.constant 0 : i32
      %dma_start3A_302 = tpu.memref_slice %arg11[%add3A_35, %dma_start3A_301] : memref<10240x128xf32, #tpu.memory_space<vmem_shared>> -> memref<64x128xf32, #tpu.memory_space<vmem_shared>>
      %dma_start3A_303 = arith.constant 0 : i32
      %dma_start3A_304 = arith.constant 0 : i32
      %dma_start3A_305 = tpu.memref_slice %arg7[%run_scoped3A_36, %dma_start3A_303, %dma_start3A_304] : memref<4x64x128xf32, #tpu.memory_space<vmem>> -> memref<1x64x128xf32, #tpu.memory_space<vmem>>
      %dma_start3A_306 = tpu.memref_squeeze %dma_start3A_305 : memref<1x64x128xf32, #tpu.memory_space<vmem>> -> memref<64x128xf32, #tpu.memory_space<vmem>>
      tpu.enqueue_dma source(%dma_start3A_306 : memref<64x128xf32, #tpu.memory_space<vmem>>) target(%dma_start3A_302 : memref<64x128xf32, #tpu.memory_space<vmem_shared>>) target_semaphore(%run_scoped3A_294 : memref<!tpu.dma_semaphore, #tpu.memory_space<semaphore_mem>>)
      %dma_wait3A_307 = arith.constant 0 : i32
      %dma_wait3A_308 = arith.constant 0 : i32
      %dma_wait3A_309 = tpu.memref_slice %arg7[%run_scoped3A_36, %dma_wait3A_307, %dma_wait3A_308] : memref<4x64x128xf32, #tpu.memory_space<vmem>> -> memref<1x64x128xf32, #tpu.memory_space<vmem>>
      %dma_wait3A_310 = tpu.memref_squeeze %dma_wait3A_309 : memref<1x64x128xf32, #tpu.memory_space<vmem>> -> memref<64x128xf32, #tpu.memory_space<vmem>>
      %dma_wait3A_311 = arith.constant 0 : i32
      %dma_wait3A_312 = tpu.memref_slice %arg11[%add3A_35, %dma_wait3A_311] : memref<10240x128xf32, #tpu.memory_space<vmem_shared>> -> memref<64x128xf32, #tpu.memory_space<vmem_shared>>
      %dma_wait3A_313 = arith.constant 0 : i32
      %dma_wait3A_314 = tpu.memref_slice %arg11[%add3A_35, %dma_wait3A_313] : memref<10240x128xf32, #tpu.memory_space<vmem_shared>> -> memref<64x128xf32, #tpu.memory_space<vmem_shared>>
      %dma_wait3A_315 = arith.constant 0 : i32
      %dma_wait3A_316 = arith.constant 0 : i32
      %dma_wait3A_317 = tpu.memref_slice %arg7[%run_scoped3A_36, %dma_wait3A_315, %dma_wait3A_316] : memref<4x64x128xf32, #tpu.memory_space<vmem>> -> memref<1x64x128xf32, #tpu.memory_space<vmem>>
      %dma_wait3A_318 = tpu.memref_squeeze %dma_wait3A_317 : memref<1x64x128xf32, #tpu.memory_space<vmem>> -> memref<64x128xf32, #tpu.memory_space<vmem>>
      tpu.wait_dma2 semaphore(%run_scoped3A_294 : memref<!tpu.dma_semaphore, #tpu.memory_space<semaphore_mem>>) src(%dma_wait3A_318 : memref<64x128xf32, #tpu.memory_space<vmem>>) dst(%dma_wait3A_314 : memref<64x128xf32, #tpu.memory_space<vmem_shared>>)
      tpu.yield
    }) : () -> ()
    %mul3A_37 = arith.constant 640 : i32
    %mul3A_38 = arith.muli %arg1, %mul3A_37 : i32
    %add3A_39 = arith.constant 256 : i32
    %add3A_40 = arith.addi %mul3A_38, %add3A_39 : i32
    %run_scoped3A_41 = arith.constant 0 : i32
    "tpu.region"() ({
      %run_scoped3A_294 = tpu.sem_alloc : memref<!tpu.dma_semaphore, #tpu.memory_space<semaphore_mem>>
      %dma_start3A_295 = arith.constant 0 : i32
      %dma_start3A_296 = arith.constant 0 : i32
      %dma_start3A_297 = tpu.memref_slice %arg7[%run_scoped3A_41, %dma_start3A_295, %dma_start3A_296] : memref<4x64x128xf32, #tpu.memory_space<vmem>> -> memref<1x64x128xf32, #tpu.memory_space<vmem>>
      %dma_start3A_298 = tpu.memref_squeeze %dma_start3A_297 : memref<1x64x128xf32, #tpu.memory_space<vmem>> -> memref<64x128xf32, #tpu.memory_space<vmem>>
      %dma_start3A_299 = arith.constant 0 : i32
      %dma_start3A_300 = tpu.memref_slice %arg11[%add3A_40, %dma_start3A_299] : memref<10240x128xf32, #tpu.memory_space<vmem_shared>> -> memref<64x128xf32, #tpu.memory_space<vmem_shared>>
      %dma_start3A_301 = arith.constant 0 : i32
      %dma_start3A_302 = tpu.memref_slice %arg11[%add3A_40, %dma_start3A_301] : memref<10240x128xf32, #tpu.memory_space<vmem_shared>> -> memref<64x128xf32, #tpu.memory_space<vmem_shared>>
      %dma_start3A_303 = arith.constant 0 : i32
      %dma_start3A_304 = arith.constant 0 : i32
      %dma_start3A_305 = tpu.memref_slice %arg7[%run_scoped3A_41, %dma_start3A_303, %dma_start3A_304] : memref<4x64x128xf32, #tpu.memory_space<vmem>> -> memref<1x64x128xf32, #tpu.memory_space<vmem>>
      %dma_start3A_306 = tpu.memref_squeeze %dma_start3A_305 : memref<1x64x128xf32, #tpu.memory_space<vmem>> -> memref<64x128xf32, #tpu.memory_space<vmem>>
      tpu.enqueue_dma source(%dma_start3A_306 : memref<64x128xf32, #tpu.memory_space<vmem>>) target(%dma_start3A_302 : memref<64x128xf32, #tpu.memory_space<vmem_shared>>) target_semaphore(%run_scoped3A_294 : memref<!tpu.dma_semaphore, #tpu.memory_space<semaphore_mem>>)
      %dma_wait3A_307 = arith.constant 0 : i32
      %dma_wait3A_308 = arith.constant 0 : i32
      %dma_wait3A_309 = tpu.memref_slice %arg7[%run_scoped3A_41, %dma_wait3A_307, %dma_wait3A_308] : memref<4x64x128xf32, #tpu.memory_space<vmem>> -> memref<1x64x128xf32, #tpu.memory_space<vmem>>
      %dma_wait3A_310 = tpu.memref_squeeze %dma_wait3A_309 : memref<1x64x128xf32, #tpu.memory_space<vmem>> -> memref<64x128xf32, #tpu.memory_space<vmem>>
      %dma_wait3A_311 = arith.constant 0 : i32
      %dma_wait3A_312 = tpu.memref_slice %arg11[%add3A_40, %dma_wait3A_311] : memref<10240x128xf32, #tpu.memory_space<vmem_shared>> -> memref<64x128xf32, #tpu.memory_space<vmem_shared>>
      %dma_wait3A_313 = arith.constant 0 : i32
      %dma_wait3A_314 = tpu.memref_slice %arg11[%add3A_40, %dma_wait3A_313] : memref<10240x128xf32, #tpu.memory_space<vmem_shared>> -> memref<64x128xf32, #tpu.memory_space<vmem_shared>>
      %dma_wait3A_315 = arith.constant 0 : i32
      %dma_wait3A_316 = arith.constant 0 : i32
      %dma_wait3A_317 = tpu.memref_slice %arg7[%run_scoped3A_41, %dma_wait3A_315, %dma_wait3A_316] : memref<4x64x128xf32, #tpu.memory_space<vmem>> -> memref<1x64x128xf32, #tpu.memory_space<vmem>>
      %dma_wait3A_318 = tpu.memref_squeeze %dma_wait3A_317 : memref<1x64x128xf32, #tpu.memory_space<vmem>> -> memref<64x128xf32, #tpu.memory_space<vmem>>
      tpu.wait_dma2 semaphore(%run_scoped3A_294 : memref<!tpu.dma_semaphore, #tpu.memory_space<semaphore_mem>>) src(%dma_wait3A_318 : memref<64x128xf32, #tpu.memory_space<vmem>>) dst(%dma_wait3A_314 : memref<64x128xf32, #tpu.memory_space<vmem_shared>>)
      tpu.yield
    }) : () -> ()
    %mul3A_42 = arith.constant 640 : i32
    %mul3A_43 = arith.muli %arg1, %mul3A_42 : i32
    %add3A_44 = arith.constant 320 : i32
    %add3A_45 = arith.addi %mul3A_43, %add3A_44 : i32
    %run_scoped3A_46 = arith.constant 0 : i32
    "tpu.region"() ({
      %run_scoped3A_294 = tpu.sem_alloc : memref<!tpu.dma_semaphore, #tpu.memory_space<semaphore_mem>>
      %dma_start3A_295 = arith.constant 0 : i32
      %dma_start3A_296 = arith.constant 0 : i32
      %dma_start3A_297 = tpu.memref_slice %arg7[%run_scoped3A_46, %dma_start3A_295, %dma_start3A_296] : memref<4x64x128xf32, #tpu.memory_space<vmem>> -> memref<1x64x128xf32, #tpu.memory_space<vmem>>
      %dma_start3A_298 = tpu.memref_squeeze %dma_start3A_297 : memref<1x64x128xf32, #tpu.memory_space<vmem>> -> memref<64x128xf32, #tpu.memory_space<vmem>>
      %dma_start3A_299 = arith.constant 0 : i32
      %dma_start3A_300 = tpu.memref_slice %arg11[%add3A_45, %dma_start3A_299] : memref<10240x128xf32, #tpu.memory_space<vmem_shared>> -> memref<64x128xf32, #tpu.memory_space<vmem_shared>>
      %dma_start3A_301 = arith.constant 0 : i32
      %dma_start3A_302 = tpu.memref_slice %arg11[%add3A_45, %dma_start3A_301] : memref<10240x128xf32, #tpu.memory_space<vmem_shared>> -> memref<64x128xf32, #tpu.memory_space<vmem_shared>>
      %dma_start3A_303 = arith.constant 0 : i32
      %dma_start3A_304 = arith.constant 0 : i32
      %dma_start3A_305 = tpu.memref_slice %arg7[%run_scoped3A_46, %dma_start3A_303, %dma_start3A_304] : memref<4x64x128xf32, #tpu.memory_space<vmem>> -> memref<1x64x128xf32, #tpu.memory_space<vmem>>
      %dma_start3A_306 = tpu.memref_squeeze %dma_start3A_305 : memref<1x64x128xf32, #tpu.memory_space<vmem>> -> memref<64x128xf32, #tpu.memory_space<vmem>>
      tpu.enqueue_dma source(%dma_start3A_306 : memref<64x128xf32, #tpu.memory_space<vmem>>) target(%dma_start3A_302 : memref<64x128xf32, #tpu.memory_space<vmem_shared>>) target_semaphore(%run_scoped3A_294 : memref<!tpu.dma_semaphore, #tpu.memory_space<semaphore_mem>>)
      %dma_wait3A_307 = arith.constant 0 : i32
      %dma_wait3A_308 = arith.constant 0 : i32
      %dma_wait3A_309 = tpu.memref_slice %arg7[%run_scoped3A_46, %dma_wait3A_307, %dma_wait3A_308] : memref<4x64x128xf32, #tpu.memory_space<vmem>> -> memref<1x64x128xf32, #tpu.memory_space<vmem>>
      %dma_wait3A_310 = tpu.memref_squeeze %dma_wait3A_309 : memref<1x64x128xf32, #tpu.memory_space<vmem>> -> memref<64x128xf32, #tpu.memory_space<vmem>>
      %dma_wait3A_311 = arith.constant 0 : i32
      %dma_wait3A_312 = tpu.memref_slice %arg11[%add3A_45, %dma_wait3A_311] : memref<10240x128xf32, #tpu.memory_space<vmem_shared>> -> memref<64x128xf32, #tpu.memory_space<vmem_shared>>
      %dma_wait3A_313 = arith.constant 0 : i32
      %dma_wait3A_314 = tpu.memref_slice %arg11[%add3A_45, %dma_wait3A_313] : memref<10240x128xf32, #tpu.memory_space<vmem_shared>> -> memref<64x128xf32, #tpu.memory_space<vmem_shared>>
      %dma_wait3A_315 = arith.constant 0 : i32
      %dma_wait3A_316 = arith.constant 0 : i32
      %dma_wait3A_317 = tpu.memref_slice %arg7[%run_scoped3A_46, %dma_wait3A_315, %dma_wait3A_316] : memref<4x64x128xf32, #tpu.memory_space<vmem>> -> memref<1x64x128xf32, #tpu.memory_space<vmem>>
      %dma_wait3A_318 = tpu.memref_squeeze %dma_wait3A_317 : memref<1x64x128xf32, #tpu.memory_space<vmem>> -> memref<64x128xf32, #tpu.memory_space<vmem>>
      tpu.wait_dma2 semaphore(%run_scoped3A_294 : memref<!tpu.dma_semaphore, #tpu.memory_space<semaphore_mem>>) src(%dma_wait3A_318 : memref<64x128xf32, #tpu.memory_space<vmem>>) dst(%dma_wait3A_314 : memref<64x128xf32, #tpu.memory_space<vmem_shared>>)
      tpu.yield
    }) : () -> ()
    %mul3A_47 = arith.constant 640 : i32
    %mul3A_48 = arith.muli %arg1, %mul3A_47 : i32
    %add3A_49 = arith.constant 384 : i32
    %add3A_50 = arith.addi %mul3A_48, %add3A_49 : i32
    %run_scoped3A_51 = arith.constant 0 : i32
    "tpu.region"() ({
      %run_scoped3A_294 = tpu.sem_alloc : memref<!tpu.dma_semaphore, #tpu.memory_space<semaphore_mem>>
      %dma_start3A_295 = arith.constant 0 : i32
      %dma_start3A_296 = arith.constant 0 : i32
      %dma_start3A_297 = tpu.memref_slice %arg7[%run_scoped3A_51, %dma_start3A_295, %dma_start3A_296] : memref<4x64x128xf32, #tpu.memory_space<vmem>> -> memref<1x64x128xf32, #tpu.memory_space<vmem>>
      %dma_start3A_298 = tpu.memref_squeeze %dma_start3A_297 : memref<1x64x128xf32, #tpu.memory_space<vmem>> -> memref<64x128xf32, #tpu.memory_space<vmem>>
      %dma_start3A_299 = arith.constant 0 : i32
      %dma_start3A_300 = tpu.memref_slice %arg11[%add3A_50, %dma_start3A_299] : memref<10240x128xf32, #tpu.memory_space<vmem_shared>> -> memref<64x128xf32, #tpu.memory_space<vmem_shared>>
      %dma_start3A_301 = arith.constant 0 : i32
      %dma_start3A_302 = tpu.memref_slice %arg11[%add3A_50, %dma_start3A_301] : memref<10240x128xf32, #tpu.memory_space<vmem_shared>> -> memref<64x128xf32, #tpu.memory_space<vmem_shared>>
      %dma_start3A_303 = arith.constant 0 : i32
      %dma_start3A_304 = arith.constant 0 : i32
      %dma_start3A_305 = tpu.memref_slice %arg7[%run_scoped3A_51, %dma_start3A_303, %dma_start3A_304] : memref<4x64x128xf32, #tpu.memory_space<vmem>> -> memref<1x64x128xf32, #tpu.memory_space<vmem>>
      %dma_start3A_306 = tpu.memref_squeeze %dma_start3A_305 : memref<1x64x128xf32, #tpu.memory_space<vmem>> -> memref<64x128xf32, #tpu.memory_space<vmem>>
      tpu.enqueue_dma source(%dma_start3A_306 : memref<64x128xf32, #tpu.memory_space<vmem>>) target(%dma_start3A_302 : memref<64x128xf32, #tpu.memory_space<vmem_shared>>) target_semaphore(%run_scoped3A_294 : memref<!tpu.dma_semaphore, #tpu.memory_space<semaphore_mem>>)
      %dma_wait3A_307 = arith.constant 0 : i32
      %dma_wait3A_308 = arith.constant 0 : i32
      %dma_wait3A_309 = tpu.memref_slice %arg7[%run_scoped3A_51, %dma_wait3A_307, %dma_wait3A_308] : memref<4x64x128xf32, #tpu.memory_space<vmem>> -> memref<1x64x128xf32, #tpu.memory_space<vmem>>
      %dma_wait3A_310 = tpu.memref_squeeze %dma_wait3A_309 : memref<1x64x128xf32, #tpu.memory_space<vmem>> -> memref<64x128xf32, #tpu.memory_space<vmem>>
      %dma_wait3A_311 = arith.constant 0 : i32
      %dma_wait3A_312 = tpu.memref_slice %arg11[%add3A_50, %dma_wait3A_311] : memref<10240x128xf32, #tpu.memory_space<vmem_shared>> -> memref<64x128xf32, #tpu.memory_space<vmem_shared>>
      %dma_wait3A_313 = arith.constant 0 : i32
      %dma_wait3A_314 = tpu.memref_slice %arg11[%add3A_50, %dma_wait3A_313] : memref<10240x128xf32, #tpu.memory_space<vmem_shared>> -> memref<64x128xf32, #tpu.memory_space<vmem_shared>>
      %dma_wait3A_315 = arith.constant 0 : i32
      %dma_wait3A_316 = arith.constant 0 : i32
      %dma_wait3A_317 = tpu.memref_slice %arg7[%run_scoped3A_51, %dma_wait3A_315, %dma_wait3A_316] : memref<4x64x128xf32, #tpu.memory_space<vmem>> -> memref<1x64x128xf32, #tpu.memory_space<vmem>>
      %dma_wait3A_318 = tpu.memref_squeeze %dma_wait3A_317 : memref<1x64x128xf32, #tpu.memory_space<vmem>> -> memref<64x128xf32, #tpu.memory_space<vmem>>
      tpu.wait_dma2 semaphore(%run_scoped3A_294 : memref<!tpu.dma_semaphore, #tpu.memory_space<semaphore_mem>>) src(%dma_wait3A_318 : memref<64x128xf32, #tpu.memory_space<vmem>>) dst(%dma_wait3A_314 : memref<64x128xf32, #tpu.memory_space<vmem_shared>>)
      tpu.yield
    }) : () -> ()
    %mul3A_52 = arith.constant 640 : i32
    %mul3A_53 = arith.muli %arg1, %mul3A_52 : i32
    %add3A_54 = arith.constant 448 : i32
    %add3A_55 = arith.addi %mul3A_53, %add3A_54 : i32
    %run_scoped3A_56 = arith.constant 0 : i32
    "tpu.region"() ({
      %run_scoped3A_294 = tpu.sem_alloc : memref<!tpu.dma_semaphore, #tpu.memory_space<semaphore_mem>>
      %dma_start3A_295 = arith.constant 0 : i32
      %dma_start3A_296 = arith.constant 0 : i32
      %dma_start3A_297 = tpu.memref_slice %arg7[%run_scoped3A_56, %dma_start3A_295, %dma_start3A_296] : memref<4x64x128xf32, #tpu.memory_space<vmem>> -> memref<1x64x128xf32, #tpu.memory_space<vmem>>
      %dma_start3A_298 = tpu.memref_squeeze %dma_start3A_297 : memref<1x64x128xf32, #tpu.memory_space<vmem>> -> memref<64x128xf32, #tpu.memory_space<vmem>>
      %dma_start3A_299 = arith.constant 0 : i32
      %dma_start3A_300 = tpu.memref_slice %arg11[%add3A_55, %dma_start3A_299] : memref<10240x128xf32, #tpu.memory_space<vmem_shared>> -> memref<64x128xf32, #tpu.memory_space<vmem_shared>>
      %dma_start3A_301 = arith.constant 0 : i32
      %dma_start3A_302 = tpu.memref_slice %arg11[%add3A_55, %dma_start3A_301] : memref<10240x128xf32, #tpu.memory_space<vmem_shared>> -> memref<64x128xf32, #tpu.memory_space<vmem_shared>>
      %dma_start3A_303 = arith.constant 0 : i32
      %dma_start3A_304 = arith.constant 0 : i32
      %dma_start3A_305 = tpu.memref_slice %arg7[%run_scoped3A_56, %dma_start3A_303, %dma_start3A_304] : memref<4x64x128xf32, #tpu.memory_space<vmem>> -> memref<1x64x128xf32, #tpu.memory_space<vmem>>
      %dma_start3A_306 = tpu.memref_squeeze %dma_start3A_305 : memref<1x64x128xf32, #tpu.memory_space<vmem>> -> memref<64x128xf32, #tpu.memory_space<vmem>>
      tpu.enqueue_dma source(%dma_start3A_306 : memref<64x128xf32, #tpu.memory_space<vmem>>) target(%dma_start3A_302 : memref<64x128xf32, #tpu.memory_space<vmem_shared>>) target_semaphore(%run_scoped3A_294 : memref<!tpu.dma_semaphore, #tpu.memory_space<semaphore_mem>>)
      %dma_wait3A_307 = arith.constant 0 : i32
      %dma_wait3A_308 = arith.constant 0 : i32
      %dma_wait3A_309 = tpu.memref_slice %arg7[%run_scoped3A_56, %dma_wait3A_307, %dma_wait3A_308] : memref<4x64x128xf32, #tpu.memory_space<vmem>> -> memref<1x64x128xf32, #tpu.memory_space<vmem>>
      %dma_wait3A_310 = tpu.memref_squeeze %dma_wait3A_309 : memref<1x64x128xf32, #tpu.memory_space<vmem>> -> memref<64x128xf32, #tpu.memory_space<vmem>>
      %dma_wait3A_311 = arith.constant 0 : i32
      %dma_wait3A_312 = tpu.memref_slice %arg11[%add3A_55, %dma_wait3A_311] : memref<10240x128xf32, #tpu.memory_space<vmem_shared>> -> memref<64x128xf32, #tpu.memory_space<vmem_shared>>
      %dma_wait3A_313 = arith.constant 0 : i32
      %dma_wait3A_314 = tpu.memref_slice %arg11[%add3A_55, %dma_wait3A_313] : memref<10240x128xf32, #tpu.memory_space<vmem_shared>> -> memref<64x128xf32, #tpu.memory_space<vmem_shared>>
      %dma_wait3A_315 = arith.constant 0 : i32
      %dma_wait3A_316 = arith.constant 0 : i32
      %dma_wait3A_317 = tpu.memref_slice %arg7[%run_scoped3A_56, %dma_wait3A_315, %dma_wait3A_316] : memref<4x64x128xf32, #tpu.memory_space<vmem>> -> memref<1x64x128xf32, #tpu.memory_space<vmem>>
      %dma_wait3A_318 = tpu.memref_squeeze %dma_wait3A_317 : memref<1x64x128xf32, #tpu.memory_space<vmem>> -> memref<64x128xf32, #tpu.memory_space<vmem>>
      tpu.wait_dma2 semaphore(%run_scoped3A_294 : memref<!tpu.dma_semaphore, #tpu.memory_space<semaphore_mem>>) src(%dma_wait3A_318 : memref<64x128xf32, #tpu.memory_space<vmem>>) dst(%dma_wait3A_314 : memref<64x128xf32, #tpu.memory_space<vmem_shared>>)
      tpu.yield
    }) : () -> ()
    %mul3A_57 = arith.constant 640 : i32
    %mul3A_58 = arith.muli %arg1, %mul3A_57 : i32
    %add3A_59 = arith.constant 512 : i32
    %add3A_60 = arith.addi %mul3A_58, %add3A_59 : i32
    %run_scoped3A_61 = arith.constant 0 : i32
    "tpu.region"() ({
      %run_scoped3A_294 = tpu.sem_alloc : memref<!tpu.dma_semaphore, #tpu.memory_space<semaphore_mem>>
      %dma_start3A_295 = arith.constant 0 : i32
      %dma_start3A_296 = arith.constant 0 : i32
      %dma_start3A_297 = tpu.memref_slice %arg7[%run_scoped3A_61, %dma_start3A_295, %dma_start3A_296] : memref<4x64x128xf32, #tpu.memory_space<vmem>> -> memref<1x64x128xf32, #tpu.memory_space<vmem>>
      %dma_start3A_298 = tpu.memref_squeeze %dma_start3A_297 : memref<1x64x128xf32, #tpu.memory_space<vmem>> -> memref<64x128xf32, #tpu.memory_space<vmem>>
      %dma_start3A_299 = arith.constant 0 : i32
      %dma_start3A_300 = tpu.memref_slice %arg11[%add3A_60, %dma_start3A_299] : memref<10240x128xf32, #tpu.memory_space<vmem_shared>> -> memref<64x128xf32, #tpu.memory_space<vmem_shared>>
      %dma_start3A_301 = arith.constant 0 : i32
      %dma_start3A_302 = tpu.memref_slice %arg11[%add3A_60, %dma_start3A_301] : memref<10240x128xf32, #tpu.memory_space<vmem_shared>> -> memref<64x128xf32, #tpu.memory_space<vmem_shared>>
      %dma_start3A_303 = arith.constant 0 : i32
      %dma_start3A_304 = arith.constant 0 : i32
      %dma_start3A_305 = tpu.memref_slice %arg7[%run_scoped3A_61, %dma_start3A_303, %dma_start3A_304] : memref<4x64x128xf32, #tpu.memory_space<vmem>> -> memref<1x64x128xf32, #tpu.memory_space<vmem>>
      %dma_start3A_306 = tpu.memref_squeeze %dma_start3A_305 : memref<1x64x128xf32, #tpu.memory_space<vmem>> -> memref<64x128xf32, #tpu.memory_space<vmem>>
      tpu.enqueue_dma source(%dma_start3A_306 : memref<64x128xf32, #tpu.memory_space<vmem>>) target(%dma_start3A_302 : memref<64x128xf32, #tpu.memory_space<vmem_shared>>) target_semaphore(%run_scoped3A_294 : memref<!tpu.dma_semaphore, #tpu.memory_space<semaphore_mem>>)
      %dma_wait3A_307 = arith.constant 0 : i32
      %dma_wait3A_308 = arith.constant 0 : i32
      %dma_wait3A_309 = tpu.memref_slice %arg7[%run_scoped3A_61, %dma_wait3A_307, %dma_wait3A_308] : memref<4x64x128xf32, #tpu.memory_space<vmem>> -> memref<1x64x128xf32, #tpu.memory_space<vmem>>
      %dma_wait3A_310 = tpu.memref_squeeze %dma_wait3A_309 : memref<1x64x128xf32, #tpu.memory_space<vmem>> -> memref<64x128xf32, #tpu.memory_space<vmem>>
      %dma_wait3A_311 = arith.constant 0 : i32
      %dma_wait3A_312 = tpu.memref_slice %arg11[%add3A_60, %dma_wait3A_311] : memref<10240x128xf32, #tpu.memory_space<vmem_shared>> -> memref<64x128xf32, #tpu.memory_space<vmem_shared>>
      %dma_wait3A_313 = arith.constant 0 : i32
      %dma_wait3A_314 = tpu.memref_slice %arg11[%add3A_60, %dma_wait3A_313] : memref<10240x128xf32, #tpu.memory_space<vmem_shared>> -> memref<64x128xf32, #tpu.memory_space<vmem_shared>>
      %dma_wait3A_315 = arith.constant 0 : i32
      %dma_wait3A_316 = arith.constant 0 : i32
      %dma_wait3A_317 = tpu.memref_slice %arg7[%run_scoped3A_61, %dma_wait3A_315, %dma_wait3A_316] : memref<4x64x128xf32, #tpu.memory_space<vmem>> -> memref<1x64x128xf32, #tpu.memory_space<vmem>>
      %dma_wait3A_318 = tpu.memref_squeeze %dma_wait3A_317 : memref<1x64x128xf32, #tpu.memory_space<vmem>> -> memref<64x128xf32, #tpu.memory_space<vmem>>
      tpu.wait_dma2 semaphore(%run_scoped3A_294 : memref<!tpu.dma_semaphore, #tpu.memory_space<semaphore_mem>>) src(%dma_wait3A_318 : memref<64x128xf32, #tpu.memory_space<vmem>>) dst(%dma_wait3A_314 : memref<64x128xf32, #tpu.memory_space<vmem_shared>>)
      tpu.yield
    }) : () -> ()
    %mul3A_62 = arith.constant 640 : i32
    %mul3A_63 = arith.muli %arg1, %mul3A_62 : i32
    %add3A_64 = arith.constant 576 : i32
    %add3A_65 = arith.addi %mul3A_63, %add3A_64 : i32
    %run_scoped3A_66 = arith.constant 0 : i32
    "tpu.region"() ({
      %run_scoped3A_294 = tpu.sem_alloc : memref<!tpu.dma_semaphore, #tpu.memory_space<semaphore_mem>>
      %dma_start3A_295 = arith.constant 0 : i32
      %dma_start3A_296 = arith.constant 0 : i32
      %dma_start3A_297 = tpu.memref_slice %arg7[%run_scoped3A_66, %dma_start3A_295, %dma_start3A_296] : memref<4x64x128xf32, #tpu.memory_space<vmem>> -> memref<1x64x128xf32, #tpu.memory_space<vmem>>
      %dma_start3A_298 = tpu.memref_squeeze %dma_start3A_297 : memref<1x64x128xf32, #tpu.memory_space<vmem>> -> memref<64x128xf32, #tpu.memory_space<vmem>>
      %dma_start3A_299 = arith.constant 0 : i32
      %dma_start3A_300 = tpu.memref_slice %arg11[%add3A_65, %dma_start3A_299] : memref<10240x128xf32, #tpu.memory_space<vmem_shared>> -> memref<64x128xf32, #tpu.memory_space<vmem_shared>>
      %dma_start3A_301 = arith.constant 0 : i32
      %dma_start3A_302 = tpu.memref_slice %arg11[%add3A_65, %dma_start3A_301] : memref<10240x128xf32, #tpu.memory_space<vmem_shared>> -> memref<64x128xf32, #tpu.memory_space<vmem_shared>>
      %dma_start3A_303 = arith.constant 0 : i32
      %dma_start3A_304 = arith.constant 0 : i32
      %dma_start3A_305 = tpu.memref_slice %arg7[%run_scoped3A_66, %dma_start3A_303, %dma_start3A_304] : memref<4x64x128xf32, #tpu.memory_space<vmem>> -> memref<1x64x128xf32, #tpu.memory_space<vmem>>
      %dma_start3A_306 = tpu.memref_squeeze %dma_start3A_305 : memref<1x64x128xf32, #tpu.memory_space<vmem>> -> memref<64x128xf32, #tpu.memory_space<vmem>>
      tpu.enqueue_dma source(%dma_start3A_306 : memref<64x128xf32, #tpu.memory_space<vmem>>) target(%dma_start3A_302 : memref<64x128xf32, #tpu.memory_space<vmem_shared>>) target_semaphore(%run_scoped3A_294 : memref<!tpu.dma_semaphore, #tpu.memory_space<semaphore_mem>>)
      %dma_wait3A_307 = arith.constant 0 : i32
      %dma_wait3A_308 = arith.constant 0 : i32
      %dma_wait3A_309 = tpu.memref_slice %arg7[%run_scoped3A_66, %dma_wait3A_307, %dma_wait3A_308] : memref<4x64x128xf32, #tpu.memory_space<vmem>> -> memref<1x64x128xf32, #tpu.memory_space<vmem>>
      %dma_wait3A_310 = tpu.memref_squeeze %dma_wait3A_309 : memref<1x64x128xf32, #tpu.memory_space<vmem>> -> memref<64x128xf32, #tpu.memory_space<vmem>>
      %dma_wait3A_311 = arith.constant 0 : i32
      %dma_wait3A_312 = tpu.memref_slice %arg11[%add3A_65, %dma_wait3A_311] : memref<10240x128xf32, #tpu.memory_space<vmem_shared>> -> memref<64x128xf32, #tpu.memory_space<vmem_shared>>
      %dma_wait3A_313 = arith.constant 0 : i32
      %dma_wait3A_314 = tpu.memref_slice %arg11[%add3A_65, %dma_wait3A_313] : memref<10240x128xf32, #tpu.memory_space<vmem_shared>> -> memref<64x128xf32, #tpu.memory_space<vmem_shared>>
      %dma_wait3A_315 = arith.constant 0 : i32
      %dma_wait3A_316 = arith.constant 0 : i32
      %dma_wait3A_317 = tpu.memref_slice %arg7[%run_scoped3A_66, %dma_wait3A_315, %dma_wait3A_316] : memref<4x64x128xf32, #tpu.memory_space<vmem>> -> memref<1x64x128xf32, #tpu.memory_space<vmem>>
      %dma_wait3A_318 = tpu.memref_squeeze %dma_wait3A_317 : memref<1x64x128xf32, #tpu.memory_space<vmem>> -> memref<64x128xf32, #tpu.memory_space<vmem>>
      tpu.wait_dma2 semaphore(%run_scoped3A_294 : memref<!tpu.dma_semaphore, #tpu.memory_space<semaphore_mem>>) src(%dma_wait3A_318 : memref<64x128xf32, #tpu.memory_space<vmem>>) dst(%dma_wait3A_314 : memref<64x128xf32, #tpu.memory_space<vmem_shared>>)
      tpu.yield
    }) : () -> ()
    %barrier3A = arith.constant 0 : index
    tpu.barrier barrier_id(%barrier3A)
    %add3A_67 = arith.constant 0 : i32
    %add3A_68 = arith.addi %mul3A_2, %add3A_67 : i32
    %dma_start3A_69 = arith.constant 0 : i32
    %dma_start3A_70 = arith.constant 0 : i32
    %dma_start3A_71 = tpu.memref_slice %arg5[%dma_start3A_69, %dma_start3A_70] : memref<4x64xi32, #tpu.memory_space<vmem>> -> memref<1x64xi32, #tpu.memory_space<vmem>>
    %dma_start3A_72 = tpu.memref_squeeze %dma_start3A_71 : memref<1x64xi32, #tpu.memory_space<vmem>> -> memref<64xi32, #tpu.memory_space<vmem>>
    %dma_start3A_73 = tpu.memref_slice %arg3[%add3A_68] : memref<640000xi32, #tpu.memory_space<hbm>> -> memref<64xi32, #tpu.memory_space<hbm>>
    %dma_start3A_74 = arith.constant 0 : i32
    %dma_start3A_75 = tpu.memref_slice %arg5[%dma_start3A_69, %dma_start3A_74] : memref<4x64xi32, #tpu.memory_space<vmem>> -> memref<1x64xi32, #tpu.memory_space<vmem>>
    %dma_start3A_76 = tpu.memref_squeeze %dma_start3A_75 : memref<1x64xi32, #tpu.memory_space<vmem>> -> memref<64xi32, #tpu.memory_space<vmem>>
    %dma_start3A_77 = tpu.memref_slice %arg3[%add3A_68] : memref<640000xi32, #tpu.memory_space<hbm>> -> memref<64xi32, #tpu.memory_space<hbm>>
    tpu.enqueue_dma source(%dma_start3A_77 : memref<64xi32, #tpu.memory_space<hbm>>) target(%dma_start3A_76 : memref<64xi32, #tpu.memory_space<vmem>>) target_semaphore(%arg20 : memref<!tpu.dma_semaphore, #tpu.memory_space<semaphore_mem>>)
    %add3A_78 = arith.constant 64 : i32
    %add3A_79 = arith.addi %mul3A_2, %add3A_78 : i32
    %dma_start3A_80 = arith.constant 1 : i32
    %dma_start3A_81 = arith.constant 0 : i32
    %dma_start3A_82 = tpu.memref_slice %arg5[%dma_start3A_80, %dma_start3A_81] : memref<4x64xi32, #tpu.memory_space<vmem>> -> memref<1x64xi32, #tpu.memory_space<vmem>>
    %dma_start3A_83 = tpu.memref_squeeze %dma_start3A_82 : memref<1x64xi32, #tpu.memory_space<vmem>> -> memref<64xi32, #tpu.memory_space<vmem>>
    %dma_start3A_84 = tpu.memref_slice %arg3[%add3A_79] : memref<640000xi32, #tpu.memory_space<hbm>> -> memref<64xi32, #tpu.memory_space<hbm>>
    %dma_start3A_85 = arith.constant 0 : i32
    %dma_start3A_86 = tpu.memref_slice %arg5[%dma_start3A_80, %dma_start3A_85] : memref<4x64xi32, #tpu.memory_space<vmem>> -> memref<1x64xi32, #tpu.memory_space<vmem>>
    %dma_start3A_87 = tpu.memref_squeeze %dma_start3A_86 : memref<1x64xi32, #tpu.memory_space<vmem>> -> memref<64xi32, #tpu.memory_space<vmem>>
    %dma_start3A_88 = tpu.memref_slice %arg3[%add3A_79] : memref<640000xi32, #tpu.memory_space<hbm>> -> memref<64xi32, #tpu.memory_space<hbm>>
    tpu.enqueue_dma source(%dma_start3A_88 : memref<64xi32, #tpu.memory_space<hbm>>) target(%dma_start3A_87 : memref<64xi32, #tpu.memory_space<vmem>>) target_semaphore(%arg21 : memref<!tpu.dma_semaphore, #tpu.memory_space<semaphore_mem>>)
    %add3A_89 = arith.constant 128 : i32
    %add3A_90 = arith.addi %mul3A_2, %add3A_89 : i32
    %dma_start3A_91 = arith.constant 2 : i32
    %dma_start3A_92 = arith.constant 0 : i32
    %dma_start3A_93 = tpu.memref_slice %arg5[%dma_start3A_91, %dma_start3A_92] : memref<4x64xi32, #tpu.memory_space<vmem>> -> memref<1x64xi32, #tpu.memory_space<vmem>>
    %dma_start3A_94 = tpu.memref_squeeze %dma_start3A_93 : memref<1x64xi32, #tpu.memory_space<vmem>> -> memref<64xi32, #tpu.memory_space<vmem>>
    %dma_start3A_95 = tpu.memref_slice %arg3[%add3A_90] : memref<640000xi32, #tpu.memory_space<hbm>> -> memref<64xi32, #tpu.memory_space<hbm>>
    %dma_start3A_96 = arith.constant 0 : i32
    %dma_start3A_97 = tpu.memref_slice %arg5[%dma_start3A_91, %dma_start3A_96] : memref<4x64xi32, #tpu.memory_space<vmem>> -> memref<1x64xi32, #tpu.memory_space<vmem>>
    %dma_start3A_98 = tpu.memref_squeeze %dma_start3A_97 : memref<1x64xi32, #tpu.memory_space<vmem>> -> memref<64xi32, #tpu.memory_space<vmem>>
    %dma_start3A_99 = tpu.memref_slice %arg3[%add3A_90] : memref<640000xi32, #tpu.memory_space<hbm>> -> memref<64xi32, #tpu.memory_space<hbm>>
    tpu.enqueue_dma source(%dma_start3A_99 : memref<64xi32, #tpu.memory_space<hbm>>) target(%dma_start3A_98 : memref<64xi32, #tpu.memory_space<vmem>>) target_semaphore(%arg22 : memref<!tpu.dma_semaphore, #tpu.memory_space<semaphore_mem>>)
    %add3A_100 = arith.constant 192 : i32
    %add3A_101 = arith.addi %mul3A_2, %add3A_100 : i32
    %dma_start3A_102 = arith.constant 3 : i32
    %dma_start3A_103 = arith.constant 0 : i32
    %dma_start3A_104 = tpu.memref_slice %arg5[%dma_start3A_102, %dma_start3A_103] : memref<4x64xi32, #tpu.memory_space<vmem>> -> memref<1x64xi32, #tpu.memory_space<vmem>>
    %dma_start3A_105 = tpu.memref_squeeze %dma_start3A_104 : memref<1x64xi32, #tpu.memory_space<vmem>> -> memref<64xi32, #tpu.memory_space<vmem>>
    %dma_start3A_106 = tpu.memref_slice %arg3[%add3A_101] : memref<640000xi32, #tpu.memory_space<hbm>> -> memref<64xi32, #tpu.memory_space<hbm>>
    %dma_start3A_107 = arith.constant 0 : i32
    %dma_start3A_108 = tpu.memref_slice %arg5[%dma_start3A_102, %dma_start3A_107] : memref<4x64xi32, #tpu.memory_space<vmem>> -> memref<1x64xi32, #tpu.memory_space<vmem>>
    %dma_start3A_109 = tpu.memref_squeeze %dma_start3A_108 : memref<1x64xi32, #tpu.memory_space<vmem>> -> memref<64xi32, #tpu.memory_space<vmem>>
    %dma_start3A_110 = tpu.memref_slice %arg3[%add3A_101] : memref<640000xi32, #tpu.memory_space<hbm>> -> memref<64xi32, #tpu.memory_space<hbm>>
    tpu.enqueue_dma source(%dma_start3A_110 : memref<64xi32, #tpu.memory_space<hbm>>) target(%dma_start3A_109 : memref<64xi32, #tpu.memory_space<vmem>>) target_semaphore(%arg23 : memref<!tpu.dma_semaphore, #tpu.memory_space<semaphore_mem>>)
    %add3A_111 = arith.constant 320000 : i32
    %add3A_112 = arith.addi %add3A_111, %mul3A_2 : i32
    %add3A_113 = arith.constant 0 : i32
    %add3A_114 = arith.addi %add3A_112, %add3A_113 : i32
    %dma_start3A_115 = arith.constant 0 : i32
    %dma_start3A_116 = arith.constant 0 : i32
    %dma_start3A_117 = tpu.memref_slice %arg6[%dma_start3A_115, %dma_start3A_116] : memref<4x64xi32, #tpu.memory_space<vmem>> -> memref<1x64xi32, #tpu.memory_space<vmem>>
    %dma_start3A_118 = tpu.memref_squeeze %dma_start3A_117 : memref<1x64xi32, #tpu.memory_space<vmem>> -> memref<64xi32, #tpu.memory_space<vmem>>
    %dma_start3A_119 = tpu.memref_slice %arg3[%add3A_114] : memref<640000xi32, #tpu.memory_space<hbm>> -> memref<64xi32, #tpu.memory_space<hbm>>
    %dma_start3A_120 = arith.constant 0 : i32
    %dma_start3A_121 = tpu.memref_slice %arg6[%dma_start3A_115, %dma_start3A_120] : memref<4x64xi32, #tpu.memory_space<vmem>> -> memref<1x64xi32, #tpu.memory_space<vmem>>
    %dma_start3A_122 = tpu.memref_squeeze %dma_start3A_121 : memref<1x64xi32, #tpu.memory_space<vmem>> -> memref<64xi32, #tpu.memory_space<vmem>>
    %dma_start3A_123 = tpu.memref_slice %arg3[%add3A_114] : memref<640000xi32, #tpu.memory_space<hbm>> -> memref<64xi32, #tpu.memory_space<hbm>>
    tpu.enqueue_dma source(%dma_start3A_123 : memref<64xi32, #tpu.memory_space<hbm>>) target(%dma_start3A_122 : memref<64xi32, #tpu.memory_space<vmem>>) target_semaphore(%arg24 : memref<!tpu.dma_semaphore, #tpu.memory_space<semaphore_mem>>)
    %add3A_124 = arith.constant 0 : i32
    %add3A_125 = arith.addi %mul3A_2, %add3A_124 : i32
    %dma_wait3A = arith.constant 0 : i32
    %dma_wait3A_126 = arith.constant 0 : i32
    %dma_wait3A_127 = tpu.memref_slice %arg5[%dma_wait3A, %dma_wait3A_126] : memref<4x64xi32, #tpu.memory_space<vmem>> -> memref<1x64xi32, #tpu.memory_space<vmem>>
    %dma_wait3A_128 = tpu.memref_squeeze %dma_wait3A_127 : memref<1x64xi32, #tpu.memory_space<vmem>> -> memref<64xi32, #tpu.memory_space<vmem>>
    %dma_wait3A_129 = tpu.memref_slice %arg3[%add3A_125] : memref<640000xi32, #tpu.memory_space<hbm>> -> memref<64xi32, #tpu.memory_space<hbm>>
    %dma_wait3A_130 = arith.constant 0 : i32
    %dma_wait3A_131 = tpu.memref_slice %arg5[%dma_wait3A, %dma_wait3A_130] : memref<4x64xi32, #tpu.memory_space<vmem>> -> memref<1x64xi32, #tpu.memory_space<vmem>>
    %dma_wait3A_132 = tpu.memref_squeeze %dma_wait3A_131 : memref<1x64xi32, #tpu.memory_space<vmem>> -> memref<64xi32, #tpu.memory_space<vmem>>
    %dma_wait3A_133 = tpu.memref_slice %arg3[%add3A_125] : memref<640000xi32, #tpu.memory_space<hbm>> -> memref<64xi32, #tpu.memory_space<hbm>>
    tpu.wait_dma2 semaphore(%arg20 : memref<!tpu.dma_semaphore, #tpu.memory_space<semaphore_mem>>) src(%dma_wait3A_133 : memref<64xi32, #tpu.memory_space<hbm>>) dst(%dma_wait3A_132 : memref<64xi32, #tpu.memory_space<vmem>>)
    %dma_start3A_134 = arith.constant 0 : i32
    %dma_start3A_135 = arith.constant 0 : i32
    %dma_start3A_136 = arith.constant 0 : i32
    %dma_start3A_137 = arith.constant 0 : i32
    %dma_start3A_138 = tpu.memref_slice %arg7[%dma_start3A_135, %dma_start3A_136, %dma_start3A_137] : memref<4x64x128xf32, #tpu.memory_space<vmem>> -> memref<1x64x128xf32, #tpu.memory_space<vmem>>
    %dma_start3A_139 = tpu.memref_squeeze %dma_start3A_138 : memref<1x64x128xf32, #tpu.memory_space<vmem>> -> memref<64x128xf32, #tpu.memory_space<vmem>>
    %dma_start3A_140 = arith.constant 0 : i32
    %dma_start3A_141 = tpu.memref_slice %arg5[%dma_start3A_134, %dma_start3A_140] : memref<4x64xi32, #tpu.memory_space<vmem>> -> memref<1x64xi32, #tpu.memory_space<vmem>>
    %dma_start3A_142 = tpu.memref_squeeze %dma_start3A_141 : memref<1x64xi32, #tpu.memory_space<vmem>> -> memref<64xi32, #tpu.memory_space<vmem>>
    %dma_start3A_143 = arith.constant 0 : i32
    %dma_start3A_144 = arith.constant 0 : i32
    %dma_start3A_145 = tpu.memref_slice %arg2[%dma_start3A_143, %dma_start3A_144] : memref<10240x128xf32, #tpu.memory_space<hbm>> -> memref<10240x128xf32, #tpu.memory_space<hbm>>
    tpu.enqueue_indirect_dma source(%dma_start3A_145 : memref<10240x128xf32, #tpu.memory_space<hbm>>) target(%dma_start3A_139 : memref<64x128xf32, #tpu.memory_space<vmem>>) offsets(%dma_start3A_142 : memref<64xi32, #tpu.memory_space<vmem>>) semaphore(%arg12 : memref<!tpu.dma_semaphore, #tpu.memory_space<semaphore_mem>>)
    %add3A_146 = arith.constant 320000 : i32
    %add3A_147 = arith.addi %add3A_146, %mul3A_2 : i32
    %add3A_148 = arith.constant 64 : i32
    %add3A_149 = arith.addi %add3A_147, %add3A_148 : i32
    %dma_start3A_150 = arith.constant 1 : i32
    %dma_start3A_151 = arith.constant 0 : i32
    %dma_start3A_152 = tpu.memref_slice %arg6[%dma_start3A_150, %dma_start3A_151] : memref<4x64xi32, #tpu.memory_space<vmem>> -> memref<1x64xi32, #tpu.memory_space<vmem>>
    %dma_start3A_153 = tpu.memref_squeeze %dma_start3A_152 : memref<1x64xi32, #tpu.memory_space<vmem>> -> memref<64xi32, #tpu.memory_space<vmem>>
    %dma_start3A_154 = tpu.memref_slice %arg3[%add3A_149] : memref<640000xi32, #tpu.memory_space<hbm>> -> memref<64xi32, #tpu.memory_space<hbm>>
    %dma_start3A_155 = arith.constant 0 : i32
    %dma_start3A_156 = tpu.memref_slice %arg6[%dma_start3A_150, %dma_start3A_155] : memref<4x64xi32, #tpu.memory_space<vmem>> -> memref<1x64xi32, #tpu.memory_space<vmem>>
    %dma_start3A_157 = tpu.memref_squeeze %dma_start3A_156 : memref<1x64xi32, #tpu.memory_space<vmem>> -> memref<64xi32, #tpu.memory_space<vmem>>
    %dma_start3A_158 = tpu.memref_slice %arg3[%add3A_149] : memref<640000xi32, #tpu.memory_space<hbm>> -> memref<64xi32, #tpu.memory_space<hbm>>
    tpu.enqueue_dma source(%dma_start3A_158 : memref<64xi32, #tpu.memory_space<hbm>>) target(%dma_start3A_157 : memref<64xi32, #tpu.memory_space<vmem>>) target_semaphore(%arg25 : memref<!tpu.dma_semaphore, #tpu.memory_space<semaphore_mem>>)
    %add3A_159 = arith.constant 64 : i32
    %add3A_160 = arith.addi %mul3A_2, %add3A_159 : i32
    %dma_wait3A_161 = arith.constant 1 : i32
    %dma_wait3A_162 = arith.constant 0 : i32
    %dma_wait3A_163 = tpu.memref_slice %arg5[%dma_wait3A_161, %dma_wait3A_162] : memref<4x64xi32, #tpu.memory_space<vmem>> -> memref<1x64xi32, #tpu.memory_space<vmem>>
    %dma_wait3A_164 = tpu.memref_squeeze %dma_wait3A_163 : memref<1x64xi32, #tpu.memory_space<vmem>> -> memref<64xi32, #tpu.memory_space<vmem>>
    %dma_wait3A_165 = tpu.memref_slice %arg3[%add3A_160] : memref<640000xi32, #tpu.memory_space<hbm>> -> memref<64xi32, #tpu.memory_space<hbm>>
    %dma_wait3A_166 = arith.constant 0 : i32
    %dma_wait3A_167 = tpu.memref_slice %arg5[%dma_wait3A_161, %dma_wait3A_166] : memref<4x64xi32, #tpu.memory_space<vmem>> -> memref<1x64xi32, #tpu.memory_space<vmem>>
    %dma_wait3A_168 = tpu.memref_squeeze %dma_wait3A_167 : memref<1x64xi32, #tpu.memory_space<vmem>> -> memref<64xi32, #tpu.memory_space<vmem>>
    %dma_wait3A_169 = tpu.memref_slice %arg3[%add3A_160] : memref<640000xi32, #tpu.memory_space<hbm>> -> memref<64xi32, #tpu.memory_space<hbm>>
    tpu.wait_dma2 semaphore(%arg21 : memref<!tpu.dma_semaphore, #tpu.memory_space<semaphore_mem>>) src(%dma_wait3A_169 : memref<64xi32, #tpu.memory_space<hbm>>) dst(%dma_wait3A_168 : memref<64xi32, #tpu.memory_space<vmem>>)
    %dma_start3A_170 = arith.constant 1 : i32
    %dma_start3A_171 = arith.constant 1 : i32
    %dma_start3A_172 = arith.constant 0 : i32
    %dma_start3A_173 = arith.constant 0 : i32
    %dma_start3A_174 = tpu.memref_slice %arg7[%dma_start3A_171, %dma_start3A_172, %dma_start3A_173] : memref<4x64x128xf32, #tpu.memory_space<vmem>> -> memref<1x64x128xf32, #tpu.memory_space<vmem>>
    %dma_start3A_175 = tpu.memref_squeeze %dma_start3A_174 : memref<1x64x128xf32, #tpu.memory_space<vmem>> -> memref<64x128xf32, #tpu.memory_space<vmem>>
    %dma_start3A_176 = arith.constant 0 : i32
    %dma_start3A_177 = tpu.memref_slice %arg5[%dma_start3A_170, %dma_start3A_176] : memref<4x64xi32, #tpu.memory_space<vmem>> -> memref<1x64xi32, #tpu.memory_space<vmem>>
    %dma_start3A_178 = tpu.memref_squeeze %dma_start3A_177 : memref<1x64xi32, #tpu.memory_space<vmem>> -> memref<64xi32, #tpu.memory_space<vmem>>
    %dma_start3A_179 = arith.constant 0 : i32
    %dma_start3A_180 = arith.constant 0 : i32
    %dma_start3A_181 = tpu.memref_slice %arg2[%dma_start3A_179, %dma_start3A_180] : memref<10240x128xf32, #tpu.memory_space<hbm>> -> memref<10240x128xf32, #tpu.memory_space<hbm>>
    tpu.enqueue_indirect_dma source(%dma_start3A_181 : memref<10240x128xf32, #tpu.memory_space<hbm>>) target(%dma_start3A_175 : memref<64x128xf32, #tpu.memory_space<vmem>>) offsets(%dma_start3A_178 : memref<64xi32, #tpu.memory_space<vmem>>) semaphore(%arg13 : memref<!tpu.dma_semaphore, #tpu.memory_space<semaphore_mem>>)
    %add3A_182 = arith.constant 320000 : i32
    %add3A_183 = arith.addi %add3A_182, %mul3A_2 : i32
    %add3A_184 = arith.constant 128 : i32
    %add3A_185 = arith.addi %add3A_183, %add3A_184 : i32
    %dma_start3A_186 = arith.constant 2 : i32
    %dma_start3A_187 = arith.constant 0 : i32
    %dma_start3A_188 = tpu.memref_slice %arg6[%dma_start3A_186, %dma_start3A_187] : memref<4x64xi32, #tpu.memory_space<vmem>> -> memref<1x64xi32, #tpu.memory_space<vmem>>
    %dma_start3A_189 = tpu.memref_squeeze %dma_start3A_188 : memref<1x64xi32, #tpu.memory_space<vmem>> -> memref<64xi32, #tpu.memory_space<vmem>>
    %dma_start3A_190 = tpu.memref_slice %arg3[%add3A_185] : memref<640000xi32, #tpu.memory_space<hbm>> -> memref<64xi32, #tpu.memory_space<hbm>>
    %dma_start3A_191 = arith.constant 0 : i32
    %dma_start3A_192 = tpu.memref_slice %arg6[%dma_start3A_186, %dma_start3A_191] : memref<4x64xi32, #tpu.memory_space<vmem>> -> memref<1x64xi32, #tpu.memory_space<vmem>>
    %dma_start3A_193 = tpu.memref_squeeze %dma_start3A_192 : memref<1x64xi32, #tpu.memory_space<vmem>> -> memref<64xi32, #tpu.memory_space<vmem>>
    %dma_start3A_194 = tpu.memref_slice %arg3[%add3A_185] : memref<640000xi32, #tpu.memory_space<hbm>> -> memref<64xi32, #tpu.memory_space<hbm>>
    tpu.enqueue_dma source(%dma_start3A_194 : memref<64xi32, #tpu.memory_space<hbm>>) target(%dma_start3A_193 : memref<64xi32, #tpu.memory_space<vmem>>) target_semaphore(%arg26 : memref<!tpu.dma_semaphore, #tpu.memory_space<semaphore_mem>>)
    %add3A_195 = arith.constant 128 : i32
    %add3A_196 = arith.addi %mul3A_2, %add3A_195 : i32
    %dma_wait3A_197 = arith.constant 2 : i32
    %dma_wait3A_198 = arith.constant 0 : i32
    %dma_wait3A_199 = tpu.memref_slice %arg5[%dma_wait3A_197, %dma_wait3A_198] : memref<4x64xi32, #tpu.memory_space<vmem>> -> memref<1x64xi32, #tpu.memory_space<vmem>>
    %dma_wait3A_200 = tpu.memref_squeeze %dma_wait3A_199 : memref<1x64xi32, #tpu.memory_space<vmem>> -> memref<64xi32, #tpu.memory_space<vmem>>
    %dma_wait3A_201 = tpu.memref_slice %arg3[%add3A_196] : memref<640000xi32, #tpu.memory_space<hbm>> -> memref<64xi32, #tpu.memory_space<hbm>>
    %dma_wait3A_202 = arith.constant 0 : i32
    %dma_wait3A_203 = tpu.memref_slice %arg5[%dma_wait3A_197, %dma_wait3A_202] : memref<4x64xi32, #tpu.memory_space<vmem>> -> memref<1x64xi32, #tpu.memory_space<vmem>>
    %dma_wait3A_204 = tpu.memref_squeeze %dma_wait3A_203 : memref<1x64xi32, #tpu.memory_space<vmem>> -> memref<64xi32, #tpu.memory_space<vmem>>
    %dma_wait3A_205 = tpu.memref_slice %arg3[%add3A_196] : memref<640000xi32, #tpu.memory_space<hbm>> -> memref<64xi32, #tpu.memory_space<hbm>>
    tpu.wait_dma2 semaphore(%arg22 : memref<!tpu.dma_semaphore, #tpu.memory_space<semaphore_mem>>) src(%dma_wait3A_205 : memref<64xi32, #tpu.memory_space<hbm>>) dst(%dma_wait3A_204 : memref<64xi32, #tpu.memory_space<vmem>>)
    %dma_start3A_206 = arith.constant 2 : i32
    %dma_start3A_207 = arith.constant 2 : i32
    %dma_start3A_208 = arith.constant 0 : i32
    %dma_start3A_209 = arith.constant 0 : i32
    %dma_start3A_210 = tpu.memref_slice %arg7[%dma_start3A_207, %dma_start3A_208, %dma_start3A_209] : memref<4x64x128xf32, #tpu.memory_space<vmem>> -> memref<1x64x128xf32, #tpu.memory_space<vmem>>
    %dma_start3A_211 = tpu.memref_squeeze %dma_start3A_210 : memref<1x64x128xf32, #tpu.memory_space<vmem>> -> memref<64x128xf32, #tpu.memory_space<vmem>>
    %dma_start3A_212 = arith.constant 0 : i32
    %dma_start3A_213 = tpu.memref_slice %arg5[%dma_start3A_206, %dma_start3A_212] : memref<4x64xi32, #tpu.memory_space<vmem>> -> memref<1x64xi32, #tpu.memory_space<vmem>>
    %dma_start3A_214 = tpu.memref_squeeze %dma_start3A_213 : memref<1x64xi32, #tpu.memory_space<vmem>> -> memref<64xi32, #tpu.memory_space<vmem>>
    %dma_start3A_215 = arith.constant 0 : i32
    %dma_start3A_216 = arith.constant 0 : i32
    %dma_start3A_217 = tpu.memref_slice %arg2[%dma_start3A_215, %dma_start3A_216] : memref<10240x128xf32, #tpu.memory_space<hbm>> -> memref<10240x128xf32, #tpu.memory_space<hbm>>
    tpu.enqueue_indirect_dma source(%dma_start3A_217 : memref<10240x128xf32, #tpu.memory_space<hbm>>) target(%dma_start3A_211 : memref<64x128xf32, #tpu.memory_space<vmem>>) offsets(%dma_start3A_214 : memref<64xi32, #tpu.memory_space<vmem>>) semaphore(%arg14 : memref<!tpu.dma_semaphore, #tpu.memory_space<semaphore_mem>>)
    %scan3A_218 = arith.constant 0 : i32
    %scan3A_219 = arith.constant 0 : i32
    %scan3A_220 = arith.constant 39 : i32
    %scan3A_221 = arith.addi %scan3A_219, %scan3A_220 : i32
    %scan3A_222 = arith.constant 1 : i32
    %scan3A_223 = scf.for %scan3A_294 = %scan3A_219 to %scan3A_221 step %scan3A_222 iter_args(%scan3A_295 = %scan3A_218) -> (i32)  : i32 {
      %mul3A_296 = arith.constant 4 : i32
      %mul3A_297 = arith.muli %mul3A_296, %scan3A_294 : i32
      %add3A_298 = arith.constant 0 : i32
      %add3A_299 = arith.addi %mul3A_297, %add3A_298 : i32
      %dma_wait3A_300 = arith.constant 0 : i32
      %dma_wait3A_301 = arith.constant 0 : i32
      %dma_wait3A_302 = arith.constant 0 : i32
      %dma_wait3A_303 = arith.constant 0 : i32
      %dma_wait3A_304 = tpu.memref_slice %arg7[%dma_wait3A_301, %dma_wait3A_302, %dma_wait3A_303] : memref<4x64x128xf32, #tpu.memory_space<vmem>> -> memref<1x64x128xf32, #tpu.memory_space<vmem>>
      %dma_wait3A_305 = tpu.memref_squeeze %dma_wait3A_304 : memref<1x64x128xf32, #tpu.memory_space<vmem>> -> memref<64x128xf32, #tpu.memory_space<vmem>>
      %dma_wait3A_306 = arith.constant 0 : i32
      %dma_wait3A_307 = tpu.memref_slice %arg5[%dma_wait3A_300, %dma_wait3A_306] : memref<4x64xi32, #tpu.memory_space<vmem>> -> memref<1x64xi32, #tpu.memory_space<vmem>>
      %dma_wait3A_308 = tpu.memref_squeeze %dma_wait3A_307 : memref<1x64xi32, #tpu.memory_space<vmem>> -> memref<64xi32, #tpu.memory_space<vmem>>
      %dma_wait3A_309 = arith.constant 0 : i32
      %dma_wait3A_310 = arith.constant 0 : i32
      %dma_wait3A_311 = tpu.memref_slice %arg2[%dma_wait3A_309, %dma_wait3A_310] : memref<10240x128xf32, #tpu.memory_space<hbm>> -> memref<10240x128xf32, #tpu.memory_space<hbm>>
      tpu.wait_indirect_dma semaphore(%arg12 : memref<!tpu.dma_semaphore, #tpu.memory_space<semaphore_mem>>) src(%dma_wait3A_311 : memref<10240x128xf32, #tpu.memory_space<hbm>>) dst(%dma_wait3A_305 : memref<64x128xf32, #tpu.memory_space<vmem>>)
      %add3A_312 = arith.constant 320000 : i32
      %add3A_313 = arith.addi %add3A_312, %mul3A_2 : i32
      %mul3A_314 = arith.constant 64 : i32
      %mul3A_315 = arith.muli %add3A_299, %mul3A_314 : i32
      %add3A_316 = arith.addi %add3A_313, %mul3A_315 : i32
      %dma_wait3A_317 = arith.constant 0 : i32
      %dma_wait3A_318 = arith.constant 0 : i32
      %dma_wait3A_319 = tpu.memref_slice %arg6[%dma_wait3A_317, %dma_wait3A_318] : memref<4x64xi32, #tpu.memory_space<vmem>> -> memref<1x64xi32, #tpu.memory_space<vmem>>
      %dma_wait3A_320 = tpu.memref_squeeze %dma_wait3A_319 : memref<1x64xi32, #tpu.memory_space<vmem>> -> memref<64xi32, #tpu.memory_space<vmem>>
      %dma_wait3A_321 = tpu.memref_slice %arg3[%add3A_316] : memref<640000xi32, #tpu.memory_space<hbm>> -> memref<64xi32, #tpu.memory_space<hbm>>
      %dma_wait3A_322 = arith.constant 0 : i32
      %dma_wait3A_323 = tpu.memref_slice %arg6[%dma_wait3A_317, %dma_wait3A_322] : memref<4x64xi32, #tpu.memory_space<vmem>> -> memref<1x64xi32, #tpu.memory_space<vmem>>
      %dma_wait3A_324 = tpu.memref_squeeze %dma_wait3A_323 : memref<1x64xi32, #tpu.memory_space<vmem>> -> memref<64xi32, #tpu.memory_space<vmem>>
      %dma_wait3A_325 = tpu.memref_slice %arg3[%add3A_316] : memref<640000xi32, #tpu.memory_space<hbm>> -> memref<64xi32, #tpu.memory_space<hbm>>
      tpu.wait_dma2 semaphore(%arg24 : memref<!tpu.dma_semaphore, #tpu.memory_space<semaphore_mem>>) src(%dma_wait3A_325 : memref<64xi32, #tpu.memory_space<hbm>>) dst(%dma_wait3A_324 : memref<64xi32, #tpu.memory_space<vmem>>)
      %dma_start3A_326 = arith.constant 0 : i32
      %dma_start3A_327 = arith.constant 0 : i32
      %dma_start3A_328 = arith.constant 0 : i32
      %dma_start3A_329 = arith.constant 0 : i32
      %dma_start3A_330 = tpu.memref_slice %arg7[%dma_start3A_326, %dma_start3A_328, %dma_start3A_329] : memref<4x64x128xf32, #tpu.memory_space<vmem>> -> memref<1x64x128xf32, #tpu.memory_space<vmem>>
      %dma_start3A_331 = tpu.memref_squeeze %dma_start3A_330 : memref<1x64x128xf32, #tpu.memory_space<vmem>> -> memref<64x128xf32, #tpu.memory_space<vmem>>
      %dma_start3A_332 = arith.constant 0 : i32
      %dma_start3A_333 = tpu.memref_slice %arg6[%dma_start3A_327, %dma_start3A_332] : memref<4x64xi32, #tpu.memory_space<vmem>> -> memref<1x64xi32, #tpu.memory_space<vmem>>
      %dma_start3A_334 = tpu.memref_squeeze %dma_start3A_333 : memref<1x64xi32, #tpu.memory_space<vmem>> -> memref<64xi32, #tpu.memory_space<vmem>>
      %dma_start3A_335 = arith.constant 0 : i32
      %dma_start3A_336 = arith.constant 0 : i32
      %dma_start3A_337 = tpu.memref_slice %arg11[%dma_start3A_335, %dma_start3A_336] : memref<10240x128xf32, #tpu.memory_space<vmem_shared>> -> memref<10240x128xf32, #tpu.memory_space<vmem_shared>>
      tpu.enqueue_indirect_dma source(%dma_start3A_331 : memref<64x128xf32, #tpu.memory_space<vmem>>) target(%dma_start3A_337 : memref<10240x128xf32, #tpu.memory_space<vmem_shared>>) offsets(%dma_start3A_334 : memref<64xi32, #tpu.memory_space<vmem>>) semaphore(%arg16 : memref<!tpu.dma_semaphore, #tpu.memory_space<semaphore_mem>>) {add = true}
      %lt3A = arith.constant 38 : i32
      %lt3A_338 = arith.cmpi slt, %scan3A_294, %lt3A : i32
      %convert_element_type3A = arith.extui %lt3A_338 : i1 to i32
      %cond3A = arith.constant 0 : i32
      %cond3A_339 = arith.cmpi ne, %convert_element_type3A, %cond3A : i32
      scf.if %cond3A_339 {
        %add3A_541 = arith.constant 4 : i32
        %add3A_542 = arith.addi %add3A_299, %add3A_541 : i32
        %mul3A_543 = arith.constant 64 : i32
        %mul3A_544 = arith.muli %add3A_542, %mul3A_543 : i32
        %add3A_545 = arith.addi %mul3A_2, %mul3A_544 : i32
        %dma_start3A_546 = arith.constant 0 : i32
        %dma_start3A_547 = arith.constant 0 : i32
        %dma_start3A_548 = tpu.memref_slice %arg5[%dma_start3A_546, %dma_start3A_547] : memref<4x64xi32, #tpu.memory_space<vmem>> -> memref<1x64xi32, #tpu.memory_space<vmem>>
        %dma_start3A_549 = tpu.memref_squeeze %dma_start3A_548 : memref<1x64xi32, #tpu.memory_space<vmem>> -> memref<64xi32, #tpu.memory_space<vmem>>
        %dma_start3A_550 = tpu.memref_slice %arg3[%add3A_545] : memref<640000xi32, #tpu.memory_space<hbm>> -> memref<64xi32, #tpu.memory_space<hbm>>
        %dma_start3A_551 = arith.constant 0 : i32
        %dma_start3A_552 = tpu.memref_slice %arg5[%dma_start3A_546, %dma_start3A_551] : memref<4x64xi32, #tpu.memory_space<vmem>> -> memref<1x64xi32, #tpu.memory_space<vmem>>
        %dma_start3A_553 = tpu.memref_squeeze %dma_start3A_552 : memref<1x64xi32, #tpu.memory_space<vmem>> -> memref<64xi32, #tpu.memory_space<vmem>>
        %dma_start3A_554 = tpu.memref_slice %arg3[%add3A_545] : memref<640000xi32, #tpu.memory_space<hbm>> -> memref<64xi32, #tpu.memory_space<hbm>>
        tpu.enqueue_dma source(%dma_start3A_554 : memref<64xi32, #tpu.memory_space<hbm>>) target(%dma_start3A_553 : memref<64xi32, #tpu.memory_space<vmem>>) target_semaphore(%arg20 : memref<!tpu.dma_semaphore, #tpu.memory_space<semaphore_mem>>)
      } else {
      }
      %gt3A = arith.constant 0 : i32
      %gt3A_340 = arith.cmpi sgt, %scan3A_294, %gt3A : i32
      %convert_element_type3A_341 = arith.extui %gt3A_340 : i1 to i32
      %cond3A_342 = arith.constant 0 : i32
      %cond3A_343 = arith.cmpi ne, %convert_element_type3A_341, %cond3A_342 : i32
      scf.if %cond3A_343 {
        %dma_wait3A_541 = arith.constant 3 : i32
        %dma_wait3A_542 = arith.constant 3 : i32
        %dma_wait3A_543 = arith.constant 0 : i32
        %dma_wait3A_544 = arith.constant 0 : i32
        %dma_wait3A_545 = tpu.memref_slice %arg7[%dma_wait3A_541, %dma_wait3A_543, %dma_wait3A_544] : memref<4x64x128xf32, #tpu.memory_space<vmem>> -> memref<1x64x128xf32, #tpu.memory_space<vmem>>
        %dma_wait3A_546 = tpu.memref_squeeze %dma_wait3A_545 : memref<1x64x128xf32, #tpu.memory_space<vmem>> -> memref<64x128xf32, #tpu.memory_space<vmem>>
        %dma_wait3A_547 = arith.constant 0 : i32
        %dma_wait3A_548 = tpu.memref_slice %arg6[%dma_wait3A_542, %dma_wait3A_547] : memref<4x64xi32, #tpu.memory_space<vmem>> -> memref<1x64xi32, #tpu.memory_space<vmem>>
        %dma_wait3A_549 = tpu.memref_squeeze %dma_wait3A_548 : memref<1x64xi32, #tpu.memory_space<vmem>> -> memref<64xi32, #tpu.memory_space<vmem>>
        %dma_wait3A_550 = arith.constant 0 : i32
        %dma_wait3A_551 = arith.constant 0 : i32
        %dma_wait3A_552 = tpu.memref_slice %arg11[%dma_wait3A_550, %dma_wait3A_551] : memref<10240x128xf32, #tpu.memory_space<vmem_shared>> -> memref<10240x128xf32, #tpu.memory_space<vmem_shared>>
        tpu.wait_indirect_dma semaphore(%arg19 : memref<!tpu.dma_semaphore, #tpu.memory_space<semaphore_mem>>) src(%dma_wait3A_546 : memref<64x128xf32, #tpu.memory_space<vmem>>) dst(%dma_wait3A_552 : memref<10240x128xf32, #tpu.memory_space<vmem_shared>>)
      } else {
      }
      %mul3A_344 = arith.constant 64 : i32
      %mul3A_345 = arith.muli %add3A_299, %mul3A_344 : i32
      %add3A_346 = arith.addi %mul3A_2, %mul3A_345 : i32
      %dma_wait3A_347 = arith.constant 3 : i32
      %dma_wait3A_348 = arith.constant 0 : i32
      %dma_wait3A_349 = tpu.memref_slice %arg5[%dma_wait3A_347, %dma_wait3A_348] : memref<4x64xi32, #tpu.memory_space<vmem>> -> memref<1x64xi32, #tpu.memory_space<vmem>>
      %dma_wait3A_350 = tpu.memref_squeeze %dma_wait3A_349 : memref<1x64xi32, #tpu.memory_space<vmem>> -> memref<64xi32, #tpu.memory_space<vmem>>
      %dma_wait3A_351 = tpu.memref_slice %arg3[%add3A_346] : memref<640000xi32, #tpu.memory_space<hbm>> -> memref<64xi32, #tpu.memory_space<hbm>>
      %dma_wait3A_352 = arith.constant 0 : i32
      %dma_wait3A_353 = tpu.memref_slice %arg5[%dma_wait3A_347, %dma_wait3A_352] : memref<4x64xi32, #tpu.memory_space<vmem>> -> memref<1x64xi32, #tpu.memory_space<vmem>>
      %dma_wait3A_354 = tpu.memref_squeeze %dma_wait3A_353 : memref<1x64xi32, #tpu.memory_space<vmem>> -> memref<64xi32, #tpu.memory_space<vmem>>
      %dma_wait3A_355 = tpu.memref_slice %arg3[%add3A_346] : memref<640000xi32, #tpu.memory_space<hbm>> -> memref<64xi32, #tpu.memory_space<hbm>>
      tpu.wait_dma2 semaphore(%arg23 : memref<!tpu.dma_semaphore, #tpu.memory_space<semaphore_mem>>) src(%dma_wait3A_355 : memref<64xi32, #tpu.memory_space<hbm>>) dst(%dma_wait3A_354 : memref<64xi32, #tpu.memory_space<vmem>>)
      %dma_start3A_356 = arith.constant 3 : i32
      %dma_start3A_357 = arith.constant 3 : i32
      %dma_start3A_358 = arith.constant 0 : i32
      %dma_start3A_359 = arith.constant 0 : i32
      %dma_start3A_360 = tpu.memref_slice %arg7[%dma_start3A_357, %dma_start3A_358, %dma_start3A_359] : memref<4x64x128xf32, #tpu.memory_space<vmem>> -> memref<1x64x128xf32, #tpu.memory_space<vmem>>
      %dma_start3A_361 = tpu.memref_squeeze %dma_start3A_360 : memref<1x64x128xf32, #tpu.memory_space<vmem>> -> memref<64x128xf32, #tpu.memory_space<vmem>>
      %dma_start3A_362 = arith.constant 0 : i32
      %dma_start3A_363 = tpu.memref_slice %arg5[%dma_start3A_356, %dma_start3A_362] : memref<4x64xi32, #tpu.memory_space<vmem>> -> memref<1x64xi32, #tpu.memory_space<vmem>>
      %dma_start3A_364 = tpu.memref_squeeze %dma_start3A_363 : memref<1x64xi32, #tpu.memory_space<vmem>> -> memref<64xi32, #tpu.memory_space<vmem>>
      %dma_start3A_365 = arith.constant 0 : i32
      %dma_start3A_366 = arith.constant 0 : i32
      %dma_start3A_367 = tpu.memref_slice %arg2[%dma_start3A_365, %dma_start3A_366] : memref<10240x128xf32, #tpu.memory_space<hbm>> -> memref<10240x128xf32, #tpu.memory_space<hbm>>
      tpu.enqueue_indirect_dma source(%dma_start3A_367 : memref<10240x128xf32, #tpu.memory_space<hbm>>) target(%dma_start3A_361 : memref<64x128xf32, #tpu.memory_space<vmem>>) offsets(%dma_start3A_364 : memref<64xi32, #tpu.memory_space<vmem>>) semaphore(%arg15 : memref<!tpu.dma_semaphore, #tpu.memory_space<semaphore_mem>>)
      %add3A_368 = arith.constant 3 : i32
      %add3A_369 = arith.addi %add3A_299, %add3A_368 : i32
      %add3A_370 = arith.constant 320000 : i32
      %add3A_371 = arith.addi %add3A_370, %mul3A_2 : i32
      %mul3A_372 = arith.constant 64 : i32
      %mul3A_373 = arith.muli %add3A_369, %mul3A_372 : i32
      %add3A_374 = arith.addi %add3A_371, %mul3A_373 : i32
      %dma_start3A_375 = arith.constant 3 : i32
      %dma_start3A_376 = arith.constant 0 : i32
      %dma_start3A_377 = tpu.memref_slice %arg6[%dma_start3A_375, %dma_start3A_376] : memref<4x64xi32, #tpu.memory_space<vmem>> -> memref<1x64xi32, #tpu.memory_space<vmem>>
      %dma_start3A_378 = tpu.memref_squeeze %dma_start3A_377 : memref<1x64xi32, #tpu.memory_space<vmem>> -> memref<64xi32, #tpu.memory_space<vmem>>
      %dma_start3A_379 = tpu.memref_slice %arg3[%add3A_374] : memref<640000xi32, #tpu.memory_space<hbm>> -> memref<64xi32, #tpu.memory_space<hbm>>
      %dma_start3A_380 = arith.constant 0 : i32
      %dma_start3A_381 = tpu.memref_slice %arg6[%dma_start3A_375, %dma_start3A_380] : memref<4x64xi32, #tpu.memory_space<vmem>> -> memref<1x64xi32, #tpu.memory_space<vmem>>
      %dma_start3A_382 = tpu.memref_squeeze %dma_start3A_381 : memref<1x64xi32, #tpu.memory_space<vmem>> -> memref<64xi32, #tpu.memory_space<vmem>>
      %dma_start3A_383 = tpu.memref_slice %arg3[%add3A_374] : memref<640000xi32, #tpu.memory_space<hbm>> -> memref<64xi32, #tpu.memory_space<hbm>>
      tpu.enqueue_dma source(%dma_start3A_383 : memref<64xi32, #tpu.memory_space<hbm>>) target(%dma_start3A_382 : memref<64xi32, #tpu.memory_space<vmem>>) target_semaphore(%arg27 : memref<!tpu.dma_semaphore, #tpu.memory_space<semaphore_mem>>)
      %mul3A_384 = arith.constant 4 : i32
      %mul3A_385 = arith.muli %mul3A_384, %scan3A_294 : i32
      %add3A_386 = arith.constant 1 : i32
      %add3A_387 = arith.addi %mul3A_385, %add3A_386 : i32
      %dma_wait3A_388 = arith.constant 1 : i32
      %dma_wait3A_389 = arith.constant 1 : i32
      %dma_wait3A_390 = arith.constant 0 : i32
      %dma_wait3A_391 = arith.constant 0 : i32
      %dma_wait3A_392 = tpu.memref_slice %arg7[%dma_wait3A_389, %dma_wait3A_390, %dma_wait3A_391] : memref<4x64x128xf32, #tpu.memory_space<vmem>> -> memref<1x64x128xf32, #tpu.memory_space<vmem>>
      %dma_wait3A_393 = tpu.memref_squeeze %dma_wait3A_392 : memref<1x64x128xf32, #tpu.memory_space<vmem>> -> memref<64x128xf32, #tpu.memory_space<vmem>>
      %dma_wait3A_394 = arith.constant 0 : i32
      %dma_wait3A_395 = tpu.memref_slice %arg5[%dma_wait3A_388, %dma_wait3A_394] : memref<4x64xi32, #tpu.memory_space<vmem>> -> memref<1x64xi32, #tpu.memory_space<vmem>>
      %dma_wait3A_396 = tpu.memref_squeeze %dma_wait3A_395 : memref<1x64xi32, #tpu.memory_space<vmem>> -> memref<64xi32, #tpu.memory_space<vmem>>
      %dma_wait3A_397 = arith.constant 0 : i32
      %dma_wait3A_398 = arith.constant 0 : i32
      %dma_wait3A_399 = tpu.memref_slice %arg2[%dma_wait3A_397, %dma_wait3A_398] : memref<10240x128xf32, #tpu.memory_space<hbm>> -> memref<10240x128xf32, #tpu.memory_space<hbm>>
      tpu.wait_indirect_dma semaphore(%arg13 : memref<!tpu.dma_semaphore, #tpu.memory_space<semaphore_mem>>) src(%dma_wait3A_399 : memref<10240x128xf32, #tpu.memory_space<hbm>>) dst(%dma_wait3A_393 : memref<64x128xf32, #tpu.memory_space<vmem>>)
      %add3A_400 = arith.constant 320000 : i32
      %add3A_401 = arith.addi %add3A_400, %mul3A_2 : i32
      %mul3A_402 = arith.constant 64 : i32
      %mul3A_403 = arith.muli %add3A_387, %mul3A_402 : i32
      %add3A_404 = arith.addi %add3A_401, %mul3A_403 : i32
      %dma_wait3A_405 = arith.constant 1 : i32
      %dma_wait3A_406 = arith.constant 0 : i32
      %dma_wait3A_407 = tpu.memref_slice %arg6[%dma_wait3A_405, %dma_wait3A_406] : memref<4x64xi32, #tpu.memory_space<vmem>> -> memref<1x64xi32, #tpu.memory_space<vmem>>
      %dma_wait3A_408 = tpu.memref_squeeze %dma_wait3A_407 : memref<1x64xi32, #tpu.memory_space<vmem>> -> memref<64xi32, #tpu.memory_space<vmem>>
      %dma_wait3A_409 = tpu.memref_slice %arg3[%add3A_404] : memref<640000xi32, #tpu.memory_space<hbm>> -> memref<64xi32, #tpu.memory_space<hbm>>
      %dma_wait3A_410 = arith.constant 0 : i32
      %dma_wait3A_411 = tpu.memref_slice %arg6[%dma_wait3A_405, %dma_wait3A_410] : memref<4x64xi32, #tpu.memory_space<vmem>> -> memref<1x64xi32, #tpu.memory_space<vmem>>
      %dma_wait3A_412 = tpu.memref_squeeze %dma_wait3A_411 : memref<1x64xi32, #tpu.memory_space<vmem>> -> memref<64xi32, #tpu.memory_space<vmem>>
      %dma_wait3A_413 = tpu.memref_slice %arg3[%add3A_404] : memref<640000xi32, #tpu.memory_space<hbm>> -> memref<64xi32, #tpu.memory_space<hbm>>
      tpu.wait_dma2 semaphore(%arg25 : memref<!tpu.dma_semaphore, #tpu.memory_space<semaphore_mem>>) src(%dma_wait3A_413 : memref<64xi32, #tpu.memory_space<hbm>>) dst(%dma_wait3A_412 : memref<64xi32, #tpu.memory_space<vmem>>)
      %dma_start3A_414 = arith.constant 1 : i32
      %dma_start3A_415 = arith.constant 1 : i32
      %dma_start3A_416 = arith.constant 0 : i32
      %dma_start3A_417 = arith.constant 0 : i32
      %dma_start3A_418 = tpu.memref_slice %arg7[%dma_start3A_414, %dma_start3A_416, %dma_start3A_417] : memref<4x64x128xf32, #tpu.memory_space<vmem>> -> memref<1x64x128xf32, #tpu.memory_space<vmem>>
      %dma_start3A_419 = tpu.memref_squeeze %dma_start3A_418 : memref<1x64x128xf32, #tpu.memory_space<vmem>> -> memref<64x128xf32, #tpu.memory_space<vmem>>
      %dma_start3A_420 = arith.constant 0 : i32
      %dma_start3A_421 = tpu.memref_slice %arg6[%dma_start3A_415, %dma_start3A_420] : memref<4x64xi32, #tpu.memory_space<vmem>> -> memref<1x64xi32, #tpu.memory_space<vmem>>
      %dma_start3A_422 = tpu.memref_squeeze %dma_start3A_421 : memref<1x64xi32, #tpu.memory_space<vmem>> -> memref<64xi32, #tpu.memory_space<vmem>>
      %dma_start3A_423 = arith.constant 0 : i32
      %dma_start3A_424 = arith.constant 0 : i32
      %dma_start3A_425 = tpu.memref_slice %arg11[%dma_start3A_423, %dma_start3A_424] : memref<10240x128xf32, #tpu.memory_space<vmem_shared>> -> memref<10240x128xf32, #tpu.memory_space<vmem_shared>>
      tpu.enqueue_indirect_dma source(%dma_start3A_419 : memref<64x128xf32, #tpu.memory_space<vmem>>) target(%dma_start3A_425 : memref<10240x128xf32, #tpu.memory_space<vmem_shared>>) offsets(%dma_start3A_422 : memref<64xi32, #tpu.memory_space<vmem>>) semaphore(%arg17 : memref<!tpu.dma_semaphore, #tpu.memory_space<semaphore_mem>>) {add = true}
      %lt3A_426 = arith.constant 38 : i32
      %lt3A_427 = arith.cmpi slt, %scan3A_294, %lt3A_426 : i32
      %convert_element_type3A_428 = arith.extui %lt3A_427 : i1 to i32
      %cond3A_429 = arith.constant 0 : i32
      %cond3A_430 = arith.cmpi ne, %convert_element_type3A_428, %cond3A_429 : i32
      scf.if %cond3A_430 {
        %add3A_541 = arith.constant 4 : i32
        %add3A_542 = arith.addi %add3A_387, %add3A_541 : i32
        %mul3A_543 = arith.constant 64 : i32
        %mul3A_544 = arith.muli %add3A_542, %mul3A_543 : i32
        %add3A_545 = arith.addi %mul3A_2, %mul3A_544 : i32
        %dma_start3A_546 = arith.constant 1 : i32
        %dma_start3A_547 = arith.constant 0 : i32
        %dma_start3A_548 = tpu.memref_slice %arg5[%dma_start3A_546, %dma_start3A_547] : memref<4x64xi32, #tpu.memory_space<vmem>> -> memref<1x64xi32, #tpu.memory_space<vmem>>
        %dma_start3A_549 = tpu.memref_squeeze %dma_start3A_548 : memref<1x64xi32, #tpu.memory_space<vmem>> -> memref<64xi32, #tpu.memory_space<vmem>>
        %dma_start3A_550 = tpu.memref_slice %arg3[%add3A_545] : memref<640000xi32, #tpu.memory_space<hbm>> -> memref<64xi32, #tpu.memory_space<hbm>>
        %dma_start3A_551 = arith.constant 0 : i32
        %dma_start3A_552 = tpu.memref_slice %arg5[%dma_start3A_546, %dma_start3A_551] : memref<4x64xi32, #tpu.memory_space<vmem>> -> memref<1x64xi32, #tpu.memory_space<vmem>>
        %dma_start3A_553 = tpu.memref_squeeze %dma_start3A_552 : memref<1x64xi32, #tpu.memory_space<vmem>> -> memref<64xi32, #tpu.memory_space<vmem>>
        %dma_start3A_554 = tpu.memref_slice %arg3[%add3A_545] : memref<640000xi32, #tpu.memory_space<hbm>> -> memref<64xi32, #tpu.memory_space<hbm>>
        tpu.enqueue_dma source(%dma_start3A_554 : memref<64xi32, #tpu.memory_space<hbm>>) target(%dma_start3A_553 : memref<64xi32, #tpu.memory_space<vmem>>) target_semaphore(%arg21 : memref<!tpu.dma_semaphore, #tpu.memory_space<semaphore_mem>>)
      } else {
      }
      %lt3A_431 = arith.constant 38 : i32
      %lt3A_432 = arith.cmpi slt, %scan3A_294, %lt3A_431 : i32
      %convert_element_type3A_433 = arith.extui %lt3A_432 : i1 to i32
      %cond3A_434 = arith.constant 0 : i32
      %cond3A_435 = arith.cmpi ne, %convert_element_type3A_433, %cond3A_434 : i32
      scf.if %cond3A_435 {
        %dma_wait3A_541 = arith.constant 0 : i32
        %dma_wait3A_542 = arith.constant 0 : i32
        %dma_wait3A_543 = arith.constant 0 : i32
        %dma_wait3A_544 = arith.constant 0 : i32
        %dma_wait3A_545 = tpu.memref_slice %arg7[%dma_wait3A_541, %dma_wait3A_543, %dma_wait3A_544] : memref<4x64x128xf32, #tpu.memory_space<vmem>> -> memref<1x64x128xf32, #tpu.memory_space<vmem>>
        %dma_wait3A_546 = tpu.memref_squeeze %dma_wait3A_545 : memref<1x64x128xf32, #tpu.memory_space<vmem>> -> memref<64x128xf32, #tpu.memory_space<vmem>>
        %dma_wait3A_547 = arith.constant 0 : i32
        %dma_wait3A_548 = tpu.memref_slice %arg6[%dma_wait3A_542, %dma_wait3A_547] : memref<4x64xi32, #tpu.memory_space<vmem>> -> memref<1x64xi32, #tpu.memory_space<vmem>>
        %dma_wait3A_549 = tpu.memref_squeeze %dma_wait3A_548 : memref<1x64xi32, #tpu.memory_space<vmem>> -> memref<64xi32, #tpu.memory_space<vmem>>
        %dma_wait3A_550 = arith.constant 0 : i32
        %dma_wait3A_551 = arith.constant 0 : i32
        %dma_wait3A_552 = tpu.memref_slice %arg11[%dma_wait3A_550, %dma_wait3A_551] : memref<10240x128xf32, #tpu.memory_space<vmem_shared>> -> memref<10240x128xf32, #tpu.memory_space<vmem_shared>>
        tpu.wait_indirect_dma semaphore(%arg16 : memref<!tpu.dma_semaphore, #tpu.memory_space<semaphore_mem>>) src(%dma_wait3A_546 : memref<64x128xf32, #tpu.memory_space<vmem>>) dst(%dma_wait3A_552 : memref<10240x128xf32, #tpu.memory_space<vmem_shared>>)
        %mul3A_553 = arith.constant 64 : i32
        %mul3A_554 = arith.muli %add3A_387, %mul3A_553 : i32
        %add3A_555 = arith.addi %mul3A_2, %mul3A_554 : i32
        %dma_wait3A_556 = arith.constant 0 : i32
        %dma_wait3A_557 = arith.constant 0 : i32
        %dma_wait3A_558 = tpu.memref_slice %arg5[%dma_wait3A_556, %dma_wait3A_557] : memref<4x64xi32, #tpu.memory_space<vmem>> -> memref<1x64xi32, #tpu.memory_space<vmem>>
        %dma_wait3A_559 = tpu.memref_squeeze %dma_wait3A_558 : memref<1x64xi32, #tpu.memory_space<vmem>> -> memref<64xi32, #tpu.memory_space<vmem>>
        %dma_wait3A_560 = tpu.memref_slice %arg3[%add3A_555] : memref<640000xi32, #tpu.memory_space<hbm>> -> memref<64xi32, #tpu.memory_space<hbm>>
        %dma_wait3A_561 = arith.constant 0 : i32
        %dma_wait3A_562 = tpu.memref_slice %arg5[%dma_wait3A_556, %dma_wait3A_561] : memref<4x64xi32, #tpu.memory_space<vmem>> -> memref<1x64xi32, #tpu.memory_space<vmem>>
        %dma_wait3A_563 = tpu.memref_squeeze %dma_wait3A_562 : memref<1x64xi32, #tpu.memory_space<vmem>> -> memref<64xi32, #tpu.memory_space<vmem>>
        %dma_wait3A_564 = tpu.memref_slice %arg3[%add3A_555] : memref<640000xi32, #tpu.memory_space<hbm>> -> memref<64xi32, #tpu.memory_space<hbm>>
        tpu.wait_dma2 semaphore(%arg20 : memref<!tpu.dma_semaphore, #tpu.memory_space<semaphore_mem>>) src(%dma_wait3A_564 : memref<64xi32, #tpu.memory_space<hbm>>) dst(%dma_wait3A_563 : memref<64xi32, #tpu.memory_space<vmem>>)
        %dma_start3A_565 = arith.constant 0 : i32
        %dma_start3A_566 = arith.constant 0 : i32
        %dma_start3A_567 = arith.constant 0 : i32
        %dma_start3A_568 = arith.constant 0 : i32
        %dma_start3A_569 = tpu.memref_slice %arg7[%dma_start3A_566, %dma_start3A_567, %dma_start3A_568] : memref<4x64x128xf32, #tpu.memory_space<vmem>> -> memref<1x64x128xf32, #tpu.memory_space<vmem>>
        %dma_start3A_570 = tpu.memref_squeeze %dma_start3A_569 : memref<1x64x128xf32, #tpu.memory_space<vmem>> -> memref<64x128xf32, #tpu.memory_space<vmem>>
        %dma_start3A_571 = arith.constant 0 : i32
        %dma_start3A_572 = tpu.memref_slice %arg5[%dma_start3A_565, %dma_start3A_571] : memref<4x64xi32, #tpu.memory_space<vmem>> -> memref<1x64xi32, #tpu.memory_space<vmem>>
        %dma_start3A_573 = tpu.memref_squeeze %dma_start3A_572 : memref<1x64xi32, #tpu.memory_space<vmem>> -> memref<64xi32, #tpu.memory_space<vmem>>
        %dma_start3A_574 = arith.constant 0 : i32
        %dma_start3A_575 = arith.constant 0 : i32
        %dma_start3A_576 = tpu.memref_slice %arg2[%dma_start3A_574, %dma_start3A_575] : memref<10240x128xf32, #tpu.memory_space<hbm>> -> memref<10240x128xf32, #tpu.memory_space<hbm>>
        tpu.enqueue_indirect_dma source(%dma_start3A_576 : memref<10240x128xf32, #tpu.memory_space<hbm>>) target(%dma_start3A_570 : memref<64x128xf32, #tpu.memory_space<vmem>>) offsets(%dma_start3A_573 : memref<64xi32, #tpu.memory_space<vmem>>) semaphore(%arg12 : memref<!tpu.dma_semaphore, #tpu.memory_space<semaphore_mem>>)
        %add3A_577 = arith.constant 3 : i32
        %add3A_578 = arith.addi %add3A_387, %add3A_577 : i32
        %add3A_579 = arith.constant 320000 : i32
        %add3A_580 = arith.addi %add3A_579, %mul3A_2 : i32
        %mul3A_581 = arith.constant 64 : i32
        %mul3A_582 = arith.muli %add3A_578, %mul3A_581 : i32
        %add3A_583 = arith.addi %add3A_580, %mul3A_582 : i32
        %dma_start3A_584 = arith.constant 0 : i32
        %dma_start3A_585 = arith.constant 0 : i32
        %dma_start3A_586 = tpu.memref_slice %arg6[%dma_start3A_584, %dma_start3A_585] : memref<4x64xi32, #tpu.memory_space<vmem>> -> memref<1x64xi32, #tpu.memory_space<vmem>>
        %dma_start3A_587 = tpu.memref_squeeze %dma_start3A_586 : memref<1x64xi32, #tpu.memory_space<vmem>> -> memref<64xi32, #tpu.memory_space<vmem>>
        %dma_start3A_588 = tpu.memref_slice %arg3[%add3A_583] : memref<640000xi32, #tpu.memory_space<hbm>> -> memref<64xi32, #tpu.memory_space<hbm>>
        %dma_start3A_589 = arith.constant 0 : i32
        %dma_start3A_590 = tpu.memref_slice %arg6[%dma_start3A_584, %dma_start3A_589] : memref<4x64xi32, #tpu.memory_space<vmem>> -> memref<1x64xi32, #tpu.memory_space<vmem>>
        %dma_start3A_591 = tpu.memref_squeeze %dma_start3A_590 : memref<1x64xi32, #tpu.memory_space<vmem>> -> memref<64xi32, #tpu.memory_space<vmem>>
        %dma_start3A_592 = tpu.memref_slice %arg3[%add3A_583] : memref<640000xi32, #tpu.memory_space<hbm>> -> memref<64xi32, #tpu.memory_space<hbm>>
        tpu.enqueue_dma source(%dma_start3A_592 : memref<64xi32, #tpu.memory_space<hbm>>) target(%dma_start3A_591 : memref<64xi32, #tpu.memory_space<vmem>>) target_semaphore(%arg24 : memref<!tpu.dma_semaphore, #tpu.memory_space<semaphore_mem>>)
      } else {
      }
      %mul3A_436 = arith.constant 4 : i32
      %mul3A_437 = arith.muli %mul3A_436, %scan3A_294 : i32
      %add3A_438 = arith.constant 2 : i32
      %add3A_439 = arith.addi %mul3A_437, %add3A_438 : i32
      %dma_wait3A_440 = arith.constant 2 : i32
      %dma_wait3A_441 = arith.constant 2 : i32
      %dma_wait3A_442 = arith.constant 0 : i32
      %dma_wait3A_443 = arith.constant 0 : i32
      %dma_wait3A_444 = tpu.memref_slice %arg7[%dma_wait3A_441, %dma_wait3A_442, %dma_wait3A_443] : memref<4x64x128xf32, #tpu.memory_space<vmem>> -> memref<1x64x128xf32, #tpu.memory_space<vmem>>
      %dma_wait3A_445 = tpu.memref_squeeze %dma_wait3A_444 : memref<1x64x128xf32, #tpu.memory_space<vmem>> -> memref<64x128xf32, #tpu.memory_space<vmem>>
      %dma_wait3A_446 = arith.constant 0 : i32
      %dma_wait3A_447 = tpu.memref_slice %arg5[%dma_wait3A_440, %dma_wait3A_446] : memref<4x64xi32, #tpu.memory_space<vmem>> -> memref<1x64xi32, #tpu.memory_space<vmem>>
      %dma_wait3A_448 = tpu.memref_squeeze %dma_wait3A_447 : memref<1x64xi32, #tpu.memory_space<vmem>> -> memref<64xi32, #tpu.memory_space<vmem>>
      %dma_wait3A_449 = arith.constant 0 : i32
      %dma_wait3A_450 = arith.constant 0 : i32
      %dma_wait3A_451 = tpu.memref_slice %arg2[%dma_wait3A_449, %dma_wait3A_450] : memref<10240x128xf32, #tpu.memory_space<hbm>> -> memref<10240x128xf32, #tpu.memory_space<hbm>>
      tpu.wait_indirect_dma semaphore(%arg14 : memref<!tpu.dma_semaphore, #tpu.memory_space<semaphore_mem>>) src(%dma_wait3A_451 : memref<10240x128xf32, #tpu.memory_space<hbm>>) dst(%dma_wait3A_445 : memref<64x128xf32, #tpu.memory_space<vmem>>)
      %add3A_452 = arith.constant 320000 : i32
      %add3A_453 = arith.addi %add3A_452, %mul3A_2 : i32
      %mul3A_454 = arith.constant 64 : i32
      %mul3A_455 = arith.muli %add3A_439, %mul3A_454 : i32
      %add3A_456 = arith.addi %add3A_453, %mul3A_455 : i32
      %dma_wait3A_457 = arith.constant 2 : i32
      %dma_wait3A_458 = arith.constant 0 : i32
      %dma_wait3A_459 = tpu.memref_slice %arg6[%dma_wait3A_457, %dma_wait3A_458] : memref<4x64xi32, #tpu.memory_space<vmem>> -> memref<1x64xi32, #tpu.memory_space<vmem>>
      %dma_wait3A_460 = tpu.memref_squeeze %dma_wait3A_459 : memref<1x64xi32, #tpu.memory_space<vmem>> -> memref<64xi32, #tpu.memory_space<vmem>>
      %dma_wait3A_461 = tpu.memref_slice %arg3[%add3A_456] : memref<640000xi32, #tpu.memory_space<hbm>> -> memref<64xi32, #tpu.memory_space<hbm>>
      %dma_wait3A_462 = arith.constant 0 : i32
      %dma_wait3A_463 = tpu.memref_slice %arg6[%dma_wait3A_457, %dma_wait3A_462] : memref<4x64xi32, #tpu.memory_space<vmem>> -> memref<1x64xi32, #tpu.memory_space<vmem>>
      %dma_wait3A_464 = tpu.memref_squeeze %dma_wait3A_463 : memref<1x64xi32, #tpu.memory_space<vmem>> -> memref<64xi32, #tpu.memory_space<vmem>>
      %dma_wait3A_465 = tpu.memref_slice %arg3[%add3A_456] : memref<640000xi32, #tpu.memory_space<hbm>> -> memref<64xi32, #tpu.memory_space<hbm>>
      tpu.wait_dma2 semaphore(%arg26 : memref<!tpu.dma_semaphore, #tpu.memory_space<semaphore_mem>>) src(%dma_wait3A_465 : memref<64xi32, #tpu.memory_space<hbm>>) dst(%dma_wait3A_464 : memref<64xi32, #tpu.memory_space<vmem>>)
      %dma_start3A_466 = arith.constant 2 : i32
      %dma_start3A_467 = arith.constant 2 : i32
      %dma_start3A_468 = arith.constant 0 : i32
      %dma_start3A_469 = arith.constant 0 : i32
      %dma_start3A_470 = tpu.memref_slice %arg7[%dma_start3A_466, %dma_start3A_468, %dma_start3A_469] : memref<4x64x128xf32, #tpu.memory_space<vmem>> -> memref<1x64x128xf32, #tpu.memory_space<vmem>>
      %dma_start3A_471 = tpu.memref_squeeze %dma_start3A_470 : memref<1x64x128xf32, #tpu.memory_space<vmem>> -> memref<64x128xf32, #tpu.memory_space<vmem>>
      %dma_start3A_472 = arith.constant 0 : i32
      %dma_start3A_473 = tpu.memref_slice %arg6[%dma_start3A_467, %dma_start3A_472] : memref<4x64xi32, #tpu.memory_space<vmem>> -> memref<1x64xi32, #tpu.memory_space<vmem>>
      %dma_start3A_474 = tpu.memref_squeeze %dma_start3A_473 : memref<1x64xi32, #tpu.memory_space<vmem>> -> memref<64xi32, #tpu.memory_space<vmem>>
      %dma_start3A_475 = arith.constant 0 : i32
      %dma_start3A_476 = arith.constant 0 : i32
      %dma_start3A_477 = tpu.memref_slice %arg11[%dma_start3A_475, %dma_start3A_476] : memref<10240x128xf32, #tpu.memory_space<vmem_shared>> -> memref<10240x128xf32, #tpu.memory_space<vmem_shared>>
      tpu.enqueue_indirect_dma source(%dma_start3A_471 : memref<64x128xf32, #tpu.memory_space<vmem>>) target(%dma_start3A_477 : memref<10240x128xf32, #tpu.memory_space<vmem_shared>>) offsets(%dma_start3A_474 : memref<64xi32, #tpu.memory_space<vmem>>) semaphore(%arg18 : memref<!tpu.dma_semaphore, #tpu.memory_space<semaphore_mem>>) {add = true}
      %lt3A_478 = arith.constant 38 : i32
      %lt3A_479 = arith.cmpi slt, %scan3A_294, %lt3A_478 : i32
      %convert_element_type3A_480 = arith.extui %lt3A_479 : i1 to i32
      %cond3A_481 = arith.constant 0 : i32
      %cond3A_482 = arith.cmpi ne, %convert_element_type3A_480, %cond3A_481 : i32
      scf.if %cond3A_482 {
        %add3A_541 = arith.constant 4 : i32
        %add3A_542 = arith.addi %add3A_439, %add3A_541 : i32
        %mul3A_543 = arith.constant 64 : i32
        %mul3A_544 = arith.muli %add3A_542, %mul3A_543 : i32
        %add3A_545 = arith.addi %mul3A_2, %mul3A_544 : i32
        %dma_start3A_546 = arith.constant 2 : i32
        %dma_start3A_547 = arith.constant 0 : i32
        %dma_start3A_548 = tpu.memref_slice %arg5[%dma_start3A_546, %dma_start3A_547] : memref<4x64xi32, #tpu.memory_space<vmem>> -> memref<1x64xi32, #tpu.memory_space<vmem>>
        %dma_start3A_549 = tpu.memref_squeeze %dma_start3A_548 : memref<1x64xi32, #tpu.memory_space<vmem>> -> memref<64xi32, #tpu.memory_space<vmem>>
        %dma_start3A_550 = tpu.memref_slice %arg3[%add3A_545] : memref<640000xi32, #tpu.memory_space<hbm>> -> memref<64xi32, #tpu.memory_space<hbm>>
        %dma_start3A_551 = arith.constant 0 : i32
        %dma_start3A_552 = tpu.memref_slice %arg5[%dma_start3A_546, %dma_start3A_551] : memref<4x64xi32, #tpu.memory_space<vmem>> -> memref<1x64xi32, #tpu.memory_space<vmem>>
        %dma_start3A_553 = tpu.memref_squeeze %dma_start3A_552 : memref<1x64xi32, #tpu.memory_space<vmem>> -> memref<64xi32, #tpu.memory_space<vmem>>
        %dma_start3A_554 = tpu.memref_slice %arg3[%add3A_545] : memref<640000xi32, #tpu.memory_space<hbm>> -> memref<64xi32, #tpu.memory_space<hbm>>
        tpu.enqueue_dma source(%dma_start3A_554 : memref<64xi32, #tpu.memory_space<hbm>>) target(%dma_start3A_553 : memref<64xi32, #tpu.memory_space<vmem>>) target_semaphore(%arg22 : memref<!tpu.dma_semaphore, #tpu.memory_space<semaphore_mem>>)
      } else {
      }
      %lt3A_483 = arith.constant 38 : i32
      %lt3A_484 = arith.cmpi slt, %scan3A_294, %lt3A_483 : i32
      %convert_element_type3A_485 = arith.extui %lt3A_484 : i1 to i32
      %cond3A_486 = arith.constant 0 : i32
      %cond3A_487 = arith.cmpi ne, %convert_element_type3A_485, %cond3A_486 : i32
      scf.if %cond3A_487 {
        %dma_wait3A_541 = arith.constant 1 : i32
        %dma_wait3A_542 = arith.constant 1 : i32
        %dma_wait3A_543 = arith.constant 0 : i32
        %dma_wait3A_544 = arith.constant 0 : i32
        %dma_wait3A_545 = tpu.memref_slice %arg7[%dma_wait3A_541, %dma_wait3A_543, %dma_wait3A_544] : memref<4x64x128xf32, #tpu.memory_space<vmem>> -> memref<1x64x128xf32, #tpu.memory_space<vmem>>
        %dma_wait3A_546 = tpu.memref_squeeze %dma_wait3A_545 : memref<1x64x128xf32, #tpu.memory_space<vmem>> -> memref<64x128xf32, #tpu.memory_space<vmem>>
        %dma_wait3A_547 = arith.constant 0 : i32
        %dma_wait3A_548 = tpu.memref_slice %arg6[%dma_wait3A_542, %dma_wait3A_547] : memref<4x64xi32, #tpu.memory_space<vmem>> -> memref<1x64xi32, #tpu.memory_space<vmem>>
        %dma_wait3A_549 = tpu.memref_squeeze %dma_wait3A_548 : memref<1x64xi32, #tpu.memory_space<vmem>> -> memref<64xi32, #tpu.memory_space<vmem>>
        %dma_wait3A_550 = arith.constant 0 : i32
        %dma_wait3A_551 = arith.constant 0 : i32
        %dma_wait3A_552 = tpu.memref_slice %arg11[%dma_wait3A_550, %dma_wait3A_551] : memref<10240x128xf32, #tpu.memory_space<vmem_shared>> -> memref<10240x128xf32, #tpu.memory_space<vmem_shared>>
        tpu.wait_indirect_dma semaphore(%arg17 : memref<!tpu.dma_semaphore, #tpu.memory_space<semaphore_mem>>) src(%dma_wait3A_546 : memref<64x128xf32, #tpu.memory_space<vmem>>) dst(%dma_wait3A_552 : memref<10240x128xf32, #tpu.memory_space<vmem_shared>>)
        %mul3A_553 = arith.constant 64 : i32
        %mul3A_554 = arith.muli %add3A_439, %mul3A_553 : i32
        %add3A_555 = arith.addi %mul3A_2, %mul3A_554 : i32
        %dma_wait3A_556 = arith.constant 1 : i32
        %dma_wait3A_557 = arith.constant 0 : i32
        %dma_wait3A_558 = tpu.memref_slice %arg5[%dma_wait3A_556, %dma_wait3A_557] : memref<4x64xi32, #tpu.memory_space<vmem>> -> memref<1x64xi32, #tpu.memory_space<vmem>>
        %dma_wait3A_559 = tpu.memref_squeeze %dma_wait3A_558 : memref<1x64xi32, #tpu.memory_space<vmem>> -> memref<64xi32, #tpu.memory_space<vmem>>
        %dma_wait3A_560 = tpu.memref_slice %arg3[%add3A_555] : memref<640000xi32, #tpu.memory_space<hbm>> -> memref<64xi32, #tpu.memory_space<hbm>>
        %dma_wait3A_561 = arith.constant 0 : i32
        %dma_wait3A_562 = tpu.memref_slice %arg5[%dma_wait3A_556, %dma_wait3A_561] : memref<4x64xi32, #tpu.memory_space<vmem>> -> memref<1x64xi32, #tpu.memory_space<vmem>>
        %dma_wait3A_563 = tpu.memref_squeeze %dma_wait3A_562 : memref<1x64xi32, #tpu.memory_space<vmem>> -> memref<64xi32, #tpu.memory_space<vmem>>
        %dma_wait3A_564 = tpu.memref_slice %arg3[%add3A_555] : memref<640000xi32, #tpu.memory_space<hbm>> -> memref<64xi32, #tpu.memory_space<hbm>>
        tpu.wait_dma2 semaphore(%arg21 : memref<!tpu.dma_semaphore, #tpu.memory_space<semaphore_mem>>) src(%dma_wait3A_564 : memref<64xi32, #tpu.memory_space<hbm>>) dst(%dma_wait3A_563 : memref<64xi32, #tpu.memory_space<vmem>>)
        %dma_start3A_565 = arith.constant 1 : i32
        %dma_start3A_566 = arith.constant 1 : i32
        %dma_start3A_567 = arith.constant 0 : i32
        %dma_start3A_568 = arith.constant 0 : i32
        %dma_start3A_569 = tpu.memref_slice %arg7[%dma_start3A_566, %dma_start3A_567, %dma_start3A_568] : memref<4x64x128xf32, #tpu.memory_space<vmem>> -> memref<1x64x128xf32, #tpu.memory_space<vmem>>
        %dma_start3A_570 = tpu.memref_squeeze %dma_start3A_569 : memref<1x64x128xf32, #tpu.memory_space<vmem>> -> memref<64x128xf32, #tpu.memory_space<vmem>>
        %dma_start3A_571 = arith.constant 0 : i32
        %dma_start3A_572 = tpu.memref_slice %arg5[%dma_start3A_565, %dma_start3A_571] : memref<4x64xi32, #tpu.memory_space<vmem>> -> memref<1x64xi32, #tpu.memory_space<vmem>>
        %dma_start3A_573 = tpu.memref_squeeze %dma_start3A_572 : memref<1x64xi32, #tpu.memory_space<vmem>> -> memref<64xi32, #tpu.memory_space<vmem>>
        %dma_start3A_574 = arith.constant 0 : i32
        %dma_start3A_575 = arith.constant 0 : i32
        %dma_start3A_576 = tpu.memref_slice %arg2[%dma_start3A_574, %dma_start3A_575] : memref<10240x128xf32, #tpu.memory_space<hbm>> -> memref<10240x128xf32, #tpu.memory_space<hbm>>
        tpu.enqueue_indirect_dma source(%dma_start3A_576 : memref<10240x128xf32, #tpu.memory_space<hbm>>) target(%dma_start3A_570 : memref<64x128xf32, #tpu.memory_space<vmem>>) offsets(%dma_start3A_573 : memref<64xi32, #tpu.memory_space<vmem>>) semaphore(%arg13 : memref<!tpu.dma_semaphore, #tpu.memory_space<semaphore_mem>>)
        %add3A_577 = arith.constant 3 : i32
        %add3A_578 = arith.addi %add3A_439, %add3A_577 : i32
        %add3A_579 = arith.constant 320000 : i32
        %add3A_580 = arith.addi %add3A_579, %mul3A_2 : i32
        %mul3A_581 = arith.constant 64 : i32
        %mul3A_582 = arith.muli %add3A_578, %mul3A_581 : i32
        %add3A_583 = arith.addi %add3A_580, %mul3A_582 : i32
        %dma_start3A_584 = arith.constant 1 : i32
        %dma_start3A_585 = arith.constant 0 : i32
        %dma_start3A_586 = tpu.memref_slice %arg6[%dma_start3A_584, %dma_start3A_585] : memref<4x64xi32, #tpu.memory_space<vmem>> -> memref<1x64xi32, #tpu.memory_space<vmem>>
        %dma_start3A_587 = tpu.memref_squeeze %dma_start3A_586 : memref<1x64xi32, #tpu.memory_space<vmem>> -> memref<64xi32, #tpu.memory_space<vmem>>
        %dma_start3A_588 = tpu.memref_slice %arg3[%add3A_583] : memref<640000xi32, #tpu.memory_space<hbm>> -> memref<64xi32, #tpu.memory_space<hbm>>
        %dma_start3A_589 = arith.constant 0 : i32
        %dma_start3A_590 = tpu.memref_slice %arg6[%dma_start3A_584, %dma_start3A_589] : memref<4x64xi32, #tpu.memory_space<vmem>> -> memref<1x64xi32, #tpu.memory_space<vmem>>
        %dma_start3A_591 = tpu.memref_squeeze %dma_start3A_590 : memref<1x64xi32, #tpu.memory_space<vmem>> -> memref<64xi32, #tpu.memory_space<vmem>>
        %dma_start3A_592 = tpu.memref_slice %arg3[%add3A_583] : memref<640000xi32, #tpu.memory_space<hbm>> -> memref<64xi32, #tpu.memory_space<hbm>>
        tpu.enqueue_dma source(%dma_start3A_592 : memref<64xi32, #tpu.memory_space<hbm>>) target(%dma_start3A_591 : memref<64xi32, #tpu.memory_space<vmem>>) target_semaphore(%arg25 : memref<!tpu.dma_semaphore, #tpu.memory_space<semaphore_mem>>)
      } else {
      }
      %mul3A_488 = arith.constant 4 : i32
      %mul3A_489 = arith.muli %mul3A_488, %scan3A_294 : i32
      %add3A_490 = arith.constant 3 : i32
      %add3A_491 = arith.addi %mul3A_489, %add3A_490 : i32
      %dma_wait3A_492 = arith.constant 3 : i32
      %dma_wait3A_493 = arith.constant 3 : i32
      %dma_wait3A_494 = arith.constant 0 : i32
      %dma_wait3A_495 = arith.constant 0 : i32
      %dma_wait3A_496 = tpu.memref_slice %arg7[%dma_wait3A_493, %dma_wait3A_494, %dma_wait3A_495] : memref<4x64x128xf32, #tpu.memory_space<vmem>> -> memref<1x64x128xf32, #tpu.memory_space<vmem>>
      %dma_wait3A_497 = tpu.memref_squeeze %dma_wait3A_496 : memref<1x64x128xf32, #tpu.memory_space<vmem>> -> memref<64x128xf32, #tpu.memory_space<vmem>>
      %dma_wait3A_498 = arith.constant 0 : i32
      %dma_wait3A_499 = tpu.memref_slice %arg5[%dma_wait3A_492, %dma_wait3A_498] : memref<4x64xi32, #tpu.memory_space<vmem>> -> memref<1x64xi32, #tpu.memory_space<vmem>>
      %dma_wait3A_500 = tpu.memref_squeeze %dma_wait3A_499 : memref<1x64xi32, #tpu.memory_space<vmem>> -> memref<64xi32, #tpu.memory_space<vmem>>
      %dma_wait3A_501 = arith.constant 0 : i32
      %dma_wait3A_502 = arith.constant 0 : i32
      %dma_wait3A_503 = tpu.memref_slice %arg2[%dma_wait3A_501, %dma_wait3A_502] : memref<10240x128xf32, #tpu.memory_space<hbm>> -> memref<10240x128xf32, #tpu.memory_space<hbm>>
      tpu.wait_indirect_dma semaphore(%arg15 : memref<!tpu.dma_semaphore, #tpu.memory_space<semaphore_mem>>) src(%dma_wait3A_503 : memref<10240x128xf32, #tpu.memory_space<hbm>>) dst(%dma_wait3A_497 : memref<64x128xf32, #tpu.memory_space<vmem>>)
      %add3A_504 = arith.constant 320000 : i32
      %add3A_505 = arith.addi %add3A_504, %mul3A_2 : i32
      %mul3A_506 = arith.constant 64 : i32
      %mul3A_507 = arith.muli %add3A_491, %mul3A_506 : i32
      %add3A_508 = arith.addi %add3A_505, %mul3A_507 : i32
      %dma_wait3A_509 = arith.constant 3 : i32
      %dma_wait3A_510 = arith.constant 0 : i32
      %dma_wait3A_511 = tpu.memref_slice %arg6[%dma_wait3A_509, %dma_wait3A_510] : memref<4x64xi32, #tpu.memory_space<vmem>> -> memref<1x64xi32, #tpu.memory_space<vmem>>
      %dma_wait3A_512 = tpu.memref_squeeze %dma_wait3A_511 : memref<1x64xi32, #tpu.memory_space<vmem>> -> memref<64xi32, #tpu.memory_space<vmem>>
      %dma_wait3A_513 = tpu.memref_slice %arg3[%add3A_508] : memref<640000xi32, #tpu.memory_space<hbm>> -> memref<64xi32, #tpu.memory_space<hbm>>
      %dma_wait3A_514 = arith.constant 0 : i32
      %dma_wait3A_515 = tpu.memref_slice %arg6[%dma_wait3A_509, %dma_wait3A_514] : memref<4x64xi32, #tpu.memory_space<vmem>> -> memref<1x64xi32, #tpu.memory_space<vmem>>
      %dma_wait3A_516 = tpu.memref_squeeze %dma_wait3A_515 : memref<1x64xi32, #tpu.memory_space<vmem>> -> memref<64xi32, #tpu.memory_space<vmem>>
      %dma_wait3A_517 = tpu.memref_slice %arg3[%add3A_508] : memref<640000xi32, #tpu.memory_space<hbm>> -> memref<64xi32, #tpu.memory_space<hbm>>
      tpu.wait_dma2 semaphore(%arg27 : memref<!tpu.dma_semaphore, #tpu.memory_space<semaphore_mem>>) src(%dma_wait3A_517 : memref<64xi32, #tpu.memory_space<hbm>>) dst(%dma_wait3A_516 : memref<64xi32, #tpu.memory_space<vmem>>)
      %dma_start3A_518 = arith.constant 3 : i32
      %dma_start3A_519 = arith.constant 3 : i32
      %dma_start3A_520 = arith.constant 0 : i32
      %dma_start3A_521 = arith.constant 0 : i32
      %dma_start3A_522 = tpu.memref_slice %arg7[%dma_start3A_518, %dma_start3A_520, %dma_start3A_521] : memref<4x64x128xf32, #tpu.memory_space<vmem>> -> memref<1x64x128xf32, #tpu.memory_space<vmem>>
      %dma_start3A_523 = tpu.memref_squeeze %dma_start3A_522 : memref<1x64x128xf32, #tpu.memory_space<vmem>> -> memref<64x128xf32, #tpu.memory_space<vmem>>
      %dma_start3A_524 = arith.constant 0 : i32
      %dma_start3A_525 = tpu.memref_slice %arg6[%dma_start3A_519, %dma_start3A_524] : memref<4x64xi32, #tpu.memory_space<vmem>> -> memref<1x64xi32, #tpu.memory_space<vmem>>
      %dma_start3A_526 = tpu.memref_squeeze %dma_start3A_525 : memref<1x64xi32, #tpu.memory_space<vmem>> -> memref<64xi32, #tpu.memory_space<vmem>>
      %dma_start3A_527 = arith.constant 0 : i32
      %dma_start3A_528 = arith.constant 0 : i32
      %dma_start3A_529 = tpu.memref_slice %arg11[%dma_start3A_527, %dma_start3A_528] : memref<10240x128xf32, #tpu.memory_space<vmem_shared>> -> memref<10240x128xf32, #tpu.memory_space<vmem_shared>>
      tpu.enqueue_indirect_dma source(%dma_start3A_523 : memref<64x128xf32, #tpu.memory_space<vmem>>) target(%dma_start3A_529 : memref<10240x128xf32, #tpu.memory_space<vmem_shared>>) offsets(%dma_start3A_526 : memref<64xi32, #tpu.memory_space<vmem>>) semaphore(%arg19 : memref<!tpu.dma_semaphore, #tpu.memory_space<semaphore_mem>>) {add = true}
      %lt3A_530 = arith.constant 38 : i32
      %lt3A_531 = arith.cmpi slt, %scan3A_294, %lt3A_530 : i32
      %convert_element_type3A_532 = arith.extui %lt3A_531 : i1 to i32
      %cond3A_533 = arith.constant 0 : i32
      %cond3A_534 = arith.cmpi ne, %convert_element_type3A_532, %cond3A_533 : i32
      scf.if %cond3A_534 {
        %add3A_541 = arith.constant 4 : i32
        %add3A_542 = arith.addi %add3A_491, %add3A_541 : i32
        %mul3A_543 = arith.constant 64 : i32
        %mul3A_544 = arith.muli %add3A_542, %mul3A_543 : i32
        %add3A_545 = arith.addi %mul3A_2, %mul3A_544 : i32
        %dma_start3A_546 = arith.constant 3 : i32
        %dma_start3A_547 = arith.constant 0 : i32
        %dma_start3A_548 = tpu.memref_slice %arg5[%dma_start3A_546, %dma_start3A_547] : memref<4x64xi32, #tpu.memory_space<vmem>> -> memref<1x64xi32, #tpu.memory_space<vmem>>
        %dma_start3A_549 = tpu.memref_squeeze %dma_start3A_548 : memref<1x64xi32, #tpu.memory_space<vmem>> -> memref<64xi32, #tpu.memory_space<vmem>>
        %dma_start3A_550 = tpu.memref_slice %arg3[%add3A_545] : memref<640000xi32, #tpu.memory_space<hbm>> -> memref<64xi32, #tpu.memory_space<hbm>>
        %dma_start3A_551 = arith.constant 0 : i32
        %dma_start3A_552 = tpu.memref_slice %arg5[%dma_start3A_546, %dma_start3A_551] : memref<4x64xi32, #tpu.memory_space<vmem>> -> memref<1x64xi32, #tpu.memory_space<vmem>>
        %dma_start3A_553 = tpu.memref_squeeze %dma_start3A_552 : memref<1x64xi32, #tpu.memory_space<vmem>> -> memref<64xi32, #tpu.memory_space<vmem>>
        %dma_start3A_554 = tpu.memref_slice %arg3[%add3A_545] : memref<640000xi32, #tpu.memory_space<hbm>> -> memref<64xi32, #tpu.memory_space<hbm>>
        tpu.enqueue_dma source(%dma_start3A_554 : memref<64xi32, #tpu.memory_space<hbm>>) target(%dma_start3A_553 : memref<64xi32, #tpu.memory_space<vmem>>) target_semaphore(%arg23 : memref<!tpu.dma_semaphore, #tpu.memory_space<semaphore_mem>>)
      } else {
      }
      %lt3A_535 = arith.constant 38 : i32
      %lt3A_536 = arith.cmpi slt, %scan3A_294, %lt3A_535 : i32
      %convert_element_type3A_537 = arith.extui %lt3A_536 : i1 to i32
      %cond3A_538 = arith.constant 0 : i32
      %cond3A_539 = arith.cmpi ne, %convert_element_type3A_537, %cond3A_538 : i32
      scf.if %cond3A_539 {
        %dma_wait3A_541 = arith.constant 2 : i32
        %dma_wait3A_542 = arith.constant 2 : i32
        %dma_wait3A_543 = arith.constant 0 : i32
        %dma_wait3A_544 = arith.constant 0 : i32
        %dma_wait3A_545 = tpu.memref_slice %arg7[%dma_wait3A_541, %dma_wait3A_543, %dma_wait3A_544] : memref<4x64x128xf32, #tpu.memory_space<vmem>> -> memref<1x64x128xf32, #tpu.memory_space<vmem>>
        %dma_wait3A_546 = tpu.memref_squeeze %dma_wait3A_545 : memref<1x64x128xf32, #tpu.memory_space<vmem>> -> memref<64x128xf32, #tpu.memory_space<vmem>>
        %dma_wait3A_547 = arith.constant 0 : i32
        %dma_wait3A_548 = tpu.memref_slice %arg6[%dma_wait3A_542, %dma_wait3A_547] : memref<4x64xi32, #tpu.memory_space<vmem>> -> memref<1x64xi32, #tpu.memory_space<vmem>>
        %dma_wait3A_549 = tpu.memref_squeeze %dma_wait3A_548 : memref<1x64xi32, #tpu.memory_space<vmem>> -> memref<64xi32, #tpu.memory_space<vmem>>
        %dma_wait3A_550 = arith.constant 0 : i32
        %dma_wait3A_551 = arith.constant 0 : i32
        %dma_wait3A_552 = tpu.memref_slice %arg11[%dma_wait3A_550, %dma_wait3A_551] : memref<10240x128xf32, #tpu.memory_space<vmem_shared>> -> memref<10240x128xf32, #tpu.memory_space<vmem_shared>>
        tpu.wait_indirect_dma semaphore(%arg18 : memref<!tpu.dma_semaphore, #tpu.memory_space<semaphore_mem>>) src(%dma_wait3A_546 : memref<64x128xf32, #tpu.memory_space<vmem>>) dst(%dma_wait3A_552 : memref<10240x128xf32, #tpu.memory_space<vmem_shared>>)
        %mul3A_553 = arith.constant 64 : i32
        %mul3A_554 = arith.muli %add3A_491, %mul3A_553 : i32
        %add3A_555 = arith.addi %mul3A_2, %mul3A_554 : i32
        %dma_wait3A_556 = arith.constant 2 : i32
        %dma_wait3A_557 = arith.constant 0 : i32
        %dma_wait3A_558 = tpu.memref_slice %arg5[%dma_wait3A_556, %dma_wait3A_557] : memref<4x64xi32, #tpu.memory_space<vmem>> -> memref<1x64xi32, #tpu.memory_space<vmem>>
        %dma_wait3A_559 = tpu.memref_squeeze %dma_wait3A_558 : memref<1x64xi32, #tpu.memory_space<vmem>> -> memref<64xi32, #tpu.memory_space<vmem>>
        %dma_wait3A_560 = tpu.memref_slice %arg3[%add3A_555] : memref<640000xi32, #tpu.memory_space<hbm>> -> memref<64xi32, #tpu.memory_space<hbm>>
        %dma_wait3A_561 = arith.constant 0 : i32
        %dma_wait3A_562 = tpu.memref_slice %arg5[%dma_wait3A_556, %dma_wait3A_561] : memref<4x64xi32, #tpu.memory_space<vmem>> -> memref<1x64xi32, #tpu.memory_space<vmem>>
        %dma_wait3A_563 = tpu.memref_squeeze %dma_wait3A_562 : memref<1x64xi32, #tpu.memory_space<vmem>> -> memref<64xi32, #tpu.memory_space<vmem>>
        %dma_wait3A_564 = tpu.memref_slice %arg3[%add3A_555] : memref<640000xi32, #tpu.memory_space<hbm>> -> memref<64xi32, #tpu.memory_space<hbm>>
        tpu.wait_dma2 semaphore(%arg22 : memref<!tpu.dma_semaphore, #tpu.memory_space<semaphore_mem>>) src(%dma_wait3A_564 : memref<64xi32, #tpu.memory_space<hbm>>) dst(%dma_wait3A_563 : memref<64xi32, #tpu.memory_space<vmem>>)
        %dma_start3A_565 = arith.constant 2 : i32
        %dma_start3A_566 = arith.constant 2 : i32
        %dma_start3A_567 = arith.constant 0 : i32
        %dma_start3A_568 = arith.constant 0 : i32
        %dma_start3A_569 = tpu.memref_slice %arg7[%dma_start3A_566, %dma_start3A_567, %dma_start3A_568] : memref<4x64x128xf32, #tpu.memory_space<vmem>> -> memref<1x64x128xf32, #tpu.memory_space<vmem>>
        %dma_start3A_570 = tpu.memref_squeeze %dma_start3A_569 : memref<1x64x128xf32, #tpu.memory_space<vmem>> -> memref<64x128xf32, #tpu.memory_space<vmem>>
        %dma_start3A_571 = arith.constant 0 : i32
        %dma_start3A_572 = tpu.memref_slice %arg5[%dma_start3A_565, %dma_start3A_571] : memref<4x64xi32, #tpu.memory_space<vmem>> -> memref<1x64xi32, #tpu.memory_space<vmem>>
        %dma_start3A_573 = tpu.memref_squeeze %dma_start3A_572 : memref<1x64xi32, #tpu.memory_space<vmem>> -> memref<64xi32, #tpu.memory_space<vmem>>
        %dma_start3A_574 = arith.constant 0 : i32
        %dma_start3A_575 = arith.constant 0 : i32
        %dma_start3A_576 = tpu.memref_slice %arg2[%dma_start3A_574, %dma_start3A_575] : memref<10240x128xf32, #tpu.memory_space<hbm>> -> memref<10240x128xf32, #tpu.memory_space<hbm>>
        tpu.enqueue_indirect_dma source(%dma_start3A_576 : memref<10240x128xf32, #tpu.memory_space<hbm>>) target(%dma_start3A_570 : memref<64x128xf32, #tpu.memory_space<vmem>>) offsets(%dma_start3A_573 : memref<64xi32, #tpu.memory_space<vmem>>) semaphore(%arg14 : memref<!tpu.dma_semaphore, #tpu.memory_space<semaphore_mem>>)
        %add3A_577 = arith.constant 3 : i32
        %add3A_578 = arith.addi %add3A_491, %add3A_577 : i32
        %add3A_579 = arith.constant 320000 : i32
        %add3A_580 = arith.addi %add3A_579, %mul3A_2 : i32
        %mul3A_581 = arith.constant 64 : i32
        %mul3A_582 = arith.muli %add3A_578, %mul3A_581 : i32
        %add3A_583 = arith.addi %add3A_580, %mul3A_582 : i32
        %dma_start3A_584 = arith.constant 2 : i32
        %dma_start3A_585 = arith.constant 0 : i32
        %dma_start3A_586 = tpu.memref_slice %arg6[%dma_start3A_584, %dma_start3A_585] : memref<4x64xi32, #tpu.memory_space<vmem>> -> memref<1x64xi32, #tpu.memory_space<vmem>>
        %dma_start3A_587 = tpu.memref_squeeze %dma_start3A_586 : memref<1x64xi32, #tpu.memory_space<vmem>> -> memref<64xi32, #tpu.memory_space<vmem>>
        %dma_start3A_588 = tpu.memref_slice %arg3[%add3A_583] : memref<640000xi32, #tpu.memory_space<hbm>> -> memref<64xi32, #tpu.memory_space<hbm>>
        %dma_start3A_589 = arith.constant 0 : i32
        %dma_start3A_590 = tpu.memref_slice %arg6[%dma_start3A_584, %dma_start3A_589] : memref<4x64xi32, #tpu.memory_space<vmem>> -> memref<1x64xi32, #tpu.memory_space<vmem>>
        %dma_start3A_591 = tpu.memref_squeeze %dma_start3A_590 : memref<1x64xi32, #tpu.memory_space<vmem>> -> memref<64xi32, #tpu.memory_space<vmem>>
        %dma_start3A_592 = tpu.memref_slice %arg3[%add3A_583] : memref<640000xi32, #tpu.memory_space<hbm>> -> memref<64xi32, #tpu.memory_space<hbm>>
        tpu.enqueue_dma source(%dma_start3A_592 : memref<64xi32, #tpu.memory_space<hbm>>) target(%dma_start3A_591 : memref<64xi32, #tpu.memory_space<vmem>>) target_semaphore(%arg26 : memref<!tpu.dma_semaphore, #tpu.memory_space<semaphore_mem>>)
      } else {
      }
      %scan3A_540 = arith.constant 0 : i32
      scf.yield %scan3A_540 : i32
    }
    %scan3A_224 = arith.constant 39 : i32
    %dma_wait3A_225 = arith.constant 0 : i32
    %dma_wait3A_226 = arith.constant 0 : i32
    %dma_wait3A_227 = arith.constant 0 : i32
    %dma_wait3A_228 = arith.constant 0 : i32
    %dma_wait3A_229 = tpu.memref_slice %arg7[%dma_wait3A_225, %dma_wait3A_227, %dma_wait3A_228] : memref<4x64x128xf32, #tpu.memory_space<vmem>> -> memref<1x64x128xf32, #tpu.memory_space<vmem>>
    %dma_wait3A_230 = tpu.memref_squeeze %dma_wait3A_229 : memref<1x64x128xf32, #tpu.memory_space<vmem>> -> memref<64x128xf32, #tpu.memory_space<vmem>>
    %dma_wait3A_231 = arith.constant 0 : i32
    %dma_wait3A_232 = tpu.memref_slice %arg6[%dma_wait3A_226, %dma_wait3A_231] : memref<4x64xi32, #tpu.memory_space<vmem>> -> memref<1x64xi32, #tpu.memory_space<vmem>>
    %dma_wait3A_233 = tpu.memref_squeeze %dma_wait3A_232 : memref<1x64xi32, #tpu.memory_space<vmem>> -> memref<64xi32, #tpu.memory_space<vmem>>
    %dma_wait3A_234 = arith.constant 0 : i32
    %dma_wait3A_235 = arith.constant 0 : i32
    %dma_wait3A_236 = tpu.memref_slice %arg11[%dma_wait3A_234, %dma_wait3A_235] : memref<10240x128xf32, #tpu.memory_space<vmem_shared>> -> memref<10240x128xf32, #tpu.memory_space<vmem_shared>>
    tpu.wait_indirect_dma semaphore(%arg16 : memref<!tpu.dma_semaphore, #tpu.memory_space<semaphore_mem>>) src(%dma_wait3A_230 : memref<64x128xf32, #tpu.memory_space<vmem>>) dst(%dma_wait3A_236 : memref<10240x128xf32, #tpu.memory_space<vmem_shared>>)
    %dma_wait3A_237 = arith.constant 1 : i32
    %dma_wait3A_238 = arith.constant 1 : i32
    %dma_wait3A_239 = arith.constant 0 : i32
    %dma_wait3A_240 = arith.constant 0 : i32
    %dma_wait3A_241 = tpu.memref_slice %arg7[%dma_wait3A_237, %dma_wait3A_239, %dma_wait3A_240] : memref<4x64x128xf32, #tpu.memory_space<vmem>> -> memref<1x64x128xf32, #tpu.memory_space<vmem>>
    %dma_wait3A_242 = tpu.memref_squeeze %dma_wait3A_241 : memref<1x64x128xf32, #tpu.memory_space<vmem>> -> memref<64x128xf32, #tpu.memory_space<vmem>>
    %dma_wait3A_243 = arith.constant 0 : i32
    %dma_wait3A_244 = tpu.memref_slice %arg6[%dma_wait3A_238, %dma_wait3A_243] : memref<4x64xi32, #tpu.memory_space<vmem>> -> memref<1x64xi32, #tpu.memory_space<vmem>>
    %dma_wait3A_245 = tpu.memref_squeeze %dma_wait3A_244 : memref<1x64xi32, #tpu.memory_space<vmem>> -> memref<64xi32, #tpu.memory_space<vmem>>
    %dma_wait3A_246 = arith.constant 0 : i32
    %dma_wait3A_247 = arith.constant 0 : i32
    %dma_wait3A_248 = tpu.memref_slice %arg11[%dma_wait3A_246, %dma_wait3A_247] : memref<10240x128xf32, #tpu.memory_space<vmem_shared>> -> memref<10240x128xf32, #tpu.memory_space<vmem_shared>>
    tpu.wait_indirect_dma semaphore(%arg17 : memref<!tpu.dma_semaphore, #tpu.memory_space<semaphore_mem>>) src(%dma_wait3A_242 : memref<64x128xf32, #tpu.memory_space<vmem>>) dst(%dma_wait3A_248 : memref<10240x128xf32, #tpu.memory_space<vmem_shared>>)
    %dma_wait3A_249 = arith.constant 2 : i32
    %dma_wait3A_250 = arith.constant 2 : i32
    %dma_wait3A_251 = arith.constant 0 : i32
    %dma_wait3A_252 = arith.constant 0 : i32
    %dma_wait3A_253 = tpu.memref_slice %arg7[%dma_wait3A_249, %dma_wait3A_251, %dma_wait3A_252] : memref<4x64x128xf32, #tpu.memory_space<vmem>> -> memref<1x64x128xf32, #tpu.memory_space<vmem>>
    %dma_wait3A_254 = tpu.memref_squeeze %dma_wait3A_253 : memref<1x64x128xf32, #tpu.memory_space<vmem>> -> memref<64x128xf32, #tpu.memory_space<vmem>>
    %dma_wait3A_255 = arith.constant 0 : i32
    %dma_wait3A_256 = tpu.memref_slice %arg6[%dma_wait3A_250, %dma_wait3A_255] : memref<4x64xi32, #tpu.memory_space<vmem>> -> memref<1x64xi32, #tpu.memory_space<vmem>>
    %dma_wait3A_257 = tpu.memref_squeeze %dma_wait3A_256 : memref<1x64xi32, #tpu.memory_space<vmem>> -> memref<64xi32, #tpu.memory_space<vmem>>
    %dma_wait3A_258 = arith.constant 0 : i32
    %dma_wait3A_259 = arith.constant 0 : i32
    %dma_wait3A_260 = tpu.memref_slice %arg11[%dma_wait3A_258, %dma_wait3A_259] : memref<10240x128xf32, #tpu.memory_space<vmem_shared>> -> memref<10240x128xf32, #tpu.memory_space<vmem_shared>>
    tpu.wait_indirect_dma semaphore(%arg18 : memref<!tpu.dma_semaphore, #tpu.memory_space<semaphore_mem>>) src(%dma_wait3A_254 : memref<64x128xf32, #tpu.memory_space<vmem>>) dst(%dma_wait3A_260 : memref<10240x128xf32, #tpu.memory_space<vmem_shared>>)
    %dma_wait3A_261 = arith.constant 3 : i32
    %dma_wait3A_262 = arith.constant 3 : i32
    %dma_wait3A_263 = arith.constant 0 : i32
    %dma_wait3A_264 = arith.constant 0 : i32
    %dma_wait3A_265 = tpu.memref_slice %arg7[%dma_wait3A_261, %dma_wait3A_263, %dma_wait3A_264] : memref<4x64x128xf32, #tpu.memory_space<vmem>> -> memref<1x64x128xf32, #tpu.memory_space<vmem>>
    %dma_wait3A_266 = tpu.memref_squeeze %dma_wait3A_265 : memref<1x64x128xf32, #tpu.memory_space<vmem>> -> memref<64x128xf32, #tpu.memory_space<vmem>>
    %dma_wait3A_267 = arith.constant 0 : i32
    %dma_wait3A_268 = tpu.memref_slice %arg6[%dma_wait3A_262, %dma_wait3A_267] : memref<4x64xi32, #tpu.memory_space<vmem>> -> memref<1x64xi32, #tpu.memory_space<vmem>>
    %dma_wait3A_269 = tpu.memref_squeeze %dma_wait3A_268 : memref<1x64xi32, #tpu.memory_space<vmem>> -> memref<64xi32, #tpu.memory_space<vmem>>
    %dma_wait3A_270 = arith.constant 0 : i32
    %dma_wait3A_271 = arith.constant 0 : i32
    %dma_wait3A_272 = tpu.memref_slice %arg11[%dma_wait3A_270, %dma_wait3A_271] : memref<10240x128xf32, #tpu.memory_space<vmem_shared>> -> memref<10240x128xf32, #tpu.memory_space<vmem_shared>>
    tpu.wait_indirect_dma semaphore(%arg19 : memref<!tpu.dma_semaphore, #tpu.memory_space<semaphore_mem>>) src(%dma_wait3A_266 : memref<64x128xf32, #tpu.memory_space<vmem>>) dst(%dma_wait3A_272 : memref<10240x128xf32, #tpu.memory_space<vmem_shared>>)
    %add3A_273 = arith.constant 9984 : i32
    %add3A_274 = arith.addi %mul3A_2, %add3A_273 : i32
    %dma_wait3A_275 = tpu.memref_slice %arg3[%add3A_274] : memref<640000xi32, #tpu.memory_space<hbm>> -> memref<16xi32, #tpu.memory_space<hbm>>
    %dma_wait3A_276 = tpu.memref_slice %arg3[%add3A_274] : memref<640000xi32, #tpu.memory_space<hbm>> -> memref<16xi32, #tpu.memory_space<hbm>>
    tpu.wait_dma2 semaphore(%arg28 : memref<!tpu.dma_semaphore, #tpu.memory_space<semaphore_mem>>) src(%dma_wait3A_276 : memref<16xi32, #tpu.memory_space<hbm>>) dst(%arg8 : memref<16xi32, #tpu.memory_space<vmem>>)
    %add3A_277 = arith.constant 320000 : i32
    %add3A_278 = arith.addi %add3A_277, %mul3A_2 : i32
    %add3A_279 = arith.constant 9984 : i32
    %add3A_280 = arith.addi %add3A_278, %add3A_279 : i32
    %dma_wait3A_281 = tpu.memref_slice %arg3[%add3A_280] : memref<640000xi32, #tpu.memory_space<hbm>> -> memref<16xi32, #tpu.memory_space<hbm>>
    %dma_wait3A_282 = tpu.memref_slice %arg3[%add3A_280] : memref<640000xi32, #tpu.memory_space<hbm>> -> memref<16xi32, #tpu.memory_space<hbm>>
    tpu.wait_dma2 semaphore(%arg28 : memref<!tpu.dma_semaphore, #tpu.memory_space<semaphore_mem>>) src(%dma_wait3A_282 : memref<16xi32, #tpu.memory_space<hbm>>) dst(%arg9 : memref<16xi32, #tpu.memory_space<vmem>>)
    %dma_start3A_283 = arith.constant 0 : i32
    %dma_start3A_284 = arith.constant 0 : i32
    %dma_start3A_285 = tpu.memref_slice %arg2[%dma_start3A_283, %dma_start3A_284] : memref<10240x128xf32, #tpu.memory_space<hbm>> -> memref<10240x128xf32, #tpu.memory_space<hbm>>
    tpu.enqueue_indirect_dma source(%dma_start3A_285 : memref<10240x128xf32, #tpu.memory_space<hbm>>) target(%arg10 : memref<16x128xf32, #tpu.memory_space<vmem>>) offsets(%arg8 : memref<16xi32, #tpu.memory_space<vmem>>) semaphore(%arg28 : memref<!tpu.dma_semaphore, #tpu.memory_space<semaphore_mem>>)
    %dma_wait3A_286 = arith.constant 0 : i32
    %dma_wait3A_287 = arith.constant 0 : i32
    %dma_wait3A_288 = tpu.memref_slice %arg2[%dma_wait3A_286, %dma_wait3A_287] : memref<10240x128xf32, #tpu.memory_space<hbm>> -> memref<10240x128xf32, #tpu.memory_space<hbm>>
    tpu.wait_indirect_dma semaphore(%arg28 : memref<!tpu.dma_semaphore, #tpu.memory_space<semaphore_mem>>) src(%dma_wait3A_288 : memref<10240x128xf32, #tpu.memory_space<hbm>>) dst(%arg10 : memref<16x128xf32, #tpu.memory_space<vmem>>)
    "tpu.region"() ({
      %run_scoped3A_294 = tpu.sem_alloc : memref<!tpu.dma_semaphore, #tpu.memory_space<semaphore_mem>>
      %dma_start3A_295 = arith.constant 0 : i32
      %dma_start3A_296 = arith.constant 0 : i32
      %dma_start3A_297 = tpu.memref_slice %arg11[%dma_start3A_295, %dma_start3A_296] : memref<10240x128xf32, #tpu.memory_space<vmem_shared>> -> memref<10240x128xf32, #tpu.memory_space<vmem_shared>>
      tpu.enqueue_indirect_dma source(%arg10 : memref<16x128xf32, #tpu.memory_space<vmem>>) target(%dma_start3A_297 : memref<10240x128xf32, #tpu.memory_space<vmem_shared>>) offsets(%arg9 : memref<16xi32, #tpu.memory_space<vmem>>) semaphore(%run_scoped3A_294 : memref<!tpu.dma_semaphore, #tpu.memory_space<semaphore_mem>>) {add = true}
      %dma_wait3A_298 = arith.constant 0 : i32
      %dma_wait3A_299 = arith.constant 0 : i32
      %dma_wait3A_300 = tpu.memref_slice %arg11[%dma_wait3A_298, %dma_wait3A_299] : memref<10240x128xf32, #tpu.memory_space<vmem_shared>> -> memref<10240x128xf32, #tpu.memory_space<vmem_shared>>
      tpu.wait_indirect_dma semaphore(%run_scoped3A_294 : memref<!tpu.dma_semaphore, #tpu.memory_space<semaphore_mem>>) src(%arg10 : memref<16x128xf32, #tpu.memory_space<vmem>>) dst(%dma_wait3A_300 : memref<10240x128xf32, #tpu.memory_space<vmem_shared>>)
      tpu.yield
    }) : () -> ()
    %barrier3A_289 = arith.constant 0 : index
    tpu.barrier barrier_id(%barrier3A_289)
    %mul3A_290 = arith.constant 640 : i32
    %mul3A_291 = arith.muli %arg1, %mul3A_290 : i32
    %mul3A_292 = arith.constant 640 : i32
    %mul3A_293 = arith.muli %arg1, %mul3A_292 : i32
    "tpu.region"() ({
      %run_scoped3A_294 = tpu.sem_alloc : memref<!tpu.dma_semaphore, #tpu.memory_space<semaphore_mem>>
      %dma_start3A_295 = arith.constant 0 : i32
      %dma_start3A_296 = tpu.memref_slice %arg4[%arg0, %mul3A_293, %dma_start3A_295] : memref<2x10240x128xf32, #tpu.memory_space<hbm>> -> memref<1x640x128xf32, #tpu.memory_space<hbm>>
      %dma_start3A_297 = tpu.memref_squeeze %dma_start3A_296 : memref<1x640x128xf32, #tpu.memory_space<hbm>> -> memref<640x128xf32, #tpu.memory_space<hbm>>
      %dma_start3A_298 = arith.constant 0 : i32
      %dma_start3A_299 = tpu.memref_slice %arg11[%mul3A_291, %dma_start3A_298] : memref<10240x128xf32, #tpu.memory_space<vmem_shared>> -> memref<640x128xf32, #tpu.memory_space<vmem_shared>>
      tpu.enqueue_dma source(%dma_start3A_299 : memref<640x128xf32, #tpu.memory_space<vmem_shared>>) target(%dma_start3A_297 : memref<640x128xf32, #tpu.memory_space<hbm>>) target_semaphore(%run_scoped3A_294 : memref<!tpu.dma_semaphore, #tpu.memory_space<semaphore_mem>>)
      %dma_wait3A_300 = arith.constant 0 : i32
      %dma_wait3A_301 = tpu.memref_slice %arg4[%arg0, %mul3A_293, %dma_wait3A_300] : memref<2x10240x128xf32, #tpu.memory_space<hbm>> -> memref<1x640x128xf32, #tpu.memory_space<hbm>>
      %dma_wait3A_302 = tpu.memref_squeeze %dma_wait3A_301 : memref<1x640x128xf32, #tpu.memory_space<hbm>> -> memref<640x128xf32, #tpu.memory_space<hbm>>
      %dma_wait3A_303 = arith.constant 0 : i32
      %dma_wait3A_304 = tpu.memref_slice %arg11[%mul3A_291, %dma_wait3A_303] : memref<10240x128xf32, #tpu.memory_space<vmem_shared>> -> memref<640x128xf32, #tpu.memory_space<vmem_shared>>
      tpu.wait_dma2 semaphore(%run_scoped3A_294 : memref<!tpu.dma_semaphore, #tpu.memory_space<semaphore_mem>>) src(%dma_wait3A_304 : memref<640x128xf32, #tpu.memory_space<vmem_shared>>) dst(%dma_wait3A_302 : memref<640x128xf32, #tpu.memory_space<hbm>>)
      tpu.yield
    }) : () -> ()
    return
  }
}

#map = affine_map<(d0, d1) -> (0)>
#map1 = affine_map<(d0, d1) -> (0, 0)>
module attributes {stable_mosaic.version = 14 : i64} {
  func.func @_deg_body(%arg0: i32, %arg1: i32, %arg2: memref<640000xi32, #tpu.memory_space<hbm>>, %arg3: memref<2x10240xf32, #tpu.memory_space<hbm>>, %arg4: memref<10000xi32, #tpu.memory_space<vmem>>, %arg5: memref<10240xf32, #tpu.memory_space<vmem>>, %arg6: memref<16x640xf32, #tpu.memory_space<vmem>>, %arg7: memref<16x10240xf32, #tpu.memory_space<vmem_shared>>, %arg8: memref<!tpu.dma_semaphore, #tpu.memory_space<semaphore_mem>>) attributes {dimension_semantics = [#tpu.dimension_semantics<core_parallel>, #tpu.dimension_semantics<subcore_parallel>], iteration_bounds = array<i64: 2, 16>, scalar_prefetch = 0 : i64, scratch_operands = 5 : i64, tpu.core_type = #tpu.core_type<sc_vector_subcore>, window_params = [{transform_indices = #map}, {transform_indices = #map1}]} {
    %mul3A = arith.constant 16 : i32
    %mul3A_0 = arith.muli %arg0, %mul3A : i32
    %add3A = arith.addi %mul3A_0, %arg1 : i32
    %scan3A = arith.constant 0 : i32
    %scan3A_1 = arith.constant 0 : i32
    %scan3A_2 = arith.constant 640 : i32
    %scan3A_3 = arith.addi %scan3A_1, %scan3A_2 : i32
    %scan3A_4 = arith.constant 1 : i32
    %scan3A_5 = scf.for %scan3A_474 = %scan3A_1 to %scan3A_3 step %scan3A_4 iter_args(%scan3A_475 = %scan3A) -> (i32)  : i32 {
      %broadcast_in_dim3A_476 = arith.constant 0.000000e+00 : f32
      %broadcast_in_dim3A_477 = vector.broadcast %broadcast_in_dim3A_476 : f32 to vector<16xf32>
      %mul3A_478 = arith.constant 16 : i32
      %mul3A_479 = arith.muli %scan3A_474, %mul3A_478 : i32
      %swap3A = arith.index_cast %mul3A_479 : i32 to index
      %swap3A_480 = tpu.vector_load %arg5[%swap3A] {strides = array<i32>} : memref<10240xf32, #tpu.memory_space<vmem>>, vector<16xf32>,
      tpu.vector_store %arg5[%swap3A], %broadcast_in_dim3A_477 {strides = array<i32>} : memref<10240xf32, #tpu.memory_space<vmem>>, vector<16xf32>,
      %scan3A_481 = arith.constant 0 : i32
      scf.yield %scan3A_481 : i32
    }
    %scan3A_6 = arith.constant 640 : i32
    %mul3A_7 = arith.constant 10000 : i32
    %mul3A_8 = arith.muli %add3A, %mul3A_7 : i32
    %add3A_9 = arith.constant 320000 : i32
    %add3A_10 = arith.addi %add3A_9, %mul3A_8 : i32
    "tpu.region"() ({
      %run_scoped3A = tpu.sem_alloc : memref<!tpu.dma_semaphore, #tpu.memory_space<semaphore_mem>>
      %dma_start3A_474 = tpu.memref_slice %arg2[%add3A_10] : memref<640000xi32, #tpu.memory_space<hbm>> -> memref<10000xi32, #tpu.memory_space<hbm>>
      %dma_start3A_475 = tpu.memref_slice %arg2[%add3A_10] : memref<640000xi32, #tpu.memory_space<hbm>> -> memref<10000xi32, #tpu.memory_space<hbm>>
      tpu.enqueue_dma source(%dma_start3A_475 : memref<10000xi32, #tpu.memory_space<hbm>>) target(%arg4 : memref<10000xi32, #tpu.memory_space<vmem>>) target_semaphore(%run_scoped3A : memref<!tpu.dma_semaphore, #tpu.memory_space<semaphore_mem>>)
      %dma_wait3A_476 = tpu.memref_slice %arg2[%add3A_10] : memref<640000xi32, #tpu.memory_space<hbm>> -> memref<10000xi32, #tpu.memory_space<hbm>>
      %dma_wait3A_477 = tpu.memref_slice %arg2[%add3A_10] : memref<640000xi32, #tpu.memory_space<hbm>> -> memref<10000xi32, #tpu.memory_space<hbm>>
      tpu.wait_dma2 semaphore(%run_scoped3A : memref<!tpu.dma_semaphore, #tpu.memory_space<semaphore_mem>>) src(%dma_wait3A_477 : memref<10000xi32, #tpu.memory_space<hbm>>) dst(%arg4 : memref<10000xi32, #tpu.memory_space<vmem>>)
      tpu.yield
    }) : () -> ()
    %broadcast_in_dim3A = arith.constant 1.000000e+00 : f32
    %broadcast_in_dim3A_11 = vector.broadcast %broadcast_in_dim3A : f32 to vector<16xf32>
    %scan3A_12 = arith.constant 0 : i32
    %scan3A_13 = arith.constant 0 : i32
    %scan3A_14 = arith.constant 125 : i32
    %scan3A_15 = arith.addi %scan3A_13, %scan3A_14 : i32
    %scan3A_16 = arith.constant 1 : i32
    %scan3A_17 = scf.for %scan3A_474 = %scan3A_13 to %scan3A_15 step %scan3A_16 iter_args(%scan3A_475 = %scan3A_12) -> (i32)  : i32 {
      %mul3A_476 = arith.constant 5 : i32
      %mul3A_477 = arith.muli %mul3A_476, %scan3A_474 : i32
      %add3A_478 = arith.constant 0 : i32
      %add3A_479 = arith.addi %mul3A_477, %add3A_478 : i32
      %mul3A_480 = arith.constant 16 : i32
      %mul3A_481 = arith.muli %add3A_479, %mul3A_480 : i32
      %get3A = arith.index_cast %mul3A_481 : i32 to index
      %get3A_482 = tpu.vector_load %arg4[%get3A] {strides = array<i32>} : memref<10000xi32, #tpu.memory_space<vmem>>, vector<16xi32>,
      tpu.vector_store_idx %arg5[%get3A_482], %broadcast_in_dim3A_11 {add = true} : memref<10240xf32, #tpu.memory_space<vmem>>[vector<16xi32>], vector<16xf32>,
      %mul3A_483 = arith.constant 5 : i32
      %mul3A_484 = arith.muli %mul3A_483, %scan3A_474 : i32
      %add3A_485 = arith.constant 1 : i32
      %add3A_486 = arith.addi %mul3A_484, %add3A_485 : i32
      %mul3A_487 = arith.constant 16 : i32
      %mul3A_488 = arith.muli %add3A_486, %mul3A_487 : i32
      %get3A_489 = arith.index_cast %mul3A_488 : i32 to index
      %get3A_490 = tpu.vector_load %arg4[%get3A_489] {strides = array<i32>} : memref<10000xi32, #tpu.memory_space<vmem>>, vector<16xi32>,
      tpu.vector_store_idx %arg5[%get3A_490], %broadcast_in_dim3A_11 {add = true} : memref<10240xf32, #tpu.memory_space<vmem>>[vector<16xi32>], vector<16xf32>,
      %mul3A_491 = arith.constant 5 : i32
      %mul3A_492 = arith.muli %mul3A_491, %scan3A_474 : i32
      %add3A_493 = arith.constant 2 : i32
      %add3A_494 = arith.addi %mul3A_492, %add3A_493 : i32
      %mul3A_495 = arith.constant 16 : i32
      %mul3A_496 = arith.muli %add3A_494, %mul3A_495 : i32
      %get3A_497 = arith.index_cast %mul3A_496 : i32 to index
      %get3A_498 = tpu.vector_load %arg4[%get3A_497] {strides = array<i32>} : memref<10000xi32, #tpu.memory_space<vmem>>, vector<16xi32>,
      tpu.vector_store_idx %arg5[%get3A_498], %broadcast_in_dim3A_11 {add = true} : memref<10240xf32, #tpu.memory_space<vmem>>[vector<16xi32>], vector<16xf32>,
      %mul3A_499 = arith.constant 5 : i32
      %mul3A_500 = arith.muli %mul3A_499, %scan3A_474 : i32
      %add3A_501 = arith.constant 3 : i32
      %add3A_502 = arith.addi %mul3A_500, %add3A_501 : i32
      %mul3A_503 = arith.constant 16 : i32
      %mul3A_504 = arith.muli %add3A_502, %mul3A_503 : i32
      %get3A_505 = arith.index_cast %mul3A_504 : i32 to index
      %get3A_506 = tpu.vector_load %arg4[%get3A_505] {strides = array<i32>} : memref<10000xi32, #tpu.memory_space<vmem>>, vector<16xi32>,
      tpu.vector_store_idx %arg5[%get3A_506], %broadcast_in_dim3A_11 {add = true} : memref<10240xf32, #tpu.memory_space<vmem>>[vector<16xi32>], vector<16xf32>,
      %mul3A_507 = arith.constant 5 : i32
      %mul3A_508 = arith.muli %mul3A_507, %scan3A_474 : i32
      %add3A_509 = arith.constant 4 : i32
      %add3A_510 = arith.addi %mul3A_508, %add3A_509 : i32
      %mul3A_511 = arith.constant 16 : i32
      %mul3A_512 = arith.muli %add3A_510, %mul3A_511 : i32
      %get3A_513 = arith.index_cast %mul3A_512 : i32 to index
      %get3A_514 = tpu.vector_load %arg4[%get3A_513] {strides = array<i32>} : memref<10000xi32, #tpu.memory_space<vmem>>, vector<16xi32>,
      tpu.vector_store_idx %arg5[%get3A_514], %broadcast_in_dim3A_11 {add = true} : memref<10240xf32, #tpu.memory_space<vmem>>[vector<16xi32>], vector<16xf32>,
      %scan3A_515 = arith.constant 0 : i32
      scf.yield %scan3A_515 : i32
    }
    %scan3A_18 = arith.constant 125 : i32
    "tpu.region"() ({
      %run_scoped3A = tpu.sem_alloc : memref<!tpu.dma_semaphore, #tpu.memory_space<semaphore_mem>>
      %dma_start3A_474 = arith.constant 0 : i32
      %dma_start3A_475 = tpu.memref_slice %arg7[%arg1, %dma_start3A_474] : memref<16x10240xf32, #tpu.memory_space<vmem_shared>> -> memref<1x10240xf32, #tpu.memory_space<vmem_shared>>
      %dma_start3A_476 = tpu.memref_squeeze %dma_start3A_475 : memref<1x10240xf32, #tpu.memory_space<vmem_shared>> -> memref<10240xf32, #tpu.memory_space<vmem_shared>>
      %dma_start3A_477 = arith.constant 0 : i32
      %dma_start3A_478 = tpu.memref_slice %arg7[%arg1, %dma_start3A_477] : memref<16x10240xf32, #tpu.memory_space<vmem_shared>> -> memref<1x10240xf32, #tpu.memory_space<vmem_shared>>
      %dma_start3A_479 = tpu.memref_squeeze %dma_start3A_478 : memref<1x10240xf32, #tpu.memory_space<vmem_shared>> -> memref<10240xf32, #tpu.memory_space<vmem_shared>>
      tpu.enqueue_dma source(%arg5 : memref<10240xf32, #tpu.memory_space<vmem>>) target(%dma_start3A_479 : memref<10240xf32, #tpu.memory_space<vmem_shared>>) target_semaphore(%run_scoped3A : memref<!tpu.dma_semaphore, #tpu.memory_space<semaphore_mem>>)
      %dma_wait3A_480 = arith.constant 0 : i32
      %dma_wait3A_481 = tpu.memref_slice %arg7[%arg1, %dma_wait3A_480] : memref<16x10240xf32, #tpu.memory_space<vmem_shared>> -> memref<1x10240xf32, #tpu.memory_space<vmem_shared>>
      %dma_wait3A_482 = tpu.memref_squeeze %dma_wait3A_481 : memref<1x10240xf32, #tpu.memory_space<vmem_shared>> -> memref<10240xf32, #tpu.memory_space<vmem_shared>>
      %dma_wait3A_483 = arith.constant 0 : i32
      %dma_wait3A_484 = tpu.memref_slice %arg7[%arg1, %dma_wait3A_483] : memref<16x10240xf32, #tpu.memory_space<vmem_shared>> -> memref<1x10240xf32, #tpu.memory_space<vmem_shared>>
      %dma_wait3A_485 = tpu.memref_squeeze %dma_wait3A_484 : memref<1x10240xf32, #tpu.memory_space<vmem_shared>> -> memref<10240xf32, #tpu.memory_space<vmem_shared>>
      tpu.wait_dma2 semaphore(%run_scoped3A : memref<!tpu.dma_semaphore, #tpu.memory_space<semaphore_mem>>) src(%arg5 : memref<10240xf32, #tpu.memory_space<vmem>>) dst(%dma_wait3A_485 : memref<10240xf32, #tpu.memory_space<vmem_shared>>)
      tpu.yield
    }) : () -> ()
    %barrier3A = arith.constant 0 : index
    tpu.barrier barrier_id(%barrier3A)
    %mul3A_19 = arith.constant 640 : i32
    %mul3A_20 = arith.muli %arg1, %mul3A_19 : i32
    %dma_start3A = arith.constant 0 : i32
    %dma_start3A_21 = arith.constant 0 : i32
    %dma_start3A_22 = arith.constant 0 : i32
    %dma_start3A_23 = tpu.memref_slice %arg6[%dma_start3A_21, %dma_start3A_22] : memref<16x640xf32, #tpu.memory_space<vmem>> -> memref<1x640xf32, #tpu.memory_space<vmem>>
    %dma_start3A_24 = tpu.memref_squeeze %dma_start3A_23 : memref<1x640xf32, #tpu.memory_space<vmem>> -> memref<640xf32, #tpu.memory_space<vmem>>
    %dma_start3A_25 = tpu.memref_slice %arg7[%dma_start3A, %mul3A_20] : memref<16x10240xf32, #tpu.memory_space<vmem_shared>> -> memref<1x640xf32, #tpu.memory_space<vmem_shared>>
    %dma_start3A_26 = tpu.memref_squeeze %dma_start3A_25 : memref<1x640xf32, #tpu.memory_space<vmem_shared>> -> memref<640xf32, #tpu.memory_space<vmem_shared>>
    %dma_start3A_27 = arith.constant 0 : i32
    %dma_start3A_28 = tpu.memref_slice %arg6[%dma_start3A_21, %dma_start3A_27] : memref<16x640xf32, #tpu.memory_space<vmem>> -> memref<1x640xf32, #tpu.memory_space<vmem>>
    %dma_start3A_29 = tpu.memref_squeeze %dma_start3A_28 : memref<1x640xf32, #tpu.memory_space<vmem>> -> memref<640xf32, #tpu.memory_space<vmem>>
    %dma_start3A_30 = tpu.memref_slice %arg7[%dma_start3A, %mul3A_20] : memref<16x10240xf32, #tpu.memory_space<vmem_shared>> -> memref<1x640xf32, #tpu.memory_space<vmem_shared>>
    %dma_start3A_31 = tpu.memref_squeeze %dma_start3A_30 : memref<1x640xf32, #tpu.memory_space<vmem_shared>> -> memref<640xf32, #tpu.memory_space<vmem_shared>>
    tpu.enqueue_dma source(%dma_start3A_31 : memref<640xf32, #tpu.memory_space<vmem_shared>>) target(%dma_start3A_29 : memref<640xf32, #tpu.memory_space<vmem>>) target_semaphore(%arg8 : memref<!tpu.dma_semaphore, #tpu.memory_space<semaphore_mem>>)
    %mul3A_32 = arith.constant 640 : i32
    %mul3A_33 = arith.muli %arg1, %mul3A_32 : i32
    %dma_start3A_34 = arith.constant 1 : i32
    %dma_start3A_35 = arith.constant 1 : i32
    %dma_start3A_36 = arith.constant 0 : i32
    %dma_start3A_37 = tpu.memref_slice %arg6[%dma_start3A_35, %dma_start3A_36] : memref<16x640xf32, #tpu.memory_space<vmem>> -> memref<1x640xf32, #tpu.memory_space<vmem>>
    %dma_start3A_38 = tpu.memref_squeeze %dma_start3A_37 : memref<1x640xf32, #tpu.memory_space<vmem>> -> memref<640xf32, #tpu.memory_space<vmem>>
    %dma_start3A_39 = tpu.memref_slice %arg7[%dma_start3A_34, %mul3A_33] : memref<16x10240xf32, #tpu.memory_space<vmem_shared>> -> memref<1x640xf32, #tpu.memory_space<vmem_shared>>
    %dma_start3A_40 = tpu.memref_squeeze %dma_start3A_39 : memref<1x640xf32, #tpu.memory_space<vmem_shared>> -> memref<640xf32, #tpu.memory_space<vmem_shared>>
    %dma_start3A_41 = arith.constant 0 : i32
    %dma_start3A_42 = tpu.memref_slice %arg6[%dma_start3A_35, %dma_start3A_41] : memref<16x640xf32, #tpu.memory_space<vmem>> -> memref<1x640xf32, #tpu.memory_space<vmem>>
    %dma_start3A_43 = tpu.memref_squeeze %dma_start3A_42 : memref<1x640xf32, #tpu.memory_space<vmem>> -> memref<640xf32, #tpu.memory_space<vmem>>
    %dma_start3A_44 = tpu.memref_slice %arg7[%dma_start3A_34, %mul3A_33] : memref<16x10240xf32, #tpu.memory_space<vmem_shared>> -> memref<1x640xf32, #tpu.memory_space<vmem_shared>>
    %dma_start3A_45 = tpu.memref_squeeze %dma_start3A_44 : memref<1x640xf32, #tpu.memory_space<vmem_shared>> -> memref<640xf32, #tpu.memory_space<vmem_shared>>
    tpu.enqueue_dma source(%dma_start3A_45 : memref<640xf32, #tpu.memory_space<vmem_shared>>) target(%dma_start3A_43 : memref<640xf32, #tpu.memory_space<vmem>>) target_semaphore(%arg8 : memref<!tpu.dma_semaphore, #tpu.memory_space<semaphore_mem>>)
    %mul3A_46 = arith.constant 640 : i32
    %mul3A_47 = arith.muli %arg1, %mul3A_46 : i32
    %dma_start3A_48 = arith.constant 2 : i32
    %dma_start3A_49 = arith.constant 2 : i32
    %dma_start3A_50 = arith.constant 0 : i32
    %dma_start3A_51 = tpu.memref_slice %arg6[%dma_start3A_49, %dma_start3A_50] : memref<16x640xf32, #tpu.memory_space<vmem>> -> memref<1x640xf32, #tpu.memory_space<vmem>>
    %dma_start3A_52 = tpu.memref_squeeze %dma_start3A_51 : memref<1x640xf32, #tpu.memory_space<vmem>> -> memref<640xf32, #tpu.memory_space<vmem>>
    %dma_start3A_53 = tpu.memref_slice %arg7[%dma_start3A_48, %mul3A_47] : memref<16x10240xf32, #tpu.memory_space<vmem_shared>> -> memref<1x640xf32, #tpu.memory_space<vmem_shared>>
    %dma_start3A_54 = tpu.memref_squeeze %dma_start3A_53 : memref<1x640xf32, #tpu.memory_space<vmem_shared>> -> memref<640xf32, #tpu.memory_space<vmem_shared>>
    %dma_start3A_55 = arith.constant 0 : i32
    %dma_start3A_56 = tpu.memref_slice %arg6[%dma_start3A_49, %dma_start3A_55] : memref<16x640xf32, #tpu.memory_space<vmem>> -> memref<1x640xf32, #tpu.memory_space<vmem>>
    %dma_start3A_57 = tpu.memref_squeeze %dma_start3A_56 : memref<1x640xf32, #tpu.memory_space<vmem>> -> memref<640xf32, #tpu.memory_space<vmem>>
    %dma_start3A_58 = tpu.memref_slice %arg7[%dma_start3A_48, %mul3A_47] : memref<16x10240xf32, #tpu.memory_space<vmem_shared>> -> memref<1x640xf32, #tpu.memory_space<vmem_shared>>
    %dma_start3A_59 = tpu.memref_squeeze %dma_start3A_58 : memref<1x640xf32, #tpu.memory_space<vmem_shared>> -> memref<640xf32, #tpu.memory_space<vmem_shared>>
    tpu.enqueue_dma source(%dma_start3A_59 : memref<640xf32, #tpu.memory_space<vmem_shared>>) target(%dma_start3A_57 : memref<640xf32, #tpu.memory_space<vmem>>) target_semaphore(%arg8 : memref<!tpu.dma_semaphore, #tpu.memory_space<semaphore_mem>>)
    %mul3A_60 = arith.constant 640 : i32
    %mul3A_61 = arith.muli %arg1, %mul3A_60 : i32
    %dma_start3A_62 = arith.constant 3 : i32
    %dma_start3A_63 = arith.constant 3 : i32
    %dma_start3A_64 = arith.constant 0 : i32
    %dma_start3A_65 = tpu.memref_slice %arg6[%dma_start3A_63, %dma_start3A_64] : memref<16x640xf32, #tpu.memory_space<vmem>> -> memref<1x640xf32, #tpu.memory_space<vmem>>
    %dma_start3A_66 = tpu.memref_squeeze %dma_start3A_65 : memref<1x640xf32, #tpu.memory_space<vmem>> -> memref<640xf32, #tpu.memory_space<vmem>>
    %dma_start3A_67 = tpu.memref_slice %arg7[%dma_start3A_62, %mul3A_61] : memref<16x10240xf32, #tpu.memory_space<vmem_shared>> -> memref<1x640xf32, #tpu.memory_space<vmem_shared>>
    %dma_start3A_68 = tpu.memref_squeeze %dma_start3A_67 : memref<1x640xf32, #tpu.memory_space<vmem_shared>> -> memref<640xf32, #tpu.memory_space<vmem_shared>>
    %dma_start3A_69 = arith.constant 0 : i32
    %dma_start3A_70 = tpu.memref_slice %arg6[%dma_start3A_63, %dma_start3A_69] : memref<16x640xf32, #tpu.memory_space<vmem>> -> memref<1x640xf32, #tpu.memory_space<vmem>>
    %dma_start3A_71 = tpu.memref_squeeze %dma_start3A_70 : memref<1x640xf32, #tpu.memory_space<vmem>> -> memref<640xf32, #tpu.memory_space<vmem>>
    %dma_start3A_72 = tpu.memref_slice %arg7[%dma_start3A_62, %mul3A_61] : memref<16x10240xf32, #tpu.memory_space<vmem_shared>> -> memref<1x640xf32, #tpu.memory_space<vmem_shared>>
    %dma_start3A_73 = tpu.memref_squeeze %dma_start3A_72 : memref<1x640xf32, #tpu.memory_space<vmem_shared>> -> memref<640xf32, #tpu.memory_space<vmem_shared>>
    tpu.enqueue_dma source(%dma_start3A_73 : memref<640xf32, #tpu.memory_space<vmem_shared>>) target(%dma_start3A_71 : memref<640xf32, #tpu.memory_space<vmem>>) target_semaphore(%arg8 : memref<!tpu.dma_semaphore, #tpu.memory_space<semaphore_mem>>)
    %mul3A_74 = arith.constant 640 : i32
    %mul3A_75 = arith.muli %arg1, %mul3A_74 : i32
    %dma_start3A_76 = arith.constant 4 : i32
    %dma_start3A_77 = arith.constant 4 : i32
    %dma_start3A_78 = arith.constant 0 : i32
    %dma_start3A_79 = tpu.memref_slice %arg6[%dma_start3A_77, %dma_start3A_78] : memref<16x640xf32, #tpu.memory_space<vmem>> -> memref<1x640xf32, #tpu.memory_space<vmem>>
    %dma_start3A_80 = tpu.memref_squeeze %dma_start3A_79 : memref<1x640xf32, #tpu.memory_space<vmem>> -> memref<640xf32, #tpu.memory_space<vmem>>
    %dma_start3A_81 = tpu.memref_slice %arg7[%dma_start3A_76, %mul3A_75] : memref<16x10240xf32, #tpu.memory_space<vmem_shared>> -> memref<1x640xf32, #tpu.memory_space<vmem_shared>>
    %dma_start3A_82 = tpu.memref_squeeze %dma_start3A_81 : memref<1x640xf32, #tpu.memory_space<vmem_shared>> -> memref<640xf32, #tpu.memory_space<vmem_shared>>
    %dma_start3A_83 = arith.constant 0 : i32
    %dma_start3A_84 = tpu.memref_slice %arg6[%dma_start3A_77, %dma_start3A_83] : memref<16x640xf32, #tpu.memory_space<vmem>> -> memref<1x640xf32, #tpu.memory_space<vmem>>
    %dma_start3A_85 = tpu.memref_squeeze %dma_start3A_84 : memref<1x640xf32, #tpu.memory_space<vmem>> -> memref<640xf32, #tpu.memory_space<vmem>>
    %dma_start3A_86 = tpu.memref_slice %arg7[%dma_start3A_76, %mul3A_75] : memref<16x10240xf32, #tpu.memory_space<vmem_shared>> -> memref<1x640xf32, #tpu.memory_space<vmem_shared>>
    %dma_start3A_87 = tpu.memref_squeeze %dma_start3A_86 : memref<1x640xf32, #tpu.memory_space<vmem_shared>> -> memref<640xf32, #tpu.memory_space<vmem_shared>>
    tpu.enqueue_dma source(%dma_start3A_87 : memref<640xf32, #tpu.memory_space<vmem_shared>>) target(%dma_start3A_85 : memref<640xf32, #tpu.memory_space<vmem>>) target_semaphore(%arg8 : memref<!tpu.dma_semaphore, #tpu.memory_space<semaphore_mem>>)
    %mul3A_88 = arith.constant 640 : i32
    %mul3A_89 = arith.muli %arg1, %mul3A_88 : i32
    %dma_start3A_90 = arith.constant 5 : i32
    %dma_start3A_91 = arith.constant 5 : i32
    %dma_start3A_92 = arith.constant 0 : i32
    %dma_start3A_93 = tpu.memref_slice %arg6[%dma_start3A_91, %dma_start3A_92] : memref<16x640xf32, #tpu.memory_space<vmem>> -> memref<1x640xf32, #tpu.memory_space<vmem>>
    %dma_start3A_94 = tpu.memref_squeeze %dma_start3A_93 : memref<1x640xf32, #tpu.memory_space<vmem>> -> memref<640xf32, #tpu.memory_space<vmem>>
    %dma_start3A_95 = tpu.memref_slice %arg7[%dma_start3A_90, %mul3A_89] : memref<16x10240xf32, #tpu.memory_space<vmem_shared>> -> memref<1x640xf32, #tpu.memory_space<vmem_shared>>
    %dma_start3A_96 = tpu.memref_squeeze %dma_start3A_95 : memref<1x640xf32, #tpu.memory_space<vmem_shared>> -> memref<640xf32, #tpu.memory_space<vmem_shared>>
    %dma_start3A_97 = arith.constant 0 : i32
    %dma_start3A_98 = tpu.memref_slice %arg6[%dma_start3A_91, %dma_start3A_97] : memref<16x640xf32, #tpu.memory_space<vmem>> -> memref<1x640xf32, #tpu.memory_space<vmem>>
    %dma_start3A_99 = tpu.memref_squeeze %dma_start3A_98 : memref<1x640xf32, #tpu.memory_space<vmem>> -> memref<640xf32, #tpu.memory_space<vmem>>
    %dma_start3A_100 = tpu.memref_slice %arg7[%dma_start3A_90, %mul3A_89] : memref<16x10240xf32, #tpu.memory_space<vmem_shared>> -> memref<1x640xf32, #tpu.memory_space<vmem_shared>>
    %dma_start3A_101 = tpu.memref_squeeze %dma_start3A_100 : memref<1x640xf32, #tpu.memory_space<vmem_shared>> -> memref<640xf32, #tpu.memory_space<vmem_shared>>
    tpu.enqueue_dma source(%dma_start3A_101 : memref<640xf32, #tpu.memory_space<vmem_shared>>) target(%dma_start3A_99 : memref<640xf32, #tpu.memory_space<vmem>>) target_semaphore(%arg8 : memref<!tpu.dma_semaphore, #tpu.memory_space<semaphore_mem>>)
    %mul3A_102 = arith.constant 640 : i32
    %mul3A_103 = arith.muli %arg1, %mul3A_102 : i32
    %dma_start3A_104 = arith.constant 6 : i32
    %dma_start3A_105 = arith.constant 6 : i32
    %dma_start3A_106 = arith.constant 0 : i32
    %dma_start3A_107 = tpu.memref_slice %arg6[%dma_start3A_105, %dma_start3A_106] : memref<16x640xf32, #tpu.memory_space<vmem>> -> memref<1x640xf32, #tpu.memory_space<vmem>>
    %dma_start3A_108 = tpu.memref_squeeze %dma_start3A_107 : memref<1x640xf32, #tpu.memory_space<vmem>> -> memref<640xf32, #tpu.memory_space<vmem>>
    %dma_start3A_109 = tpu.memref_slice %arg7[%dma_start3A_104, %mul3A_103] : memref<16x10240xf32, #tpu.memory_space<vmem_shared>> -> memref<1x640xf32, #tpu.memory_space<vmem_shared>>
    %dma_start3A_110 = tpu.memref_squeeze %dma_start3A_109 : memref<1x640xf32, #tpu.memory_space<vmem_shared>> -> memref<640xf32, #tpu.memory_space<vmem_shared>>
    %dma_start3A_111 = arith.constant 0 : i32
    %dma_start3A_112 = tpu.memref_slice %arg6[%dma_start3A_105, %dma_start3A_111] : memref<16x640xf32, #tpu.memory_space<vmem>> -> memref<1x640xf32, #tpu.memory_space<vmem>>
    %dma_start3A_113 = tpu.memref_squeeze %dma_start3A_112 : memref<1x640xf32, #tpu.memory_space<vmem>> -> memref<640xf32, #tpu.memory_space<vmem>>
    %dma_start3A_114 = tpu.memref_slice %arg7[%dma_start3A_104, %mul3A_103] : memref<16x10240xf32, #tpu.memory_space<vmem_shared>> -> memref<1x640xf32, #tpu.memory_space<vmem_shared>>
    %dma_start3A_115 = tpu.memref_squeeze %dma_start3A_114 : memref<1x640xf32, #tpu.memory_space<vmem_shared>> -> memref<640xf32, #tpu.memory_space<vmem_shared>>
    tpu.enqueue_dma source(%dma_start3A_115 : memref<640xf32, #tpu.memory_space<vmem_shared>>) target(%dma_start3A_113 : memref<640xf32, #tpu.memory_space<vmem>>) target_semaphore(%arg8 : memref<!tpu.dma_semaphore, #tpu.memory_space<semaphore_mem>>)
    %mul3A_116 = arith.constant 640 : i32
    %mul3A_117 = arith.muli %arg1, %mul3A_116 : i32
    %dma_start3A_118 = arith.constant 7 : i32
    %dma_start3A_119 = arith.constant 7 : i32
    %dma_start3A_120 = arith.constant 0 : i32
    %dma_start3A_121 = tpu.memref_slice %arg6[%dma_start3A_119, %dma_start3A_120] : memref<16x640xf32, #tpu.memory_space<vmem>> -> memref<1x640xf32, #tpu.memory_space<vmem>>
    %dma_start3A_122 = tpu.memref_squeeze %dma_start3A_121 : memref<1x640xf32, #tpu.memory_space<vmem>> -> memref<640xf32, #tpu.memory_space<vmem>>
    %dma_start3A_123 = tpu.memref_slice %arg7[%dma_start3A_118, %mul3A_117] : memref<16x10240xf32, #tpu.memory_space<vmem_shared>> -> memref<1x640xf32, #tpu.memory_space<vmem_shared>>
    %dma_start3A_124 = tpu.memref_squeeze %dma_start3A_123 : memref<1x640xf32, #tpu.memory_space<vmem_shared>> -> memref<640xf32, #tpu.memory_space<vmem_shared>>
    %dma_start3A_125 = arith.constant 0 : i32
    %dma_start3A_126 = tpu.memref_slice %arg6[%dma_start3A_119, %dma_start3A_125] : memref<16x640xf32, #tpu.memory_space<vmem>> -> memref<1x640xf32, #tpu.memory_space<vmem>>
    %dma_start3A_127 = tpu.memref_squeeze %dma_start3A_126 : memref<1x640xf32, #tpu.memory_space<vmem>> -> memref<640xf32, #tpu.memory_space<vmem>>
    %dma_start3A_128 = tpu.memref_slice %arg7[%dma_start3A_118, %mul3A_117] : memref<16x10240xf32, #tpu.memory_space<vmem_shared>> -> memref<1x640xf32, #tpu.memory_space<vmem_shared>>
    %dma_start3A_129 = tpu.memref_squeeze %dma_start3A_128 : memref<1x640xf32, #tpu.memory_space<vmem_shared>> -> memref<640xf32, #tpu.memory_space<vmem_shared>>
    tpu.enqueue_dma source(%dma_start3A_129 : memref<640xf32, #tpu.memory_space<vmem_shared>>) target(%dma_start3A_127 : memref<640xf32, #tpu.memory_space<vmem>>) target_semaphore(%arg8 : memref<!tpu.dma_semaphore, #tpu.memory_space<semaphore_mem>>)
    %mul3A_130 = arith.constant 640 : i32
    %mul3A_131 = arith.muli %arg1, %mul3A_130 : i32
    %dma_start3A_132 = arith.constant 8 : i32
    %dma_start3A_133 = arith.constant 8 : i32
    %dma_start3A_134 = arith.constant 0 : i32
    %dma_start3A_135 = tpu.memref_slice %arg6[%dma_start3A_133, %dma_start3A_134] : memref<16x640xf32, #tpu.memory_space<vmem>> -> memref<1x640xf32, #tpu.memory_space<vmem>>
    %dma_start3A_136 = tpu.memref_squeeze %dma_start3A_135 : memref<1x640xf32, #tpu.memory_space<vmem>> -> memref<640xf32, #tpu.memory_space<vmem>>
    %dma_start3A_137 = tpu.memref_slice %arg7[%dma_start3A_132, %mul3A_131] : memref<16x10240xf32, #tpu.memory_space<vmem_shared>> -> memref<1x640xf32, #tpu.memory_space<vmem_shared>>
    %dma_start3A_138 = tpu.memref_squeeze %dma_start3A_137 : memref<1x640xf32, #tpu.memory_space<vmem_shared>> -> memref<640xf32, #tpu.memory_space<vmem_shared>>
    %dma_start3A_139 = arith.constant 0 : i32
    %dma_start3A_140 = tpu.memref_slice %arg6[%dma_start3A_133, %dma_start3A_139] : memref<16x640xf32, #tpu.memory_space<vmem>> -> memref<1x640xf32, #tpu.memory_space<vmem>>
    %dma_start3A_141 = tpu.memref_squeeze %dma_start3A_140 : memref<1x640xf32, #tpu.memory_space<vmem>> -> memref<640xf32, #tpu.memory_space<vmem>>
    %dma_start3A_142 = tpu.memref_slice %arg7[%dma_start3A_132, %mul3A_131] : memref<16x10240xf32, #tpu.memory_space<vmem_shared>> -> memref<1x640xf32, #tpu.memory_space<vmem_shared>>
    %dma_start3A_143 = tpu.memref_squeeze %dma_start3A_142 : memref<1x640xf32, #tpu.memory_space<vmem_shared>> -> memref<640xf32, #tpu.memory_space<vmem_shared>>
    tpu.enqueue_dma source(%dma_start3A_143 : memref<640xf32, #tpu.memory_space<vmem_shared>>) target(%dma_start3A_141 : memref<640xf32, #tpu.memory_space<vmem>>) target_semaphore(%arg8 : memref<!tpu.dma_semaphore, #tpu.memory_space<semaphore_mem>>)
    %mul3A_144 = arith.constant 640 : i32
    %mul3A_145 = arith.muli %arg1, %mul3A_144 : i32
    %dma_start3A_146 = arith.constant 9 : i32
    %dma_start3A_147 = arith.constant 9 : i32
    %dma_start3A_148 = arith.constant 0 : i32
    %dma_start3A_149 = tpu.memref_slice %arg6[%dma_start3A_147, %dma_start3A_148] : memref<16x640xf32, #tpu.memory_space<vmem>> -> memref<1x640xf32, #tpu.memory_space<vmem>>
    %dma_start3A_150 = tpu.memref_squeeze %dma_start3A_149 : memref<1x640xf32, #tpu.memory_space<vmem>> -> memref<640xf32, #tpu.memory_space<vmem>>
    %dma_start3A_151 = tpu.memref_slice %arg7[%dma_start3A_146, %mul3A_145] : memref<16x10240xf32, #tpu.memory_space<vmem_shared>> -> memref<1x640xf32, #tpu.memory_space<vmem_shared>>
    %dma_start3A_152 = tpu.memref_squeeze %dma_start3A_151 : memref<1x640xf32, #tpu.memory_space<vmem_shared>> -> memref<640xf32, #tpu.memory_space<vmem_shared>>
    %dma_start3A_153 = arith.constant 0 : i32
    %dma_start3A_154 = tpu.memref_slice %arg6[%dma_start3A_147, %dma_start3A_153] : memref<16x640xf32, #tpu.memory_space<vmem>> -> memref<1x640xf32, #tpu.memory_space<vmem>>
    %dma_start3A_155 = tpu.memref_squeeze %dma_start3A_154 : memref<1x640xf32, #tpu.memory_space<vmem>> -> memref<640xf32, #tpu.memory_space<vmem>>
    %dma_start3A_156 = tpu.memref_slice %arg7[%dma_start3A_146, %mul3A_145] : memref<16x10240xf32, #tpu.memory_space<vmem_shared>> -> memref<1x640xf32, #tpu.memory_space<vmem_shared>>
    %dma_start3A_157 = tpu.memref_squeeze %dma_start3A_156 : memref<1x640xf32, #tpu.memory_space<vmem_shared>> -> memref<640xf32, #tpu.memory_space<vmem_shared>>
    tpu.enqueue_dma source(%dma_start3A_157 : memref<640xf32, #tpu.memory_space<vmem_shared>>) target(%dma_start3A_155 : memref<640xf32, #tpu.memory_space<vmem>>) target_semaphore(%arg8 : memref<!tpu.dma_semaphore, #tpu.memory_space<semaphore_mem>>)
    %mul3A_158 = arith.constant 640 : i32
    %mul3A_159 = arith.muli %arg1, %mul3A_158 : i32
    %dma_start3A_160 = arith.constant 10 : i32
    %dma_start3A_161 = arith.constant 10 : i32
    %dma_start3A_162 = arith.constant 0 : i32
    %dma_start3A_163 = tpu.memref_slice %arg6[%dma_start3A_161, %dma_start3A_162] : memref<16x640xf32, #tpu.memory_space<vmem>> -> memref<1x640xf32, #tpu.memory_space<vmem>>
    %dma_start3A_164 = tpu.memref_squeeze %dma_start3A_163 : memref<1x640xf32, #tpu.memory_space<vmem>> -> memref<640xf32, #tpu.memory_space<vmem>>
    %dma_start3A_165 = tpu.memref_slice %arg7[%dma_start3A_160, %mul3A_159] : memref<16x10240xf32, #tpu.memory_space<vmem_shared>> -> memref<1x640xf32, #tpu.memory_space<vmem_shared>>
    %dma_start3A_166 = tpu.memref_squeeze %dma_start3A_165 : memref<1x640xf32, #tpu.memory_space<vmem_shared>> -> memref<640xf32, #tpu.memory_space<vmem_shared>>
    %dma_start3A_167 = arith.constant 0 : i32
    %dma_start3A_168 = tpu.memref_slice %arg6[%dma_start3A_161, %dma_start3A_167] : memref<16x640xf32, #tpu.memory_space<vmem>> -> memref<1x640xf32, #tpu.memory_space<vmem>>
    %dma_start3A_169 = tpu.memref_squeeze %dma_start3A_168 : memref<1x640xf32, #tpu.memory_space<vmem>> -> memref<640xf32, #tpu.memory_space<vmem>>
    %dma_start3A_170 = tpu.memref_slice %arg7[%dma_start3A_160, %mul3A_159] : memref<16x10240xf32, #tpu.memory_space<vmem_shared>> -> memref<1x640xf32, #tpu.memory_space<vmem_shared>>
    %dma_start3A_171 = tpu.memref_squeeze %dma_start3A_170 : memref<1x640xf32, #tpu.memory_space<vmem_shared>> -> memref<640xf32, #tpu.memory_space<vmem_shared>>
    tpu.enqueue_dma source(%dma_start3A_171 : memref<640xf32, #tpu.memory_space<vmem_shared>>) target(%dma_start3A_169 : memref<640xf32, #tpu.memory_space<vmem>>) target_semaphore(%arg8 : memref<!tpu.dma_semaphore, #tpu.memory_space<semaphore_mem>>)
    %mul3A_172 = arith.constant 640 : i32
    %mul3A_173 = arith.muli %arg1, %mul3A_172 : i32
    %dma_start3A_174 = arith.constant 11 : i32
    %dma_start3A_175 = arith.constant 11 : i32
    %dma_start3A_176 = arith.constant 0 : i32
    %dma_start3A_177 = tpu.memref_slice %arg6[%dma_start3A_175, %dma_start3A_176] : memref<16x640xf32, #tpu.memory_space<vmem>> -> memref<1x640xf32, #tpu.memory_space<vmem>>
    %dma_start3A_178 = tpu.memref_squeeze %dma_start3A_177 : memref<1x640xf32, #tpu.memory_space<vmem>> -> memref<640xf32, #tpu.memory_space<vmem>>
    %dma_start3A_179 = tpu.memref_slice %arg7[%dma_start3A_174, %mul3A_173] : memref<16x10240xf32, #tpu.memory_space<vmem_shared>> -> memref<1x640xf32, #tpu.memory_space<vmem_shared>>
    %dma_start3A_180 = tpu.memref_squeeze %dma_start3A_179 : memref<1x640xf32, #tpu.memory_space<vmem_shared>> -> memref<640xf32, #tpu.memory_space<vmem_shared>>
    %dma_start3A_181 = arith.constant 0 : i32
    %dma_start3A_182 = tpu.memref_slice %arg6[%dma_start3A_175, %dma_start3A_181] : memref<16x640xf32, #tpu.memory_space<vmem>> -> memref<1x640xf32, #tpu.memory_space<vmem>>
    %dma_start3A_183 = tpu.memref_squeeze %dma_start3A_182 : memref<1x640xf32, #tpu.memory_space<vmem>> -> memref<640xf32, #tpu.memory_space<vmem>>
    %dma_start3A_184 = tpu.memref_slice %arg7[%dma_start3A_174, %mul3A_173] : memref<16x10240xf32, #tpu.memory_space<vmem_shared>> -> memref<1x640xf32, #tpu.memory_space<vmem_shared>>
    %dma_start3A_185 = tpu.memref_squeeze %dma_start3A_184 : memref<1x640xf32, #tpu.memory_space<vmem_shared>> -> memref<640xf32, #tpu.memory_space<vmem_shared>>
    tpu.enqueue_dma source(%dma_start3A_185 : memref<640xf32, #tpu.memory_space<vmem_shared>>) target(%dma_start3A_183 : memref<640xf32, #tpu.memory_space<vmem>>) target_semaphore(%arg8 : memref<!tpu.dma_semaphore, #tpu.memory_space<semaphore_mem>>)
    %mul3A_186 = arith.constant 640 : i32
    %mul3A_187 = arith.muli %arg1, %mul3A_186 : i32
    %dma_start3A_188 = arith.constant 12 : i32
    %dma_start3A_189 = arith.constant 12 : i32
    %dma_start3A_190 = arith.constant 0 : i32
    %dma_start3A_191 = tpu.memref_slice %arg6[%dma_start3A_189, %dma_start3A_190] : memref<16x640xf32, #tpu.memory_space<vmem>> -> memref<1x640xf32, #tpu.memory_space<vmem>>
    %dma_start3A_192 = tpu.memref_squeeze %dma_start3A_191 : memref<1x640xf32, #tpu.memory_space<vmem>> -> memref<640xf32, #tpu.memory_space<vmem>>
    %dma_start3A_193 = tpu.memref_slice %arg7[%dma_start3A_188, %mul3A_187] : memref<16x10240xf32, #tpu.memory_space<vmem_shared>> -> memref<1x640xf32, #tpu.memory_space<vmem_shared>>
    %dma_start3A_194 = tpu.memref_squeeze %dma_start3A_193 : memref<1x640xf32, #tpu.memory_space<vmem_shared>> -> memref<640xf32, #tpu.memory_space<vmem_shared>>
    %dma_start3A_195 = arith.constant 0 : i32
    %dma_start3A_196 = tpu.memref_slice %arg6[%dma_start3A_189, %dma_start3A_195] : memref<16x640xf32, #tpu.memory_space<vmem>> -> memref<1x640xf32, #tpu.memory_space<vmem>>
    %dma_start3A_197 = tpu.memref_squeeze %dma_start3A_196 : memref<1x640xf32, #tpu.memory_space<vmem>> -> memref<640xf32, #tpu.memory_space<vmem>>
    %dma_start3A_198 = tpu.memref_slice %arg7[%dma_start3A_188, %mul3A_187] : memref<16x10240xf32, #tpu.memory_space<vmem_shared>> -> memref<1x640xf32, #tpu.memory_space<vmem_shared>>
    %dma_start3A_199 = tpu.memref_squeeze %dma_start3A_198 : memref<1x640xf32, #tpu.memory_space<vmem_shared>> -> memref<640xf32, #tpu.memory_space<vmem_shared>>
    tpu.enqueue_dma source(%dma_start3A_199 : memref<640xf32, #tpu.memory_space<vmem_shared>>) target(%dma_start3A_197 : memref<640xf32, #tpu.memory_space<vmem>>) target_semaphore(%arg8 : memref<!tpu.dma_semaphore, #tpu.memory_space<semaphore_mem>>)
    %mul3A_200 = arith.constant 640 : i32
    %mul3A_201 = arith.muli %arg1, %mul3A_200 : i32
    %dma_start3A_202 = arith.constant 13 : i32
    %dma_start3A_203 = arith.constant 13 : i32
    %dma_start3A_204 = arith.constant 0 : i32
    %dma_start3A_205 = tpu.memref_slice %arg6[%dma_start3A_203, %dma_start3A_204] : memref<16x640xf32, #tpu.memory_space<vmem>> -> memref<1x640xf32, #tpu.memory_space<vmem>>
    %dma_start3A_206 = tpu.memref_squeeze %dma_start3A_205 : memref<1x640xf32, #tpu.memory_space<vmem>> -> memref<640xf32, #tpu.memory_space<vmem>>
    %dma_start3A_207 = tpu.memref_slice %arg7[%dma_start3A_202, %mul3A_201] : memref<16x10240xf32, #tpu.memory_space<vmem_shared>> -> memref<1x640xf32, #tpu.memory_space<vmem_shared>>
    %dma_start3A_208 = tpu.memref_squeeze %dma_start3A_207 : memref<1x640xf32, #tpu.memory_space<vmem_shared>> -> memref<640xf32, #tpu.memory_space<vmem_shared>>
    %dma_start3A_209 = arith.constant 0 : i32
    %dma_start3A_210 = tpu.memref_slice %arg6[%dma_start3A_203, %dma_start3A_209] : memref<16x640xf32, #tpu.memory_space<vmem>> -> memref<1x640xf32, #tpu.memory_space<vmem>>
    %dma_start3A_211 = tpu.memref_squeeze %dma_start3A_210 : memref<1x640xf32, #tpu.memory_space<vmem>> -> memref<640xf32, #tpu.memory_space<vmem>>
    %dma_start3A_212 = tpu.memref_slice %arg7[%dma_start3A_202, %mul3A_201] : memref<16x10240xf32, #tpu.memory_space<vmem_shared>> -> memref<1x640xf32, #tpu.memory_space<vmem_shared>>
    %dma_start3A_213 = tpu.memref_squeeze %dma_start3A_212 : memref<1x640xf32, #tpu.memory_space<vmem_shared>> -> memref<640xf32, #tpu.memory_space<vmem_shared>>
    tpu.enqueue_dma source(%dma_start3A_213 : memref<640xf32, #tpu.memory_space<vmem_shared>>) target(%dma_start3A_211 : memref<640xf32, #tpu.memory_space<vmem>>) target_semaphore(%arg8 : memref<!tpu.dma_semaphore, #tpu.memory_space<semaphore_mem>>)
    %mul3A_214 = arith.constant 640 : i32
    %mul3A_215 = arith.muli %arg1, %mul3A_214 : i32
    %dma_start3A_216 = arith.constant 14 : i32
    %dma_start3A_217 = arith.constant 14 : i32
    %dma_start3A_218 = arith.constant 0 : i32
    %dma_start3A_219 = tpu.memref_slice %arg6[%dma_start3A_217, %dma_start3A_218] : memref<16x640xf32, #tpu.memory_space<vmem>> -> memref<1x640xf32, #tpu.memory_space<vmem>>
    %dma_start3A_220 = tpu.memref_squeeze %dma_start3A_219 : memref<1x640xf32, #tpu.memory_space<vmem>> -> memref<640xf32, #tpu.memory_space<vmem>>
    %dma_start3A_221 = tpu.memref_slice %arg7[%dma_start3A_216, %mul3A_215] : memref<16x10240xf32, #tpu.memory_space<vmem_shared>> -> memref<1x640xf32, #tpu.memory_space<vmem_shared>>
    %dma_start3A_222 = tpu.memref_squeeze %dma_start3A_221 : memref<1x640xf32, #tpu.memory_space<vmem_shared>> -> memref<640xf32, #tpu.memory_space<vmem_shared>>
    %dma_start3A_223 = arith.constant 0 : i32
    %dma_start3A_224 = tpu.memref_slice %arg6[%dma_start3A_217, %dma_start3A_223] : memref<16x640xf32, #tpu.memory_space<vmem>> -> memref<1x640xf32, #tpu.memory_space<vmem>>
    %dma_start3A_225 = tpu.memref_squeeze %dma_start3A_224 : memref<1x640xf32, #tpu.memory_space<vmem>> -> memref<640xf32, #tpu.memory_space<vmem>>
    %dma_start3A_226 = tpu.memref_slice %arg7[%dma_start3A_216, %mul3A_215] : memref<16x10240xf32, #tpu.memory_space<vmem_shared>> -> memref<1x640xf32, #tpu.memory_space<vmem_shared>>
    %dma_start3A_227 = tpu.memref_squeeze %dma_start3A_226 : memref<1x640xf32, #tpu.memory_space<vmem_shared>> -> memref<640xf32, #tpu.memory_space<vmem_shared>>
    tpu.enqueue_dma source(%dma_start3A_227 : memref<640xf32, #tpu.memory_space<vmem_shared>>) target(%dma_start3A_225 : memref<640xf32, #tpu.memory_space<vmem>>) target_semaphore(%arg8 : memref<!tpu.dma_semaphore, #tpu.memory_space<semaphore_mem>>)
    %mul3A_228 = arith.constant 640 : i32
    %mul3A_229 = arith.muli %arg1, %mul3A_228 : i32
    %dma_start3A_230 = arith.constant 15 : i32
    %dma_start3A_231 = arith.constant 15 : i32
    %dma_start3A_232 = arith.constant 0 : i32
    %dma_start3A_233 = tpu.memref_slice %arg6[%dma_start3A_231, %dma_start3A_232] : memref<16x640xf32, #tpu.memory_space<vmem>> -> memref<1x640xf32, #tpu.memory_space<vmem>>
    %dma_start3A_234 = tpu.memref_squeeze %dma_start3A_233 : memref<1x640xf32, #tpu.memory_space<vmem>> -> memref<640xf32, #tpu.memory_space<vmem>>
    %dma_start3A_235 = tpu.memref_slice %arg7[%dma_start3A_230, %mul3A_229] : memref<16x10240xf32, #tpu.memory_space<vmem_shared>> -> memref<1x640xf32, #tpu.memory_space<vmem_shared>>
    %dma_start3A_236 = tpu.memref_squeeze %dma_start3A_235 : memref<1x640xf32, #tpu.memory_space<vmem_shared>> -> memref<640xf32, #tpu.memory_space<vmem_shared>>
    %dma_start3A_237 = arith.constant 0 : i32
    %dma_start3A_238 = tpu.memref_slice %arg6[%dma_start3A_231, %dma_start3A_237] : memref<16x640xf32, #tpu.memory_space<vmem>> -> memref<1x640xf32, #tpu.memory_space<vmem>>
    %dma_start3A_239 = tpu.memref_squeeze %dma_start3A_238 : memref<1x640xf32, #tpu.memory_space<vmem>> -> memref<640xf32, #tpu.memory_space<vmem>>
    %dma_start3A_240 = tpu.memref_slice %arg7[%dma_start3A_230, %mul3A_229] : memref<16x10240xf32, #tpu.memory_space<vmem_shared>> -> memref<1x640xf32, #tpu.memory_space<vmem_shared>>
    %dma_start3A_241 = tpu.memref_squeeze %dma_start3A_240 : memref<1x640xf32, #tpu.memory_space<vmem_shared>> -> memref<640xf32, #tpu.memory_space<vmem_shared>>
    tpu.enqueue_dma source(%dma_start3A_241 : memref<640xf32, #tpu.memory_space<vmem_shared>>) target(%dma_start3A_239 : memref<640xf32, #tpu.memory_space<vmem>>) target_semaphore(%arg8 : memref<!tpu.dma_semaphore, #tpu.memory_space<semaphore_mem>>)
    %mul3A_242 = arith.constant 640 : i32
    %mul3A_243 = arith.muli %arg1, %mul3A_242 : i32
    %dma_wait3A = arith.constant 0 : i32
    %dma_wait3A_244 = arith.constant 0 : i32
    %dma_wait3A_245 = arith.constant 0 : i32
    %dma_wait3A_246 = tpu.memref_slice %arg6[%dma_wait3A_244, %dma_wait3A_245] : memref<16x640xf32, #tpu.memory_space<vmem>> -> memref<1x640xf32, #tpu.memory_space<vmem>>
    %dma_wait3A_247 = tpu.memref_squeeze %dma_wait3A_246 : memref<1x640xf32, #tpu.memory_space<vmem>> -> memref<640xf32, #tpu.memory_space<vmem>>
    %dma_wait3A_248 = tpu.memref_slice %arg7[%dma_wait3A, %mul3A_243] : memref<16x10240xf32, #tpu.memory_space<vmem_shared>> -> memref<1x640xf32, #tpu.memory_space<vmem_shared>>
    %dma_wait3A_249 = tpu.memref_squeeze %dma_wait3A_248 : memref<1x640xf32, #tpu.memory_space<vmem_shared>> -> memref<640xf32, #tpu.memory_space<vmem_shared>>
    %dma_wait3A_250 = arith.constant 0 : i32
    %dma_wait3A_251 = tpu.memref_slice %arg6[%dma_wait3A_244, %dma_wait3A_250] : memref<16x640xf32, #tpu.memory_space<vmem>> -> memref<1x640xf32, #tpu.memory_space<vmem>>
    %dma_wait3A_252 = tpu.memref_squeeze %dma_wait3A_251 : memref<1x640xf32, #tpu.memory_space<vmem>> -> memref<640xf32, #tpu.memory_space<vmem>>
    %dma_wait3A_253 = tpu.memref_slice %arg7[%dma_wait3A, %mul3A_243] : memref<16x10240xf32, #tpu.memory_space<vmem_shared>> -> memref<1x640xf32, #tpu.memory_space<vmem_shared>>
    %dma_wait3A_254 = tpu.memref_squeeze %dma_wait3A_253 : memref<1x640xf32, #tpu.memory_space<vmem_shared>> -> memref<640xf32, #tpu.memory_space<vmem_shared>>
    tpu.wait_dma2 semaphore(%arg8 : memref<!tpu.dma_semaphore, #tpu.memory_space<semaphore_mem>>) src(%dma_wait3A_254 : memref<640xf32, #tpu.memory_space<vmem_shared>>) dst(%dma_wait3A_252 : memref<640xf32, #tpu.memory_space<vmem>>)
    %mul3A_255 = arith.constant 640 : i32
    %mul3A_256 = arith.muli %arg1, %mul3A_255 : i32
    %dma_wait3A_257 = arith.constant 1 : i32
    %dma_wait3A_258 = arith.constant 1 : i32
    %dma_wait3A_259 = arith.constant 0 : i32
    %dma_wait3A_260 = tpu.memref_slice %arg6[%dma_wait3A_258, %dma_wait3A_259] : memref<16x640xf32, #tpu.memory_space<vmem>> -> memref<1x640xf32, #tpu.memory_space<vmem>>
    %dma_wait3A_261 = tpu.memref_squeeze %dma_wait3A_260 : memref<1x640xf32, #tpu.memory_space<vmem>> -> memref<640xf32, #tpu.memory_space<vmem>>
    %dma_wait3A_262 = tpu.memref_slice %arg7[%dma_wait3A_257, %mul3A_256] : memref<16x10240xf32, #tpu.memory_space<vmem_shared>> -> memref<1x640xf32, #tpu.memory_space<vmem_shared>>
    %dma_wait3A_263 = tpu.memref_squeeze %dma_wait3A_262 : memref<1x640xf32, #tpu.memory_space<vmem_shared>> -> memref<640xf32, #tpu.memory_space<vmem_shared>>
    %dma_wait3A_264 = arith.constant 0 : i32
    %dma_wait3A_265 = tpu.memref_slice %arg6[%dma_wait3A_258, %dma_wait3A_264] : memref<16x640xf32, #tpu.memory_space<vmem>> -> memref<1x640xf32, #tpu.memory_space<vmem>>
    %dma_wait3A_266 = tpu.memref_squeeze %dma_wait3A_265 : memref<1x640xf32, #tpu.memory_space<vmem>> -> memref<640xf32, #tpu.memory_space<vmem>>
    %dma_wait3A_267 = tpu.memref_slice %arg7[%dma_wait3A_257, %mul3A_256] : memref<16x10240xf32, #tpu.memory_space<vmem_shared>> -> memref<1x640xf32, #tpu.memory_space<vmem_shared>>
    %dma_wait3A_268 = tpu.memref_squeeze %dma_wait3A_267 : memref<1x640xf32, #tpu.memory_space<vmem_shared>> -> memref<640xf32, #tpu.memory_space<vmem_shared>>
    tpu.wait_dma2 semaphore(%arg8 : memref<!tpu.dma_semaphore, #tpu.memory_space<semaphore_mem>>) src(%dma_wait3A_268 : memref<640xf32, #tpu.memory_space<vmem_shared>>) dst(%dma_wait3A_266 : memref<640xf32, #tpu.memory_space<vmem>>)
    %mul3A_269 = arith.constant 640 : i32
    %mul3A_270 = arith.muli %arg1, %mul3A_269 : i32
    %dma_wait3A_271 = arith.constant 2 : i32
    %dma_wait3A_272 = arith.constant 2 : i32
    %dma_wait3A_273 = arith.constant 0 : i32
    %dma_wait3A_274 = tpu.memref_slice %arg6[%dma_wait3A_272, %dma_wait3A_273] : memref<16x640xf32, #tpu.memory_space<vmem>> -> memref<1x640xf32, #tpu.memory_space<vmem>>
    %dma_wait3A_275 = tpu.memref_squeeze %dma_wait3A_274 : memref<1x640xf32, #tpu.memory_space<vmem>> -> memref<640xf32, #tpu.memory_space<vmem>>
    %dma_wait3A_276 = tpu.memref_slice %arg7[%dma_wait3A_271, %mul3A_270] : memref<16x10240xf32, #tpu.memory_space<vmem_shared>> -> memref<1x640xf32, #tpu.memory_space<vmem_shared>>
    %dma_wait3A_277 = tpu.memref_squeeze %dma_wait3A_276 : memref<1x640xf32, #tpu.memory_space<vmem_shared>> -> memref<640xf32, #tpu.memory_space<vmem_shared>>
    %dma_wait3A_278 = arith.constant 0 : i32
    %dma_wait3A_279 = tpu.memref_slice %arg6[%dma_wait3A_272, %dma_wait3A_278] : memref<16x640xf32, #tpu.memory_space<vmem>> -> memref<1x640xf32, #tpu.memory_space<vmem>>
    %dma_wait3A_280 = tpu.memref_squeeze %dma_wait3A_279 : memref<1x640xf32, #tpu.memory_space<vmem>> -> memref<640xf32, #tpu.memory_space<vmem>>
    %dma_wait3A_281 = tpu.memref_slice %arg7[%dma_wait3A_271, %mul3A_270] : memref<16x10240xf32, #tpu.memory_space<vmem_shared>> -> memref<1x640xf32, #tpu.memory_space<vmem_shared>>
    %dma_wait3A_282 = tpu.memref_squeeze %dma_wait3A_281 : memref<1x640xf32, #tpu.memory_space<vmem_shared>> -> memref<640xf32, #tpu.memory_space<vmem_shared>>
    tpu.wait_dma2 semaphore(%arg8 : memref<!tpu.dma_semaphore, #tpu.memory_space<semaphore_mem>>) src(%dma_wait3A_282 : memref<640xf32, #tpu.memory_space<vmem_shared>>) dst(%dma_wait3A_280 : memref<640xf32, #tpu.memory_space<vmem>>)
    %mul3A_283 = arith.constant 640 : i32
    %mul3A_284 = arith.muli %arg1, %mul3A_283 : i32
    %dma_wait3A_285 = arith.constant 3 : i32
    %dma_wait3A_286 = arith.constant 3 : i32
    %dma_wait3A_287 = arith.constant 0 : i32
    %dma_wait3A_288 = tpu.memref_slice %arg6[%dma_wait3A_286, %dma_wait3A_287] : memref<16x640xf32, #tpu.memory_space<vmem>> -> memref<1x640xf32, #tpu.memory_space<vmem>>
    %dma_wait3A_289 = tpu.memref_squeeze %dma_wait3A_288 : memref<1x640xf32, #tpu.memory_space<vmem>> -> memref<640xf32, #tpu.memory_space<vmem>>
    %dma_wait3A_290 = tpu.memref_slice %arg7[%dma_wait3A_285, %mul3A_284] : memref<16x10240xf32, #tpu.memory_space<vmem_shared>> -> memref<1x640xf32, #tpu.memory_space<vmem_shared>>
    %dma_wait3A_291 = tpu.memref_squeeze %dma_wait3A_290 : memref<1x640xf32, #tpu.memory_space<vmem_shared>> -> memref<640xf32, #tpu.memory_space<vmem_shared>>
    %dma_wait3A_292 = arith.constant 0 : i32
    %dma_wait3A_293 = tpu.memref_slice %arg6[%dma_wait3A_286, %dma_wait3A_292] : memref<16x640xf32, #tpu.memory_space<vmem>> -> memref<1x640xf32, #tpu.memory_space<vmem>>
    %dma_wait3A_294 = tpu.memref_squeeze %dma_wait3A_293 : memref<1x640xf32, #tpu.memory_space<vmem>> -> memref<640xf32, #tpu.memory_space<vmem>>
    %dma_wait3A_295 = tpu.memref_slice %arg7[%dma_wait3A_285, %mul3A_284] : memref<16x10240xf32, #tpu.memory_space<vmem_shared>> -> memref<1x640xf32, #tpu.memory_space<vmem_shared>>
    %dma_wait3A_296 = tpu.memref_squeeze %dma_wait3A_295 : memref<1x640xf32, #tpu.memory_space<vmem_shared>> -> memref<640xf32, #tpu.memory_space<vmem_shared>>
    tpu.wait_dma2 semaphore(%arg8 : memref<!tpu.dma_semaphore, #tpu.memory_space<semaphore_mem>>) src(%dma_wait3A_296 : memref<640xf32, #tpu.memory_space<vmem_shared>>) dst(%dma_wait3A_294 : memref<640xf32, #tpu.memory_space<vmem>>)
    %mul3A_297 = arith.constant 640 : i32
    %mul3A_298 = arith.muli %arg1, %mul3A_297 : i32
    %dma_wait3A_299 = arith.constant 4 : i32
    %dma_wait3A_300 = arith.constant 4 : i32
    %dma_wait3A_301 = arith.constant 0 : i32
    %dma_wait3A_302 = tpu.memref_slice %arg6[%dma_wait3A_300, %dma_wait3A_301] : memref<16x640xf32, #tpu.memory_space<vmem>> -> memref<1x640xf32, #tpu.memory_space<vmem>>
    %dma_wait3A_303 = tpu.memref_squeeze %dma_wait3A_302 : memref<1x640xf32, #tpu.memory_space<vmem>> -> memref<640xf32, #tpu.memory_space<vmem>>
    %dma_wait3A_304 = tpu.memref_slice %arg7[%dma_wait3A_299, %mul3A_298] : memref<16x10240xf32, #tpu.memory_space<vmem_shared>> -> memref<1x640xf32, #tpu.memory_space<vmem_shared>>
    %dma_wait3A_305 = tpu.memref_squeeze %dma_wait3A_304 : memref<1x640xf32, #tpu.memory_space<vmem_shared>> -> memref<640xf32, #tpu.memory_space<vmem_shared>>
    %dma_wait3A_306 = arith.constant 0 : i32
    %dma_wait3A_307 = tpu.memref_slice %arg6[%dma_wait3A_300, %dma_wait3A_306] : memref<16x640xf32, #tpu.memory_space<vmem>> -> memref<1x640xf32, #tpu.memory_space<vmem>>
    %dma_wait3A_308 = tpu.memref_squeeze %dma_wait3A_307 : memref<1x640xf32, #tpu.memory_space<vmem>> -> memref<640xf32, #tpu.memory_space<vmem>>
    %dma_wait3A_309 = tpu.memref_slice %arg7[%dma_wait3A_299, %mul3A_298] : memref<16x10240xf32, #tpu.memory_space<vmem_shared>> -> memref<1x640xf32, #tpu.memory_space<vmem_shared>>
    %dma_wait3A_310 = tpu.memref_squeeze %dma_wait3A_309 : memref<1x640xf32, #tpu.memory_space<vmem_shared>> -> memref<640xf32, #tpu.memory_space<vmem_shared>>
    tpu.wait_dma2 semaphore(%arg8 : memref<!tpu.dma_semaphore, #tpu.memory_space<semaphore_mem>>) src(%dma_wait3A_310 : memref<640xf32, #tpu.memory_space<vmem_shared>>) dst(%dma_wait3A_308 : memref<640xf32, #tpu.memory_space<vmem>>)
    %mul3A_311 = arith.constant 640 : i32
    %mul3A_312 = arith.muli %arg1, %mul3A_311 : i32
    %dma_wait3A_313 = arith.constant 5 : i32
    %dma_wait3A_314 = arith.constant 5 : i32
    %dma_wait3A_315 = arith.constant 0 : i32
    %dma_wait3A_316 = tpu.memref_slice %arg6[%dma_wait3A_314, %dma_wait3A_315] : memref<16x640xf32, #tpu.memory_space<vmem>> -> memref<1x640xf32, #tpu.memory_space<vmem>>
    %dma_wait3A_317 = tpu.memref_squeeze %dma_wait3A_316 : memref<1x640xf32, #tpu.memory_space<vmem>> -> memref<640xf32, #tpu.memory_space<vmem>>
    %dma_wait3A_318 = tpu.memref_slice %arg7[%dma_wait3A_313, %mul3A_312] : memref<16x10240xf32, #tpu.memory_space<vmem_shared>> -> memref<1x640xf32, #tpu.memory_space<vmem_shared>>
    %dma_wait3A_319 = tpu.memref_squeeze %dma_wait3A_318 : memref<1x640xf32, #tpu.memory_space<vmem_shared>> -> memref<640xf32, #tpu.memory_space<vmem_shared>>
    %dma_wait3A_320 = arith.constant 0 : i32
    %dma_wait3A_321 = tpu.memref_slice %arg6[%dma_wait3A_314, %dma_wait3A_320] : memref<16x640xf32, #tpu.memory_space<vmem>> -> memref<1x640xf32, #tpu.memory_space<vmem>>
    %dma_wait3A_322 = tpu.memref_squeeze %dma_wait3A_321 : memref<1x640xf32, #tpu.memory_space<vmem>> -> memref<640xf32, #tpu.memory_space<vmem>>
    %dma_wait3A_323 = tpu.memref_slice %arg7[%dma_wait3A_313, %mul3A_312] : memref<16x10240xf32, #tpu.memory_space<vmem_shared>> -> memref<1x640xf32, #tpu.memory_space<vmem_shared>>
    %dma_wait3A_324 = tpu.memref_squeeze %dma_wait3A_323 : memref<1x640xf32, #tpu.memory_space<vmem_shared>> -> memref<640xf32, #tpu.memory_space<vmem_shared>>
    tpu.wait_dma2 semaphore(%arg8 : memref<!tpu.dma_semaphore, #tpu.memory_space<semaphore_mem>>) src(%dma_wait3A_324 : memref<640xf32, #tpu.memory_space<vmem_shared>>) dst(%dma_wait3A_322 : memref<640xf32, #tpu.memory_space<vmem>>)
    %mul3A_325 = arith.constant 640 : i32
    %mul3A_326 = arith.muli %arg1, %mul3A_325 : i32
    %dma_wait3A_327 = arith.constant 6 : i32
    %dma_wait3A_328 = arith.constant 6 : i32
    %dma_wait3A_329 = arith.constant 0 : i32
    %dma_wait3A_330 = tpu.memref_slice %arg6[%dma_wait3A_328, %dma_wait3A_329] : memref<16x640xf32, #tpu.memory_space<vmem>> -> memref<1x640xf32, #tpu.memory_space<vmem>>
    %dma_wait3A_331 = tpu.memref_squeeze %dma_wait3A_330 : memref<1x640xf32, #tpu.memory_space<vmem>> -> memref<640xf32, #tpu.memory_space<vmem>>
    %dma_wait3A_332 = tpu.memref_slice %arg7[%dma_wait3A_327, %mul3A_326] : memref<16x10240xf32, #tpu.memory_space<vmem_shared>> -> memref<1x640xf32, #tpu.memory_space<vmem_shared>>
    %dma_wait3A_333 = tpu.memref_squeeze %dma_wait3A_332 : memref<1x640xf32, #tpu.memory_space<vmem_shared>> -> memref<640xf32, #tpu.memory_space<vmem_shared>>
    %dma_wait3A_334 = arith.constant 0 : i32
    %dma_wait3A_335 = tpu.memref_slice %arg6[%dma_wait3A_328, %dma_wait3A_334] : memref<16x640xf32, #tpu.memory_space<vmem>> -> memref<1x640xf32, #tpu.memory_space<vmem>>
    %dma_wait3A_336 = tpu.memref_squeeze %dma_wait3A_335 : memref<1x640xf32, #tpu.memory_space<vmem>> -> memref<640xf32, #tpu.memory_space<vmem>>
    %dma_wait3A_337 = tpu.memref_slice %arg7[%dma_wait3A_327, %mul3A_326] : memref<16x10240xf32, #tpu.memory_space<vmem_shared>> -> memref<1x640xf32, #tpu.memory_space<vmem_shared>>
    %dma_wait3A_338 = tpu.memref_squeeze %dma_wait3A_337 : memref<1x640xf32, #tpu.memory_space<vmem_shared>> -> memref<640xf32, #tpu.memory_space<vmem_shared>>
    tpu.wait_dma2 semaphore(%arg8 : memref<!tpu.dma_semaphore, #tpu.memory_space<semaphore_mem>>) src(%dma_wait3A_338 : memref<640xf32, #tpu.memory_space<vmem_shared>>) dst(%dma_wait3A_336 : memref<640xf32, #tpu.memory_space<vmem>>)
    %mul3A_339 = arith.constant 640 : i32
    %mul3A_340 = arith.muli %arg1, %mul3A_339 : i32
    %dma_wait3A_341 = arith.constant 7 : i32
    %dma_wait3A_342 = arith.constant 7 : i32
    %dma_wait3A_343 = arith.constant 0 : i32
    %dma_wait3A_344 = tpu.memref_slice %arg6[%dma_wait3A_342, %dma_wait3A_343] : memref<16x640xf32, #tpu.memory_space<vmem>> -> memref<1x640xf32, #tpu.memory_space<vmem>>
    %dma_wait3A_345 = tpu.memref_squeeze %dma_wait3A_344 : memref<1x640xf32, #tpu.memory_space<vmem>> -> memref<640xf32, #tpu.memory_space<vmem>>
    %dma_wait3A_346 = tpu.memref_slice %arg7[%dma_wait3A_341, %mul3A_340] : memref<16x10240xf32, #tpu.memory_space<vmem_shared>> -> memref<1x640xf32, #tpu.memory_space<vmem_shared>>
    %dma_wait3A_347 = tpu.memref_squeeze %dma_wait3A_346 : memref<1x640xf32, #tpu.memory_space<vmem_shared>> -> memref<640xf32, #tpu.memory_space<vmem_shared>>
    %dma_wait3A_348 = arith.constant 0 : i32
    %dma_wait3A_349 = tpu.memref_slice %arg6[%dma_wait3A_342, %dma_wait3A_348] : memref<16x640xf32, #tpu.memory_space<vmem>> -> memref<1x640xf32, #tpu.memory_space<vmem>>
    %dma_wait3A_350 = tpu.memref_squeeze %dma_wait3A_349 : memref<1x640xf32, #tpu.memory_space<vmem>> -> memref<640xf32, #tpu.memory_space<vmem>>
    %dma_wait3A_351 = tpu.memref_slice %arg7[%dma_wait3A_341, %mul3A_340] : memref<16x10240xf32, #tpu.memory_space<vmem_shared>> -> memref<1x640xf32, #tpu.memory_space<vmem_shared>>
    %dma_wait3A_352 = tpu.memref_squeeze %dma_wait3A_351 : memref<1x640xf32, #tpu.memory_space<vmem_shared>> -> memref<640xf32, #tpu.memory_space<vmem_shared>>
    tpu.wait_dma2 semaphore(%arg8 : memref<!tpu.dma_semaphore, #tpu.memory_space<semaphore_mem>>) src(%dma_wait3A_352 : memref<640xf32, #tpu.memory_space<vmem_shared>>) dst(%dma_wait3A_350 : memref<640xf32, #tpu.memory_space<vmem>>)
    %mul3A_353 = arith.constant 640 : i32
    %mul3A_354 = arith.muli %arg1, %mul3A_353 : i32
    %dma_wait3A_355 = arith.constant 8 : i32
    %dma_wait3A_356 = arith.constant 8 : i32
    %dma_wait3A_357 = arith.constant 0 : i32
    %dma_wait3A_358 = tpu.memref_slice %arg6[%dma_wait3A_356, %dma_wait3A_357] : memref<16x640xf32, #tpu.memory_space<vmem>> -> memref<1x640xf32, #tpu.memory_space<vmem>>
    %dma_wait3A_359 = tpu.memref_squeeze %dma_wait3A_358 : memref<1x640xf32, #tpu.memory_space<vmem>> -> memref<640xf32, #tpu.memory_space<vmem>>
    %dma_wait3A_360 = tpu.memref_slice %arg7[%dma_wait3A_355, %mul3A_354] : memref<16x10240xf32, #tpu.memory_space<vmem_shared>> -> memref<1x640xf32, #tpu.memory_space<vmem_shared>>
    %dma_wait3A_361 = tpu.memref_squeeze %dma_wait3A_360 : memref<1x640xf32, #tpu.memory_space<vmem_shared>> -> memref<640xf32, #tpu.memory_space<vmem_shared>>
    %dma_wait3A_362 = arith.constant 0 : i32
    %dma_wait3A_363 = tpu.memref_slice %arg6[%dma_wait3A_356, %dma_wait3A_362] : memref<16x640xf32, #tpu.memory_space<vmem>> -> memref<1x640xf32, #tpu.memory_space<vmem>>
    %dma_wait3A_364 = tpu.memref_squeeze %dma_wait3A_363 : memref<1x640xf32, #tpu.memory_space<vmem>> -> memref<640xf32, #tpu.memory_space<vmem>>
    %dma_wait3A_365 = tpu.memref_slice %arg7[%dma_wait3A_355, %mul3A_354] : memref<16x10240xf32, #tpu.memory_space<vmem_shared>> -> memref<1x640xf32, #tpu.memory_space<vmem_shared>>
    %dma_wait3A_366 = tpu.memref_squeeze %dma_wait3A_365 : memref<1x640xf32, #tpu.memory_space<vmem_shared>> -> memref<640xf32, #tpu.memory_space<vmem_shared>>
    tpu.wait_dma2 semaphore(%arg8 : memref<!tpu.dma_semaphore, #tpu.memory_space<semaphore_mem>>) src(%dma_wait3A_366 : memref<640xf32, #tpu.memory_space<vmem_shared>>) dst(%dma_wait3A_364 : memref<640xf32, #tpu.memory_space<vmem>>)
    %mul3A_367 = arith.constant 640 : i32
    %mul3A_368 = arith.muli %arg1, %mul3A_367 : i32
    %dma_wait3A_369 = arith.constant 9 : i32
    %dma_wait3A_370 = arith.constant 9 : i32
    %dma_wait3A_371 = arith.constant 0 : i32
    %dma_wait3A_372 = tpu.memref_slice %arg6[%dma_wait3A_370, %dma_wait3A_371] : memref<16x640xf32, #tpu.memory_space<vmem>> -> memref<1x640xf32, #tpu.memory_space<vmem>>
    %dma_wait3A_373 = tpu.memref_squeeze %dma_wait3A_372 : memref<1x640xf32, #tpu.memory_space<vmem>> -> memref<640xf32, #tpu.memory_space<vmem>>
    %dma_wait3A_374 = tpu.memref_slice %arg7[%dma_wait3A_369, %mul3A_368] : memref<16x10240xf32, #tpu.memory_space<vmem_shared>> -> memref<1x640xf32, #tpu.memory_space<vmem_shared>>
    %dma_wait3A_375 = tpu.memref_squeeze %dma_wait3A_374 : memref<1x640xf32, #tpu.memory_space<vmem_shared>> -> memref<640xf32, #tpu.memory_space<vmem_shared>>
    %dma_wait3A_376 = arith.constant 0 : i32
    %dma_wait3A_377 = tpu.memref_slice %arg6[%dma_wait3A_370, %dma_wait3A_376] : memref<16x640xf32, #tpu.memory_space<vmem>> -> memref<1x640xf32, #tpu.memory_space<vmem>>
    %dma_wait3A_378 = tpu.memref_squeeze %dma_wait3A_377 : memref<1x640xf32, #tpu.memory_space<vmem>> -> memref<640xf32, #tpu.memory_space<vmem>>
    %dma_wait3A_379 = tpu.memref_slice %arg7[%dma_wait3A_369, %mul3A_368] : memref<16x10240xf32, #tpu.memory_space<vmem_shared>> -> memref<1x640xf32, #tpu.memory_space<vmem_shared>>
    %dma_wait3A_380 = tpu.memref_squeeze %dma_wait3A_379 : memref<1x640xf32, #tpu.memory_space<vmem_shared>> -> memref<640xf32, #tpu.memory_space<vmem_shared>>
    tpu.wait_dma2 semaphore(%arg8 : memref<!tpu.dma_semaphore, #tpu.memory_space<semaphore_mem>>) src(%dma_wait3A_380 : memref<640xf32, #tpu.memory_space<vmem_shared>>) dst(%dma_wait3A_378 : memref<640xf32, #tpu.memory_space<vmem>>)
    %mul3A_381 = arith.constant 640 : i32
    %mul3A_382 = arith.muli %arg1, %mul3A_381 : i32
    %dma_wait3A_383 = arith.constant 10 : i32
    %dma_wait3A_384 = arith.constant 10 : i32
    %dma_wait3A_385 = arith.constant 0 : i32
    %dma_wait3A_386 = tpu.memref_slice %arg6[%dma_wait3A_384, %dma_wait3A_385] : memref<16x640xf32, #tpu.memory_space<vmem>> -> memref<1x640xf32, #tpu.memory_space<vmem>>
    %dma_wait3A_387 = tpu.memref_squeeze %dma_wait3A_386 : memref<1x640xf32, #tpu.memory_space<vmem>> -> memref<640xf32, #tpu.memory_space<vmem>>
    %dma_wait3A_388 = tpu.memref_slice %arg7[%dma_wait3A_383, %mul3A_382] : memref<16x10240xf32, #tpu.memory_space<vmem_shared>> -> memref<1x640xf32, #tpu.memory_space<vmem_shared>>
    %dma_wait3A_389 = tpu.memref_squeeze %dma_wait3A_388 : memref<1x640xf32, #tpu.memory_space<vmem_shared>> -> memref<640xf32, #tpu.memory_space<vmem_shared>>
    %dma_wait3A_390 = arith.constant 0 : i32
    %dma_wait3A_391 = tpu.memref_slice %arg6[%dma_wait3A_384, %dma_wait3A_390] : memref<16x640xf32, #tpu.memory_space<vmem>> -> memref<1x640xf32, #tpu.memory_space<vmem>>
    %dma_wait3A_392 = tpu.memref_squeeze %dma_wait3A_391 : memref<1x640xf32, #tpu.memory_space<vmem>> -> memref<640xf32, #tpu.memory_space<vmem>>
    %dma_wait3A_393 = tpu.memref_slice %arg7[%dma_wait3A_383, %mul3A_382] : memref<16x10240xf32, #tpu.memory_space<vmem_shared>> -> memref<1x640xf32, #tpu.memory_space<vmem_shared>>
    %dma_wait3A_394 = tpu.memref_squeeze %dma_wait3A_393 : memref<1x640xf32, #tpu.memory_space<vmem_shared>> -> memref<640xf32, #tpu.memory_space<vmem_shared>>
    tpu.wait_dma2 semaphore(%arg8 : memref<!tpu.dma_semaphore, #tpu.memory_space<semaphore_mem>>) src(%dma_wait3A_394 : memref<640xf32, #tpu.memory_space<vmem_shared>>) dst(%dma_wait3A_392 : memref<640xf32, #tpu.memory_space<vmem>>)
    %mul3A_395 = arith.constant 640 : i32
    %mul3A_396 = arith.muli %arg1, %mul3A_395 : i32
    %dma_wait3A_397 = arith.constant 11 : i32
    %dma_wait3A_398 = arith.constant 11 : i32
    %dma_wait3A_399 = arith.constant 0 : i32
    %dma_wait3A_400 = tpu.memref_slice %arg6[%dma_wait3A_398, %dma_wait3A_399] : memref<16x640xf32, #tpu.memory_space<vmem>> -> memref<1x640xf32, #tpu.memory_space<vmem>>
    %dma_wait3A_401 = tpu.memref_squeeze %dma_wait3A_400 : memref<1x640xf32, #tpu.memory_space<vmem>> -> memref<640xf32, #tpu.memory_space<vmem>>
    %dma_wait3A_402 = tpu.memref_slice %arg7[%dma_wait3A_397, %mul3A_396] : memref<16x10240xf32, #tpu.memory_space<vmem_shared>> -> memref<1x640xf32, #tpu.memory_space<vmem_shared>>
    %dma_wait3A_403 = tpu.memref_squeeze %dma_wait3A_402 : memref<1x640xf32, #tpu.memory_space<vmem_shared>> -> memref<640xf32, #tpu.memory_space<vmem_shared>>
    %dma_wait3A_404 = arith.constant 0 : i32
    %dma_wait3A_405 = tpu.memref_slice %arg6[%dma_wait3A_398, %dma_wait3A_404] : memref<16x640xf32, #tpu.memory_space<vmem>> -> memref<1x640xf32, #tpu.memory_space<vmem>>
    %dma_wait3A_406 = tpu.memref_squeeze %dma_wait3A_405 : memref<1x640xf32, #tpu.memory_space<vmem>> -> memref<640xf32, #tpu.memory_space<vmem>>
    %dma_wait3A_407 = tpu.memref_slice %arg7[%dma_wait3A_397, %mul3A_396] : memref<16x10240xf32, #tpu.memory_space<vmem_shared>> -> memref<1x640xf32, #tpu.memory_space<vmem_shared>>
    %dma_wait3A_408 = tpu.memref_squeeze %dma_wait3A_407 : memref<1x640xf32, #tpu.memory_space<vmem_shared>> -> memref<640xf32, #tpu.memory_space<vmem_shared>>
    tpu.wait_dma2 semaphore(%arg8 : memref<!tpu.dma_semaphore, #tpu.memory_space<semaphore_mem>>) src(%dma_wait3A_408 : memref<640xf32, #tpu.memory_space<vmem_shared>>) dst(%dma_wait3A_406 : memref<640xf32, #tpu.memory_space<vmem>>)
    %mul3A_409 = arith.constant 640 : i32
    %mul3A_410 = arith.muli %arg1, %mul3A_409 : i32
    %dma_wait3A_411 = arith.constant 12 : i32
    %dma_wait3A_412 = arith.constant 12 : i32
    %dma_wait3A_413 = arith.constant 0 : i32
    %dma_wait3A_414 = tpu.memref_slice %arg6[%dma_wait3A_412, %dma_wait3A_413] : memref<16x640xf32, #tpu.memory_space<vmem>> -> memref<1x640xf32, #tpu.memory_space<vmem>>
    %dma_wait3A_415 = tpu.memref_squeeze %dma_wait3A_414 : memref<1x640xf32, #tpu.memory_space<vmem>> -> memref<640xf32, #tpu.memory_space<vmem>>
    %dma_wait3A_416 = tpu.memref_slice %arg7[%dma_wait3A_411, %mul3A_410] : memref<16x10240xf32, #tpu.memory_space<vmem_shared>> -> memref<1x640xf32, #tpu.memory_space<vmem_shared>>
    %dma_wait3A_417 = tpu.memref_squeeze %dma_wait3A_416 : memref<1x640xf32, #tpu.memory_space<vmem_shared>> -> memref<640xf32, #tpu.memory_space<vmem_shared>>
    %dma_wait3A_418 = arith.constant 0 : i32
    %dma_wait3A_419 = tpu.memref_slice %arg6[%dma_wait3A_412, %dma_wait3A_418] : memref<16x640xf32, #tpu.memory_space<vmem>> -> memref<1x640xf32, #tpu.memory_space<vmem>>
    %dma_wait3A_420 = tpu.memref_squeeze %dma_wait3A_419 : memref<1x640xf32, #tpu.memory_space<vmem>> -> memref<640xf32, #tpu.memory_space<vmem>>
    %dma_wait3A_421 = tpu.memref_slice %arg7[%dma_wait3A_411, %mul3A_410] : memref<16x10240xf32, #tpu.memory_space<vmem_shared>> -> memref<1x640xf32, #tpu.memory_space<vmem_shared>>
    %dma_wait3A_422 = tpu.memref_squeeze %dma_wait3A_421 : memref<1x640xf32, #tpu.memory_space<vmem_shared>> -> memref<640xf32, #tpu.memory_space<vmem_shared>>
    tpu.wait_dma2 semaphore(%arg8 : memref<!tpu.dma_semaphore, #tpu.memory_space<semaphore_mem>>) src(%dma_wait3A_422 : memref<640xf32, #tpu.memory_space<vmem_shared>>) dst(%dma_wait3A_420 : memref<640xf32, #tpu.memory_space<vmem>>)
    %mul3A_423 = arith.constant 640 : i32
    %mul3A_424 = arith.muli %arg1, %mul3A_423 : i32
    %dma_wait3A_425 = arith.constant 13 : i32
    %dma_wait3A_426 = arith.constant 13 : i32
    %dma_wait3A_427 = arith.constant 0 : i32
    %dma_wait3A_428 = tpu.memref_slice %arg6[%dma_wait3A_426, %dma_wait3A_427] : memref<16x640xf32, #tpu.memory_space<vmem>> -> memref<1x640xf32, #tpu.memory_space<vmem>>
    %dma_wait3A_429 = tpu.memref_squeeze %dma_wait3A_428 : memref<1x640xf32, #tpu.memory_space<vmem>> -> memref<640xf32, #tpu.memory_space<vmem>>
    %dma_wait3A_430 = tpu.memref_slice %arg7[%dma_wait3A_425, %mul3A_424] : memref<16x10240xf32, #tpu.memory_space<vmem_shared>> -> memref<1x640xf32, #tpu.memory_space<vmem_shared>>
    %dma_wait3A_431 = tpu.memref_squeeze %dma_wait3A_430 : memref<1x640xf32, #tpu.memory_space<vmem_shared>> -> memref<640xf32, #tpu.memory_space<vmem_shared>>
    %dma_wait3A_432 = arith.constant 0 : i32
    %dma_wait3A_433 = tpu.memref_slice %arg6[%dma_wait3A_426, %dma_wait3A_432] : memref<16x640xf32, #tpu.memory_space<vmem>> -> memref<1x640xf32, #tpu.memory_space<vmem>>
    %dma_wait3A_434 = tpu.memref_squeeze %dma_wait3A_433 : memref<1x640xf32, #tpu.memory_space<vmem>> -> memref<640xf32, #tpu.memory_space<vmem>>
    %dma_wait3A_435 = tpu.memref_slice %arg7[%dma_wait3A_425, %mul3A_424] : memref<16x10240xf32, #tpu.memory_space<vmem_shared>> -> memref<1x640xf32, #tpu.memory_space<vmem_shared>>
    %dma_wait3A_436 = tpu.memref_squeeze %dma_wait3A_435 : memref<1x640xf32, #tpu.memory_space<vmem_shared>> -> memref<640xf32, #tpu.memory_space<vmem_shared>>
    tpu.wait_dma2 semaphore(%arg8 : memref<!tpu.dma_semaphore, #tpu.memory_space<semaphore_mem>>) src(%dma_wait3A_436 : memref<640xf32, #tpu.memory_space<vmem_shared>>) dst(%dma_wait3A_434 : memref<640xf32, #tpu.memory_space<vmem>>)
    %mul3A_437 = arith.constant 640 : i32
    %mul3A_438 = arith.muli %arg1, %mul3A_437 : i32
    %dma_wait3A_439 = arith.constant 14 : i32
    %dma_wait3A_440 = arith.constant 14 : i32
    %dma_wait3A_441 = arith.constant 0 : i32
    %dma_wait3A_442 = tpu.memref_slice %arg6[%dma_wait3A_440, %dma_wait3A_441] : memref<16x640xf32, #tpu.memory_space<vmem>> -> memref<1x640xf32, #tpu.memory_space<vmem>>
    %dma_wait3A_443 = tpu.memref_squeeze %dma_wait3A_442 : memref<1x640xf32, #tpu.memory_space<vmem>> -> memref<640xf32, #tpu.memory_space<vmem>>
    %dma_wait3A_444 = tpu.memref_slice %arg7[%dma_wait3A_439, %mul3A_438] : memref<16x10240xf32, #tpu.memory_space<vmem_shared>> -> memref<1x640xf32, #tpu.memory_space<vmem_shared>>
    %dma_wait3A_445 = tpu.memref_squeeze %dma_wait3A_444 : memref<1x640xf32, #tpu.memory_space<vmem_shared>> -> memref<640xf32, #tpu.memory_space<vmem_shared>>
    %dma_wait3A_446 = arith.constant 0 : i32
    %dma_wait3A_447 = tpu.memref_slice %arg6[%dma_wait3A_440, %dma_wait3A_446] : memref<16x640xf32, #tpu.memory_space<vmem>> -> memref<1x640xf32, #tpu.memory_space<vmem>>
    %dma_wait3A_448 = tpu.memref_squeeze %dma_wait3A_447 : memref<1x640xf32, #tpu.memory_space<vmem>> -> memref<640xf32, #tpu.memory_space<vmem>>
    %dma_wait3A_449 = tpu.memref_slice %arg7[%dma_wait3A_439, %mul3A_438] : memref<16x10240xf32, #tpu.memory_space<vmem_shared>> -> memref<1x640xf32, #tpu.memory_space<vmem_shared>>
    %dma_wait3A_450 = tpu.memref_squeeze %dma_wait3A_449 : memref<1x640xf32, #tpu.memory_space<vmem_shared>> -> memref<640xf32, #tpu.memory_space<vmem_shared>>
    tpu.wait_dma2 semaphore(%arg8 : memref<!tpu.dma_semaphore, #tpu.memory_space<semaphore_mem>>) src(%dma_wait3A_450 : memref<640xf32, #tpu.memory_space<vmem_shared>>) dst(%dma_wait3A_448 : memref<640xf32, #tpu.memory_space<vmem>>)
    %mul3A_451 = arith.constant 640 : i32
    %mul3A_452 = arith.muli %arg1, %mul3A_451 : i32
    %dma_wait3A_453 = arith.constant 15 : i32
    %dma_wait3A_454 = arith.constant 15 : i32
    %dma_wait3A_455 = arith.constant 0 : i32
    %dma_wait3A_456 = tpu.memref_slice %arg6[%dma_wait3A_454, %dma_wait3A_455] : memref<16x640xf32, #tpu.memory_space<vmem>> -> memref<1x640xf32, #tpu.memory_space<vmem>>
    %dma_wait3A_457 = tpu.memref_squeeze %dma_wait3A_456 : memref<1x640xf32, #tpu.memory_space<vmem>> -> memref<640xf32, #tpu.memory_space<vmem>>
    %dma_wait3A_458 = tpu.memref_slice %arg7[%dma_wait3A_453, %mul3A_452] : memref<16x10240xf32, #tpu.memory_space<vmem_shared>> -> memref<1x640xf32, #tpu.memory_space<vmem_shared>>
    %dma_wait3A_459 = tpu.memref_squeeze %dma_wait3A_458 : memref<1x640xf32, #tpu.memory_space<vmem_shared>> -> memref<640xf32, #tpu.memory_space<vmem_shared>>
    %dma_wait3A_460 = arith.constant 0 : i32
    %dma_wait3A_461 = tpu.memref_slice %arg6[%dma_wait3A_454, %dma_wait3A_460] : memref<16x640xf32, #tpu.memory_space<vmem>> -> memref<1x640xf32, #tpu.memory_space<vmem>>
    %dma_wait3A_462 = tpu.memref_squeeze %dma_wait3A_461 : memref<1x640xf32, #tpu.memory_space<vmem>> -> memref<640xf32, #tpu.memory_space<vmem>>
    %dma_wait3A_463 = tpu.memref_slice %arg7[%dma_wait3A_453, %mul3A_452] : memref<16x10240xf32, #tpu.memory_space<vmem_shared>> -> memref<1x640xf32, #tpu.memory_space<vmem_shared>>
    %dma_wait3A_464 = tpu.memref_squeeze %dma_wait3A_463 : memref<1x640xf32, #tpu.memory_space<vmem_shared>> -> memref<640xf32, #tpu.memory_space<vmem_shared>>
    tpu.wait_dma2 semaphore(%arg8 : memref<!tpu.dma_semaphore, #tpu.memory_space<semaphore_mem>>) src(%dma_wait3A_464 : memref<640xf32, #tpu.memory_space<vmem_shared>>) dst(%dma_wait3A_462 : memref<640xf32, #tpu.memory_space<vmem>>)
    %scan3A_465 = arith.constant 0 : i32
    %scan3A_466 = arith.constant 0 : i32
    %scan3A_467 = arith.constant 40 : i32
    %scan3A_468 = arith.addi %scan3A_466, %scan3A_467 : i32
    %scan3A_469 = arith.constant 1 : i32
    %scan3A_470 = scf.for %scan3A_474 = %scan3A_466 to %scan3A_468 step %scan3A_469 iter_args(%scan3A_475 = %scan3A_465) -> (i32)  : i32 {
      %mul3A_476 = arith.constant 16 : i32
      %mul3A_477 = arith.muli %scan3A_474, %mul3A_476 : i32
      %get3A = arith.constant 0 : i32
      %get3A_478 = arith.index_cast %get3A : i32 to index
      %get3A_479 = arith.index_cast %mul3A_477 : i32 to index
      %get3A_480 = tpu.vector_load %arg6[%get3A_478, %get3A_479] {strides = array<i32>} : memref<16x640xf32, #tpu.memory_space<vmem>>, vector<16xf32>,
      %mul3A_481 = arith.constant 16 : i32
      %mul3A_482 = arith.muli %scan3A_474, %mul3A_481 : i32
      %get3A_483 = arith.constant 1 : i32
      %get3A_484 = arith.index_cast %get3A_483 : i32 to index
      %get3A_485 = arith.index_cast %mul3A_482 : i32 to index
      %get3A_486 = tpu.vector_load %arg6[%get3A_484, %get3A_485] {strides = array<i32>} : memref<16x640xf32, #tpu.memory_space<vmem>>, vector<16xf32>,
      %add3A_487 = arith.addf %get3A_480, %get3A_486 : vector<16xf32>
      %mul3A_488 = arith.constant 16 : i32
      %mul3A_489 = arith.muli %scan3A_474, %mul3A_488 : i32
      %get3A_490 = arith.constant 2 : i32
      %get3A_491 = arith.index_cast %get3A_490 : i32 to index
      %get3A_492 = arith.index_cast %mul3A_489 : i32 to index
      %get3A_493 = tpu.vector_load %arg6[%get3A_491, %get3A_492] {strides = array<i32>} : memref<16x640xf32, #tpu.memory_space<vmem>>, vector<16xf32>,
      %add3A_494 = arith.addf %add3A_487, %get3A_493 : vector<16xf32>
      %mul3A_495 = arith.constant 16 : i32
      %mul3A_496 = arith.muli %scan3A_474, %mul3A_495 : i32
      %get3A_497 = arith.constant 3 : i32
      %get3A_498 = arith.index_cast %get3A_497 : i32 to index
      %get3A_499 = arith.index_cast %mul3A_496 : i32 to index
      %get3A_500 = tpu.vector_load %arg6[%get3A_498, %get3A_499] {strides = array<i32>} : memref<16x640xf32, #tpu.memory_space<vmem>>, vector<16xf32>,
      %add3A_501 = arith.addf %add3A_494, %get3A_500 : vector<16xf32>
      %mul3A_502 = arith.constant 16 : i32
      %mul3A_503 = arith.muli %scan3A_474, %mul3A_502 : i32
      %get3A_504 = arith.constant 4 : i32
      %get3A_505 = arith.index_cast %get3A_504 : i32 to index
      %get3A_506 = arith.index_cast %mul3A_503 : i32 to index
      %get3A_507 = tpu.vector_load %arg6[%get3A_505, %get3A_506] {strides = array<i32>} : memref<16x640xf32, #tpu.memory_space<vmem>>, vector<16xf32>,
      %add3A_508 = arith.addf %add3A_501, %get3A_507 : vector<16xf32>
      %mul3A_509 = arith.constant 16 : i32
      %mul3A_510 = arith.muli %scan3A_474, %mul3A_509 : i32
      %get3A_511 = arith.constant 5 : i32
      %get3A_512 = arith.index_cast %get3A_511 : i32 to index
      %get3A_513 = arith.index_cast %mul3A_510 : i32 to index
      %get3A_514 = tpu.vector_load %arg6[%get3A_512, %get3A_513] {strides = array<i32>} : memref<16x640xf32, #tpu.memory_space<vmem>>, vector<16xf32>,
      %add3A_515 = arith.addf %add3A_508, %get3A_514 : vector<16xf32>
      %mul3A_516 = arith.constant 16 : i32
      %mul3A_517 = arith.muli %scan3A_474, %mul3A_516 : i32
      %get3A_518 = arith.constant 6 : i32
      %get3A_519 = arith.index_cast %get3A_518 : i32 to index
      %get3A_520 = arith.index_cast %mul3A_517 : i32 to index
      %get3A_521 = tpu.vector_load %arg6[%get3A_519, %get3A_520] {strides = array<i32>} : memref<16x640xf32, #tpu.memory_space<vmem>>, vector<16xf32>,
      %add3A_522 = arith.addf %add3A_515, %get3A_521 : vector<16xf32>
      %mul3A_523 = arith.constant 16 : i32
      %mul3A_524 = arith.muli %scan3A_474, %mul3A_523 : i32
      %get3A_525 = arith.constant 7 : i32
      %get3A_526 = arith.index_cast %get3A_525 : i32 to index
      %get3A_527 = arith.index_cast %mul3A_524 : i32 to index
      %get3A_528 = tpu.vector_load %arg6[%get3A_526, %get3A_527] {strides = array<i32>} : memref<16x640xf32, #tpu.memory_space<vmem>>, vector<16xf32>,
      %add3A_529 = arith.addf %add3A_522, %get3A_528 : vector<16xf32>
      %mul3A_530 = arith.constant 16 : i32
      %mul3A_531 = arith.muli %scan3A_474, %mul3A_530 : i32
      %get3A_532 = arith.constant 8 : i32
      %get3A_533 = arith.index_cast %get3A_532 : i32 to index
      %get3A_534 = arith.index_cast %mul3A_531 : i32 to index
      %get3A_535 = tpu.vector_load %arg6[%get3A_533, %get3A_534] {strides = array<i32>} : memref<16x640xf32, #tpu.memory_space<vmem>>, vector<16xf32>,
      %add3A_536 = arith.addf %add3A_529, %get3A_535 : vector<16xf32>
      %mul3A_537 = arith.constant 16 : i32
      %mul3A_538 = arith.muli %scan3A_474, %mul3A_537 : i32
      %get3A_539 = arith.constant 9 : i32
      %get3A_540 = arith.index_cast %get3A_539 : i32 to index
      %get3A_541 = arith.index_cast %mul3A_538 : i32 to index
      %get3A_542 = tpu.vector_load %arg6[%get3A_540, %get3A_541] {strides = array<i32>} : memref<16x640xf32, #tpu.memory_space<vmem>>, vector<16xf32>,
      %add3A_543 = arith.addf %add3A_536, %get3A_542 : vector<16xf32>
      %mul3A_544 = arith.constant 16 : i32
      %mul3A_545 = arith.muli %scan3A_474, %mul3A_544 : i32
      %get3A_546 = arith.constant 10 : i32
      %get3A_547 = arith.index_cast %get3A_546 : i32 to index
      %get3A_548 = arith.index_cast %mul3A_545 : i32 to index
      %get3A_549 = tpu.vector_load %arg6[%get3A_547, %get3A_548] {strides = array<i32>} : memref<16x640xf32, #tpu.memory_space<vmem>>, vector<16xf32>,
      %add3A_550 = arith.addf %add3A_543, %get3A_549 : vector<16xf32>
      %mul3A_551 = arith.constant 16 : i32
      %mul3A_552 = arith.muli %scan3A_474, %mul3A_551 : i32
      %get3A_553 = arith.constant 11 : i32
      %get3A_554 = arith.index_cast %get3A_553 : i32 to index
      %get3A_555 = arith.index_cast %mul3A_552 : i32 to index
      %get3A_556 = tpu.vector_load %arg6[%get3A_554, %get3A_555] {strides = array<i32>} : memref<16x640xf32, #tpu.memory_space<vmem>>, vector<16xf32>,
      %add3A_557 = arith.addf %add3A_550, %get3A_556 : vector<16xf32>
      %mul3A_558 = arith.constant 16 : i32
      %mul3A_559 = arith.muli %scan3A_474, %mul3A_558 : i32
      %get3A_560 = arith.constant 12 : i32
      %get3A_561 = arith.index_cast %get3A_560 : i32 to index
      %get3A_562 = arith.index_cast %mul3A_559 : i32 to index
      %get3A_563 = tpu.vector_load %arg6[%get3A_561, %get3A_562] {strides = array<i32>} : memref<16x640xf32, #tpu.memory_space<vmem>>, vector<16xf32>,
      %add3A_564 = arith.addf %add3A_557, %get3A_563 : vector<16xf32>
      %mul3A_565 = arith.constant 16 : i32
      %mul3A_566 = arith.muli %scan3A_474, %mul3A_565 : i32
      %get3A_567 = arith.constant 13 : i32
      %get3A_568 = arith.index_cast %get3A_567 : i32 to index
      %get3A_569 = arith.index_cast %mul3A_566 : i32 to index
      %get3A_570 = tpu.vector_load %arg6[%get3A_568, %get3A_569] {strides = array<i32>} : memref<16x640xf32, #tpu.memory_space<vmem>>, vector<16xf32>,
      %add3A_571 = arith.addf %add3A_564, %get3A_570 : vector<16xf32>
      %mul3A_572 = arith.constant 16 : i32
      %mul3A_573 = arith.muli %scan3A_474, %mul3A_572 : i32
      %get3A_574 = arith.constant 14 : i32
      %get3A_575 = arith.index_cast %get3A_574 : i32 to index
      %get3A_576 = arith.index_cast %mul3A_573 : i32 to index
      %get3A_577 = tpu.vector_load %arg6[%get3A_575, %get3A_576] {strides = array<i32>} : memref<16x640xf32, #tpu.memory_space<vmem>>, vector<16xf32>,
      %add3A_578 = arith.addf %add3A_571, %get3A_577 : vector<16xf32>
      %mul3A_579 = arith.constant 16 : i32
      %mul3A_580 = arith.muli %scan3A_474, %mul3A_579 : i32
      %get3A_581 = arith.constant 15 : i32
      %get3A_582 = arith.index_cast %get3A_581 : i32 to index
      %get3A_583 = arith.index_cast %mul3A_580 : i32 to index
      %get3A_584 = tpu.vector_load %arg6[%get3A_582, %get3A_583] {strides = array<i32>} : memref<16x640xf32, #tpu.memory_space<vmem>>, vector<16xf32>,
      %add3A_585 = arith.addf %add3A_578, %get3A_584 : vector<16xf32>
      %mul3A_586 = arith.constant 16 : i32
      %mul3A_587 = arith.muli %scan3A_474, %mul3A_586 : i32
      %swap3A = arith.index_cast %mul3A_587 : i32 to index
      %swap3A_588 = tpu.vector_load %arg5[%swap3A] {strides = array<i32>} : memref<10240xf32, #tpu.memory_space<vmem>>, vector<16xf32>,
      tpu.vector_store %arg5[%swap3A], %add3A_585 {strides = array<i32>} : memref<10240xf32, #tpu.memory_space<vmem>>, vector<16xf32>,
      %scan3A_589 = arith.constant 0 : i32
      scf.yield %scan3A_589 : i32
    }
    %scan3A_471 = arith.constant 40 : i32
    %mul3A_472 = arith.constant 640 : i32
    %mul3A_473 = arith.muli %arg1, %mul3A_472 : i32
    "tpu.region"() ({
      %run_scoped3A = tpu.sem_alloc : memref<!tpu.dma_semaphore, #tpu.memory_space<semaphore_mem>>
      %dma_start3A_474 = arith.constant 0 : i32
      %dma_start3A_475 = tpu.memref_slice %arg5[%dma_start3A_474] : memref<10240xf32, #tpu.memory_space<vmem>> -> memref<640xf32, #tpu.memory_space<vmem>>
      %dma_start3A_476 = tpu.memref_slice %arg3[%arg0, %mul3A_473] : memref<2x10240xf32, #tpu.memory_space<hbm>> -> memref<1x640xf32, #tpu.memory_space<hbm>>
      %dma_start3A_477 = tpu.memref_squeeze %dma_start3A_476 : memref<1x640xf32, #tpu.memory_space<hbm>> -> memref<640xf32, #tpu.memory_space<hbm>>
      %dma_start3A_478 = tpu.memref_slice %arg3[%arg0, %mul3A_473] : memref<2x10240xf32, #tpu.memory_space<hbm>> -> memref<1x640xf32, #tpu.memory_space<hbm>>
      %dma_start3A_479 = tpu.memref_squeeze %dma_start3A_478 : memref<1x640xf32, #tpu.memory_space<hbm>> -> memref<640xf32, #tpu.memory_space<hbm>>
      %dma_start3A_480 = arith.constant 0 : i32
      %dma_start3A_481 = tpu.memref_slice %arg5[%dma_start3A_480] : memref<10240xf32, #tpu.memory_space<vmem>> -> memref<640xf32, #tpu.memory_space<vmem>>
      tpu.enqueue_dma source(%dma_start3A_481 : memref<640xf32, #tpu.memory_space<vmem>>) target(%dma_start3A_479 : memref<640xf32, #tpu.memory_space<hbm>>) target_semaphore(%run_scoped3A : memref<!tpu.dma_semaphore, #tpu.memory_space<semaphore_mem>>)
      %dma_wait3A_482 = arith.constant 0 : i32
      %dma_wait3A_483 = tpu.memref_slice %arg5[%dma_wait3A_482] : memref<10240xf32, #tpu.memory_space<vmem>> -> memref<640xf32, #tpu.memory_space<vmem>>
      %dma_wait3A_484 = tpu.memref_slice %arg3[%arg0, %mul3A_473] : memref<2x10240xf32, #tpu.memory_space<hbm>> -> memref<1x640xf32, #tpu.memory_space<hbm>>
      %dma_wait3A_485 = tpu.memref_squeeze %dma_wait3A_484 : memref<1x640xf32, #tpu.memory_space<hbm>> -> memref<640xf32, #tpu.memory_space<hbm>>
      %dma_wait3A_486 = tpu.memref_slice %arg3[%arg0, %mul3A_473] : memref<2x10240xf32, #tpu.memory_space<hbm>> -> memref<1x640xf32, #tpu.memory_space<hbm>>
      %dma_wait3A_487 = tpu.memref_squeeze %dma_wait3A_486 : memref<1x640xf32, #tpu.memory_space<hbm>> -> memref<640xf32, #tpu.memory_space<hbm>>
      %dma_wait3A_488 = arith.constant 0 : i32
      %dma_wait3A_489 = tpu.memref_slice %arg5[%dma_wait3A_488] : memref<10240xf32, #tpu.memory_space<vmem>> -> memref<640xf32, #tpu.memory_space<vmem>>
      tpu.wait_dma2 semaphore(%run_scoped3A : memref<!tpu.dma_semaphore, #tpu.memory_space<semaphore_mem>>) src(%dma_wait3A_489 : memref<640xf32, #tpu.memory_space<vmem>>) dst(%dma_wait3A_487 : memref<640xf32, #tpu.memory_space<hbm>>)
      tpu.yield
    }) : () -> ()
    return
  }
}

#map = affine_map<(d0, d1) -> (0, 0)>
#map1 = affine_map<(d0, d1) -> (0)>
#map2 = affine_map<(d0, d1) -> (0, 0, 0)>
module attributes {stable_mosaic.version = 14 : i64} {
  func.func @_agg_body(%arg0: i32, %arg1: i32, %arg2: memref<10240x128xf32, #tpu.memory_space<hbm>>, %arg3: memref<640000xi32, #tpu.memory_space<hbm>>, %arg4: memref<2x10240x128xf32, #tpu.memory_space<hbm>>, %arg5: memref<4x64xi32, #tpu.memory_space<vmem>>, %arg6: memref<4x64xi32, #tpu.memory_space<vmem>>, %arg7: memref<4x64x128xf32, #tpu.memory_space<vmem>>, %arg8: memref<16xi32, #tpu.memory_space<vmem>>, %arg9: memref<16xi32, #tpu.memory_space<vmem>>, %arg10: memref<16x128xf32, #tpu.memory_space<vmem>>, %arg11: memref<10240x128xf32, #tpu.memory_space<vmem_shared>>, %arg12: memref<!tpu.dma_semaphore, #tpu.memory_space<semaphore_mem>>, %arg13: memref<!tpu.dma_semaphore, #tpu.memory_space<semaphore_mem>>, %arg14: memref<!tpu.dma_semaphore, #tpu.memory_space<semaphore_mem>>, %arg15: memref<!tpu.dma_semaphore, #tpu.memory_space<semaphore_mem>>, %arg16: memref<!tpu.dma_semaphore, #tpu.memory_space<semaphore_mem>>, %arg17: memref<!tpu.dma_semaphore, #tpu.memory_space<semaphore_mem>>, %arg18: memref<!tpu.dma_semaphore, #tpu.memory_space<semaphore_mem>>, %arg19: memref<!tpu.dma_semaphore, #tpu.memory_space<semaphore_mem>>, %arg20: memref<!tpu.dma_semaphore, #tpu.memory_space<semaphore_mem>>, %arg21: memref<!tpu.dma_semaphore, #tpu.memory_space<semaphore_mem>>, %arg22: memref<!tpu.dma_semaphore, #tpu.memory_space<semaphore_mem>>, %arg23: memref<!tpu.dma_semaphore, #tpu.memory_space<semaphore_mem>>, %arg24: memref<!tpu.dma_semaphore, #tpu.memory_space<semaphore_mem>>, %arg25: memref<!tpu.dma_semaphore, #tpu.memory_space<semaphore_mem>>, %arg26: memref<!tpu.dma_semaphore, #tpu.memory_space<semaphore_mem>>, %arg27: memref<!tpu.dma_semaphore, #tpu.memory_space<semaphore_mem>>, %arg28: memref<!tpu.dma_semaphore, #tpu.memory_space<semaphore_mem>>) attributes {dimension_semantics = [#tpu.dimension_semantics<core_parallel>, #tpu.dimension_semantics<subcore_parallel>], iteration_bounds = array<i64: 2, 16>, scalar_prefetch = 0 : i64, scratch_operands = 24 : i64, tpu.core_type = #tpu.core_type<sc_vector_subcore>, window_params = [{transform_indices = #map}, {transform_indices = #map1}, {transform_indices = #map2}]} {
    %mul3A = arith.constant 16 : i32
    %mul3A_0 = arith.muli %arg0, %mul3A : i32
    %add3A = arith.addi %mul3A_0, %arg1 : i32
    %mul3A_1 = arith.constant 10000 : i32
    %mul3A_2 = arith.muli %add3A, %mul3A_1 : i32
    %scan3A = arith.constant 0 : i32
    %scan3A_3 = arith.constant 0 : i32
    %scan3A_4 = arith.constant 64 : i32
    %scan3A_5 = arith.addi %scan3A_3, %scan3A_4 : i32
    %scan3A_6 = arith.constant 1 : i32
    %scan3A_7 = scf.for %scan3A_294 = %scan3A_3 to %scan3A_5 step %scan3A_6 iter_args(%scan3A_295 = %scan3A) -> (i32)  : i32 {
      %broadcast_in_dim3A = arith.constant 0.000000e+00 : f32
      %broadcast_in_dim3A_296 = vector.broadcast %broadcast_in_dim3A : f32 to vector<16xf32>
      %swap3A = arith.constant 0 : i32
      %swap3A_297 = arith.index_cast %swap3A : i32 to index
      %swap3A_298 = arith.index_cast %scan3A_294 : i32 to index
      %swap3A_299 = arith.constant 0 : index
      %swap3A_300 = tpu.vector_load %arg7[%swap3A_297, %swap3A_298, %swap3A_299] {strides = array<i32>} : memref<4x64x128xf32, #tpu.memory_space<vmem>>, vector<1x1x16xf32>,
      %swap3A_301 = vector.shape_cast %swap3A_300 : vector<1x1x16xf32> to vector<16xf32>
      %swap3A_302 = vector.shape_cast %broadcast_in_dim3A_296 : vector<16xf32> to vector<1x1x16xf32>
      tpu.vector_store %arg7[%swap3A_297, %swap3A_298, %swap3A_299], %swap3A_302 {strides = array<i32>} : memref<4x64x128xf32, #tpu.memory_space<vmem>>, vector<1x1x16xf32>,
      %broadcast_in_dim3A_303 = arith.constant 0.000000e+00 : f32
      %broadcast_in_dim3A_304 = vector.broadcast %broadcast_in_dim3A_303 : f32 to vector<16xf32>
      %swap3A_305 = arith.constant 0 : i32
      %swap3A_306 = arith.index_cast %swap3A_305 : i32 to index
      %swap3A_307 = arith.index_cast %scan3A_294 : i32 to index
      %swap3A_308 = arith.constant 16 : index
      %swap3A_309 = tpu.vector_load %arg7[%swap3A_306, %swap3A_307, %swap3A_308] {strides = array<i32>} : memref<4x64x128xf32, #tpu.memory_space<vmem>>, vector<1x1x16xf32>,
      %swap3A_310 = vector.shape_cast %swap3A_309 : vector<1x1x16xf32> to vector<16xf32>
      %swap3A_311 = vector.shape_cast %broadcast_in_dim3A_304 : vector<16xf32> to vector<1x1x16xf32>
      tpu.vector_store %arg7[%swap3A_306, %swap3A_307, %swap3A_308], %swap3A_311 {strides = array<i32>} : memref<4x64x128xf32, #tpu.memory_space<vmem>>, vector<1x1x16xf32>,
      %broadcast_in_dim3A_312 = arith.constant 0.000000e+00 : f32
      %broadcast_in_dim3A_313 = vector.broadcast %broadcast_in_dim3A_312 : f32 to vector<16xf32>
      %swap3A_314 = arith.constant 0 : i32
      %swap3A_315 = arith.index_cast %swap3A_314 : i32 to index
      %swap3A_316 = arith.index_cast %scan3A_294 : i32 to index
      %swap3A_317 = arith.constant 32 : index
      %swap3A_318 = tpu.vector_load %arg7[%swap3A_315, %swap3A_316, %swap3A_317] {strides = array<i32>} : memref<4x64x128xf32, #tpu.memory_space<vmem>>, vector<1x1x16xf32>,
      %swap3A_319 = vector.shape_cast %swap3A_318 : vector<1x1x16xf32> to vector<16xf32>
      %swap3A_320 = vector.shape_cast %broadcast_in_dim3A_313 : vector<16xf32> to vector<1x1x16xf32>
      tpu.vector_store %arg7[%swap3A_315, %swap3A_316, %swap3A_317], %swap3A_320 {strides = array<i32>} : memref<4x64x128xf32, #tpu.memory_space<vmem>>, vector<1x1x16xf32>,
      %broadcast_in_dim3A_321 = arith.constant 0.000000e+00 : f32
      %broadcast_in_dim3A_322 = vector.broadcast %broadcast_in_dim3A_321 : f32 to vector<16xf32>
      %swap3A_323 = arith.constant 0 : i32
      %swap3A_324 = arith.index_cast %swap3A_323 : i32 to index
      %swap3A_325 = arith.index_cast %scan3A_294 : i32 to index
      %swap3A_326 = arith.constant 48 : index
      %swap3A_327 = tpu.vector_load %arg7[%swap3A_324, %swap3A_325, %swap3A_326] {strides = array<i32>} : memref<4x64x128xf32, #tpu.memory_space<vmem>>, vector<1x1x16xf32>,
      %swap3A_328 = vector.shape_cast %swap3A_327 : vector<1x1x16xf32> to vector<16xf32>
      %swap3A_329 = vector.shape_cast %broadcast_in_dim3A_322 : vector<16xf32> to vector<1x1x16xf32>
      tpu.vector_store %arg7[%swap3A_324, %swap3A_325, %swap3A_326], %swap3A_329 {strides = array<i32>} : memref<4x64x128xf32, #tpu.memory_space<vmem>>, vector<1x1x16xf32>,
      %broadcast_in_dim3A_330 = arith.constant 0.000000e+00 : f32
      %broadcast_in_dim3A_331 = vector.broadcast %broadcast_in_dim3A_330 : f32 to vector<16xf32>
      %swap3A_332 = arith.constant 0 : i32
      %swap3A_333 = arith.index_cast %swap3A_332 : i32 to index
      %swap3A_334 = arith.index_cast %scan3A_294 : i32 to index
      %swap3A_335 = arith.constant 64 : index
      %swap3A_336 = tpu.vector_load %arg7[%swap3A_333, %swap3A_334, %swap3A_335] {strides = array<i32>} : memref<4x64x128xf32, #tpu.memory_space<vmem>>, vector<1x1x16xf32>,
      %swap3A_337 = vector.shape_cast %swap3A_336 : vector<1x1x16xf32> to vector<16xf32>
      %swap3A_338 = vector.shape_cast %broadcast_in_dim3A_331 : vector<16xf32> to vector<1x1x16xf32>
      tpu.vector_store %arg7[%swap3A_333, %swap3A_334, %swap3A_335], %swap3A_338 {strides = array<i32>} : memref<4x64x128xf32, #tpu.memory_space<vmem>>, vector<1x1x16xf32>,
      %broadcast_in_dim3A_339 = arith.constant 0.000000e+00 : f32
      %broadcast_in_dim3A_340 = vector.broadcast %broadcast_in_dim3A_339 : f32 to vector<16xf32>
      %swap3A_341 = arith.constant 0 : i32
      %swap3A_342 = arith.index_cast %swap3A_341 : i32 to index
      %swap3A_343 = arith.index_cast %scan3A_294 : i32 to index
      %swap3A_344 = arith.constant 80 : index
      %swap3A_345 = tpu.vector_load %arg7[%swap3A_342, %swap3A_343, %swap3A_344] {strides = array<i32>} : memref<4x64x128xf32, #tpu.memory_space<vmem>>, vector<1x1x16xf32>,
      %swap3A_346 = vector.shape_cast %swap3A_345 : vector<1x1x16xf32> to vector<16xf32>
      %swap3A_347 = vector.shape_cast %broadcast_in_dim3A_340 : vector<16xf32> to vector<1x1x16xf32>
      tpu.vector_store %arg7[%swap3A_342, %swap3A_343, %swap3A_344], %swap3A_347 {strides = array<i32>} : memref<4x64x128xf32, #tpu.memory_space<vmem>>, vector<1x1x16xf32>,
      %broadcast_in_dim3A_348 = arith.constant 0.000000e+00 : f32
      %broadcast_in_dim3A_349 = vector.broadcast %broadcast_in_dim3A_348 : f32 to vector<16xf32>
      %swap3A_350 = arith.constant 0 : i32
      %swap3A_351 = arith.index_cast %swap3A_350 : i32 to index
      %swap3A_352 = arith.index_cast %scan3A_294 : i32 to index
      %swap3A_353 = arith.constant 96 : index
      %swap3A_354 = tpu.vector_load %arg7[%swap3A_351, %swap3A_352, %swap3A_353] {strides = array<i32>} : memref<4x64x128xf32, #tpu.memory_space<vmem>>, vector<1x1x16xf32>,
      %swap3A_355 = vector.shape_cast %swap3A_354 : vector<1x1x16xf32> to vector<16xf32>
      %swap3A_356 = vector.shape_cast %broadcast_in_dim3A_349 : vector<16xf32> to vector<1x1x16xf32>
      tpu.vector_store %arg7[%swap3A_351, %swap3A_352, %swap3A_353], %swap3A_356 {strides = array<i32>} : memref<4x64x128xf32, #tpu.memory_space<vmem>>, vector<1x1x16xf32>,
      %broadcast_in_dim3A_357 = arith.constant 0.000000e+00 : f32
      %broadcast_in_dim3A_358 = vector.broadcast %broadcast_in_dim3A_357 : f32 to vector<16xf32>
      %swap3A_359 = arith.constant 0 : i32
      %swap3A_360 = arith.index_cast %swap3A_359 : i32 to index
      %swap3A_361 = arith.index_cast %scan3A_294 : i32 to index
      %swap3A_362 = arith.constant 112 : index
      %swap3A_363 = tpu.vector_load %arg7[%swap3A_360, %swap3A_361, %swap3A_362] {strides = array<i32>} : memref<4x64x128xf32, #tpu.memory_space<vmem>>, vector<1x1x16xf32>,
      %swap3A_364 = vector.shape_cast %swap3A_363 : vector<1x1x16xf32> to vector<16xf32>
      %swap3A_365 = vector.shape_cast %broadcast_in_dim3A_358 : vector<16xf32> to vector<1x1x16xf32>
      tpu.vector_store %arg7[%swap3A_360, %swap3A_361, %swap3A_362], %swap3A_365 {strides = array<i32>} : memref<4x64x128xf32, #tpu.memory_space<vmem>>, vector<1x1x16xf32>,
      %scan3A_366 = arith.constant 0 : i32
      scf.yield %scan3A_366 : i32
    }
    %scan3A_8 = arith.constant 64 : i32
    %add3A_9 = arith.constant 9984 : i32
    %add3A_10 = arith.addi %mul3A_2, %add3A_9 : i32
    %dma_start3A = tpu.memref_slice %arg3[%add3A_10] : memref<640000xi32, #tpu.memory_space<hbm>> -> memref<16xi32, #tpu.memory_space<hbm>>
    %dma_start3A_11 = tpu.memref_slice %arg3[%add3A_10] : memref<640000xi32, #tpu.memory_space<hbm>> -> memref<16xi32, #tpu.memory_space<hbm>>
    tpu.enqueue_dma source(%dma_start3A_11 : memref<16xi32, #tpu.memory_space<hbm>>) target(%arg8 : memref<16xi32, #tpu.memory_space<vmem>>) target_semaphore(%arg28 : memref<!tpu.dma_semaphore, #tpu.memory_space<semaphore_mem>>)
    %add3A_12 = arith.constant 320000 : i32
    %add3A_13 = arith.addi %add3A_12, %mul3A_2 : i32
    %add3A_14 = arith.constant 9984 : i32
    %add3A_15 = arith.addi %add3A_13, %add3A_14 : i32
    %dma_start3A_16 = tpu.memref_slice %arg3[%add3A_15] : memref<640000xi32, #tpu.memory_space<hbm>> -> memref<16xi32, #tpu.memory_space<hbm>>
    %dma_start3A_17 = tpu.memref_slice %arg3[%add3A_15] : memref<640000xi32, #tpu.memory_space<hbm>> -> memref<16xi32, #tpu.memory_space<hbm>>
    tpu.enqueue_dma source(%dma_start3A_17 : memref<16xi32, #tpu.memory_space<hbm>>) target(%arg9 : memref<16xi32, #tpu.memory_space<vmem>>) target_semaphore(%arg28 : memref<!tpu.dma_semaphore, #tpu.memory_space<semaphore_mem>>)
    %mul3A_18 = arith.constant 640 : i32
    %mul3A_19 = arith.muli %arg1, %mul3A_18 : i32
    %add3A_20 = arith.constant 0 : i32
    %add3A_21 = arith.addi %mul3A_19, %add3A_20 : i32
    %run_scoped3A = arith.constant 0 : i32
    "tpu.region"() ({
      %run_scoped3A_294 = tpu.sem_alloc : memref<!tpu.dma_semaphore, #tpu.memory_space<semaphore_mem>>
      %dma_start3A_295 = arith.constant 0 : i32
      %dma_start3A_296 = arith.constant 0 : i32
      %dma_start3A_297 = tpu.memref_slice %arg7[%run_scoped3A, %dma_start3A_295, %dma_start3A_296] : memref<4x64x128xf32, #tpu.memory_space<vmem>> -> memref<1x64x128xf32, #tpu.memory_space<vmem>>
      %dma_start3A_298 = tpu.memref_squeeze %dma_start3A_297 : memref<1x64x128xf32, #tpu.memory_space<vmem>> -> memref<64x128xf32, #tpu.memory_space<vmem>>
      %dma_start3A_299 = arith.constant 0 : i32
      %dma_start3A_300 = tpu.memref_slice %arg11[%add3A_21, %dma_start3A_299] : memref<10240x128xf32, #tpu.memory_space<vmem_shared>> -> memref<64x128xf32, #tpu.memory_space<vmem_shared>>
      %dma_start3A_301 = arith.constant 0 : i32
      %dma_start3A_302 = tpu.memref_slice %arg11[%add3A_21, %dma_start3A_301] : memref<10240x128xf32, #tpu.memory_space<vmem_shared>> -> memref<64x128xf32, #tpu.memory_space<vmem_shared>>
      %dma_start3A_303 = arith.constant 0 : i32
      %dma_start3A_304 = arith.constant 0 : i32
      %dma_start3A_305 = tpu.memref_slice %arg7[%run_scoped3A, %dma_start3A_303, %dma_start3A_304] : memref<4x64x128xf32, #tpu.memory_space<vmem>> -> memref<1x64x128xf32, #tpu.memory_space<vmem>>
      %dma_start3A_306 = tpu.memref_squeeze %dma_start3A_305 : memref<1x64x128xf32, #tpu.memory_space<vmem>> -> memref<64x128xf32, #tpu.memory_space<vmem>>
      tpu.enqueue_dma source(%dma_start3A_306 : memref<64x128xf32, #tpu.memory_space<vmem>>) target(%dma_start3A_302 : memref<64x128xf32, #tpu.memory_space<vmem_shared>>) target_semaphore(%run_scoped3A_294 : memref<!tpu.dma_semaphore, #tpu.memory_space<semaphore_mem>>)
      %dma_wait3A_307 = arith.constant 0 : i32
      %dma_wait3A_308 = arith.constant 0 : i32
      %dma_wait3A_309 = tpu.memref_slice %arg7[%run_scoped3A, %dma_wait3A_307, %dma_wait3A_308] : memref<4x64x128xf32, #tpu.memory_space<vmem>> -> memref<1x64x128xf32, #tpu.memory_space<vmem>>
      %dma_wait3A_310 = tpu.memref_squeeze %dma_wait3A_309 : memref<1x64x128xf32, #tpu.memory_space<vmem>> -> memref<64x128xf32, #tpu.memory_space<vmem>>
      %dma_wait3A_311 = arith.constant 0 : i32
      %dma_wait3A_312 = tpu.memref_slice %arg11[%add3A_21, %dma_wait3A_311] : memref<10240x128xf32, #tpu.memory_space<vmem_shared>> -> memref<64x128xf32, #tpu.memory_space<vmem_shared>>
      %dma_wait3A_313 = arith.constant 0 : i32
      %dma_wait3A_314 = tpu.memref_slice %arg11[%add3A_21, %dma_wait3A_313] : memref<10240x128xf32, #tpu.memory_space<vmem_shared>> -> memref<64x128xf32, #tpu.memory_space<vmem_shared>>
      %dma_wait3A_315 = arith.constant 0 : i32
      %dma_wait3A_316 = arith.constant 0 : i32
      %dma_wait3A_317 = tpu.memref_slice %arg7[%run_scoped3A, %dma_wait3A_315, %dma_wait3A_316] : memref<4x64x128xf32, #tpu.memory_space<vmem>> -> memref<1x64x128xf32, #tpu.memory_space<vmem>>
      %dma_wait3A_318 = tpu.memref_squeeze %dma_wait3A_317 : memref<1x64x128xf32, #tpu.memory_space<vmem>> -> memref<64x128xf32, #tpu.memory_space<vmem>>
      tpu.wait_dma2 semaphore(%run_scoped3A_294 : memref<!tpu.dma_semaphore, #tpu.memory_space<semaphore_mem>>) src(%dma_wait3A_318 : memref<64x128xf32, #tpu.memory_space<vmem>>) dst(%dma_wait3A_314 : memref<64x128xf32, #tpu.memory_space<vmem_shared>>)
      tpu.yield
    }) : () -> ()
    %mul3A_22 = arith.constant 640 : i32
    %mul3A_23 = arith.muli %arg1, %mul3A_22 : i32
    %add3A_24 = arith.constant 64 : i32
    %add3A_25 = arith.addi %mul3A_23, %add3A_24 : i32
    %run_scoped3A_26 = arith.constant 0 : i32
    "tpu.region"() ({
      %run_scoped3A_294 = tpu.sem_alloc : memref<!tpu.dma_semaphore, #tpu.memory_space<semaphore_mem>>
      %dma_start3A_295 = arith.constant 0 : i32
      %dma_start3A_296 = arith.constant 0 : i32
      %dma_start3A_297 = tpu.memref_slice %arg7[%run_scoped3A_26, %dma_start3A_295, %dma_start3A_296] : memref<4x64x128xf32, #tpu.memory_space<vmem>> -> memref<1x64x128xf32, #tpu.memory_space<vmem>>
      %dma_start3A_298 = tpu.memref_squeeze %dma_start3A_297 : memref<1x64x128xf32, #tpu.memory_space<vmem>> -> memref<64x128xf32, #tpu.memory_space<vmem>>
      %dma_start3A_299 = arith.constant 0 : i32
      %dma_start3A_300 = tpu.memref_slice %arg11[%add3A_25, %dma_start3A_299] : memref<10240x128xf32, #tpu.memory_space<vmem_shared>> -> memref<64x128xf32, #tpu.memory_space<vmem_shared>>
      %dma_start3A_301 = arith.constant 0 : i32
      %dma_start3A_302 = tpu.memref_slice %arg11[%add3A_25, %dma_start3A_301] : memref<10240x128xf32, #tpu.memory_space<vmem_shared>> -> memref<64x128xf32, #tpu.memory_space<vmem_shared>>
      %dma_start3A_303 = arith.constant 0 : i32
      %dma_start3A_304 = arith.constant 0 : i32
      %dma_start3A_305 = tpu.memref_slice %arg7[%run_scoped3A_26, %dma_start3A_303, %dma_start3A_304] : memref<4x64x128xf32, #tpu.memory_space<vmem>> -> memref<1x64x128xf32, #tpu.memory_space<vmem>>
      %dma_start3A_306 = tpu.memref_squeeze %dma_start3A_305 : memref<1x64x128xf32, #tpu.memory_space<vmem>> -> memref<64x128xf32, #tpu.memory_space<vmem>>
      tpu.enqueue_dma source(%dma_start3A_306 : memref<64x128xf32, #tpu.memory_space<vmem>>) target(%dma_start3A_302 : memref<64x128xf32, #tpu.memory_space<vmem_shared>>) target_semaphore(%run_scoped3A_294 : memref<!tpu.dma_semaphore, #tpu.memory_space<semaphore_mem>>)
      %dma_wait3A_307 = arith.constant 0 : i32
      %dma_wait3A_308 = arith.constant 0 : i32
      %dma_wait3A_309 = tpu.memref_slice %arg7[%run_scoped3A_26, %dma_wait3A_307, %dma_wait3A_308] : memref<4x64x128xf32, #tpu.memory_space<vmem>> -> memref<1x64x128xf32, #tpu.memory_space<vmem>>
      %dma_wait3A_310 = tpu.memref_squeeze %dma_wait3A_309 : memref<1x64x128xf32, #tpu.memory_space<vmem>> -> memref<64x128xf32, #tpu.memory_space<vmem>>
      %dma_wait3A_311 = arith.constant 0 : i32
      %dma_wait3A_312 = tpu.memref_slice %arg11[%add3A_25, %dma_wait3A_311] : memref<10240x128xf32, #tpu.memory_space<vmem_shared>> -> memref<64x128xf32, #tpu.memory_space<vmem_shared>>
      %dma_wait3A_313 = arith.constant 0 : i32
      %dma_wait3A_314 = tpu.memref_slice %arg11[%add3A_25, %dma_wait3A_313] : memref<10240x128xf32, #tpu.memory_space<vmem_shared>> -> memref<64x128xf32, #tpu.memory_space<vmem_shared>>
      %dma_wait3A_315 = arith.constant 0 : i32
      %dma_wait3A_316 = arith.constant 0 : i32
      %dma_wait3A_317 = tpu.memref_slice %arg7[%run_scoped3A_26, %dma_wait3A_315, %dma_wait3A_316] : memref<4x64x128xf32, #tpu.memory_space<vmem>> -> memref<1x64x128xf32, #tpu.memory_space<vmem>>
      %dma_wait3A_318 = tpu.memref_squeeze %dma_wait3A_317 : memref<1x64x128xf32, #tpu.memory_space<vmem>> -> memref<64x128xf32, #tpu.memory_space<vmem>>
      tpu.wait_dma2 semaphore(%run_scoped3A_294 : memref<!tpu.dma_semaphore, #tpu.memory_space<semaphore_mem>>) src(%dma_wait3A_318 : memref<64x128xf32, #tpu.memory_space<vmem>>) dst(%dma_wait3A_314 : memref<64x128xf32, #tpu.memory_space<vmem_shared>>)
      tpu.yield
    }) : () -> ()
    %mul3A_27 = arith.constant 640 : i32
    %mul3A_28 = arith.muli %arg1, %mul3A_27 : i32
    %add3A_29 = arith.constant 128 : i32
    %add3A_30 = arith.addi %mul3A_28, %add3A_29 : i32
    %run_scoped3A_31 = arith.constant 0 : i32
    "tpu.region"() ({
      %run_scoped3A_294 = tpu.sem_alloc : memref<!tpu.dma_semaphore, #tpu.memory_space<semaphore_mem>>
      %dma_start3A_295 = arith.constant 0 : i32
      %dma_start3A_296 = arith.constant 0 : i32
      %dma_start3A_297 = tpu.memref_slice %arg7[%run_scoped3A_31, %dma_start3A_295, %dma_start3A_296] : memref<4x64x128xf32, #tpu.memory_space<vmem>> -> memref<1x64x128xf32, #tpu.memory_space<vmem>>
      %dma_start3A_298 = tpu.memref_squeeze %dma_start3A_297 : memref<1x64x128xf32, #tpu.memory_space<vmem>> -> memref<64x128xf32, #tpu.memory_space<vmem>>
      %dma_start3A_299 = arith.constant 0 : i32
      %dma_start3A_300 = tpu.memref_slice %arg11[%add3A_30, %dma_start3A_299] : memref<10240x128xf32, #tpu.memory_space<vmem_shared>> -> memref<64x128xf32, #tpu.memory_space<vmem_shared>>
      %dma_start3A_301 = arith.constant 0 : i32
      %dma_start3A_302 = tpu.memref_slice %arg11[%add3A_30, %dma_start3A_301] : memref<10240x128xf32, #tpu.memory_space<vmem_shared>> -> memref<64x128xf32, #tpu.memory_space<vmem_shared>>
      %dma_start3A_303 = arith.constant 0 : i32
      %dma_start3A_304 = arith.constant 0 : i32
      %dma_start3A_305 = tpu.memref_slice %arg7[%run_scoped3A_31, %dma_start3A_303, %dma_start3A_304] : memref<4x64x128xf32, #tpu.memory_space<vmem>> -> memref<1x64x128xf32, #tpu.memory_space<vmem>>
      %dma_start3A_306 = tpu.memref_squeeze %dma_start3A_305 : memref<1x64x128xf32, #tpu.memory_space<vmem>> -> memref<64x128xf32, #tpu.memory_space<vmem>>
      tpu.enqueue_dma source(%dma_start3A_306 : memref<64x128xf32, #tpu.memory_space<vmem>>) target(%dma_start3A_302 : memref<64x128xf32, #tpu.memory_space<vmem_shared>>) target_semaphore(%run_scoped3A_294 : memref<!tpu.dma_semaphore, #tpu.memory_space<semaphore_mem>>)
      %dma_wait3A_307 = arith.constant 0 : i32
      %dma_wait3A_308 = arith.constant 0 : i32
      %dma_wait3A_309 = tpu.memref_slice %arg7[%run_scoped3A_31, %dma_wait3A_307, %dma_wait3A_308] : memref<4x64x128xf32, #tpu.memory_space<vmem>> -> memref<1x64x128xf32, #tpu.memory_space<vmem>>
      %dma_wait3A_310 = tpu.memref_squeeze %dma_wait3A_309 : memref<1x64x128xf32, #tpu.memory_space<vmem>> -> memref<64x128xf32, #tpu.memory_space<vmem>>
      %dma_wait3A_311 = arith.constant 0 : i32
      %dma_wait3A_312 = tpu.memref_slice %arg11[%add3A_30, %dma_wait3A_311] : memref<10240x128xf32, #tpu.memory_space<vmem_shared>> -> memref<64x128xf32, #tpu.memory_space<vmem_shared>>
      %dma_wait3A_313 = arith.constant 0 : i32
      %dma_wait3A_314 = tpu.memref_slice %arg11[%add3A_30, %dma_wait3A_313] : memref<10240x128xf32, #tpu.memory_space<vmem_shared>> -> memref<64x128xf32, #tpu.memory_space<vmem_shared>>
      %dma_wait3A_315 = arith.constant 0 : i32
      %dma_wait3A_316 = arith.constant 0 : i32
      %dma_wait3A_317 = tpu.memref_slice %arg7[%run_scoped3A_31, %dma_wait3A_315, %dma_wait3A_316] : memref<4x64x128xf32, #tpu.memory_space<vmem>> -> memref<1x64x128xf32, #tpu.memory_space<vmem>>
      %dma_wait3A_318 = tpu.memref_squeeze %dma_wait3A_317 : memref<1x64x128xf32, #tpu.memory_space<vmem>> -> memref<64x128xf32, #tpu.memory_space<vmem>>
      tpu.wait_dma2 semaphore(%run_scoped3A_294 : memref<!tpu.dma_semaphore, #tpu.memory_space<semaphore_mem>>) src(%dma_wait3A_318 : memref<64x128xf32, #tpu.memory_space<vmem>>) dst(%dma_wait3A_314 : memref<64x128xf32, #tpu.memory_space<vmem_shared>>)
      tpu.yield
    }) : () -> ()
    %mul3A_32 = arith.constant 640 : i32
    %mul3A_33 = arith.muli %arg1, %mul3A_32 : i32
    %add3A_34 = arith.constant 192 : i32
    %add3A_35 = arith.addi %mul3A_33, %add3A_34 : i32
    %run_scoped3A_36 = arith.constant 0 : i32
    "tpu.region"() ({
      %run_scoped3A_294 = tpu.sem_alloc : memref<!tpu.dma_semaphore, #tpu.memory_space<semaphore_mem>>
      %dma_start3A_295 = arith.constant 0 : i32
      %dma_start3A_296 = arith.constant 0 : i32
      %dma_start3A_297 = tpu.memref_slice %arg7[%run_scoped3A_36, %dma_start3A_295, %dma_start3A_296] : memref<4x64x128xf32, #tpu.memory_space<vmem>> -> memref<1x64x128xf32, #tpu.memory_space<vmem>>
      %dma_start3A_298 = tpu.memref_squeeze %dma_start3A_297 : memref<1x64x128xf32, #tpu.memory_space<vmem>> -> memref<64x128xf32, #tpu.memory_space<vmem>>
      %dma_start3A_299 = arith.constant 0 : i32
      %dma_start3A_300 = tpu.memref_slice %arg11[%add3A_35, %dma_start3A_299] : memref<10240x128xf32, #tpu.memory_space<vmem_shared>> -> memref<64x128xf32, #tpu.memory_space<vmem_shared>>
      %dma_start3A_301 = arith.constant 0 : i32
      %dma_start3A_302 = tpu.memref_slice %arg11[%add3A_35, %dma_start3A_301] : memref<10240x128xf32, #tpu.memory_space<vmem_shared>> -> memref<64x128xf32, #tpu.memory_space<vmem_shared>>
      %dma_start3A_303 = arith.constant 0 : i32
      %dma_start3A_304 = arith.constant 0 : i32
      %dma_start3A_305 = tpu.memref_slice %arg7[%run_scoped3A_36, %dma_start3A_303, %dma_start3A_304] : memref<4x64x128xf32, #tpu.memory_space<vmem>> -> memref<1x64x128xf32, #tpu.memory_space<vmem>>
      %dma_start3A_306 = tpu.memref_squeeze %dma_start3A_305 : memref<1x64x128xf32, #tpu.memory_space<vmem>> -> memref<64x128xf32, #tpu.memory_space<vmem>>
      tpu.enqueue_dma source(%dma_start3A_306 : memref<64x128xf32, #tpu.memory_space<vmem>>) target(%dma_start3A_302 : memref<64x128xf32, #tpu.memory_space<vmem_shared>>) target_semaphore(%run_scoped3A_294 : memref<!tpu.dma_semaphore, #tpu.memory_space<semaphore_mem>>)
      %dma_wait3A_307 = arith.constant 0 : i32
      %dma_wait3A_308 = arith.constant 0 : i32
      %dma_wait3A_309 = tpu.memref_slice %arg7[%run_scoped3A_36, %dma_wait3A_307, %dma_wait3A_308] : memref<4x64x128xf32, #tpu.memory_space<vmem>> -> memref<1x64x128xf32, #tpu.memory_space<vmem>>
      %dma_wait3A_310 = tpu.memref_squeeze %dma_wait3A_309 : memref<1x64x128xf32, #tpu.memory_space<vmem>> -> memref<64x128xf32, #tpu.memory_space<vmem>>
      %dma_wait3A_311 = arith.constant 0 : i32
      %dma_wait3A_312 = tpu.memref_slice %arg11[%add3A_35, %dma_wait3A_311] : memref<10240x128xf32, #tpu.memory_space<vmem_shared>> -> memref<64x128xf32, #tpu.memory_space<vmem_shared>>
      %dma_wait3A_313 = arith.constant 0 : i32
      %dma_wait3A_314 = tpu.memref_slice %arg11[%add3A_35, %dma_wait3A_313] : memref<10240x128xf32, #tpu.memory_space<vmem_shared>> -> memref<64x128xf32, #tpu.memory_space<vmem_shared>>
      %dma_wait3A_315 = arith.constant 0 : i32
      %dma_wait3A_316 = arith.constant 0 : i32
      %dma_wait3A_317 = tpu.memref_slice %arg7[%run_scoped3A_36, %dma_wait3A_315, %dma_wait3A_316] : memref<4x64x128xf32, #tpu.memory_space<vmem>> -> memref<1x64x128xf32, #tpu.memory_space<vmem>>
      %dma_wait3A_318 = tpu.memref_squeeze %dma_wait3A_317 : memref<1x64x128xf32, #tpu.memory_space<vmem>> -> memref<64x128xf32, #tpu.memory_space<vmem>>
      tpu.wait_dma2 semaphore(%run_scoped3A_294 : memref<!tpu.dma_semaphore, #tpu.memory_space<semaphore_mem>>) src(%dma_wait3A_318 : memref<64x128xf32, #tpu.memory_space<vmem>>) dst(%dma_wait3A_314 : memref<64x128xf32, #tpu.memory_space<vmem_shared>>)
      tpu.yield
    }) : () -> ()
    %mul3A_37 = arith.constant 640 : i32
    %mul3A_38 = arith.muli %arg1, %mul3A_37 : i32
    %add3A_39 = arith.constant 256 : i32
    %add3A_40 = arith.addi %mul3A_38, %add3A_39 : i32
    %run_scoped3A_41 = arith.constant 0 : i32
    "tpu.region"() ({
      %run_scoped3A_294 = tpu.sem_alloc : memref<!tpu.dma_semaphore, #tpu.memory_space<semaphore_mem>>
      %dma_start3A_295 = arith.constant 0 : i32
      %dma_start3A_296 = arith.constant 0 : i32
      %dma_start3A_297 = tpu.memref_slice %arg7[%run_scoped3A_41, %dma_start3A_295, %dma_start3A_296] : memref<4x64x128xf32, #tpu.memory_space<vmem>> -> memref<1x64x128xf32, #tpu.memory_space<vmem>>
      %dma_start3A_298 = tpu.memref_squeeze %dma_start3A_297 : memref<1x64x128xf32, #tpu.memory_space<vmem>> -> memref<64x128xf32, #tpu.memory_space<vmem>>
      %dma_start3A_299 = arith.constant 0 : i32
      %dma_start3A_300 = tpu.memref_slice %arg11[%add3A_40, %dma_start3A_299] : memref<10240x128xf32, #tpu.memory_space<vmem_shared>> -> memref<64x128xf32, #tpu.memory_space<vmem_shared>>
      %dma_start3A_301 = arith.constant 0 : i32
      %dma_start3A_302 = tpu.memref_slice %arg11[%add3A_40, %dma_start3A_301] : memref<10240x128xf32, #tpu.memory_space<vmem_shared>> -> memref<64x128xf32, #tpu.memory_space<vmem_shared>>
      %dma_start3A_303 = arith.constant 0 : i32
      %dma_start3A_304 = arith.constant 0 : i32
      %dma_start3A_305 = tpu.memref_slice %arg7[%run_scoped3A_41, %dma_start3A_303, %dma_start3A_304] : memref<4x64x128xf32, #tpu.memory_space<vmem>> -> memref<1x64x128xf32, #tpu.memory_space<vmem>>
      %dma_start3A_306 = tpu.memref_squeeze %dma_start3A_305 : memref<1x64x128xf32, #tpu.memory_space<vmem>> -> memref<64x128xf32, #tpu.memory_space<vmem>>
      tpu.enqueue_dma source(%dma_start3A_306 : memref<64x128xf32, #tpu.memory_space<vmem>>) target(%dma_start3A_302 : memref<64x128xf32, #tpu.memory_space<vmem_shared>>) target_semaphore(%run_scoped3A_294 : memref<!tpu.dma_semaphore, #tpu.memory_space<semaphore_mem>>)
      %dma_wait3A_307 = arith.constant 0 : i32
      %dma_wait3A_308 = arith.constant 0 : i32
      %dma_wait3A_309 = tpu.memref_slice %arg7[%run_scoped3A_41, %dma_wait3A_307, %dma_wait3A_308] : memref<4x64x128xf32, #tpu.memory_space<vmem>> -> memref<1x64x128xf32, #tpu.memory_space<vmem>>
      %dma_wait3A_310 = tpu.memref_squeeze %dma_wait3A_309 : memref<1x64x128xf32, #tpu.memory_space<vmem>> -> memref<64x128xf32, #tpu.memory_space<vmem>>
      %dma_wait3A_311 = arith.constant 0 : i32
      %dma_wait3A_312 = tpu.memref_slice %arg11[%add3A_40, %dma_wait3A_311] : memref<10240x128xf32, #tpu.memory_space<vmem_shared>> -> memref<64x128xf32, #tpu.memory_space<vmem_shared>>
      %dma_wait3A_313 = arith.constant 0 : i32
      %dma_wait3A_314 = tpu.memref_slice %arg11[%add3A_40, %dma_wait3A_313] : memref<10240x128xf32, #tpu.memory_space<vmem_shared>> -> memref<64x128xf32, #tpu.memory_space<vmem_shared>>
      %dma_wait3A_315 = arith.constant 0 : i32
      %dma_wait3A_316 = arith.constant 0 : i32
      %dma_wait3A_317 = tpu.memref_slice %arg7[%run_scoped3A_41, %dma_wait3A_315, %dma_wait3A_316] : memref<4x64x128xf32, #tpu.memory_space<vmem>> -> memref<1x64x128xf32, #tpu.memory_space<vmem>>
      %dma_wait3A_318 = tpu.memref_squeeze %dma_wait3A_317 : memref<1x64x128xf32, #tpu.memory_space<vmem>> -> memref<64x128xf32, #tpu.memory_space<vmem>>
      tpu.wait_dma2 semaphore(%run_scoped3A_294 : memref<!tpu.dma_semaphore, #tpu.memory_space<semaphore_mem>>) src(%dma_wait3A_318 : memref<64x128xf32, #tpu.memory_space<vmem>>) dst(%dma_wait3A_314 : memref<64x128xf32, #tpu.memory_space<vmem_shared>>)
      tpu.yield
    }) : () -> ()
    %mul3A_42 = arith.constant 640 : i32
    %mul3A_43 = arith.muli %arg1, %mul3A_42 : i32
    %add3A_44 = arith.constant 320 : i32
    %add3A_45 = arith.addi %mul3A_43, %add3A_44 : i32
    %run_scoped3A_46 = arith.constant 0 : i32
    "tpu.region"() ({
      %run_scoped3A_294 = tpu.sem_alloc : memref<!tpu.dma_semaphore, #tpu.memory_space<semaphore_mem>>
      %dma_start3A_295 = arith.constant 0 : i32
      %dma_start3A_296 = arith.constant 0 : i32
      %dma_start3A_297 = tpu.memref_slice %arg7[%run_scoped3A_46, %dma_start3A_295, %dma_start3A_296] : memref<4x64x128xf32, #tpu.memory_space<vmem>> -> memref<1x64x128xf32, #tpu.memory_space<vmem>>
      %dma_start3A_298 = tpu.memref_squeeze %dma_start3A_297 : memref<1x64x128xf32, #tpu.memory_space<vmem>> -> memref<64x128xf32, #tpu.memory_space<vmem>>
      %dma_start3A_299 = arith.constant 0 : i32
      %dma_start3A_300 = tpu.memref_slice %arg11[%add3A_45, %dma_start3A_299] : memref<10240x128xf32, #tpu.memory_space<vmem_shared>> -> memref<64x128xf32, #tpu.memory_space<vmem_shared>>
      %dma_start3A_301 = arith.constant 0 : i32
      %dma_start3A_302 = tpu.memref_slice %arg11[%add3A_45, %dma_start3A_301] : memref<10240x128xf32, #tpu.memory_space<vmem_shared>> -> memref<64x128xf32, #tpu.memory_space<vmem_shared>>
      %dma_start3A_303 = arith.constant 0 : i32
      %dma_start3A_304 = arith.constant 0 : i32
      %dma_start3A_305 = tpu.memref_slice %arg7[%run_scoped3A_46, %dma_start3A_303, %dma_start3A_304] : memref<4x64x128xf32, #tpu.memory_space<vmem>> -> memref<1x64x128xf32, #tpu.memory_space<vmem>>
      %dma_start3A_306 = tpu.memref_squeeze %dma_start3A_305 : memref<1x64x128xf32, #tpu.memory_space<vmem>> -> memref<64x128xf32, #tpu.memory_space<vmem>>
      tpu.enqueue_dma source(%dma_start3A_306 : memref<64x128xf32, #tpu.memory_space<vmem>>) target(%dma_start3A_302 : memref<64x128xf32, #tpu.memory_space<vmem_shared>>) target_semaphore(%run_scoped3A_294 : memref<!tpu.dma_semaphore, #tpu.memory_space<semaphore_mem>>)
      %dma_wait3A_307 = arith.constant 0 : i32
      %dma_wait3A_308 = arith.constant 0 : i32
      %dma_wait3A_309 = tpu.memref_slice %arg7[%run_scoped3A_46, %dma_wait3A_307, %dma_wait3A_308] : memref<4x64x128xf32, #tpu.memory_space<vmem>> -> memref<1x64x128xf32, #tpu.memory_space<vmem>>
      %dma_wait3A_310 = tpu.memref_squeeze %dma_wait3A_309 : memref<1x64x128xf32, #tpu.memory_space<vmem>> -> memref<64x128xf32, #tpu.memory_space<vmem>>
      %dma_wait3A_311 = arith.constant 0 : i32
      %dma_wait3A_312 = tpu.memref_slice %arg11[%add3A_45, %dma_wait3A_311] : memref<10240x128xf32, #tpu.memory_space<vmem_shared>> -> memref<64x128xf32, #tpu.memory_space<vmem_shared>>
      %dma_wait3A_313 = arith.constant 0 : i32
      %dma_wait3A_314 = tpu.memref_slice %arg11[%add3A_45, %dma_wait3A_313] : memref<10240x128xf32, #tpu.memory_space<vmem_shared>> -> memref<64x128xf32, #tpu.memory_space<vmem_shared>>
      %dma_wait3A_315 = arith.constant 0 : i32
      %dma_wait3A_316 = arith.constant 0 : i32
      %dma_wait3A_317 = tpu.memref_slice %arg7[%run_scoped3A_46, %dma_wait3A_315, %dma_wait3A_316] : memref<4x64x128xf32, #tpu.memory_space<vmem>> -> memref<1x64x128xf32, #tpu.memory_space<vmem>>
      %dma_wait3A_318 = tpu.memref_squeeze %dma_wait3A_317 : memref<1x64x128xf32, #tpu.memory_space<vmem>> -> memref<64x128xf32, #tpu.memory_space<vmem>>
      tpu.wait_dma2 semaphore(%run_scoped3A_294 : memref<!tpu.dma_semaphore, #tpu.memory_space<semaphore_mem>>) src(%dma_wait3A_318 : memref<64x128xf32, #tpu.memory_space<vmem>>) dst(%dma_wait3A_314 : memref<64x128xf32, #tpu.memory_space<vmem_shared>>)
      tpu.yield
    }) : () -> ()
    %mul3A_47 = arith.constant 640 : i32
    %mul3A_48 = arith.muli %arg1, %mul3A_47 : i32
    %add3A_49 = arith.constant 384 : i32
    %add3A_50 = arith.addi %mul3A_48, %add3A_49 : i32
    %run_scoped3A_51 = arith.constant 0 : i32
    "tpu.region"() ({
      %run_scoped3A_294 = tpu.sem_alloc : memref<!tpu.dma_semaphore, #tpu.memory_space<semaphore_mem>>
      %dma_start3A_295 = arith.constant 0 : i32
      %dma_start3A_296 = arith.constant 0 : i32
      %dma_start3A_297 = tpu.memref_slice %arg7[%run_scoped3A_51, %dma_start3A_295, %dma_start3A_296] : memref<4x64x128xf32, #tpu.memory_space<vmem>> -> memref<1x64x128xf32, #tpu.memory_space<vmem>>
      %dma_start3A_298 = tpu.memref_squeeze %dma_start3A_297 : memref<1x64x128xf32, #tpu.memory_space<vmem>> -> memref<64x128xf32, #tpu.memory_space<vmem>>
      %dma_start3A_299 = arith.constant 0 : i32
      %dma_start3A_300 = tpu.memref_slice %arg11[%add3A_50, %dma_start3A_299] : memref<10240x128xf32, #tpu.memory_space<vmem_shared>> -> memref<64x128xf32, #tpu.memory_space<vmem_shared>>
      %dma_start3A_301 = arith.constant 0 : i32
      %dma_start3A_302 = tpu.memref_slice %arg11[%add3A_50, %dma_start3A_301] : memref<10240x128xf32, #tpu.memory_space<vmem_shared>> -> memref<64x128xf32, #tpu.memory_space<vmem_shared>>
      %dma_start3A_303 = arith.constant 0 : i32
      %dma_start3A_304 = arith.constant 0 : i32
      %dma_start3A_305 = tpu.memref_slice %arg7[%run_scoped3A_51, %dma_start3A_303, %dma_start3A_304] : memref<4x64x128xf32, #tpu.memory_space<vmem>> -> memref<1x64x128xf32, #tpu.memory_space<vmem>>
      %dma_start3A_306 = tpu.memref_squeeze %dma_start3A_305 : memref<1x64x128xf32, #tpu.memory_space<vmem>> -> memref<64x128xf32, #tpu.memory_space<vmem>>
      tpu.enqueue_dma source(%dma_start3A_306 : memref<64x128xf32, #tpu.memory_space<vmem>>) target(%dma_start3A_302 : memref<64x128xf32, #tpu.memory_space<vmem_shared>>) target_semaphore(%run_scoped3A_294 : memref<!tpu.dma_semaphore, #tpu.memory_space<semaphore_mem>>)
      %dma_wait3A_307 = arith.constant 0 : i32
      %dma_wait3A_308 = arith.constant 0 : i32
      %dma_wait3A_309 = tpu.memref_slice %arg7[%run_scoped3A_51, %dma_wait3A_307, %dma_wait3A_308] : memref<4x64x128xf32, #tpu.memory_space<vmem>> -> memref<1x64x128xf32, #tpu.memory_space<vmem>>
      %dma_wait3A_310 = tpu.memref_squeeze %dma_wait3A_309 : memref<1x64x128xf32, #tpu.memory_space<vmem>> -> memref<64x128xf32, #tpu.memory_space<vmem>>
      %dma_wait3A_311 = arith.constant 0 : i32
      %dma_wait3A_312 = tpu.memref_slice %arg11[%add3A_50, %dma_wait3A_311] : memref<10240x128xf32, #tpu.memory_space<vmem_shared>> -> memref<64x128xf32, #tpu.memory_space<vmem_shared>>
      %dma_wait3A_313 = arith.constant 0 : i32
      %dma_wait3A_314 = tpu.memref_slice %arg11[%add3A_50, %dma_wait3A_313] : memref<10240x128xf32, #tpu.memory_space<vmem_shared>> -> memref<64x128xf32, #tpu.memory_space<vmem_shared>>
      %dma_wait3A_315 = arith.constant 0 : i32
      %dma_wait3A_316 = arith.constant 0 : i32
      %dma_wait3A_317 = tpu.memref_slice %arg7[%run_scoped3A_51, %dma_wait3A_315, %dma_wait3A_316] : memref<4x64x128xf32, #tpu.memory_space<vmem>> -> memref<1x64x128xf32, #tpu.memory_space<vmem>>
      %dma_wait3A_318 = tpu.memref_squeeze %dma_wait3A_317 : memref<1x64x128xf32, #tpu.memory_space<vmem>> -> memref<64x128xf32, #tpu.memory_space<vmem>>
      tpu.wait_dma2 semaphore(%run_scoped3A_294 : memref<!tpu.dma_semaphore, #tpu.memory_space<semaphore_mem>>) src(%dma_wait3A_318 : memref<64x128xf32, #tpu.memory_space<vmem>>) dst(%dma_wait3A_314 : memref<64x128xf32, #tpu.memory_space<vmem_shared>>)
      tpu.yield
    }) : () -> ()
    %mul3A_52 = arith.constant 640 : i32
    %mul3A_53 = arith.muli %arg1, %mul3A_52 : i32
    %add3A_54 = arith.constant 448 : i32
    %add3A_55 = arith.addi %mul3A_53, %add3A_54 : i32
    %run_scoped3A_56 = arith.constant 0 : i32
    "tpu.region"() ({
      %run_scoped3A_294 = tpu.sem_alloc : memref<!tpu.dma_semaphore, #tpu.memory_space<semaphore_mem>>
      %dma_start3A_295 = arith.constant 0 : i32
      %dma_start3A_296 = arith.constant 0 : i32
      %dma_start3A_297 = tpu.memref_slice %arg7[%run_scoped3A_56, %dma_start3A_295, %dma_start3A_296] : memref<4x64x128xf32, #tpu.memory_space<vmem>> -> memref<1x64x128xf32, #tpu.memory_space<vmem>>
      %dma_start3A_298 = tpu.memref_squeeze %dma_start3A_297 : memref<1x64x128xf32, #tpu.memory_space<vmem>> -> memref<64x128xf32, #tpu.memory_space<vmem>>
      %dma_start3A_299 = arith.constant 0 : i32
      %dma_start3A_300 = tpu.memref_slice %arg11[%add3A_55, %dma_start3A_299] : memref<10240x128xf32, #tpu.memory_space<vmem_shared>> -> memref<64x128xf32, #tpu.memory_space<vmem_shared>>
      %dma_start3A_301 = arith.constant 0 : i32
      %dma_start3A_302 = tpu.memref_slice %arg11[%add3A_55, %dma_start3A_301] : memref<10240x128xf32, #tpu.memory_space<vmem_shared>> -> memref<64x128xf32, #tpu.memory_space<vmem_shared>>
      %dma_start3A_303 = arith.constant 0 : i32
      %dma_start3A_304 = arith.constant 0 : i32
      %dma_start3A_305 = tpu.memref_slice %arg7[%run_scoped3A_56, %dma_start3A_303, %dma_start3A_304] : memref<4x64x128xf32, #tpu.memory_space<vmem>> -> memref<1x64x128xf32, #tpu.memory_space<vmem>>
      %dma_start3A_306 = tpu.memref_squeeze %dma_start3A_305 : memref<1x64x128xf32, #tpu.memory_space<vmem>> -> memref<64x128xf32, #tpu.memory_space<vmem>>
      tpu.enqueue_dma source(%dma_start3A_306 : memref<64x128xf32, #tpu.memory_space<vmem>>) target(%dma_start3A_302 : memref<64x128xf32, #tpu.memory_space<vmem_shared>>) target_semaphore(%run_scoped3A_294 : memref<!tpu.dma_semaphore, #tpu.memory_space<semaphore_mem>>)
      %dma_wait3A_307 = arith.constant 0 : i32
      %dma_wait3A_308 = arith.constant 0 : i32
      %dma_wait3A_309 = tpu.memref_slice %arg7[%run_scoped3A_56, %dma_wait3A_307, %dma_wait3A_308] : memref<4x64x128xf32, #tpu.memory_space<vmem>> -> memref<1x64x128xf32, #tpu.memory_space<vmem>>
      %dma_wait3A_310 = tpu.memref_squeeze %dma_wait3A_309 : memref<1x64x128xf32, #tpu.memory_space<vmem>> -> memref<64x128xf32, #tpu.memory_space<vmem>>
      %dma_wait3A_311 = arith.constant 0 : i32
      %dma_wait3A_312 = tpu.memref_slice %arg11[%add3A_55, %dma_wait3A_311] : memref<10240x128xf32, #tpu.memory_space<vmem_shared>> -> memref<64x128xf32, #tpu.memory_space<vmem_shared>>
      %dma_wait3A_313 = arith.constant 0 : i32
      %dma_wait3A_314 = tpu.memref_slice %arg11[%add3A_55, %dma_wait3A_313] : memref<10240x128xf32, #tpu.memory_space<vmem_shared>> -> memref<64x128xf32, #tpu.memory_space<vmem_shared>>
      %dma_wait3A_315 = arith.constant 0 : i32
      %dma_wait3A_316 = arith.constant 0 : i32
      %dma_wait3A_317 = tpu.memref_slice %arg7[%run_scoped3A_56, %dma_wait3A_315, %dma_wait3A_316] : memref<4x64x128xf32, #tpu.memory_space<vmem>> -> memref<1x64x128xf32, #tpu.memory_space<vmem>>
      %dma_wait3A_318 = tpu.memref_squeeze %dma_wait3A_317 : memref<1x64x128xf32, #tpu.memory_space<vmem>> -> memref<64x128xf32, #tpu.memory_space<vmem>>
      tpu.wait_dma2 semaphore(%run_scoped3A_294 : memref<!tpu.dma_semaphore, #tpu.memory_space<semaphore_mem>>) src(%dma_wait3A_318 : memref<64x128xf32, #tpu.memory_space<vmem>>) dst(%dma_wait3A_314 : memref<64x128xf32, #tpu.memory_space<vmem_shared>>)
      tpu.yield
    }) : () -> ()
    %mul3A_57 = arith.constant 640 : i32
    %mul3A_58 = arith.muli %arg1, %mul3A_57 : i32
    %add3A_59 = arith.constant 512 : i32
    %add3A_60 = arith.addi %mul3A_58, %add3A_59 : i32
    %run_scoped3A_61 = arith.constant 0 : i32
    "tpu.region"() ({
      %run_scoped3A_294 = tpu.sem_alloc : memref<!tpu.dma_semaphore, #tpu.memory_space<semaphore_mem>>
      %dma_start3A_295 = arith.constant 0 : i32
      %dma_start3A_296 = arith.constant 0 : i32
      %dma_start3A_297 = tpu.memref_slice %arg7[%run_scoped3A_61, %dma_start3A_295, %dma_start3A_296] : memref<4x64x128xf32, #tpu.memory_space<vmem>> -> memref<1x64x128xf32, #tpu.memory_space<vmem>>
      %dma_start3A_298 = tpu.memref_squeeze %dma_start3A_297 : memref<1x64x128xf32, #tpu.memory_space<vmem>> -> memref<64x128xf32, #tpu.memory_space<vmem>>
      %dma_start3A_299 = arith.constant 0 : i32
      %dma_start3A_300 = tpu.memref_slice %arg11[%add3A_60, %dma_start3A_299] : memref<10240x128xf32, #tpu.memory_space<vmem_shared>> -> memref<64x128xf32, #tpu.memory_space<vmem_shared>>
      %dma_start3A_301 = arith.constant 0 : i32
      %dma_start3A_302 = tpu.memref_slice %arg11[%add3A_60, %dma_start3A_301] : memref<10240x128xf32, #tpu.memory_space<vmem_shared>> -> memref<64x128xf32, #tpu.memory_space<vmem_shared>>
      %dma_start3A_303 = arith.constant 0 : i32
      %dma_start3A_304 = arith.constant 0 : i32
      %dma_start3A_305 = tpu.memref_slice %arg7[%run_scoped3A_61, %dma_start3A_303, %dma_start3A_304] : memref<4x64x128xf32, #tpu.memory_space<vmem>> -> memref<1x64x128xf32, #tpu.memory_space<vmem>>
      %dma_start3A_306 = tpu.memref_squeeze %dma_start3A_305 : memref<1x64x128xf32, #tpu.memory_space<vmem>> -> memref<64x128xf32, #tpu.memory_space<vmem>>
      tpu.enqueue_dma source(%dma_start3A_306 : memref<64x128xf32, #tpu.memory_space<vmem>>) target(%dma_start3A_302 : memref<64x128xf32, #tpu.memory_space<vmem_shared>>) target_semaphore(%run_scoped3A_294 : memref<!tpu.dma_semaphore, #tpu.memory_space<semaphore_mem>>)
      %dma_wait3A_307 = arith.constant 0 : i32
      %dma_wait3A_308 = arith.constant 0 : i32
      %dma_wait3A_309 = tpu.memref_slice %arg7[%run_scoped3A_61, %dma_wait3A_307, %dma_wait3A_308] : memref<4x64x128xf32, #tpu.memory_space<vmem>> -> memref<1x64x128xf32, #tpu.memory_space<vmem>>
      %dma_wait3A_310 = tpu.memref_squeeze %dma_wait3A_309 : memref<1x64x128xf32, #tpu.memory_space<vmem>> -> memref<64x128xf32, #tpu.memory_space<vmem>>
      %dma_wait3A_311 = arith.constant 0 : i32
      %dma_wait3A_312 = tpu.memref_slice %arg11[%add3A_60, %dma_wait3A_311] : memref<10240x128xf32, #tpu.memory_space<vmem_shared>> -> memref<64x128xf32, #tpu.memory_space<vmem_shared>>
      %dma_wait3A_313 = arith.constant 0 : i32
      %dma_wait3A_314 = tpu.memref_slice %arg11[%add3A_60, %dma_wait3A_313] : memref<10240x128xf32, #tpu.memory_space<vmem_shared>> -> memref<64x128xf32, #tpu.memory_space<vmem_shared>>
      %dma_wait3A_315 = arith.constant 0 : i32
      %dma_wait3A_316 = arith.constant 0 : i32
      %dma_wait3A_317 = tpu.memref_slice %arg7[%run_scoped3A_61, %dma_wait3A_315, %dma_wait3A_316] : memref<4x64x128xf32, #tpu.memory_space<vmem>> -> memref<1x64x128xf32, #tpu.memory_space<vmem>>
      %dma_wait3A_318 = tpu.memref_squeeze %dma_wait3A_317 : memref<1x64x128xf32, #tpu.memory_space<vmem>> -> memref<64x128xf32, #tpu.memory_space<vmem>>
      tpu.wait_dma2 semaphore(%run_scoped3A_294 : memref<!tpu.dma_semaphore, #tpu.memory_space<semaphore_mem>>) src(%dma_wait3A_318 : memref<64x128xf32, #tpu.memory_space<vmem>>) dst(%dma_wait3A_314 : memref<64x128xf32, #tpu.memory_space<vmem_shared>>)
      tpu.yield
    }) : () -> ()
    %mul3A_62 = arith.constant 640 : i32
    %mul3A_63 = arith.muli %arg1, %mul3A_62 : i32
    %add3A_64 = arith.constant 576 : i32
    %add3A_65 = arith.addi %mul3A_63, %add3A_64 : i32
    %run_scoped3A_66 = arith.constant 0 : i32
    "tpu.region"() ({
      %run_scoped3A_294 = tpu.sem_alloc : memref<!tpu.dma_semaphore, #tpu.memory_space<semaphore_mem>>
      %dma_start3A_295 = arith.constant 0 : i32
      %dma_start3A_296 = arith.constant 0 : i32
      %dma_start3A_297 = tpu.memref_slice %arg7[%run_scoped3A_66, %dma_start3A_295, %dma_start3A_296] : memref<4x64x128xf32, #tpu.memory_space<vmem>> -> memref<1x64x128xf32, #tpu.memory_space<vmem>>
      %dma_start3A_298 = tpu.memref_squeeze %dma_start3A_297 : memref<1x64x128xf32, #tpu.memory_space<vmem>> -> memref<64x128xf32, #tpu.memory_space<vmem>>
      %dma_start3A_299 = arith.constant 0 : i32
      %dma_start3A_300 = tpu.memref_slice %arg11[%add3A_65, %dma_start3A_299] : memref<10240x128xf32, #tpu.memory_space<vmem_shared>> -> memref<64x128xf32, #tpu.memory_space<vmem_shared>>
      %dma_start3A_301 = arith.constant 0 : i32
      %dma_start3A_302 = tpu.memref_slice %arg11[%add3A_65, %dma_start3A_301] : memref<10240x128xf32, #tpu.memory_space<vmem_shared>> -> memref<64x128xf32, #tpu.memory_space<vmem_shared>>
      %dma_start3A_303 = arith.constant 0 : i32
      %dma_start3A_304 = arith.constant 0 : i32
      %dma_start3A_305 = tpu.memref_slice %arg7[%run_scoped3A_66, %dma_start3A_303, %dma_start3A_304] : memref<4x64x128xf32, #tpu.memory_space<vmem>> -> memref<1x64x128xf32, #tpu.memory_space<vmem>>
      %dma_start3A_306 = tpu.memref_squeeze %dma_start3A_305 : memref<1x64x128xf32, #tpu.memory_space<vmem>> -> memref<64x128xf32, #tpu.memory_space<vmem>>
      tpu.enqueue_dma source(%dma_start3A_306 : memref<64x128xf32, #tpu.memory_space<vmem>>) target(%dma_start3A_302 : memref<64x128xf32, #tpu.memory_space<vmem_shared>>) target_semaphore(%run_scoped3A_294 : memref<!tpu.dma_semaphore, #tpu.memory_space<semaphore_mem>>)
      %dma_wait3A_307 = arith.constant 0 : i32
      %dma_wait3A_308 = arith.constant 0 : i32
      %dma_wait3A_309 = tpu.memref_slice %arg7[%run_scoped3A_66, %dma_wait3A_307, %dma_wait3A_308] : memref<4x64x128xf32, #tpu.memory_space<vmem>> -> memref<1x64x128xf32, #tpu.memory_space<vmem>>
      %dma_wait3A_310 = tpu.memref_squeeze %dma_wait3A_309 : memref<1x64x128xf32, #tpu.memory_space<vmem>> -> memref<64x128xf32, #tpu.memory_space<vmem>>
      %dma_wait3A_311 = arith.constant 0 : i32
      %dma_wait3A_312 = tpu.memref_slice %arg11[%add3A_65, %dma_wait3A_311] : memref<10240x128xf32, #tpu.memory_space<vmem_shared>> -> memref<64x128xf32, #tpu.memory_space<vmem_shared>>
      %dma_wait3A_313 = arith.constant 0 : i32
      %dma_wait3A_314 = tpu.memref_slice %arg11[%add3A_65, %dma_wait3A_313] : memref<10240x128xf32, #tpu.memory_space<vmem_shared>> -> memref<64x128xf32, #tpu.memory_space<vmem_shared>>
      %dma_wait3A_315 = arith.constant 0 : i32
      %dma_wait3A_316 = arith.constant 0 : i32
      %dma_wait3A_317 = tpu.memref_slice %arg7[%run_scoped3A_66, %dma_wait3A_315, %dma_wait3A_316] : memref<4x64x128xf32, #tpu.memory_space<vmem>> -> memref<1x64x128xf32, #tpu.memory_space<vmem>>
      %dma_wait3A_318 = tpu.memref_squeeze %dma_wait3A_317 : memref<1x64x128xf32, #tpu.memory_space<vmem>> -> memref<64x128xf32, #tpu.memory_space<vmem>>
      tpu.wait_dma2 semaphore(%run_scoped3A_294 : memref<!tpu.dma_semaphore, #tpu.memory_space<semaphore_mem>>) src(%dma_wait3A_318 : memref<64x128xf32, #tpu.memory_space<vmem>>) dst(%dma_wait3A_314 : memref<64x128xf32, #tpu.memory_space<vmem_shared>>)
      tpu.yield
    }) : () -> ()
    %barrier3A = arith.constant 0 : index
    tpu.barrier barrier_id(%barrier3A)
    %add3A_67 = arith.constant 0 : i32
    %add3A_68 = arith.addi %mul3A_2, %add3A_67 : i32
    %dma_start3A_69 = arith.constant 0 : i32
    %dma_start3A_70 = arith.constant 0 : i32
    %dma_start3A_71 = tpu.memref_slice %arg5[%dma_start3A_69, %dma_start3A_70] : memref<4x64xi32, #tpu.memory_space<vmem>> -> memref<1x64xi32, #tpu.memory_space<vmem>>
    %dma_start3A_72 = tpu.memref_squeeze %dma_start3A_71 : memref<1x64xi32, #tpu.memory_space<vmem>> -> memref<64xi32, #tpu.memory_space<vmem>>
    %dma_start3A_73 = tpu.memref_slice %arg3[%add3A_68] : memref<640000xi32, #tpu.memory_space<hbm>> -> memref<64xi32, #tpu.memory_space<hbm>>
    %dma_start3A_74 = arith.constant 0 : i32
    %dma_start3A_75 = tpu.memref_slice %arg5[%dma_start3A_69, %dma_start3A_74] : memref<4x64xi32, #tpu.memory_space<vmem>> -> memref<1x64xi32, #tpu.memory_space<vmem>>
    %dma_start3A_76 = tpu.memref_squeeze %dma_start3A_75 : memref<1x64xi32, #tpu.memory_space<vmem>> -> memref<64xi32, #tpu.memory_space<vmem>>
    %dma_start3A_77 = tpu.memref_slice %arg3[%add3A_68] : memref<640000xi32, #tpu.memory_space<hbm>> -> memref<64xi32, #tpu.memory_space<hbm>>
    tpu.enqueue_dma source(%dma_start3A_77 : memref<64xi32, #tpu.memory_space<hbm>>) target(%dma_start3A_76 : memref<64xi32, #tpu.memory_space<vmem>>) target_semaphore(%arg20 : memref<!tpu.dma_semaphore, #tpu.memory_space<semaphore_mem>>)
    %add3A_78 = arith.constant 64 : i32
    %add3A_79 = arith.addi %mul3A_2, %add3A_78 : i32
    %dma_start3A_80 = arith.constant 1 : i32
    %dma_start3A_81 = arith.constant 0 : i32
    %dma_start3A_82 = tpu.memref_slice %arg5[%dma_start3A_80, %dma_start3A_81] : memref<4x64xi32, #tpu.memory_space<vmem>> -> memref<1x64xi32, #tpu.memory_space<vmem>>
    %dma_start3A_83 = tpu.memref_squeeze %dma_start3A_82 : memref<1x64xi32, #tpu.memory_space<vmem>> -> memref<64xi32, #tpu.memory_space<vmem>>
    %dma_start3A_84 = tpu.memref_slice %arg3[%add3A_79] : memref<640000xi32, #tpu.memory_space<hbm>> -> memref<64xi32, #tpu.memory_space<hbm>>
    %dma_start3A_85 = arith.constant 0 : i32
    %dma_start3A_86 = tpu.memref_slice %arg5[%dma_start3A_80, %dma_start3A_85] : memref<4x64xi32, #tpu.memory_space<vmem>> -> memref<1x64xi32, #tpu.memory_space<vmem>>
    %dma_start3A_87 = tpu.memref_squeeze %dma_start3A_86 : memref<1x64xi32, #tpu.memory_space<vmem>> -> memref<64xi32, #tpu.memory_space<vmem>>
    %dma_start3A_88 = tpu.memref_slice %arg3[%add3A_79] : memref<640000xi32, #tpu.memory_space<hbm>> -> memref<64xi32, #tpu.memory_space<hbm>>
    tpu.enqueue_dma source(%dma_start3A_88 : memref<64xi32, #tpu.memory_space<hbm>>) target(%dma_start3A_87 : memref<64xi32, #tpu.memory_space<vmem>>) target_semaphore(%arg21 : memref<!tpu.dma_semaphore, #tpu.memory_space<semaphore_mem>>)
    %add3A_89 = arith.constant 128 : i32
    %add3A_90 = arith.addi %mul3A_2, %add3A_89 : i32
    %dma_start3A_91 = arith.constant 2 : i32
    %dma_start3A_92 = arith.constant 0 : i32
    %dma_start3A_93 = tpu.memref_slice %arg5[%dma_start3A_91, %dma_start3A_92] : memref<4x64xi32, #tpu.memory_space<vmem>> -> memref<1x64xi32, #tpu.memory_space<vmem>>
    %dma_start3A_94 = tpu.memref_squeeze %dma_start3A_93 : memref<1x64xi32, #tpu.memory_space<vmem>> -> memref<64xi32, #tpu.memory_space<vmem>>
    %dma_start3A_95 = tpu.memref_slice %arg3[%add3A_90] : memref<640000xi32, #tpu.memory_space<hbm>> -> memref<64xi32, #tpu.memory_space<hbm>>
    %dma_start3A_96 = arith.constant 0 : i32
    %dma_start3A_97 = tpu.memref_slice %arg5[%dma_start3A_91, %dma_start3A_96] : memref<4x64xi32, #tpu.memory_space<vmem>> -> memref<1x64xi32, #tpu.memory_space<vmem>>
    %dma_start3A_98 = tpu.memref_squeeze %dma_start3A_97 : memref<1x64xi32, #tpu.memory_space<vmem>> -> memref<64xi32, #tpu.memory_space<vmem>>
    %dma_start3A_99 = tpu.memref_slice %arg3[%add3A_90] : memref<640000xi32, #tpu.memory_space<hbm>> -> memref<64xi32, #tpu.memory_space<hbm>>
    tpu.enqueue_dma source(%dma_start3A_99 : memref<64xi32, #tpu.memory_space<hbm>>) target(%dma_start3A_98 : memref<64xi32, #tpu.memory_space<vmem>>) target_semaphore(%arg22 : memref<!tpu.dma_semaphore, #tpu.memory_space<semaphore_mem>>)
    %add3A_100 = arith.constant 192 : i32
    %add3A_101 = arith.addi %mul3A_2, %add3A_100 : i32
    %dma_start3A_102 = arith.constant 3 : i32
    %dma_start3A_103 = arith.constant 0 : i32
    %dma_start3A_104 = tpu.memref_slice %arg5[%dma_start3A_102, %dma_start3A_103] : memref<4x64xi32, #tpu.memory_space<vmem>> -> memref<1x64xi32, #tpu.memory_space<vmem>>
    %dma_start3A_105 = tpu.memref_squeeze %dma_start3A_104 : memref<1x64xi32, #tpu.memory_space<vmem>> -> memref<64xi32, #tpu.memory_space<vmem>>
    %dma_start3A_106 = tpu.memref_slice %arg3[%add3A_101] : memref<640000xi32, #tpu.memory_space<hbm>> -> memref<64xi32, #tpu.memory_space<hbm>>
    %dma_start3A_107 = arith.constant 0 : i32
    %dma_start3A_108 = tpu.memref_slice %arg5[%dma_start3A_102, %dma_start3A_107] : memref<4x64xi32, #tpu.memory_space<vmem>> -> memref<1x64xi32, #tpu.memory_space<vmem>>
    %dma_start3A_109 = tpu.memref_squeeze %dma_start3A_108 : memref<1x64xi32, #tpu.memory_space<vmem>> -> memref<64xi32, #tpu.memory_space<vmem>>
    %dma_start3A_110 = tpu.memref_slice %arg3[%add3A_101] : memref<640000xi32, #tpu.memory_space<hbm>> -> memref<64xi32, #tpu.memory_space<hbm>>
    tpu.enqueue_dma source(%dma_start3A_110 : memref<64xi32, #tpu.memory_space<hbm>>) target(%dma_start3A_109 : memref<64xi32, #tpu.memory_space<vmem>>) target_semaphore(%arg23 : memref<!tpu.dma_semaphore, #tpu.memory_space<semaphore_mem>>)
    %add3A_111 = arith.constant 320000 : i32
    %add3A_112 = arith.addi %add3A_111, %mul3A_2 : i32
    %add3A_113 = arith.constant 0 : i32
    %add3A_114 = arith.addi %add3A_112, %add3A_113 : i32
    %dma_start3A_115 = arith.constant 0 : i32
    %dma_start3A_116 = arith.constant 0 : i32
    %dma_start3A_117 = tpu.memref_slice %arg6[%dma_start3A_115, %dma_start3A_116] : memref<4x64xi32, #tpu.memory_space<vmem>> -> memref<1x64xi32, #tpu.memory_space<vmem>>
    %dma_start3A_118 = tpu.memref_squeeze %dma_start3A_117 : memref<1x64xi32, #tpu.memory_space<vmem>> -> memref<64xi32, #tpu.memory_space<vmem>>
    %dma_start3A_119 = tpu.memref_slice %arg3[%add3A_114] : memref<640000xi32, #tpu.memory_space<hbm>> -> memref<64xi32, #tpu.memory_space<hbm>>
    %dma_start3A_120 = arith.constant 0 : i32
    %dma_start3A_121 = tpu.memref_slice %arg6[%dma_start3A_115, %dma_start3A_120] : memref<4x64xi32, #tpu.memory_space<vmem>> -> memref<1x64xi32, #tpu.memory_space<vmem>>
    %dma_start3A_122 = tpu.memref_squeeze %dma_start3A_121 : memref<1x64xi32, #tpu.memory_space<vmem>> -> memref<64xi32, #tpu.memory_space<vmem>>
    %dma_start3A_123 = tpu.memref_slice %arg3[%add3A_114] : memref<640000xi32, #tpu.memory_space<hbm>> -> memref<64xi32, #tpu.memory_space<hbm>>
    tpu.enqueue_dma source(%dma_start3A_123 : memref<64xi32, #tpu.memory_space<hbm>>) target(%dma_start3A_122 : memref<64xi32, #tpu.memory_space<vmem>>) target_semaphore(%arg24 : memref<!tpu.dma_semaphore, #tpu.memory_space<semaphore_mem>>)
    %add3A_124 = arith.constant 0 : i32
    %add3A_125 = arith.addi %mul3A_2, %add3A_124 : i32
    %dma_wait3A = arith.constant 0 : i32
    %dma_wait3A_126 = arith.constant 0 : i32
    %dma_wait3A_127 = tpu.memref_slice %arg5[%dma_wait3A, %dma_wait3A_126] : memref<4x64xi32, #tpu.memory_space<vmem>> -> memref<1x64xi32, #tpu.memory_space<vmem>>
    %dma_wait3A_128 = tpu.memref_squeeze %dma_wait3A_127 : memref<1x64xi32, #tpu.memory_space<vmem>> -> memref<64xi32, #tpu.memory_space<vmem>>
    %dma_wait3A_129 = tpu.memref_slice %arg3[%add3A_125] : memref<640000xi32, #tpu.memory_space<hbm>> -> memref<64xi32, #tpu.memory_space<hbm>>
    %dma_wait3A_130 = arith.constant 0 : i32
    %dma_wait3A_131 = tpu.memref_slice %arg5[%dma_wait3A, %dma_wait3A_130] : memref<4x64xi32, #tpu.memory_space<vmem>> -> memref<1x64xi32, #tpu.memory_space<vmem>>
    %dma_wait3A_132 = tpu.memref_squeeze %dma_wait3A_131 : memref<1x64xi32, #tpu.memory_space<vmem>> -> memref<64xi32, #tpu.memory_space<vmem>>
    %dma_wait3A_133 = tpu.memref_slice %arg3[%add3A_125] : memref<640000xi32, #tpu.memory_space<hbm>> -> memref<64xi32, #tpu.memory_space<hbm>>
    tpu.wait_dma2 semaphore(%arg20 : memref<!tpu.dma_semaphore, #tpu.memory_space<semaphore_mem>>) src(%dma_wait3A_133 : memref<64xi32, #tpu.memory_space<hbm>>) dst(%dma_wait3A_132 : memref<64xi32, #tpu.memory_space<vmem>>)
    %dma_start3A_134 = arith.constant 0 : i32
    %dma_start3A_135 = arith.constant 0 : i32
    %dma_start3A_136 = arith.constant 0 : i32
    %dma_start3A_137 = arith.constant 0 : i32
    %dma_start3A_138 = tpu.memref_slice %arg7[%dma_start3A_135, %dma_start3A_136, %dma_start3A_137] : memref<4x64x128xf32, #tpu.memory_space<vmem>> -> memref<1x64x128xf32, #tpu.memory_space<vmem>>
    %dma_start3A_139 = tpu.memref_squeeze %dma_start3A_138 : memref<1x64x128xf32, #tpu.memory_space<vmem>> -> memref<64x128xf32, #tpu.memory_space<vmem>>
    %dma_start3A_140 = arith.constant 0 : i32
    %dma_start3A_141 = tpu.memref_slice %arg5[%dma_start3A_134, %dma_start3A_140] : memref<4x64xi32, #tpu.memory_space<vmem>> -> memref<1x64xi32, #tpu.memory_space<vmem>>
    %dma_start3A_142 = tpu.memref_squeeze %dma_start3A_141 : memref<1x64xi32, #tpu.memory_space<vmem>> -> memref<64xi32, #tpu.memory_space<vmem>>
    %dma_start3A_143 = arith.constant 0 : i32
    %dma_start3A_144 = arith.constant 0 : i32
    %dma_start3A_145 = tpu.memref_slice %arg2[%dma_start3A_143, %dma_start3A_144] : memref<10240x128xf32, #tpu.memory_space<hbm>> -> memref<10240x128xf32, #tpu.memory_space<hbm>>
    tpu.enqueue_indirect_dma source(%dma_start3A_145 : memref<10240x128xf32, #tpu.memory_space<hbm>>) target(%dma_start3A_139 : memref<64x128xf32, #tpu.memory_space<vmem>>) offsets(%dma_start3A_142 : memref<64xi32, #tpu.memory_space<vmem>>) semaphore(%arg12 : memref<!tpu.dma_semaphore, #tpu.memory_space<semaphore_mem>>)
    %add3A_146 = arith.constant 320000 : i32
    %add3A_147 = arith.addi %add3A_146, %mul3A_2 : i32
    %add3A_148 = arith.constant 64 : i32
    %add3A_149 = arith.addi %add3A_147, %add3A_148 : i32
    %dma_start3A_150 = arith.constant 1 : i32
    %dma_start3A_151 = arith.constant 0 : i32
    %dma_start3A_152 = tpu.memref_slice %arg6[%dma_start3A_150, %dma_start3A_151] : memref<4x64xi32, #tpu.memory_space<vmem>> -> memref<1x64xi32, #tpu.memory_space<vmem>>
    %dma_start3A_153 = tpu.memref_squeeze %dma_start3A_152 : memref<1x64xi32, #tpu.memory_space<vmem>> -> memref<64xi32, #tpu.memory_space<vmem>>
    %dma_start3A_154 = tpu.memref_slice %arg3[%add3A_149] : memref<640000xi32, #tpu.memory_space<hbm>> -> memref<64xi32, #tpu.memory_space<hbm>>
    %dma_start3A_155 = arith.constant 0 : i32
    %dma_start3A_156 = tpu.memref_slice %arg6[%dma_start3A_150, %dma_start3A_155] : memref<4x64xi32, #tpu.memory_space<vmem>> -> memref<1x64xi32, #tpu.memory_space<vmem>>
    %dma_start3A_157 = tpu.memref_squeeze %dma_start3A_156 : memref<1x64xi32, #tpu.memory_space<vmem>> -> memref<64xi32, #tpu.memory_space<vmem>>
    %dma_start3A_158 = tpu.memref_slice %arg3[%add3A_149] : memref<640000xi32, #tpu.memory_space<hbm>> -> memref<64xi32, #tpu.memory_space<hbm>>
    tpu.enqueue_dma source(%dma_start3A_158 : memref<64xi32, #tpu.memory_space<hbm>>) target(%dma_start3A_157 : memref<64xi32, #tpu.memory_space<vmem>>) target_semaphore(%arg25 : memref<!tpu.dma_semaphore, #tpu.memory_space<semaphore_mem>>)
    %add3A_159 = arith.constant 64 : i32
    %add3A_160 = arith.addi %mul3A_2, %add3A_159 : i32
    %dma_wait3A_161 = arith.constant 1 : i32
    %dma_wait3A_162 = arith.constant 0 : i32
    %dma_wait3A_163 = tpu.memref_slice %arg5[%dma_wait3A_161, %dma_wait3A_162] : memref<4x64xi32, #tpu.memory_space<vmem>> -> memref<1x64xi32, #tpu.memory_space<vmem>>
    %dma_wait3A_164 = tpu.memref_squeeze %dma_wait3A_163 : memref<1x64xi32, #tpu.memory_space<vmem>> -> memref<64xi32, #tpu.memory_space<vmem>>
    %dma_wait3A_165 = tpu.memref_slice %arg3[%add3A_160] : memref<640000xi32, #tpu.memory_space<hbm>> -> memref<64xi32, #tpu.memory_space<hbm>>
    %dma_wait3A_166 = arith.constant 0 : i32
    %dma_wait3A_167 = tpu.memref_slice %arg5[%dma_wait3A_161, %dma_wait3A_166] : memref<4x64xi32, #tpu.memory_space<vmem>> -> memref<1x64xi32, #tpu.memory_space<vmem>>
    %dma_wait3A_168 = tpu.memref_squeeze %dma_wait3A_167 : memref<1x64xi32, #tpu.memory_space<vmem>> -> memref<64xi32, #tpu.memory_space<vmem>>
    %dma_wait3A_169 = tpu.memref_slice %arg3[%add3A_160] : memref<640000xi32, #tpu.memory_space<hbm>> -> memref<64xi32, #tpu.memory_space<hbm>>
    tpu.wait_dma2 semaphore(%arg21 : memref<!tpu.dma_semaphore, #tpu.memory_space<semaphore_mem>>) src(%dma_wait3A_169 : memref<64xi32, #tpu.memory_space<hbm>>) dst(%dma_wait3A_168 : memref<64xi32, #tpu.memory_space<vmem>>)
    %dma_start3A_170 = arith.constant 1 : i32
    %dma_start3A_171 = arith.constant 1 : i32
    %dma_start3A_172 = arith.constant 0 : i32
    %dma_start3A_173 = arith.constant 0 : i32
    %dma_start3A_174 = tpu.memref_slice %arg7[%dma_start3A_171, %dma_start3A_172, %dma_start3A_173] : memref<4x64x128xf32, #tpu.memory_space<vmem>> -> memref<1x64x128xf32, #tpu.memory_space<vmem>>
    %dma_start3A_175 = tpu.memref_squeeze %dma_start3A_174 : memref<1x64x128xf32, #tpu.memory_space<vmem>> -> memref<64x128xf32, #tpu.memory_space<vmem>>
    %dma_start3A_176 = arith.constant 0 : i32
    %dma_start3A_177 = tpu.memref_slice %arg5[%dma_start3A_170, %dma_start3A_176] : memref<4x64xi32, #tpu.memory_space<vmem>> -> memref<1x64xi32, #tpu.memory_space<vmem>>
    %dma_start3A_178 = tpu.memref_squeeze %dma_start3A_177 : memref<1x64xi32, #tpu.memory_space<vmem>> -> memref<64xi32, #tpu.memory_space<vmem>>
    %dma_start3A_179 = arith.constant 0 : i32
    %dma_start3A_180 = arith.constant 0 : i32
    %dma_start3A_181 = tpu.memref_slice %arg2[%dma_start3A_179, %dma_start3A_180] : memref<10240x128xf32, #tpu.memory_space<hbm>> -> memref<10240x128xf32, #tpu.memory_space<hbm>>
    tpu.enqueue_indirect_dma source(%dma_start3A_181 : memref<10240x128xf32, #tpu.memory_space<hbm>>) target(%dma_start3A_175 : memref<64x128xf32, #tpu.memory_space<vmem>>) offsets(%dma_start3A_178 : memref<64xi32, #tpu.memory_space<vmem>>) semaphore(%arg13 : memref<!tpu.dma_semaphore, #tpu.memory_space<semaphore_mem>>)
    %add3A_182 = arith.constant 320000 : i32
    %add3A_183 = arith.addi %add3A_182, %mul3A_2 : i32
    %add3A_184 = arith.constant 128 : i32
    %add3A_185 = arith.addi %add3A_183, %add3A_184 : i32
    %dma_start3A_186 = arith.constant 2 : i32
    %dma_start3A_187 = arith.constant 0 : i32
    %dma_start3A_188 = tpu.memref_slice %arg6[%dma_start3A_186, %dma_start3A_187] : memref<4x64xi32, #tpu.memory_space<vmem>> -> memref<1x64xi32, #tpu.memory_space<vmem>>
    %dma_start3A_189 = tpu.memref_squeeze %dma_start3A_188 : memref<1x64xi32, #tpu.memory_space<vmem>> -> memref<64xi32, #tpu.memory_space<vmem>>
    %dma_start3A_190 = tpu.memref_slice %arg3[%add3A_185] : memref<640000xi32, #tpu.memory_space<hbm>> -> memref<64xi32, #tpu.memory_space<hbm>>
    %dma_start3A_191 = arith.constant 0 : i32
    %dma_start3A_192 = tpu.memref_slice %arg6[%dma_start3A_186, %dma_start3A_191] : memref<4x64xi32, #tpu.memory_space<vmem>> -> memref<1x64xi32, #tpu.memory_space<vmem>>
    %dma_start3A_193 = tpu.memref_squeeze %dma_start3A_192 : memref<1x64xi32, #tpu.memory_space<vmem>> -> memref<64xi32, #tpu.memory_space<vmem>>
    %dma_start3A_194 = tpu.memref_slice %arg3[%add3A_185] : memref<640000xi32, #tpu.memory_space<hbm>> -> memref<64xi32, #tpu.memory_space<hbm>>
    tpu.enqueue_dma source(%dma_start3A_194 : memref<64xi32, #tpu.memory_space<hbm>>) target(%dma_start3A_193 : memref<64xi32, #tpu.memory_space<vmem>>) target_semaphore(%arg26 : memref<!tpu.dma_semaphore, #tpu.memory_space<semaphore_mem>>)
    %add3A_195 = arith.constant 128 : i32
    %add3A_196 = arith.addi %mul3A_2, %add3A_195 : i32
    %dma_wait3A_197 = arith.constant 2 : i32
    %dma_wait3A_198 = arith.constant 0 : i32
    %dma_wait3A_199 = tpu.memref_slice %arg5[%dma_wait3A_197, %dma_wait3A_198] : memref<4x64xi32, #tpu.memory_space<vmem>> -> memref<1x64xi32, #tpu.memory_space<vmem>>
    %dma_wait3A_200 = tpu.memref_squeeze %dma_wait3A_199 : memref<1x64xi32, #tpu.memory_space<vmem>> -> memref<64xi32, #tpu.memory_space<vmem>>
    %dma_wait3A_201 = tpu.memref_slice %arg3[%add3A_196] : memref<640000xi32, #tpu.memory_space<hbm>> -> memref<64xi32, #tpu.memory_space<hbm>>
    %dma_wait3A_202 = arith.constant 0 : i32
    %dma_wait3A_203 = tpu.memref_slice %arg5[%dma_wait3A_197, %dma_wait3A_202] : memref<4x64xi32, #tpu.memory_space<vmem>> -> memref<1x64xi32, #tpu.memory_space<vmem>>
    %dma_wait3A_204 = tpu.memref_squeeze %dma_wait3A_203 : memref<1x64xi32, #tpu.memory_space<vmem>> -> memref<64xi32, #tpu.memory_space<vmem>>
    %dma_wait3A_205 = tpu.memref_slice %arg3[%add3A_196] : memref<640000xi32, #tpu.memory_space<hbm>> -> memref<64xi32, #tpu.memory_space<hbm>>
    tpu.wait_dma2 semaphore(%arg22 : memref<!tpu.dma_semaphore, #tpu.memory_space<semaphore_mem>>) src(%dma_wait3A_205 : memref<64xi32, #tpu.memory_space<hbm>>) dst(%dma_wait3A_204 : memref<64xi32, #tpu.memory_space<vmem>>)
    %dma_start3A_206 = arith.constant 2 : i32
    %dma_start3A_207 = arith.constant 2 : i32
    %dma_start3A_208 = arith.constant 0 : i32
    %dma_start3A_209 = arith.constant 0 : i32
    %dma_start3A_210 = tpu.memref_slice %arg7[%dma_start3A_207, %dma_start3A_208, %dma_start3A_209] : memref<4x64x128xf32, #tpu.memory_space<vmem>> -> memref<1x64x128xf32, #tpu.memory_space<vmem>>
    %dma_start3A_211 = tpu.memref_squeeze %dma_start3A_210 : memref<1x64x128xf32, #tpu.memory_space<vmem>> -> memref<64x128xf32, #tpu.memory_space<vmem>>
    %dma_start3A_212 = arith.constant 0 : i32
    %dma_start3A_213 = tpu.memref_slice %arg5[%dma_start3A_206, %dma_start3A_212] : memref<4x64xi32, #tpu.memory_space<vmem>> -> memref<1x64xi32, #tpu.memory_space<vmem>>
    %dma_start3A_214 = tpu.memref_squeeze %dma_start3A_213 : memref<1x64xi32, #tpu.memory_space<vmem>> -> memref<64xi32, #tpu.memory_space<vmem>>
    %dma_start3A_215 = arith.constant 0 : i32
    %dma_start3A_216 = arith.constant 0 : i32
    %dma_start3A_217 = tpu.memref_slice %arg2[%dma_start3A_215, %dma_start3A_216] : memref<10240x128xf32, #tpu.memory_space<hbm>> -> memref<10240x128xf32, #tpu.memory_space<hbm>>
    tpu.enqueue_indirect_dma source(%dma_start3A_217 : memref<10240x128xf32, #tpu.memory_space<hbm>>) target(%dma_start3A_211 : memref<64x128xf32, #tpu.memory_space<vmem>>) offsets(%dma_start3A_214 : memref<64xi32, #tpu.memory_space<vmem>>) semaphore(%arg14 : memref<!tpu.dma_semaphore, #tpu.memory_space<semaphore_mem>>)
    %scan3A_218 = arith.constant 0 : i32
    %scan3A_219 = arith.constant 0 : i32
    %scan3A_220 = arith.constant 39 : i32
    %scan3A_221 = arith.addi %scan3A_219, %scan3A_220 : i32
    %scan3A_222 = arith.constant 1 : i32
    %scan3A_223 = scf.for %scan3A_294 = %scan3A_219 to %scan3A_221 step %scan3A_222 iter_args(%scan3A_295 = %scan3A_218) -> (i32)  : i32 {
      %mul3A_296 = arith.constant 4 : i32
      %mul3A_297 = arith.muli %mul3A_296, %scan3A_294 : i32
      %add3A_298 = arith.constant 0 : i32
      %add3A_299 = arith.addi %mul3A_297, %add3A_298 : i32
      %dma_wait3A_300 = arith.constant 0 : i32
      %dma_wait3A_301 = arith.constant 0 : i32
      %dma_wait3A_302 = arith.constant 0 : i32
      %dma_wait3A_303 = arith.constant 0 : i32
      %dma_wait3A_304 = tpu.memref_slice %arg7[%dma_wait3A_301, %dma_wait3A_302, %dma_wait3A_303] : memref<4x64x128xf32, #tpu.memory_space<vmem>> -> memref<1x64x128xf32, #tpu.memory_space<vmem>>
      %dma_wait3A_305 = tpu.memref_squeeze %dma_wait3A_304 : memref<1x64x128xf32, #tpu.memory_space<vmem>> -> memref<64x128xf32, #tpu.memory_space<vmem>>
      %dma_wait3A_306 = arith.constant 0 : i32
      %dma_wait3A_307 = tpu.memref_slice %arg5[%dma_wait3A_300, %dma_wait3A_306] : memref<4x64xi32, #tpu.memory_space<vmem>> -> memref<1x64xi32, #tpu.memory_space<vmem>>
      %dma_wait3A_308 = tpu.memref_squeeze %dma_wait3A_307 : memref<1x64xi32, #tpu.memory_space<vmem>> -> memref<64xi32, #tpu.memory_space<vmem>>
      %dma_wait3A_309 = arith.constant 0 : i32
      %dma_wait3A_310 = arith.constant 0 : i32
      %dma_wait3A_311 = tpu.memref_slice %arg2[%dma_wait3A_309, %dma_wait3A_310] : memref<10240x128xf32, #tpu.memory_space<hbm>> -> memref<10240x128xf32, #tpu.memory_space<hbm>>
      tpu.wait_indirect_dma semaphore(%arg12 : memref<!tpu.dma_semaphore, #tpu.memory_space<semaphore_mem>>) src(%dma_wait3A_311 : memref<10240x128xf32, #tpu.memory_space<hbm>>) dst(%dma_wait3A_305 : memref<64x128xf32, #tpu.memory_space<vmem>>)
      %add3A_312 = arith.constant 320000 : i32
      %add3A_313 = arith.addi %add3A_312, %mul3A_2 : i32
      %mul3A_314 = arith.constant 64 : i32
      %mul3A_315 = arith.muli %add3A_299, %mul3A_314 : i32
      %add3A_316 = arith.addi %add3A_313, %mul3A_315 : i32
      %dma_wait3A_317 = arith.constant 0 : i32
      %dma_wait3A_318 = arith.constant 0 : i32
      %dma_wait3A_319 = tpu.memref_slice %arg6[%dma_wait3A_317, %dma_wait3A_318] : memref<4x64xi32, #tpu.memory_space<vmem>> -> memref<1x64xi32, #tpu.memory_space<vmem>>
      %dma_wait3A_320 = tpu.memref_squeeze %dma_wait3A_319 : memref<1x64xi32, #tpu.memory_space<vmem>> -> memref<64xi32, #tpu.memory_space<vmem>>
      %dma_wait3A_321 = tpu.memref_slice %arg3[%add3A_316] : memref<640000xi32, #tpu.memory_space<hbm>> -> memref<64xi32, #tpu.memory_space<hbm>>
      %dma_wait3A_322 = arith.constant 0 : i32
      %dma_wait3A_323 = tpu.memref_slice %arg6[%dma_wait3A_317, %dma_wait3A_322] : memref<4x64xi32, #tpu.memory_space<vmem>> -> memref<1x64xi32, #tpu.memory_space<vmem>>
      %dma_wait3A_324 = tpu.memref_squeeze %dma_wait3A_323 : memref<1x64xi32, #tpu.memory_space<vmem>> -> memref<64xi32, #tpu.memory_space<vmem>>
      %dma_wait3A_325 = tpu.memref_slice %arg3[%add3A_316] : memref<640000xi32, #tpu.memory_space<hbm>> -> memref<64xi32, #tpu.memory_space<hbm>>
      tpu.wait_dma2 semaphore(%arg24 : memref<!tpu.dma_semaphore, #tpu.memory_space<semaphore_mem>>) src(%dma_wait3A_325 : memref<64xi32, #tpu.memory_space<hbm>>) dst(%dma_wait3A_324 : memref<64xi32, #tpu.memory_space<vmem>>)
      %dma_start3A_326 = arith.constant 0 : i32
      %dma_start3A_327 = arith.constant 0 : i32
      %dma_start3A_328 = arith.constant 0 : i32
      %dma_start3A_329 = arith.constant 0 : i32
      %dma_start3A_330 = tpu.memref_slice %arg7[%dma_start3A_326, %dma_start3A_328, %dma_start3A_329] : memref<4x64x128xf32, #tpu.memory_space<vmem>> -> memref<1x64x128xf32, #tpu.memory_space<vmem>>
      %dma_start3A_331 = tpu.memref_squeeze %dma_start3A_330 : memref<1x64x128xf32, #tpu.memory_space<vmem>> -> memref<64x128xf32, #tpu.memory_space<vmem>>
      %dma_start3A_332 = arith.constant 0 : i32
      %dma_start3A_333 = tpu.memref_slice %arg6[%dma_start3A_327, %dma_start3A_332] : memref<4x64xi32, #tpu.memory_space<vmem>> -> memref<1x64xi32, #tpu.memory_space<vmem>>
      %dma_start3A_334 = tpu.memref_squeeze %dma_start3A_333 : memref<1x64xi32, #tpu.memory_space<vmem>> -> memref<64xi32, #tpu.memory_space<vmem>>
      %dma_start3A_335 = arith.constant 0 : i32
      %dma_start3A_336 = arith.constant 0 : i32
      %dma_start3A_337 = tpu.memref_slice %arg11[%dma_start3A_335, %dma_start3A_336] : memref<10240x128xf32, #tpu.memory_space<vmem_shared>> -> memref<10240x128xf32, #tpu.memory_space<vmem_shared>>
      tpu.enqueue_indirect_dma source(%dma_start3A_331 : memref<64x128xf32, #tpu.memory_space<vmem>>) target(%dma_start3A_337 : memref<10240x128xf32, #tpu.memory_space<vmem_shared>>) offsets(%dma_start3A_334 : memref<64xi32, #tpu.memory_space<vmem>>) semaphore(%arg16 : memref<!tpu.dma_semaphore, #tpu.memory_space<semaphore_mem>>) {add = true}
      %lt3A = arith.constant 38 : i32
      %lt3A_338 = arith.cmpi slt, %scan3A_294, %lt3A : i32
      %convert_element_type3A = arith.extui %lt3A_338 : i1 to i32
      %cond3A = arith.constant 0 : i32
      %cond3A_339 = arith.cmpi ne, %convert_element_type3A, %cond3A : i32
      scf.if %cond3A_339 {
        %add3A_541 = arith.constant 4 : i32
        %add3A_542 = arith.addi %add3A_299, %add3A_541 : i32
        %mul3A_543 = arith.constant 64 : i32
        %mul3A_544 = arith.muli %add3A_542, %mul3A_543 : i32
        %add3A_545 = arith.addi %mul3A_2, %mul3A_544 : i32
        %dma_start3A_546 = arith.constant 0 : i32
        %dma_start3A_547 = arith.constant 0 : i32
        %dma_start3A_548 = tpu.memref_slice %arg5[%dma_start3A_546, %dma_start3A_547] : memref<4x64xi32, #tpu.memory_space<vmem>> -> memref<1x64xi32, #tpu.memory_space<vmem>>
        %dma_start3A_549 = tpu.memref_squeeze %dma_start3A_548 : memref<1x64xi32, #tpu.memory_space<vmem>> -> memref<64xi32, #tpu.memory_space<vmem>>
        %dma_start3A_550 = tpu.memref_slice %arg3[%add3A_545] : memref<640000xi32, #tpu.memory_space<hbm>> -> memref<64xi32, #tpu.memory_space<hbm>>
        %dma_start3A_551 = arith.constant 0 : i32
        %dma_start3A_552 = tpu.memref_slice %arg5[%dma_start3A_546, %dma_start3A_551] : memref<4x64xi32, #tpu.memory_space<vmem>> -> memref<1x64xi32, #tpu.memory_space<vmem>>
        %dma_start3A_553 = tpu.memref_squeeze %dma_start3A_552 : memref<1x64xi32, #tpu.memory_space<vmem>> -> memref<64xi32, #tpu.memory_space<vmem>>
        %dma_start3A_554 = tpu.memref_slice %arg3[%add3A_545] : memref<640000xi32, #tpu.memory_space<hbm>> -> memref<64xi32, #tpu.memory_space<hbm>>
        tpu.enqueue_dma source(%dma_start3A_554 : memref<64xi32, #tpu.memory_space<hbm>>) target(%dma_start3A_553 : memref<64xi32, #tpu.memory_space<vmem>>) target_semaphore(%arg20 : memref<!tpu.dma_semaphore, #tpu.memory_space<semaphore_mem>>)
      } else {
      }
      %gt3A = arith.constant 0 : i32
      %gt3A_340 = arith.cmpi sgt, %scan3A_294, %gt3A : i32
      %convert_element_type3A_341 = arith.extui %gt3A_340 : i1 to i32
      %cond3A_342 = arith.constant 0 : i32
      %cond3A_343 = arith.cmpi ne, %convert_element_type3A_341, %cond3A_342 : i32
      scf.if %cond3A_343 {
        %dma_wait3A_541 = arith.constant 3 : i32
        %dma_wait3A_542 = arith.constant 3 : i32
        %dma_wait3A_543 = arith.constant 0 : i32
        %dma_wait3A_544 = arith.constant 0 : i32
        %dma_wait3A_545 = tpu.memref_slice %arg7[%dma_wait3A_541, %dma_wait3A_543, %dma_wait3A_544] : memref<4x64x128xf32, #tpu.memory_space<vmem>> -> memref<1x64x128xf32, #tpu.memory_space<vmem>>
        %dma_wait3A_546 = tpu.memref_squeeze %dma_wait3A_545 : memref<1x64x128xf32, #tpu.memory_space<vmem>> -> memref<64x128xf32, #tpu.memory_space<vmem>>
        %dma_wait3A_547 = arith.constant 0 : i32
        %dma_wait3A_548 = tpu.memref_slice %arg6[%dma_wait3A_542, %dma_wait3A_547] : memref<4x64xi32, #tpu.memory_space<vmem>> -> memref<1x64xi32, #tpu.memory_space<vmem>>
        %dma_wait3A_549 = tpu.memref_squeeze %dma_wait3A_548 : memref<1x64xi32, #tpu.memory_space<vmem>> -> memref<64xi32, #tpu.memory_space<vmem>>
        %dma_wait3A_550 = arith.constant 0 : i32
        %dma_wait3A_551 = arith.constant 0 : i32
        %dma_wait3A_552 = tpu.memref_slice %arg11[%dma_wait3A_550, %dma_wait3A_551] : memref<10240x128xf32, #tpu.memory_space<vmem_shared>> -> memref<10240x128xf32, #tpu.memory_space<vmem_shared>>
        tpu.wait_indirect_dma semaphore(%arg19 : memref<!tpu.dma_semaphore, #tpu.memory_space<semaphore_mem>>) src(%dma_wait3A_546 : memref<64x128xf32, #tpu.memory_space<vmem>>) dst(%dma_wait3A_552 : memref<10240x128xf32, #tpu.memory_space<vmem_shared>>)
      } else {
      }
      %mul3A_344 = arith.constant 64 : i32
      %mul3A_345 = arith.muli %add3A_299, %mul3A_344 : i32
      %add3A_346 = arith.addi %mul3A_2, %mul3A_345 : i32
      %dma_wait3A_347 = arith.constant 3 : i32
      %dma_wait3A_348 = arith.constant 0 : i32
      %dma_wait3A_349 = tpu.memref_slice %arg5[%dma_wait3A_347, %dma_wait3A_348] : memref<4x64xi32, #tpu.memory_space<vmem>> -> memref<1x64xi32, #tpu.memory_space<vmem>>
      %dma_wait3A_350 = tpu.memref_squeeze %dma_wait3A_349 : memref<1x64xi32, #tpu.memory_space<vmem>> -> memref<64xi32, #tpu.memory_space<vmem>>
      %dma_wait3A_351 = tpu.memref_slice %arg3[%add3A_346] : memref<640000xi32, #tpu.memory_space<hbm>> -> memref<64xi32, #tpu.memory_space<hbm>>
      %dma_wait3A_352 = arith.constant 0 : i32
      %dma_wait3A_353 = tpu.memref_slice %arg5[%dma_wait3A_347, %dma_wait3A_352] : memref<4x64xi32, #tpu.memory_space<vmem>> -> memref<1x64xi32, #tpu.memory_space<vmem>>
      %dma_wait3A_354 = tpu.memref_squeeze %dma_wait3A_353 : memref<1x64xi32, #tpu.memory_space<vmem>> -> memref<64xi32, #tpu.memory_space<vmem>>
      %dma_wait3A_355 = tpu.memref_slice %arg3[%add3A_346] : memref<640000xi32, #tpu.memory_space<hbm>> -> memref<64xi32, #tpu.memory_space<hbm>>
      tpu.wait_dma2 semaphore(%arg23 : memref<!tpu.dma_semaphore, #tpu.memory_space<semaphore_mem>>) src(%dma_wait3A_355 : memref<64xi32, #tpu.memory_space<hbm>>) dst(%dma_wait3A_354 : memref<64xi32, #tpu.memory_space<vmem>>)
      %dma_start3A_356 = arith.constant 3 : i32
      %dma_start3A_357 = arith.constant 3 : i32
      %dma_start3A_358 = arith.constant 0 : i32
      %dma_start3A_359 = arith.constant 0 : i32
      %dma_start3A_360 = tpu.memref_slice %arg7[%dma_start3A_357, %dma_start3A_358, %dma_start3A_359] : memref<4x64x128xf32, #tpu.memory_space<vmem>> -> memref<1x64x128xf32, #tpu.memory_space<vmem>>
      %dma_start3A_361 = tpu.memref_squeeze %dma_start3A_360 : memref<1x64x128xf32, #tpu.memory_space<vmem>> -> memref<64x128xf32, #tpu.memory_space<vmem>>
      %dma_start3A_362 = arith.constant 0 : i32
      %dma_start3A_363 = tpu.memref_slice %arg5[%dma_start3A_356, %dma_start3A_362] : memref<4x64xi32, #tpu.memory_space<vmem>> -> memref<1x64xi32, #tpu.memory_space<vmem>>
      %dma_start3A_364 = tpu.memref_squeeze %dma_start3A_363 : memref<1x64xi32, #tpu.memory_space<vmem>> -> memref<64xi32, #tpu.memory_space<vmem>>
      %dma_start3A_365 = arith.constant 0 : i32
      %dma_start3A_366 = arith.constant 0 : i32
      %dma_start3A_367 = tpu.memref_slice %arg2[%dma_start3A_365, %dma_start3A_366] : memref<10240x128xf32, #tpu.memory_space<hbm>> -> memref<10240x128xf32, #tpu.memory_space<hbm>>
      tpu.enqueue_indirect_dma source(%dma_start3A_367 : memref<10240x128xf32, #tpu.memory_space<hbm>>) target(%dma_start3A_361 : memref<64x128xf32, #tpu.memory_space<vmem>>) offsets(%dma_start3A_364 : memref<64xi32, #tpu.memory_space<vmem>>) semaphore(%arg15 : memref<!tpu.dma_semaphore, #tpu.memory_space<semaphore_mem>>)
      %add3A_368 = arith.constant 3 : i32
      %add3A_369 = arith.addi %add3A_299, %add3A_368 : i32
      %add3A_370 = arith.constant 320000 : i32
      %add3A_371 = arith.addi %add3A_370, %mul3A_2 : i32
      %mul3A_372 = arith.constant 64 : i32
      %mul3A_373 = arith.muli %add3A_369, %mul3A_372 : i32
      %add3A_374 = arith.addi %add3A_371, %mul3A_373 : i32
      %dma_start3A_375 = arith.constant 3 : i32
      %dma_start3A_376 = arith.constant 0 : i32
      %dma_start3A_377 = tpu.memref_slice %arg6[%dma_start3A_375, %dma_start3A_376] : memref<4x64xi32, #tpu.memory_space<vmem>> -> memref<1x64xi32, #tpu.memory_space<vmem>>
      %dma_start3A_378 = tpu.memref_squeeze %dma_start3A_377 : memref<1x64xi32, #tpu.memory_space<vmem>> -> memref<64xi32, #tpu.memory_space<vmem>>
      %dma_start3A_379 = tpu.memref_slice %arg3[%add3A_374] : memref<640000xi32, #tpu.memory_space<hbm>> -> memref<64xi32, #tpu.memory_space<hbm>>
      %dma_start3A_380 = arith.constant 0 : i32
      %dma_start3A_381 = tpu.memref_slice %arg6[%dma_start3A_375, %dma_start3A_380] : memref<4x64xi32, #tpu.memory_space<vmem>> -> memref<1x64xi32, #tpu.memory_space<vmem>>
      %dma_start3A_382 = tpu.memref_squeeze %dma_start3A_381 : memref<1x64xi32, #tpu.memory_space<vmem>> -> memref<64xi32, #tpu.memory_space<vmem>>
      %dma_start3A_383 = tpu.memref_slice %arg3[%add3A_374] : memref<640000xi32, #tpu.memory_space<hbm>> -> memref<64xi32, #tpu.memory_space<hbm>>
      tpu.enqueue_dma source(%dma_start3A_383 : memref<64xi32, #tpu.memory_space<hbm>>) target(%dma_start3A_382 : memref<64xi32, #tpu.memory_space<vmem>>) target_semaphore(%arg27 : memref<!tpu.dma_semaphore, #tpu.memory_space<semaphore_mem>>)
      %mul3A_384 = arith.constant 4 : i32
      %mul3A_385 = arith.muli %mul3A_384, %scan3A_294 : i32
      %add3A_386 = arith.constant 1 : i32
      %add3A_387 = arith.addi %mul3A_385, %add3A_386 : i32
      %dma_wait3A_388 = arith.constant 1 : i32
      %dma_wait3A_389 = arith.constant 1 : i32
      %dma_wait3A_390 = arith.constant 0 : i32
      %dma_wait3A_391 = arith.constant 0 : i32
      %dma_wait3A_392 = tpu.memref_slice %arg7[%dma_wait3A_389, %dma_wait3A_390, %dma_wait3A_391] : memref<4x64x128xf32, #tpu.memory_space<vmem>> -> memref<1x64x128xf32, #tpu.memory_space<vmem>>
      %dma_wait3A_393 = tpu.memref_squeeze %dma_wait3A_392 : memref<1x64x128xf32, #tpu.memory_space<vmem>> -> memref<64x128xf32, #tpu.memory_space<vmem>>
      %dma_wait3A_394 = arith.constant 0 : i32
      %dma_wait3A_395 = tpu.memref_slice %arg5[%dma_wait3A_388, %dma_wait3A_394] : memref<4x64xi32, #tpu.memory_space<vmem>> -> memref<1x64xi32, #tpu.memory_space<vmem>>
      %dma_wait3A_396 = tpu.memref_squeeze %dma_wait3A_395 : memref<1x64xi32, #tpu.memory_space<vmem>> -> memref<64xi32, #tpu.memory_space<vmem>>
      %dma_wait3A_397 = arith.constant 0 : i32
      %dma_wait3A_398 = arith.constant 0 : i32
      %dma_wait3A_399 = tpu.memref_slice %arg2[%dma_wait3A_397, %dma_wait3A_398] : memref<10240x128xf32, #tpu.memory_space<hbm>> -> memref<10240x128xf32, #tpu.memory_space<hbm>>
      tpu.wait_indirect_dma semaphore(%arg13 : memref<!tpu.dma_semaphore, #tpu.memory_space<semaphore_mem>>) src(%dma_wait3A_399 : memref<10240x128xf32, #tpu.memory_space<hbm>>) dst(%dma_wait3A_393 : memref<64x128xf32, #tpu.memory_space<vmem>>)
      %add3A_400 = arith.constant 320000 : i32
      %add3A_401 = arith.addi %add3A_400, %mul3A_2 : i32
      %mul3A_402 = arith.constant 64 : i32
      %mul3A_403 = arith.muli %add3A_387, %mul3A_402 : i32
      %add3A_404 = arith.addi %add3A_401, %mul3A_403 : i32
      %dma_wait3A_405 = arith.constant 1 : i32
      %dma_wait3A_406 = arith.constant 0 : i32
      %dma_wait3A_407 = tpu.memref_slice %arg6[%dma_wait3A_405, %dma_wait3A_406] : memref<4x64xi32, #tpu.memory_space<vmem>> -> memref<1x64xi32, #tpu.memory_space<vmem>>
      %dma_wait3A_408 = tpu.memref_squeeze %dma_wait3A_407 : memref<1x64xi32, #tpu.memory_space<vmem>> -> memref<64xi32, #tpu.memory_space<vmem>>
      %dma_wait3A_409 = tpu.memref_slice %arg3[%add3A_404] : memref<640000xi32, #tpu.memory_space<hbm>> -> memref<64xi32, #tpu.memory_space<hbm>>
      %dma_wait3A_410 = arith.constant 0 : i32
      %dma_wait3A_411 = tpu.memref_slice %arg6[%dma_wait3A_405, %dma_wait3A_410] : memref<4x64xi32, #tpu.memory_space<vmem>> -> memref<1x64xi32, #tpu.memory_space<vmem>>
      %dma_wait3A_412 = tpu.memref_squeeze %dma_wait3A_411 : memref<1x64xi32, #tpu.memory_space<vmem>> -> memref<64xi32, #tpu.memory_space<vmem>>
      %dma_wait3A_413 = tpu.memref_slice %arg3[%add3A_404] : memref<640000xi32, #tpu.memory_space<hbm>> -> memref<64xi32, #tpu.memory_space<hbm>>
      tpu.wait_dma2 semaphore(%arg25 : memref<!tpu.dma_semaphore, #tpu.memory_space<semaphore_mem>>) src(%dma_wait3A_413 : memref<64xi32, #tpu.memory_space<hbm>>) dst(%dma_wait3A_412 : memref<64xi32, #tpu.memory_space<vmem>>)
      %dma_start3A_414 = arith.constant 1 : i32
      %dma_start3A_415 = arith.constant 1 : i32
      %dma_start3A_416 = arith.constant 0 : i32
      %dma_start3A_417 = arith.constant 0 : i32
      %dma_start3A_418 = tpu.memref_slice %arg7[%dma_start3A_414, %dma_start3A_416, %dma_start3A_417] : memref<4x64x128xf32, #tpu.memory_space<vmem>> -> memref<1x64x128xf32, #tpu.memory_space<vmem>>
      %dma_start3A_419 = tpu.memref_squeeze %dma_start3A_418 : memref<1x64x128xf32, #tpu.memory_space<vmem>> -> memref<64x128xf32, #tpu.memory_space<vmem>>
      %dma_start3A_420 = arith.constant 0 : i32
      %dma_start3A_421 = tpu.memref_slice %arg6[%dma_start3A_415, %dma_start3A_420] : memref<4x64xi32, #tpu.memory_space<vmem>> -> memref<1x64xi32, #tpu.memory_space<vmem>>
      %dma_start3A_422 = tpu.memref_squeeze %dma_start3A_421 : memref<1x64xi32, #tpu.memory_space<vmem>> -> memref<64xi32, #tpu.memory_space<vmem>>
      %dma_start3A_423 = arith.constant 0 : i32
      %dma_start3A_424 = arith.constant 0 : i32
      %dma_start3A_425 = tpu.memref_slice %arg11[%dma_start3A_423, %dma_start3A_424] : memref<10240x128xf32, #tpu.memory_space<vmem_shared>> -> memref<10240x128xf32, #tpu.memory_space<vmem_shared>>
      tpu.enqueue_indirect_dma source(%dma_start3A_419 : memref<64x128xf32, #tpu.memory_space<vmem>>) target(%dma_start3A_425 : memref<10240x128xf32, #tpu.memory_space<vmem_shared>>) offsets(%dma_start3A_422 : memref<64xi32, #tpu.memory_space<vmem>>) semaphore(%arg17 : memref<!tpu.dma_semaphore, #tpu.memory_space<semaphore_mem>>) {add = true}
      %lt3A_426 = arith.constant 38 : i32
      %lt3A_427 = arith.cmpi slt, %scan3A_294, %lt3A_426 : i32
      %convert_element_type3A_428 = arith.extui %lt3A_427 : i1 to i32
      %cond3A_429 = arith.constant 0 : i32
      %cond3A_430 = arith.cmpi ne, %convert_element_type3A_428, %cond3A_429 : i32
      scf.if %cond3A_430 {
        %add3A_541 = arith.constant 4 : i32
        %add3A_542 = arith.addi %add3A_387, %add3A_541 : i32
        %mul3A_543 = arith.constant 64 : i32
        %mul3A_544 = arith.muli %add3A_542, %mul3A_543 : i32
        %add3A_545 = arith.addi %mul3A_2, %mul3A_544 : i32
        %dma_start3A_546 = arith.constant 1 : i32
        %dma_start3A_547 = arith.constant 0 : i32
        %dma_start3A_548 = tpu.memref_slice %arg5[%dma_start3A_546, %dma_start3A_547] : memref<4x64xi32, #tpu.memory_space<vmem>> -> memref<1x64xi32, #tpu.memory_space<vmem>>
        %dma_start3A_549 = tpu.memref_squeeze %dma_start3A_548 : memref<1x64xi32, #tpu.memory_space<vmem>> -> memref<64xi32, #tpu.memory_space<vmem>>
        %dma_start3A_550 = tpu.memref_slice %arg3[%add3A_545] : memref<640000xi32, #tpu.memory_space<hbm>> -> memref<64xi32, #tpu.memory_space<hbm>>
        %dma_start3A_551 = arith.constant 0 : i32
        %dma_start3A_552 = tpu.memref_slice %arg5[%dma_start3A_546, %dma_start3A_551] : memref<4x64xi32, #tpu.memory_space<vmem>> -> memref<1x64xi32, #tpu.memory_space<vmem>>
        %dma_start3A_553 = tpu.memref_squeeze %dma_start3A_552 : memref<1x64xi32, #tpu.memory_space<vmem>> -> memref<64xi32, #tpu.memory_space<vmem>>
        %dma_start3A_554 = tpu.memref_slice %arg3[%add3A_545] : memref<640000xi32, #tpu.memory_space<hbm>> -> memref<64xi32, #tpu.memory_space<hbm>>
        tpu.enqueue_dma source(%dma_start3A_554 : memref<64xi32, #tpu.memory_space<hbm>>) target(%dma_start3A_553 : memref<64xi32, #tpu.memory_space<vmem>>) target_semaphore(%arg21 : memref<!tpu.dma_semaphore, #tpu.memory_space<semaphore_mem>>)
      } else {
      }
      %lt3A_431 = arith.constant 38 : i32
      %lt3A_432 = arith.cmpi slt, %scan3A_294, %lt3A_431 : i32
      %convert_element_type3A_433 = arith.extui %lt3A_432 : i1 to i32
      %cond3A_434 = arith.constant 0 : i32
      %cond3A_435 = arith.cmpi ne, %convert_element_type3A_433, %cond3A_434 : i32
      scf.if %cond3A_435 {
        %dma_wait3A_541 = arith.constant 0 : i32
        %dma_wait3A_542 = arith.constant 0 : i32
        %dma_wait3A_543 = arith.constant 0 : i32
        %dma_wait3A_544 = arith.constant 0 : i32
        %dma_wait3A_545 = tpu.memref_slice %arg7[%dma_wait3A_541, %dma_wait3A_543, %dma_wait3A_544] : memref<4x64x128xf32, #tpu.memory_space<vmem>> -> memref<1x64x128xf32, #tpu.memory_space<vmem>>
        %dma_wait3A_546 = tpu.memref_squeeze %dma_wait3A_545 : memref<1x64x128xf32, #tpu.memory_space<vmem>> -> memref<64x128xf32, #tpu.memory_space<vmem>>
        %dma_wait3A_547 = arith.constant 0 : i32
        %dma_wait3A_548 = tpu.memref_slice %arg6[%dma_wait3A_542, %dma_wait3A_547] : memref<4x64xi32, #tpu.memory_space<vmem>> -> memref<1x64xi32, #tpu.memory_space<vmem>>
        %dma_wait3A_549 = tpu.memref_squeeze %dma_wait3A_548 : memref<1x64xi32, #tpu.memory_space<vmem>> -> memref<64xi32, #tpu.memory_space<vmem>>
        %dma_wait3A_550 = arith.constant 0 : i32
        %dma_wait3A_551 = arith.constant 0 : i32
        %dma_wait3A_552 = tpu.memref_slice %arg11[%dma_wait3A_550, %dma_wait3A_551] : memref<10240x128xf32, #tpu.memory_space<vmem_shared>> -> memref<10240x128xf32, #tpu.memory_space<vmem_shared>>
        tpu.wait_indirect_dma semaphore(%arg16 : memref<!tpu.dma_semaphore, #tpu.memory_space<semaphore_mem>>) src(%dma_wait3A_546 : memref<64x128xf32, #tpu.memory_space<vmem>>) dst(%dma_wait3A_552 : memref<10240x128xf32, #tpu.memory_space<vmem_shared>>)
        %mul3A_553 = arith.constant 64 : i32
        %mul3A_554 = arith.muli %add3A_387, %mul3A_553 : i32
        %add3A_555 = arith.addi %mul3A_2, %mul3A_554 : i32
        %dma_wait3A_556 = arith.constant 0 : i32
        %dma_wait3A_557 = arith.constant 0 : i32
        %dma_wait3A_558 = tpu.memref_slice %arg5[%dma_wait3A_556, %dma_wait3A_557] : memref<4x64xi32, #tpu.memory_space<vmem>> -> memref<1x64xi32, #tpu.memory_space<vmem>>
        %dma_wait3A_559 = tpu.memref_squeeze %dma_wait3A_558 : memref<1x64xi32, #tpu.memory_space<vmem>> -> memref<64xi32, #tpu.memory_space<vmem>>
        %dma_wait3A_560 = tpu.memref_slice %arg3[%add3A_555] : memref<640000xi32, #tpu.memory_space<hbm>> -> memref<64xi32, #tpu.memory_space<hbm>>
        %dma_wait3A_561 = arith.constant 0 : i32
        %dma_wait3A_562 = tpu.memref_slice %arg5[%dma_wait3A_556, %dma_wait3A_561] : memref<4x64xi32, #tpu.memory_space<vmem>> -> memref<1x64xi32, #tpu.memory_space<vmem>>
        %dma_wait3A_563 = tpu.memref_squeeze %dma_wait3A_562 : memref<1x64xi32, #tpu.memory_space<vmem>> -> memref<64xi32, #tpu.memory_space<vmem>>
        %dma_wait3A_564 = tpu.memref_slice %arg3[%add3A_555] : memref<640000xi32, #tpu.memory_space<hbm>> -> memref<64xi32, #tpu.memory_space<hbm>>
        tpu.wait_dma2 semaphore(%arg20 : memref<!tpu.dma_semaphore, #tpu.memory_space<semaphore_mem>>) src(%dma_wait3A_564 : memref<64xi32, #tpu.memory_space<hbm>>) dst(%dma_wait3A_563 : memref<64xi32, #tpu.memory_space<vmem>>)
        %dma_start3A_565 = arith.constant 0 : i32
        %dma_start3A_566 = arith.constant 0 : i32
        %dma_start3A_567 = arith.constant 0 : i32
        %dma_start3A_568 = arith.constant 0 : i32
        %dma_start3A_569 = tpu.memref_slice %arg7[%dma_start3A_566, %dma_start3A_567, %dma_start3A_568] : memref<4x64x128xf32, #tpu.memory_space<vmem>> -> memref<1x64x128xf32, #tpu.memory_space<vmem>>
        %dma_start3A_570 = tpu.memref_squeeze %dma_start3A_569 : memref<1x64x128xf32, #tpu.memory_space<vmem>> -> memref<64x128xf32, #tpu.memory_space<vmem>>
        %dma_start3A_571 = arith.constant 0 : i32
        %dma_start3A_572 = tpu.memref_slice %arg5[%dma_start3A_565, %dma_start3A_571] : memref<4x64xi32, #tpu.memory_space<vmem>> -> memref<1x64xi32, #tpu.memory_space<vmem>>
        %dma_start3A_573 = tpu.memref_squeeze %dma_start3A_572 : memref<1x64xi32, #tpu.memory_space<vmem>> -> memref<64xi32, #tpu.memory_space<vmem>>
        %dma_start3A_574 = arith.constant 0 : i32
        %dma_start3A_575 = arith.constant 0 : i32
        %dma_start3A_576 = tpu.memref_slice %arg2[%dma_start3A_574, %dma_start3A_575] : memref<10240x128xf32, #tpu.memory_space<hbm>> -> memref<10240x128xf32, #tpu.memory_space<hbm>>
        tpu.enqueue_indirect_dma source(%dma_start3A_576 : memref<10240x128xf32, #tpu.memory_space<hbm>>) target(%dma_start3A_570 : memref<64x128xf32, #tpu.memory_space<vmem>>) offsets(%dma_start3A_573 : memref<64xi32, #tpu.memory_space<vmem>>) semaphore(%arg12 : memref<!tpu.dma_semaphore, #tpu.memory_space<semaphore_mem>>)
        %add3A_577 = arith.constant 3 : i32
        %add3A_578 = arith.addi %add3A_387, %add3A_577 : i32
        %add3A_579 = arith.constant 320000 : i32
        %add3A_580 = arith.addi %add3A_579, %mul3A_2 : i32
        %mul3A_581 = arith.constant 64 : i32
        %mul3A_582 = arith.muli %add3A_578, %mul3A_581 : i32
        %add3A_583 = arith.addi %add3A_580, %mul3A_582 : i32
        %dma_start3A_584 = arith.constant 0 : i32
        %dma_start3A_585 = arith.constant 0 : i32
        %dma_start3A_586 = tpu.memref_slice %arg6[%dma_start3A_584, %dma_start3A_585] : memref<4x64xi32, #tpu.memory_space<vmem>> -> memref<1x64xi32, #tpu.memory_space<vmem>>
        %dma_start3A_587 = tpu.memref_squeeze %dma_start3A_586 : memref<1x64xi32, #tpu.memory_space<vmem>> -> memref<64xi32, #tpu.memory_space<vmem>>
        %dma_start3A_588 = tpu.memref_slice %arg3[%add3A_583] : memref<640000xi32, #tpu.memory_space<hbm>> -> memref<64xi32, #tpu.memory_space<hbm>>
        %dma_start3A_589 = arith.constant 0 : i32
        %dma_start3A_590 = tpu.memref_slice %arg6[%dma_start3A_584, %dma_start3A_589] : memref<4x64xi32, #tpu.memory_space<vmem>> -> memref<1x64xi32, #tpu.memory_space<vmem>>
        %dma_start3A_591 = tpu.memref_squeeze %dma_start3A_590 : memref<1x64xi32, #tpu.memory_space<vmem>> -> memref<64xi32, #tpu.memory_space<vmem>>
        %dma_start3A_592 = tpu.memref_slice %arg3[%add3A_583] : memref<640000xi32, #tpu.memory_space<hbm>> -> memref<64xi32, #tpu.memory_space<hbm>>
        tpu.enqueue_dma source(%dma_start3A_592 : memref<64xi32, #tpu.memory_space<hbm>>) target(%dma_start3A_591 : memref<64xi32, #tpu.memory_space<vmem>>) target_semaphore(%arg24 : memref<!tpu.dma_semaphore, #tpu.memory_space<semaphore_mem>>)
      } else {
      }
      %mul3A_436 = arith.constant 4 : i32
      %mul3A_437 = arith.muli %mul3A_436, %scan3A_294 : i32
      %add3A_438 = arith.constant 2 : i32
      %add3A_439 = arith.addi %mul3A_437, %add3A_438 : i32
      %dma_wait3A_440 = arith.constant 2 : i32
      %dma_wait3A_441 = arith.constant 2 : i32
      %dma_wait3A_442 = arith.constant 0 : i32
      %dma_wait3A_443 = arith.constant 0 : i32
      %dma_wait3A_444 = tpu.memref_slice %arg7[%dma_wait3A_441, %dma_wait3A_442, %dma_wait3A_443] : memref<4x64x128xf32, #tpu.memory_space<vmem>> -> memref<1x64x128xf32, #tpu.memory_space<vmem>>
      %dma_wait3A_445 = tpu.memref_squeeze %dma_wait3A_444 : memref<1x64x128xf32, #tpu.memory_space<vmem>> -> memref<64x128xf32, #tpu.memory_space<vmem>>
      %dma_wait3A_446 = arith.constant 0 : i32
      %dma_wait3A_447 = tpu.memref_slice %arg5[%dma_wait3A_440, %dma_wait3A_446] : memref<4x64xi32, #tpu.memory_space<vmem>> -> memref<1x64xi32, #tpu.memory_space<vmem>>
      %dma_wait3A_448 = tpu.memref_squeeze %dma_wait3A_447 : memref<1x64xi32, #tpu.memory_space<vmem>> -> memref<64xi32, #tpu.memory_space<vmem>>
      %dma_wait3A_449 = arith.constant 0 : i32
      %dma_wait3A_450 = arith.constant 0 : i32
      %dma_wait3A_451 = tpu.memref_slice %arg2[%dma_wait3A_449, %dma_wait3A_450] : memref<10240x128xf32, #tpu.memory_space<hbm>> -> memref<10240x128xf32, #tpu.memory_space<hbm>>
      tpu.wait_indirect_dma semaphore(%arg14 : memref<!tpu.dma_semaphore, #tpu.memory_space<semaphore_mem>>) src(%dma_wait3A_451 : memref<10240x128xf32, #tpu.memory_space<hbm>>) dst(%dma_wait3A_445 : memref<64x128xf32, #tpu.memory_space<vmem>>)
      %add3A_452 = arith.constant 320000 : i32
      %add3A_453 = arith.addi %add3A_452, %mul3A_2 : i32
      %mul3A_454 = arith.constant 64 : i32
      %mul3A_455 = arith.muli %add3A_439, %mul3A_454 : i32
      %add3A_456 = arith.addi %add3A_453, %mul3A_455 : i32
      %dma_wait3A_457 = arith.constant 2 : i32
      %dma_wait3A_458 = arith.constant 0 : i32
      %dma_wait3A_459 = tpu.memref_slice %arg6[%dma_wait3A_457, %dma_wait3A_458] : memref<4x64xi32, #tpu.memory_space<vmem>> -> memref<1x64xi32, #tpu.memory_space<vmem>>
      %dma_wait3A_460 = tpu.memref_squeeze %dma_wait3A_459 : memref<1x64xi32, #tpu.memory_space<vmem>> -> memref<64xi32, #tpu.memory_space<vmem>>
      %dma_wait3A_461 = tpu.memref_slice %arg3[%add3A_456] : memref<640000xi32, #tpu.memory_space<hbm>> -> memref<64xi32, #tpu.memory_space<hbm>>
      %dma_wait3A_462 = arith.constant 0 : i32
      %dma_wait3A_463 = tpu.memref_slice %arg6[%dma_wait3A_457, %dma_wait3A_462] : memref<4x64xi32, #tpu.memory_space<vmem>> -> memref<1x64xi32, #tpu.memory_space<vmem>>
      %dma_wait3A_464 = tpu.memref_squeeze %dma_wait3A_463 : memref<1x64xi32, #tpu.memory_space<vmem>> -> memref<64xi32, #tpu.memory_space<vmem>>
      %dma_wait3A_465 = tpu.memref_slice %arg3[%add3A_456] : memref<640000xi32, #tpu.memory_space<hbm>> -> memref<64xi32, #tpu.memory_space<hbm>>
      tpu.wait_dma2 semaphore(%arg26 : memref<!tpu.dma_semaphore, #tpu.memory_space<semaphore_mem>>) src(%dma_wait3A_465 : memref<64xi32, #tpu.memory_space<hbm>>) dst(%dma_wait3A_464 : memref<64xi32, #tpu.memory_space<vmem>>)
      %dma_start3A_466 = arith.constant 2 : i32
      %dma_start3A_467 = arith.constant 2 : i32
      %dma_start3A_468 = arith.constant 0 : i32
      %dma_start3A_469 = arith.constant 0 : i32
      %dma_start3A_470 = tpu.memref_slice %arg7[%dma_start3A_466, %dma_start3A_468, %dma_start3A_469] : memref<4x64x128xf32, #tpu.memory_space<vmem>> -> memref<1x64x128xf32, #tpu.memory_space<vmem>>
      %dma_start3A_471 = tpu.memref_squeeze %dma_start3A_470 : memref<1x64x128xf32, #tpu.memory_space<vmem>> -> memref<64x128xf32, #tpu.memory_space<vmem>>
      %dma_start3A_472 = arith.constant 0 : i32
      %dma_start3A_473 = tpu.memref_slice %arg6[%dma_start3A_467, %dma_start3A_472] : memref<4x64xi32, #tpu.memory_space<vmem>> -> memref<1x64xi32, #tpu.memory_space<vmem>>
      %dma_start3A_474 = tpu.memref_squeeze %dma_start3A_473 : memref<1x64xi32, #tpu.memory_space<vmem>> -> memref<64xi32, #tpu.memory_space<vmem>>
      %dma_start3A_475 = arith.constant 0 : i32
      %dma_start3A_476 = arith.constant 0 : i32
      %dma_start3A_477 = tpu.memref_slice %arg11[%dma_start3A_475, %dma_start3A_476] : memref<10240x128xf32, #tpu.memory_space<vmem_shared>> -> memref<10240x128xf32, #tpu.memory_space<vmem_shared>>
      tpu.enqueue_indirect_dma source(%dma_start3A_471 : memref<64x128xf32, #tpu.memory_space<vmem>>) target(%dma_start3A_477 : memref<10240x128xf32, #tpu.memory_space<vmem_shared>>) offsets(%dma_start3A_474 : memref<64xi32, #tpu.memory_space<vmem>>) semaphore(%arg18 : memref<!tpu.dma_semaphore, #tpu.memory_space<semaphore_mem>>) {add = true}
      %lt3A_478 = arith.constant 38 : i32
      %lt3A_479 = arith.cmpi slt, %scan3A_294, %lt3A_478 : i32
      %convert_element_type3A_480 = arith.extui %lt3A_479 : i1 to i32
      %cond3A_481 = arith.constant 0 : i32
      %cond3A_482 = arith.cmpi ne, %convert_element_type3A_480, %cond3A_481 : i32
      scf.if %cond3A_482 {
        %add3A_541 = arith.constant 4 : i32
        %add3A_542 = arith.addi %add3A_439, %add3A_541 : i32
        %mul3A_543 = arith.constant 64 : i32
        %mul3A_544 = arith.muli %add3A_542, %mul3A_543 : i32
        %add3A_545 = arith.addi %mul3A_2, %mul3A_544 : i32
        %dma_start3A_546 = arith.constant 2 : i32
        %dma_start3A_547 = arith.constant 0 : i32
        %dma_start3A_548 = tpu.memref_slice %arg5[%dma_start3A_546, %dma_start3A_547] : memref<4x64xi32, #tpu.memory_space<vmem>> -> memref<1x64xi32, #tpu.memory_space<vmem>>
        %dma_start3A_549 = tpu.memref_squeeze %dma_start3A_548 : memref<1x64xi32, #tpu.memory_space<vmem>> -> memref<64xi32, #tpu.memory_space<vmem>>
        %dma_start3A_550 = tpu.memref_slice %arg3[%add3A_545] : memref<640000xi32, #tpu.memory_space<hbm>> -> memref<64xi32, #tpu.memory_space<hbm>>
        %dma_start3A_551 = arith.constant 0 : i32
        %dma_start3A_552 = tpu.memref_slice %arg5[%dma_start3A_546, %dma_start3A_551] : memref<4x64xi32, #tpu.memory_space<vmem>> -> memref<1x64xi32, #tpu.memory_space<vmem>>
        %dma_start3A_553 = tpu.memref_squeeze %dma_start3A_552 : memref<1x64xi32, #tpu.memory_space<vmem>> -> memref<64xi32, #tpu.memory_space<vmem>>
        %dma_start3A_554 = tpu.memref_slice %arg3[%add3A_545] : memref<640000xi32, #tpu.memory_space<hbm>> -> memref<64xi32, #tpu.memory_space<hbm>>
        tpu.enqueue_dma source(%dma_start3A_554 : memref<64xi32, #tpu.memory_space<hbm>>) target(%dma_start3A_553 : memref<64xi32, #tpu.memory_space<vmem>>) target_semaphore(%arg22 : memref<!tpu.dma_semaphore, #tpu.memory_space<semaphore_mem>>)
      } else {
      }
      %lt3A_483 = arith.constant 38 : i32
      %lt3A_484 = arith.cmpi slt, %scan3A_294, %lt3A_483 : i32
      %convert_element_type3A_485 = arith.extui %lt3A_484 : i1 to i32
      %cond3A_486 = arith.constant 0 : i32
      %cond3A_487 = arith.cmpi ne, %convert_element_type3A_485, %cond3A_486 : i32
      scf.if %cond3A_487 {
        %dma_wait3A_541 = arith.constant 1 : i32
        %dma_wait3A_542 = arith.constant 1 : i32
        %dma_wait3A_543 = arith.constant 0 : i32
        %dma_wait3A_544 = arith.constant 0 : i32
        %dma_wait3A_545 = tpu.memref_slice %arg7[%dma_wait3A_541, %dma_wait3A_543, %dma_wait3A_544] : memref<4x64x128xf32, #tpu.memory_space<vmem>> -> memref<1x64x128xf32, #tpu.memory_space<vmem>>
        %dma_wait3A_546 = tpu.memref_squeeze %dma_wait3A_545 : memref<1x64x128xf32, #tpu.memory_space<vmem>> -> memref<64x128xf32, #tpu.memory_space<vmem>>
        %dma_wait3A_547 = arith.constant 0 : i32
        %dma_wait3A_548 = tpu.memref_slice %arg6[%dma_wait3A_542, %dma_wait3A_547] : memref<4x64xi32, #tpu.memory_space<vmem>> -> memref<1x64xi32, #tpu.memory_space<vmem>>
        %dma_wait3A_549 = tpu.memref_squeeze %dma_wait3A_548 : memref<1x64xi32, #tpu.memory_space<vmem>> -> memref<64xi32, #tpu.memory_space<vmem>>
        %dma_wait3A_550 = arith.constant 0 : i32
        %dma_wait3A_551 = arith.constant 0 : i32
        %dma_wait3A_552 = tpu.memref_slice %arg11[%dma_wait3A_550, %dma_wait3A_551] : memref<10240x128xf32, #tpu.memory_space<vmem_shared>> -> memref<10240x128xf32, #tpu.memory_space<vmem_shared>>
        tpu.wait_indirect_dma semaphore(%arg17 : memref<!tpu.dma_semaphore, #tpu.memory_space<semaphore_mem>>) src(%dma_wait3A_546 : memref<64x128xf32, #tpu.memory_space<vmem>>) dst(%dma_wait3A_552 : memref<10240x128xf32, #tpu.memory_space<vmem_shared>>)
        %mul3A_553 = arith.constant 64 : i32
        %mul3A_554 = arith.muli %add3A_439, %mul3A_553 : i32
        %add3A_555 = arith.addi %mul3A_2, %mul3A_554 : i32
        %dma_wait3A_556 = arith.constant 1 : i32
        %dma_wait3A_557 = arith.constant 0 : i32
        %dma_wait3A_558 = tpu.memref_slice %arg5[%dma_wait3A_556, %dma_wait3A_557] : memref<4x64xi32, #tpu.memory_space<vmem>> -> memref<1x64xi32, #tpu.memory_space<vmem>>
        %dma_wait3A_559 = tpu.memref_squeeze %dma_wait3A_558 : memref<1x64xi32, #tpu.memory_space<vmem>> -> memref<64xi32, #tpu.memory_space<vmem>>
        %dma_wait3A_560 = tpu.memref_slice %arg3[%add3A_555] : memref<640000xi32, #tpu.memory_space<hbm>> -> memref<64xi32, #tpu.memory_space<hbm>>
        %dma_wait3A_561 = arith.constant 0 : i32
        %dma_wait3A_562 = tpu.memref_slice %arg5[%dma_wait3A_556, %dma_wait3A_561] : memref<4x64xi32, #tpu.memory_space<vmem>> -> memref<1x64xi32, #tpu.memory_space<vmem>>
        %dma_wait3A_563 = tpu.memref_squeeze %dma_wait3A_562 : memref<1x64xi32, #tpu.memory_space<vmem>> -> memref<64xi32, #tpu.memory_space<vmem>>
        %dma_wait3A_564 = tpu.memref_slice %arg3[%add3A_555] : memref<640000xi32, #tpu.memory_space<hbm>> -> memref<64xi32, #tpu.memory_space<hbm>>
        tpu.wait_dma2 semaphore(%arg21 : memref<!tpu.dma_semaphore, #tpu.memory_space<semaphore_mem>>) src(%dma_wait3A_564 : memref<64xi32, #tpu.memory_space<hbm>>) dst(%dma_wait3A_563 : memref<64xi32, #tpu.memory_space<vmem>>)
        %dma_start3A_565 = arith.constant 1 : i32
        %dma_start3A_566 = arith.constant 1 : i32
        %dma_start3A_567 = arith.constant 0 : i32
        %dma_start3A_568 = arith.constant 0 : i32
        %dma_start3A_569 = tpu.memref_slice %arg7[%dma_start3A_566, %dma_start3A_567, %dma_start3A_568] : memref<4x64x128xf32, #tpu.memory_space<vmem>> -> memref<1x64x128xf32, #tpu.memory_space<vmem>>
        %dma_start3A_570 = tpu.memref_squeeze %dma_start3A_569 : memref<1x64x128xf32, #tpu.memory_space<vmem>> -> memref<64x128xf32, #tpu.memory_space<vmem>>
        %dma_start3A_571 = arith.constant 0 : i32
        %dma_start3A_572 = tpu.memref_slice %arg5[%dma_start3A_565, %dma_start3A_571] : memref<4x64xi32, #tpu.memory_space<vmem>> -> memref<1x64xi32, #tpu.memory_space<vmem>>
        %dma_start3A_573 = tpu.memref_squeeze %dma_start3A_572 : memref<1x64xi32, #tpu.memory_space<vmem>> -> memref<64xi32, #tpu.memory_space<vmem>>
        %dma_start3A_574 = arith.constant 0 : i32
        %dma_start3A_575 = arith.constant 0 : i32
        %dma_start3A_576 = tpu.memref_slice %arg2[%dma_start3A_574, %dma_start3A_575] : memref<10240x128xf32, #tpu.memory_space<hbm>> -> memref<10240x128xf32, #tpu.memory_space<hbm>>
        tpu.enqueue_indirect_dma source(%dma_start3A_576 : memref<10240x128xf32, #tpu.memory_space<hbm>>) target(%dma_start3A_570 : memref<64x128xf32, #tpu.memory_space<vmem>>) offsets(%dma_start3A_573 : memref<64xi32, #tpu.memory_space<vmem>>) semaphore(%arg13 : memref<!tpu.dma_semaphore, #tpu.memory_space<semaphore_mem>>)
        %add3A_577 = arith.constant 3 : i32
        %add3A_578 = arith.addi %add3A_439, %add3A_577 : i32
        %add3A_579 = arith.constant 320000 : i32
        %add3A_580 = arith.addi %add3A_579, %mul3A_2 : i32
        %mul3A_581 = arith.constant 64 : i32
        %mul3A_582 = arith.muli %add3A_578, %mul3A_581 : i32
        %add3A_583 = arith.addi %add3A_580, %mul3A_582 : i32
        %dma_start3A_584 = arith.constant 1 : i32
        %dma_start3A_585 = arith.constant 0 : i32
        %dma_start3A_586 = tpu.memref_slice %arg6[%dma_start3A_584, %dma_start3A_585] : memref<4x64xi32, #tpu.memory_space<vmem>> -> memref<1x64xi32, #tpu.memory_space<vmem>>
        %dma_start3A_587 = tpu.memref_squeeze %dma_start3A_586 : memref<1x64xi32, #tpu.memory_space<vmem>> -> memref<64xi32, #tpu.memory_space<vmem>>
        %dma_start3A_588 = tpu.memref_slice %arg3[%add3A_583] : memref<640000xi32, #tpu.memory_space<hbm>> -> memref<64xi32, #tpu.memory_space<hbm>>
        %dma_start3A_589 = arith.constant 0 : i32
        %dma_start3A_590 = tpu.memref_slice %arg6[%dma_start3A_584, %dma_start3A_589] : memref<4x64xi32, #tpu.memory_space<vmem>> -> memref<1x64xi32, #tpu.memory_space<vmem>>
        %dma_start3A_591 = tpu.memref_squeeze %dma_start3A_590 : memref<1x64xi32, #tpu.memory_space<vmem>> -> memref<64xi32, #tpu.memory_space<vmem>>
        %dma_start3A_592 = tpu.memref_slice %arg3[%add3A_583] : memref<640000xi32, #tpu.memory_space<hbm>> -> memref<64xi32, #tpu.memory_space<hbm>>
        tpu.enqueue_dma source(%dma_start3A_592 : memref<64xi32, #tpu.memory_space<hbm>>) target(%dma_start3A_591 : memref<64xi32, #tpu.memory_space<vmem>>) target_semaphore(%arg25 : memref<!tpu.dma_semaphore, #tpu.memory_space<semaphore_mem>>)
      } else {
      }
      %mul3A_488 = arith.constant 4 : i32
      %mul3A_489 = arith.muli %mul3A_488, %scan3A_294 : i32
      %add3A_490 = arith.constant 3 : i32
      %add3A_491 = arith.addi %mul3A_489, %add3A_490 : i32
      %dma_wait3A_492 = arith.constant 3 : i32
      %dma_wait3A_493 = arith.constant 3 : i32
      %dma_wait3A_494 = arith.constant 0 : i32
      %dma_wait3A_495 = arith.constant 0 : i32
      %dma_wait3A_496 = tpu.memref_slice %arg7[%dma_wait3A_493, %dma_wait3A_494, %dma_wait3A_495] : memref<4x64x128xf32, #tpu.memory_space<vmem>> -> memref<1x64x128xf32, #tpu.memory_space<vmem>>
      %dma_wait3A_497 = tpu.memref_squeeze %dma_wait3A_496 : memref<1x64x128xf32, #tpu.memory_space<vmem>> -> memref<64x128xf32, #tpu.memory_space<vmem>>
      %dma_wait3A_498 = arith.constant 0 : i32
      %dma_wait3A_499 = tpu.memref_slice %arg5[%dma_wait3A_492, %dma_wait3A_498] : memref<4x64xi32, #tpu.memory_space<vmem>> -> memref<1x64xi32, #tpu.memory_space<vmem>>
      %dma_wait3A_500 = tpu.memref_squeeze %dma_wait3A_499 : memref<1x64xi32, #tpu.memory_space<vmem>> -> memref<64xi32, #tpu.memory_space<vmem>>
      %dma_wait3A_501 = arith.constant 0 : i32
      %dma_wait3A_502 = arith.constant 0 : i32
      %dma_wait3A_503 = tpu.memref_slice %arg2[%dma_wait3A_501, %dma_wait3A_502] : memref<10240x128xf32, #tpu.memory_space<hbm>> -> memref<10240x128xf32, #tpu.memory_space<hbm>>
      tpu.wait_indirect_dma semaphore(%arg15 : memref<!tpu.dma_semaphore, #tpu.memory_space<semaphore_mem>>) src(%dma_wait3A_503 : memref<10240x128xf32, #tpu.memory_space<hbm>>) dst(%dma_wait3A_497 : memref<64x128xf32, #tpu.memory_space<vmem>>)
      %add3A_504 = arith.constant 320000 : i32
      %add3A_505 = arith.addi %add3A_504, %mul3A_2 : i32
      %mul3A_506 = arith.constant 64 : i32
      %mul3A_507 = arith.muli %add3A_491, %mul3A_506 : i32
      %add3A_508 = arith.addi %add3A_505, %mul3A_507 : i32
      %dma_wait3A_509 = arith.constant 3 : i32
      %dma_wait3A_510 = arith.constant 0 : i32
      %dma_wait3A_511 = tpu.memref_slice %arg6[%dma_wait3A_509, %dma_wait3A_510] : memref<4x64xi32, #tpu.memory_space<vmem>> -> memref<1x64xi32, #tpu.memory_space<vmem>>
      %dma_wait3A_512 = tpu.memref_squeeze %dma_wait3A_511 : memref<1x64xi32, #tpu.memory_space<vmem>> -> memref<64xi32, #tpu.memory_space<vmem>>
      %dma_wait3A_513 = tpu.memref_slice %arg3[%add3A_508] : memref<640000xi32, #tpu.memory_space<hbm>> -> memref<64xi32, #tpu.memory_space<hbm>>
      %dma_wait3A_514 = arith.constant 0 : i32
      %dma_wait3A_515 = tpu.memref_slice %arg6[%dma_wait3A_509, %dma_wait3A_514] : memref<4x64xi32, #tpu.memory_space<vmem>> -> memref<1x64xi32, #tpu.memory_space<vmem>>
      %dma_wait3A_516 = tpu.memref_squeeze %dma_wait3A_515 : memref<1x64xi32, #tpu.memory_space<vmem>> -> memref<64xi32, #tpu.memory_space<vmem>>
      %dma_wait3A_517 = tpu.memref_slice %arg3[%add3A_508] : memref<640000xi32, #tpu.memory_space<hbm>> -> memref<64xi32, #tpu.memory_space<hbm>>
      tpu.wait_dma2 semaphore(%arg27 : memref<!tpu.dma_semaphore, #tpu.memory_space<semaphore_mem>>) src(%dma_wait3A_517 : memref<64xi32, #tpu.memory_space<hbm>>) dst(%dma_wait3A_516 : memref<64xi32, #tpu.memory_space<vmem>>)
      %dma_start3A_518 = arith.constant 3 : i32
      %dma_start3A_519 = arith.constant 3 : i32
      %dma_start3A_520 = arith.constant 0 : i32
      %dma_start3A_521 = arith.constant 0 : i32
      %dma_start3A_522 = tpu.memref_slice %arg7[%dma_start3A_518, %dma_start3A_520, %dma_start3A_521] : memref<4x64x128xf32, #tpu.memory_space<vmem>> -> memref<1x64x128xf32, #tpu.memory_space<vmem>>
      %dma_start3A_523 = tpu.memref_squeeze %dma_start3A_522 : memref<1x64x128xf32, #tpu.memory_space<vmem>> -> memref<64x128xf32, #tpu.memory_space<vmem>>
      %dma_start3A_524 = arith.constant 0 : i32
      %dma_start3A_525 = tpu.memref_slice %arg6[%dma_start3A_519, %dma_start3A_524] : memref<4x64xi32, #tpu.memory_space<vmem>> -> memref<1x64xi32, #tpu.memory_space<vmem>>
      %dma_start3A_526 = tpu.memref_squeeze %dma_start3A_525 : memref<1x64xi32, #tpu.memory_space<vmem>> -> memref<64xi32, #tpu.memory_space<vmem>>
      %dma_start3A_527 = arith.constant 0 : i32
      %dma_start3A_528 = arith.constant 0 : i32
      %dma_start3A_529 = tpu.memref_slice %arg11[%dma_start3A_527, %dma_start3A_528] : memref<10240x128xf32, #tpu.memory_space<vmem_shared>> -> memref<10240x128xf32, #tpu.memory_space<vmem_shared>>
      tpu.enqueue_indirect_dma source(%dma_start3A_523 : memref<64x128xf32, #tpu.memory_space<vmem>>) target(%dma_start3A_529 : memref<10240x128xf32, #tpu.memory_space<vmem_shared>>) offsets(%dma_start3A_526 : memref<64xi32, #tpu.memory_space<vmem>>) semaphore(%arg19 : memref<!tpu.dma_semaphore, #tpu.memory_space<semaphore_mem>>) {add = true}
      %lt3A_530 = arith.constant 38 : i32
      %lt3A_531 = arith.cmpi slt, %scan3A_294, %lt3A_530 : i32
      %convert_element_type3A_532 = arith.extui %lt3A_531 : i1 to i32
      %cond3A_533 = arith.constant 0 : i32
      %cond3A_534 = arith.cmpi ne, %convert_element_type3A_532, %cond3A_533 : i32
      scf.if %cond3A_534 {
        %add3A_541 = arith.constant 4 : i32
        %add3A_542 = arith.addi %add3A_491, %add3A_541 : i32
        %mul3A_543 = arith.constant 64 : i32
        %mul3A_544 = arith.muli %add3A_542, %mul3A_543 : i32
        %add3A_545 = arith.addi %mul3A_2, %mul3A_544 : i32
        %dma_start3A_546 = arith.constant 3 : i32
        %dma_start3A_547 = arith.constant 0 : i32
        %dma_start3A_548 = tpu.memref_slice %arg5[%dma_start3A_546, %dma_start3A_547] : memref<4x64xi32, #tpu.memory_space<vmem>> -> memref<1x64xi32, #tpu.memory_space<vmem>>
        %dma_start3A_549 = tpu.memref_squeeze %dma_start3A_548 : memref<1x64xi32, #tpu.memory_space<vmem>> -> memref<64xi32, #tpu.memory_space<vmem>>
        %dma_start3A_550 = tpu.memref_slice %arg3[%add3A_545] : memref<640000xi32, #tpu.memory_space<hbm>> -> memref<64xi32, #tpu.memory_space<hbm>>
        %dma_start3A_551 = arith.constant 0 : i32
        %dma_start3A_552 = tpu.memref_slice %arg5[%dma_start3A_546, %dma_start3A_551] : memref<4x64xi32, #tpu.memory_space<vmem>> -> memref<1x64xi32, #tpu.memory_space<vmem>>
        %dma_start3A_553 = tpu.memref_squeeze %dma_start3A_552 : memref<1x64xi32, #tpu.memory_space<vmem>> -> memref<64xi32, #tpu.memory_space<vmem>>
        %dma_start3A_554 = tpu.memref_slice %arg3[%add3A_545] : memref<640000xi32, #tpu.memory_space<hbm>> -> memref<64xi32, #tpu.memory_space<hbm>>
        tpu.enqueue_dma source(%dma_start3A_554 : memref<64xi32, #tpu.memory_space<hbm>>) target(%dma_start3A_553 : memref<64xi32, #tpu.memory_space<vmem>>) target_semaphore(%arg23 : memref<!tpu.dma_semaphore, #tpu.memory_space<semaphore_mem>>)
      } else {
      }
      %lt3A_535 = arith.constant 38 : i32
      %lt3A_536 = arith.cmpi slt, %scan3A_294, %lt3A_535 : i32
      %convert_element_type3A_537 = arith.extui %lt3A_536 : i1 to i32
      %cond3A_538 = arith.constant 0 : i32
      %cond3A_539 = arith.cmpi ne, %convert_element_type3A_537, %cond3A_538 : i32
      scf.if %cond3A_539 {
        %dma_wait3A_541 = arith.constant 2 : i32
        %dma_wait3A_542 = arith.constant 2 : i32
        %dma_wait3A_543 = arith.constant 0 : i32
        %dma_wait3A_544 = arith.constant 0 : i32
        %dma_wait3A_545 = tpu.memref_slice %arg7[%dma_wait3A_541, %dma_wait3A_543, %dma_wait3A_544] : memref<4x64x128xf32, #tpu.memory_space<vmem>> -> memref<1x64x128xf32, #tpu.memory_space<vmem>>
        %dma_wait3A_546 = tpu.memref_squeeze %dma_wait3A_545 : memref<1x64x128xf32, #tpu.memory_space<vmem>> -> memref<64x128xf32, #tpu.memory_space<vmem>>
        %dma_wait3A_547 = arith.constant 0 : i32
        %dma_wait3A_548 = tpu.memref_slice %arg6[%dma_wait3A_542, %dma_wait3A_547] : memref<4x64xi32, #tpu.memory_space<vmem>> -> memref<1x64xi32, #tpu.memory_space<vmem>>
        %dma_wait3A_549 = tpu.memref_squeeze %dma_wait3A_548 : memref<1x64xi32, #tpu.memory_space<vmem>> -> memref<64xi32, #tpu.memory_space<vmem>>
        %dma_wait3A_550 = arith.constant 0 : i32
        %dma_wait3A_551 = arith.constant 0 : i32
        %dma_wait3A_552 = tpu.memref_slice %arg11[%dma_wait3A_550, %dma_wait3A_551] : memref<10240x128xf32, #tpu.memory_space<vmem_shared>> -> memref<10240x128xf32, #tpu.memory_space<vmem_shared>>
        tpu.wait_indirect_dma semaphore(%arg18 : memref<!tpu.dma_semaphore, #tpu.memory_space<semaphore_mem>>) src(%dma_wait3A_546 : memref<64x128xf32, #tpu.memory_space<vmem>>) dst(%dma_wait3A_552 : memref<10240x128xf32, #tpu.memory_space<vmem_shared>>)
        %mul3A_553 = arith.constant 64 : i32
        %mul3A_554 = arith.muli %add3A_491, %mul3A_553 : i32
        %add3A_555 = arith.addi %mul3A_2, %mul3A_554 : i32
        %dma_wait3A_556 = arith.constant 2 : i32
        %dma_wait3A_557 = arith.constant 0 : i32
        %dma_wait3A_558 = tpu.memref_slice %arg5[%dma_wait3A_556, %dma_wait3A_557] : memref<4x64xi32, #tpu.memory_space<vmem>> -> memref<1x64xi32, #tpu.memory_space<vmem>>
        %dma_wait3A_559 = tpu.memref_squeeze %dma_wait3A_558 : memref<1x64xi32, #tpu.memory_space<vmem>> -> memref<64xi32, #tpu.memory_space<vmem>>
        %dma_wait3A_560 = tpu.memref_slice %arg3[%add3A_555] : memref<640000xi32, #tpu.memory_space<hbm>> -> memref<64xi32, #tpu.memory_space<hbm>>
        %dma_wait3A_561 = arith.constant 0 : i32
        %dma_wait3A_562 = tpu.memref_slice %arg5[%dma_wait3A_556, %dma_wait3A_561] : memref<4x64xi32, #tpu.memory_space<vmem>> -> memref<1x64xi32, #tpu.memory_space<vmem>>
        %dma_wait3A_563 = tpu.memref_squeeze %dma_wait3A_562 : memref<1x64xi32, #tpu.memory_space<vmem>> -> memref<64xi32, #tpu.memory_space<vmem>>
        %dma_wait3A_564 = tpu.memref_slice %arg3[%add3A_555] : memref<640000xi32, #tpu.memory_space<hbm>> -> memref<64xi32, #tpu.memory_space<hbm>>
        tpu.wait_dma2 semaphore(%arg22 : memref<!tpu.dma_semaphore, #tpu.memory_space<semaphore_mem>>) src(%dma_wait3A_564 : memref<64xi32, #tpu.memory_space<hbm>>) dst(%dma_wait3A_563 : memref<64xi32, #tpu.memory_space<vmem>>)
        %dma_start3A_565 = arith.constant 2 : i32
        %dma_start3A_566 = arith.constant 2 : i32
        %dma_start3A_567 = arith.constant 0 : i32
        %dma_start3A_568 = arith.constant 0 : i32
        %dma_start3A_569 = tpu.memref_slice %arg7[%dma_start3A_566, %dma_start3A_567, %dma_start3A_568] : memref<4x64x128xf32, #tpu.memory_space<vmem>> -> memref<1x64x128xf32, #tpu.memory_space<vmem>>
        %dma_start3A_570 = tpu.memref_squeeze %dma_start3A_569 : memref<1x64x128xf32, #tpu.memory_space<vmem>> -> memref<64x128xf32, #tpu.memory_space<vmem>>
        %dma_start3A_571 = arith.constant 0 : i32
        %dma_start3A_572 = tpu.memref_slice %arg5[%dma_start3A_565, %dma_start3A_571] : memref<4x64xi32, #tpu.memory_space<vmem>> -> memref<1x64xi32, #tpu.memory_space<vmem>>
        %dma_start3A_573 = tpu.memref_squeeze %dma_start3A_572 : memref<1x64xi32, #tpu.memory_space<vmem>> -> memref<64xi32, #tpu.memory_space<vmem>>
        %dma_start3A_574 = arith.constant 0 : i32
        %dma_start3A_575 = arith.constant 0 : i32
        %dma_start3A_576 = tpu.memref_slice %arg2[%dma_start3A_574, %dma_start3A_575] : memref<10240x128xf32, #tpu.memory_space<hbm>> -> memref<10240x128xf32, #tpu.memory_space<hbm>>
        tpu.enqueue_indirect_dma source(%dma_start3A_576 : memref<10240x128xf32, #tpu.memory_space<hbm>>) target(%dma_start3A_570 : memref<64x128xf32, #tpu.memory_space<vmem>>) offsets(%dma_start3A_573 : memref<64xi32, #tpu.memory_space<vmem>>) semaphore(%arg14 : memref<!tpu.dma_semaphore, #tpu.memory_space<semaphore_mem>>)
        %add3A_577 = arith.constant 3 : i32
        %add3A_578 = arith.addi %add3A_491, %add3A_577 : i32
        %add3A_579 = arith.constant 320000 : i32
        %add3A_580 = arith.addi %add3A_579, %mul3A_2 : i32
        %mul3A_581 = arith.constant 64 : i32
        %mul3A_582 = arith.muli %add3A_578, %mul3A_581 : i32
        %add3A_583 = arith.addi %add3A_580, %mul3A_582 : i32
        %dma_start3A_584 = arith.constant 2 : i32
        %dma_start3A_585 = arith.constant 0 : i32
        %dma_start3A_586 = tpu.memref_slice %arg6[%dma_start3A_584, %dma_start3A_585] : memref<4x64xi32, #tpu.memory_space<vmem>> -> memref<1x64xi32, #tpu.memory_space<vmem>>
        %dma_start3A_587 = tpu.memref_squeeze %dma_start3A_586 : memref<1x64xi32, #tpu.memory_space<vmem>> -> memref<64xi32, #tpu.memory_space<vmem>>
        %dma_start3A_588 = tpu.memref_slice %arg3[%add3A_583] : memref<640000xi32, #tpu.memory_space<hbm>> -> memref<64xi32, #tpu.memory_space<hbm>>
        %dma_start3A_589 = arith.constant 0 : i32
        %dma_start3A_590 = tpu.memref_slice %arg6[%dma_start3A_584, %dma_start3A_589] : memref<4x64xi32, #tpu.memory_space<vmem>> -> memref<1x64xi32, #tpu.memory_space<vmem>>
        %dma_start3A_591 = tpu.memref_squeeze %dma_start3A_590 : memref<1x64xi32, #tpu.memory_space<vmem>> -> memref<64xi32, #tpu.memory_space<vmem>>
        %dma_start3A_592 = tpu.memref_slice %arg3[%add3A_583] : memref<640000xi32, #tpu.memory_space<hbm>> -> memref<64xi32, #tpu.memory_space<hbm>>
        tpu.enqueue_dma source(%dma_start3A_592 : memref<64xi32, #tpu.memory_space<hbm>>) target(%dma_start3A_591 : memref<64xi32, #tpu.memory_space<vmem>>) target_semaphore(%arg26 : memref<!tpu.dma_semaphore, #tpu.memory_space<semaphore_mem>>)
      } else {
      }
      %scan3A_540 = arith.constant 0 : i32
      scf.yield %scan3A_540 : i32
    }
    %scan3A_224 = arith.constant 39 : i32
    %dma_wait3A_225 = arith.constant 0 : i32
    %dma_wait3A_226 = arith.constant 0 : i32
    %dma_wait3A_227 = arith.constant 0 : i32
    %dma_wait3A_228 = arith.constant 0 : i32
    %dma_wait3A_229 = tpu.memref_slice %arg7[%dma_wait3A_225, %dma_wait3A_227, %dma_wait3A_228] : memref<4x64x128xf32, #tpu.memory_space<vmem>> -> memref<1x64x128xf32, #tpu.memory_space<vmem>>
    %dma_wait3A_230 = tpu.memref_squeeze %dma_wait3A_229 : memref<1x64x128xf32, #tpu.memory_space<vmem>> -> memref<64x128xf32, #tpu.memory_space<vmem>>
    %dma_wait3A_231 = arith.constant 0 : i32
    %dma_wait3A_232 = tpu.memref_slice %arg6[%dma_wait3A_226, %dma_wait3A_231] : memref<4x64xi32, #tpu.memory_space<vmem>> -> memref<1x64xi32, #tpu.memory_space<vmem>>
    %dma_wait3A_233 = tpu.memref_squeeze %dma_wait3A_232 : memref<1x64xi32, #tpu.memory_space<vmem>> -> memref<64xi32, #tpu.memory_space<vmem>>
    %dma_wait3A_234 = arith.constant 0 : i32
    %dma_wait3A_235 = arith.constant 0 : i32
    %dma_wait3A_236 = tpu.memref_slice %arg11[%dma_wait3A_234, %dma_wait3A_235] : memref<10240x128xf32, #tpu.memory_space<vmem_shared>> -> memref<10240x128xf32, #tpu.memory_space<vmem_shared>>
    tpu.wait_indirect_dma semaphore(%arg16 : memref<!tpu.dma_semaphore, #tpu.memory_space<semaphore_mem>>) src(%dma_wait3A_230 : memref<64x128xf32, #tpu.memory_space<vmem>>) dst(%dma_wait3A_236 : memref<10240x128xf32, #tpu.memory_space<vmem_shared>>)
    %dma_wait3A_237 = arith.constant 1 : i32
    %dma_wait3A_238 = arith.constant 1 : i32
    %dma_wait3A_239 = arith.constant 0 : i32
    %dma_wait3A_240 = arith.constant 0 : i32
    %dma_wait3A_241 = tpu.memref_slice %arg7[%dma_wait3A_237, %dma_wait3A_239, %dma_wait3A_240] : memref<4x64x128xf32, #tpu.memory_space<vmem>> -> memref<1x64x128xf32, #tpu.memory_space<vmem>>
    %dma_wait3A_242 = tpu.memref_squeeze %dma_wait3A_241 : memref<1x64x128xf32, #tpu.memory_space<vmem>> -> memref<64x128xf32, #tpu.memory_space<vmem>>
    %dma_wait3A_243 = arith.constant 0 : i32
    %dma_wait3A_244 = tpu.memref_slice %arg6[%dma_wait3A_238, %dma_wait3A_243] : memref<4x64xi32, #tpu.memory_space<vmem>> -> memref<1x64xi32, #tpu.memory_space<vmem>>
    %dma_wait3A_245 = tpu.memref_squeeze %dma_wait3A_244 : memref<1x64xi32, #tpu.memory_space<vmem>> -> memref<64xi32, #tpu.memory_space<vmem>>
    %dma_wait3A_246 = arith.constant 0 : i32
    %dma_wait3A_247 = arith.constant 0 : i32
    %dma_wait3A_248 = tpu.memref_slice %arg11[%dma_wait3A_246, %dma_wait3A_247] : memref<10240x128xf32, #tpu.memory_space<vmem_shared>> -> memref<10240x128xf32, #tpu.memory_space<vmem_shared>>
    tpu.wait_indirect_dma semaphore(%arg17 : memref<!tpu.dma_semaphore, #tpu.memory_space<semaphore_mem>>) src(%dma_wait3A_242 : memref<64x128xf32, #tpu.memory_space<vmem>>) dst(%dma_wait3A_248 : memref<10240x128xf32, #tpu.memory_space<vmem_shared>>)
    %dma_wait3A_249 = arith.constant 2 : i32
    %dma_wait3A_250 = arith.constant 2 : i32
    %dma_wait3A_251 = arith.constant 0 : i32
    %dma_wait3A_252 = arith.constant 0 : i32
    %dma_wait3A_253 = tpu.memref_slice %arg7[%dma_wait3A_249, %dma_wait3A_251, %dma_wait3A_252] : memref<4x64x128xf32, #tpu.memory_space<vmem>> -> memref<1x64x128xf32, #tpu.memory_space<vmem>>
    %dma_wait3A_254 = tpu.memref_squeeze %dma_wait3A_253 : memref<1x64x128xf32, #tpu.memory_space<vmem>> -> memref<64x128xf32, #tpu.memory_space<vmem>>
    %dma_wait3A_255 = arith.constant 0 : i32
    %dma_wait3A_256 = tpu.memref_slice %arg6[%dma_wait3A_250, %dma_wait3A_255] : memref<4x64xi32, #tpu.memory_space<vmem>> -> memref<1x64xi32, #tpu.memory_space<vmem>>
    %dma_wait3A_257 = tpu.memref_squeeze %dma_wait3A_256 : memref<1x64xi32, #tpu.memory_space<vmem>> -> memref<64xi32, #tpu.memory_space<vmem>>
    %dma_wait3A_258 = arith.constant 0 : i32
    %dma_wait3A_259 = arith.constant 0 : i32
    %dma_wait3A_260 = tpu.memref_slice %arg11[%dma_wait3A_258, %dma_wait3A_259] : memref<10240x128xf32, #tpu.memory_space<vmem_shared>> -> memref<10240x128xf32, #tpu.memory_space<vmem_shared>>
    tpu.wait_indirect_dma semaphore(%arg18 : memref<!tpu.dma_semaphore, #tpu.memory_space<semaphore_mem>>) src(%dma_wait3A_254 : memref<64x128xf32, #tpu.memory_space<vmem>>) dst(%dma_wait3A_260 : memref<10240x128xf32, #tpu.memory_space<vmem_shared>>)
    %dma_wait3A_261 = arith.constant 3 : i32
    %dma_wait3A_262 = arith.constant 3 : i32
    %dma_wait3A_263 = arith.constant 0 : i32
    %dma_wait3A_264 = arith.constant 0 : i32
    %dma_wait3A_265 = tpu.memref_slice %arg7[%dma_wait3A_261, %dma_wait3A_263, %dma_wait3A_264] : memref<4x64x128xf32, #tpu.memory_space<vmem>> -> memref<1x64x128xf32, #tpu.memory_space<vmem>>
    %dma_wait3A_266 = tpu.memref_squeeze %dma_wait3A_265 : memref<1x64x128xf32, #tpu.memory_space<vmem>> -> memref<64x128xf32, #tpu.memory_space<vmem>>
    %dma_wait3A_267 = arith.constant 0 : i32
    %dma_wait3A_268 = tpu.memref_slice %arg6[%dma_wait3A_262, %dma_wait3A_267] : memref<4x64xi32, #tpu.memory_space<vmem>> -> memref<1x64xi32, #tpu.memory_space<vmem>>
    %dma_wait3A_269 = tpu.memref_squeeze %dma_wait3A_268 : memref<1x64xi32, #tpu.memory_space<vmem>> -> memref<64xi32, #tpu.memory_space<vmem>>
    %dma_wait3A_270 = arith.constant 0 : i32
    %dma_wait3A_271 = arith.constant 0 : i32
    %dma_wait3A_272 = tpu.memref_slice %arg11[%dma_wait3A_270, %dma_wait3A_271] : memref<10240x128xf32, #tpu.memory_space<vmem_shared>> -> memref<10240x128xf32, #tpu.memory_space<vmem_shared>>
    tpu.wait_indirect_dma semaphore(%arg19 : memref<!tpu.dma_semaphore, #tpu.memory_space<semaphore_mem>>) src(%dma_wait3A_266 : memref<64x128xf32, #tpu.memory_space<vmem>>) dst(%dma_wait3A_272 : memref<10240x128xf32, #tpu.memory_space<vmem_shared>>)
    %add3A_273 = arith.constant 9984 : i32
    %add3A_274 = arith.addi %mul3A_2, %add3A_273 : i32
    %dma_wait3A_275 = tpu.memref_slice %arg3[%add3A_274] : memref<640000xi32, #tpu.memory_space<hbm>> -> memref<16xi32, #tpu.memory_space<hbm>>
    %dma_wait3A_276 = tpu.memref_slice %arg3[%add3A_274] : memref<640000xi32, #tpu.memory_space<hbm>> -> memref<16xi32, #tpu.memory_space<hbm>>
    tpu.wait_dma2 semaphore(%arg28 : memref<!tpu.dma_semaphore, #tpu.memory_space<semaphore_mem>>) src(%dma_wait3A_276 : memref<16xi32, #tpu.memory_space<hbm>>) dst(%arg8 : memref<16xi32, #tpu.memory_space<vmem>>)
    %add3A_277 = arith.constant 320000 : i32
    %add3A_278 = arith.addi %add3A_277, %mul3A_2 : i32
    %add3A_279 = arith.constant 9984 : i32
    %add3A_280 = arith.addi %add3A_278, %add3A_279 : i32
    %dma_wait3A_281 = tpu.memref_slice %arg3[%add3A_280] : memref<640000xi32, #tpu.memory_space<hbm>> -> memref<16xi32, #tpu.memory_space<hbm>>
    %dma_wait3A_282 = tpu.memref_slice %arg3[%add3A_280] : memref<640000xi32, #tpu.memory_space<hbm>> -> memref<16xi32, #tpu.memory_space<hbm>>
    tpu.wait_dma2 semaphore(%arg28 : memref<!tpu.dma_semaphore, #tpu.memory_space<semaphore_mem>>) src(%dma_wait3A_282 : memref<16xi32, #tpu.memory_space<hbm>>) dst(%arg9 : memref<16xi32, #tpu.memory_space<vmem>>)
    %dma_start3A_283 = arith.constant 0 : i32
    %dma_start3A_284 = arith.constant 0 : i32
    %dma_start3A_285 = tpu.memref_slice %arg2[%dma_start3A_283, %dma_start3A_284] : memref<10240x128xf32, #tpu.memory_space<hbm>> -> memref<10240x128xf32, #tpu.memory_space<hbm>>
    tpu.enqueue_indirect_dma source(%dma_start3A_285 : memref<10240x128xf32, #tpu.memory_space<hbm>>) target(%arg10 : memref<16x128xf32, #tpu.memory_space<vmem>>) offsets(%arg8 : memref<16xi32, #tpu.memory_space<vmem>>) semaphore(%arg28 : memref<!tpu.dma_semaphore, #tpu.memory_space<semaphore_mem>>)
    %dma_wait3A_286 = arith.constant 0 : i32
    %dma_wait3A_287 = arith.constant 0 : i32
    %dma_wait3A_288 = tpu.memref_slice %arg2[%dma_wait3A_286, %dma_wait3A_287] : memref<10240x128xf32, #tpu.memory_space<hbm>> -> memref<10240x128xf32, #tpu.memory_space<hbm>>
    tpu.wait_indirect_dma semaphore(%arg28 : memref<!tpu.dma_semaphore, #tpu.memory_space<semaphore_mem>>) src(%dma_wait3A_288 : memref<10240x128xf32, #tpu.memory_space<hbm>>) dst(%arg10 : memref<16x128xf32, #tpu.memory_space<vmem>>)
    "tpu.region"() ({
      %run_scoped3A_294 = tpu.sem_alloc : memref<!tpu.dma_semaphore, #tpu.memory_space<semaphore_mem>>
      %dma_start3A_295 = arith.constant 0 : i32
      %dma_start3A_296 = arith.constant 0 : i32
      %dma_start3A_297 = tpu.memref_slice %arg11[%dma_start3A_295, %dma_start3A_296] : memref<10240x128xf32, #tpu.memory_space<vmem_shared>> -> memref<10240x128xf32, #tpu.memory_space<vmem_shared>>
      tpu.enqueue_indirect_dma source(%arg10 : memref<16x128xf32, #tpu.memory_space<vmem>>) target(%dma_start3A_297 : memref<10240x128xf32, #tpu.memory_space<vmem_shared>>) offsets(%arg9 : memref<16xi32, #tpu.memory_space<vmem>>) semaphore(%run_scoped3A_294 : memref<!tpu.dma_semaphore, #tpu.memory_space<semaphore_mem>>) {add = true}
      %dma_wait3A_298 = arith.constant 0 : i32
      %dma_wait3A_299 = arith.constant 0 : i32
      %dma_wait3A_300 = tpu.memref_slice %arg11[%dma_wait3A_298, %dma_wait3A_299] : memref<10240x128xf32, #tpu.memory_space<vmem_shared>> -> memref<10240x128xf32, #tpu.memory_space<vmem_shared>>
      tpu.wait_indirect_dma semaphore(%run_scoped3A_294 : memref<!tpu.dma_semaphore, #tpu.memory_space<semaphore_mem>>) src(%arg10 : memref<16x128xf32, #tpu.memory_space<vmem>>) dst(%dma_wait3A_300 : memref<10240x128xf32, #tpu.memory_space<vmem_shared>>)
      tpu.yield
    }) : () -> ()
    %barrier3A_289 = arith.constant 0 : index
    tpu.barrier barrier_id(%barrier3A_289)
    %mul3A_290 = arith.constant 640 : i32
    %mul3A_291 = arith.muli %arg1, %mul3A_290 : i32
    %mul3A_292 = arith.constant 640 : i32
    %mul3A_293 = arith.muli %arg1, %mul3A_292 : i32
    "tpu.region"() ({
      %run_scoped3A_294 = tpu.sem_alloc : memref<!tpu.dma_semaphore, #tpu.memory_space<semaphore_mem>>
      %dma_start3A_295 = arith.constant 0 : i32
      %dma_start3A_296 = tpu.memref_slice %arg4[%arg0, %mul3A_293, %dma_start3A_295] : memref<2x10240x128xf32, #tpu.memory_space<hbm>> -> memref<1x640x128xf32, #tpu.memory_space<hbm>>
      %dma_start3A_297 = tpu.memref_squeeze %dma_start3A_296 : memref<1x640x128xf32, #tpu.memory_space<hbm>> -> memref<640x128xf32, #tpu.memory_space<hbm>>
      %dma_start3A_298 = arith.constant 0 : i32
      %dma_start3A_299 = tpu.memref_slice %arg11[%mul3A_291, %dma_start3A_298] : memref<10240x128xf32, #tpu.memory_space<vmem_shared>> -> memref<640x128xf32, #tpu.memory_space<vmem_shared>>
      tpu.enqueue_dma source(%dma_start3A_299 : memref<640x128xf32, #tpu.memory_space<vmem_shared>>) target(%dma_start3A_297 : memref<640x128xf32, #tpu.memory_space<hbm>>) target_semaphore(%run_scoped3A_294 : memref<!tpu.dma_semaphore, #tpu.memory_space<semaphore_mem>>)
      %dma_wait3A_300 = arith.constant 0 : i32
      %dma_wait3A_301 = tpu.memref_slice %arg4[%arg0, %mul3A_293, %dma_wait3A_300] : memref<2x10240x128xf32, #tpu.memory_space<hbm>> -> memref<1x640x128xf32, #tpu.memory_space<hbm>>
      %dma_wait3A_302 = tpu.memref_squeeze %dma_wait3A_301 : memref<1x640x128xf32, #tpu.memory_space<hbm>> -> memref<640x128xf32, #tpu.memory_space<hbm>>
      %dma_wait3A_303 = arith.constant 0 : i32
      %dma_wait3A_304 = tpu.memref_slice %arg11[%mul3A_291, %dma_wait3A_303] : memref<10240x128xf32, #tpu.memory_space<vmem_shared>> -> memref<640x128xf32, #tpu.memory_space<vmem_shared>>
      tpu.wait_dma2 semaphore(%run_scoped3A_294 : memref<!tpu.dma_semaphore, #tpu.memory_space<semaphore_mem>>) src(%dma_wait3A_304 : memref<640x128xf32, #tpu.memory_space<vmem_shared>>) dst(%dma_wait3A_302 : memref<640x128xf32, #tpu.memory_space<hbm>>)
      tpu.yield
    }) : () -> ()
    return
  }
}

module attributes {stable_mosaic.version = 14 : i64} {
  func.func @_tc1_body(%arg0: i32, %arg1: memref<512x128xf32, #tpu.memory_space<vmem>>, %arg2: memref<128x128xf32, #tpu.memory_space<vmem>>, %arg3: memref<2x512x1xf32, #tpu.memory_space<vmem>>, %arg4: memref<512x128xf32, #tpu.memory_space<vmem>>, %arg5: memref<512x1xf32, #tpu.memory_space<vmem>>) attributes {dimension_semantics = [#tpu.dimension_semantics<arbitrary>], iteration_bounds = array<i64: 20>, scalar_prefetch = 0 : i64, scratch_operands = 0 : i64, tpu.core_type = #tpu.core_type<tc>, window_params = [{transform_indices = @transform_0, window_bounds = array<i64: 512, 128>}, {pipeline_mode = #tpu.pipeline_mode<synchronous>, transform_indices = @transform_1, window_bounds = array<i64: 128, 128>}, {transform_indices = @transform_2, window_bounds = array<i64: 2, 512, 1>}, {transform_indices = @transform_3, window_bounds = array<i64: 512, 128>}, {transform_indices = @transform_4, window_bounds = array<i64: 512, 1>}]} {
    %get3A = arith.constant 0 : index
    %get3A_0 = arith.constant 0 : index
    %get3A_1 = arith.constant 0 : index
    %get3A_2 = vector.load %arg3[%get3A, %get3A_0, %get3A_1] : memref<2x512x1xf32, #tpu.memory_space<vmem>>, vector<1x512x1xf32>
    %get3A_3 = vector.shape_cast %get3A_2 : vector<1x512x1xf32> to vector<512x1xf32>
    %get3A_4 = arith.constant 1 : index
    %get3A_5 = arith.constant 0 : index
    %get3A_6 = arith.constant 0 : index
    %get3A_7 = vector.load %arg3[%get3A_4, %get3A_5, %get3A_6] : memref<2x512x1xf32, #tpu.memory_space<vmem>>, vector<1x512x1xf32>
    %get3A_8 = vector.shape_cast %get3A_7 : vector<1x512x1xf32> to vector<512x1xf32>
    %add3A = arith.addf %get3A_3, %get3A_8 : vector<512x1xf32>
    %add3A_9 = arith.constant 1.000000e+00 : f32
    %add3A_10 = vector.broadcast %add3A_9 : f32 to vector<512x1xf32>
    %add3A_11 = arith.addf %add3A, %add3A_10 : vector<512x1xf32>
    %max3A = arith.constant 1.000000e+00 : f32
    %max3A_12 = vector.broadcast %max3A : f32 to vector<512x1xf32>
    %max3A_13 = arith.maximumf %add3A_11, %max3A_12 : vector<512x1xf32>
    %rsqrt3A = math.rsqrt %max3A_13 : vector<512x1xf32>
    %get3A_14 = arith.constant 0 : index
    %get3A_15 = arith.constant 0 : index
    %get3A_16 = vector.load %arg1[%get3A_14, %get3A_15] : memref<512x128xf32, #tpu.memory_space<vmem>>, vector<512x128xf32>
    %get3A_17 = arith.constant 0 : index
    %get3A_18 = arith.constant 0 : index
    %get3A_19 = vector.load %arg2[%get3A_17, %get3A_18] : memref<128x128xf32, #tpu.memory_space<vmem>>, vector<128x128xf32>
    %dot_general3A = arith.constant dense<0.000000e+00> : vector<512x128xf32>
    %dot_general3A_20 = tpu.matmul %get3A_16, %get3A_19, %dot_general3A {dimension_numbers = #tpu.dot_dimension_numbers<[1], [0], [0], [1], [0, 0, 1, 1], [], []>, precision = #tpu.contract_precision<fp32>, transpose_lhs_hint = false} : vector<512x128xf32>, vector<128x128xf32>, vector<512x128xf32> -> vector<512x128xf32>
    %mul3A = vector.broadcast %rsqrt3A : vector<512x1xf32> to vector<512x128xf32>
    %mul3A_21 = arith.mulf %dot_general3A_20, %mul3A : vector<512x128xf32>
    %swap3A = arith.constant 0 : index
    %swap3A_22 = arith.constant 0 : index
    %swap3A_23 = vector.load %arg4[%swap3A, %swap3A_22] : memref<512x128xf32, #tpu.memory_space<vmem>>, vector<512x128xf32>
    tpu.vector_store %arg4[%swap3A, %swap3A_22], %mul3A_21 {strides = array<i32>} : memref<512x128xf32, #tpu.memory_space<vmem>>, vector<512x128xf32>,
    %swap3A_24 = arith.constant 0 : index
    %swap3A_25 = arith.constant 0 : index
    %swap3A_26 = vector.load %arg5[%swap3A_24, %swap3A_25] : memref<512x1xf32, #tpu.memory_space<vmem>>, vector<512x1xf32>
    tpu.vector_store %arg5[%swap3A_24, %swap3A_25], %rsqrt3A {strides = array<i32>} : memref<512x1xf32, #tpu.memory_space<vmem>>, vector<512x1xf32>,
    return
  }
  func.func @transform_0(%arg0: i32) -> (i32, i32) {
    %c0_i32 = arith.constant 0 : i32
    %c0_i32_0 = arith.constant 0 : i32
    return %arg0, %c0_i32 : i32, i32
  }
  func.func @transform_1(%arg0: i32) -> (i32, i32) {
    %c0_i32 = arith.constant 0 : i32
    %c0_i32_0 = arith.constant 0 : i32
    %c0_i32_1 = arith.constant 0 : i32
    return %c0_i32, %c0_i32_0 : i32, i32
  }
  func.func @transform_2(%arg0: i32) -> (i32, i32, i32) {
    %c0_i32 = arith.constant 0 : i32
    %c0_i32_0 = arith.constant 0 : i32
    %c0_i32_1 = arith.constant 0 : i32
    return %c0_i32, %arg0, %c0_i32_0 : i32, i32, i32
  }
  func.func @transform_3(%arg0: i32) -> (i32, i32) {
    %c0_i32 = arith.constant 0 : i32
    %c0_i32_0 = arith.constant 0 : i32
    return %arg0, %c0_i32 : i32, i32
  }
  func.func @transform_4(%arg0: i32) -> (i32, i32) {
    %c0_i32 = arith.constant 0 : i32
    %c0_i32_0 = arith.constant 0 : i32
    return %arg0, %c0_i32 : i32, i32
  }
}

module attributes {stable_mosaic.version = 14 : i64} {
  func.func @_tc2_body(%arg0: i32, %arg1: memref<512x128xf32, #tpu.memory_space<vmem>>, %arg2: memref<2x512x128xf32, #tpu.memory_space<vmem>>, %arg3: memref<512x1xf32, #tpu.memory_space<vmem>>, %arg4: memref<1x128xf32, #tpu.memory_space<vmem>>, %arg5: memref<128x128xf32, #tpu.memory_space<vmem>>, %arg6: memref<512x128xf32, #tpu.memory_space<vmem>>) attributes {dimension_semantics = [#tpu.dimension_semantics<arbitrary>], iteration_bounds = array<i64: 20>, scalar_prefetch = 0 : i64, scratch_operands = 0 : i64, tpu.core_type = #tpu.core_type<tc>, window_params = [{transform_indices = @transform_0, window_bounds = array<i64: 512, 128>}, {transform_indices = @transform_1, window_bounds = array<i64: 2, 512, 128>}, {transform_indices = @transform_2, window_bounds = array<i64: 512, 1>}, {pipeline_mode = #tpu.pipeline_mode<synchronous>, transform_indices = @transform_3, window_bounds = array<i64: 1, 128>}, {pipeline_mode = #tpu.pipeline_mode<synchronous>, transform_indices = @transform_4, window_bounds = array<i64: 128, 128>}, {transform_indices = @transform_5, window_bounds = array<i64: 512, 128>}]} {
    %get3A = arith.constant 0 : index
    %get3A_0 = arith.constant 0 : index
    %get3A_1 = vector.load %arg3[%get3A, %get3A_0] : memref<512x1xf32, #tpu.memory_space<vmem>>, vector<512x1xf32>
    %get3A_2 = arith.constant 0 : index
    %get3A_3 = arith.constant 0 : index
    %get3A_4 = arith.constant 0 : index
    %get3A_5 = vector.load %arg2[%get3A_2, %get3A_3, %get3A_4] : memref<2x512x128xf32, #tpu.memory_space<vmem>>, vector<1x512x128xf32>
    %get3A_6 = vector.shape_cast %get3A_5 : vector<1x512x128xf32> to vector<512x128xf32>
    %get3A_7 = arith.constant 1 : index
    %get3A_8 = arith.constant 0 : index
    %get3A_9 = arith.constant 0 : index
    %get3A_10 = vector.load %arg2[%get3A_7, %get3A_8, %get3A_9] : memref<2x512x128xf32, #tpu.memory_space<vmem>>, vector<1x512x128xf32>
    %get3A_11 = vector.shape_cast %get3A_10 : vector<1x512x128xf32> to vector<512x128xf32>
    %add3A = arith.addf %get3A_6, %get3A_11 : vector<512x128xf32>
    %get3A_12 = arith.constant 0 : index
    %get3A_13 = arith.constant 0 : index
    %get3A_14 = vector.load %arg1[%get3A_12, %get3A_13] : memref<512x128xf32, #tpu.memory_space<vmem>>, vector<512x128xf32>
    %add3A_15 = arith.addf %add3A, %get3A_14 : vector<512x128xf32>
    %mul3A = vector.broadcast %get3A_1 : vector<512x1xf32> to vector<512x128xf32>
    %mul3A_16 = arith.mulf %add3A_15, %mul3A : vector<512x128xf32>
    %get3A_17 = arith.constant 0 : index
    %get3A_18 = arith.constant 0 : index
    %get3A_19 = vector.load %arg4[%get3A_17, %get3A_18] : memref<1x128xf32, #tpu.memory_space<vmem>>, vector<1x128xf32>
    %add3A_20 = vector.broadcast %get3A_19 : vector<1x128xf32> to vector<512x128xf32>
    %add3A_21 = arith.addf %mul3A_16, %add3A_20 : vector<512x128xf32>
    %max3A = arith.constant 0.000000e+00 : f32
    %max3A_22 = vector.broadcast %max3A : f32 to vector<512x128xf32>
    %max3A_23 = arith.maximumf %add3A_21, %max3A_22 : vector<512x128xf32>
    %get3A_24 = arith.constant 0 : index
    %get3A_25 = arith.constant 0 : index
    %get3A_26 = vector.load %arg5[%get3A_24, %get3A_25] : memref<128x128xf32, #tpu.memory_space<vmem>>, vector<128x128xf32>
    %dot_general3A = arith.constant dense<0.000000e+00> : vector<512x128xf32>
    %dot_general3A_27 = tpu.matmul %max3A_23, %get3A_26, %dot_general3A {dimension_numbers = #tpu.dot_dimension_numbers<[1], [0], [0], [1], [0, 0, 1, 1], [], []>, precision = #tpu.contract_precision<fp32>, transpose_lhs_hint = false} : vector<512x128xf32>, vector<128x128xf32>, vector<512x128xf32> -> vector<512x128xf32>
    %mul3A_28 = vector.broadcast %get3A_1 : vector<512x1xf32> to vector<512x128xf32>
    %mul3A_29 = arith.mulf %dot_general3A_27, %mul3A_28 : vector<512x128xf32>
    %swap3A = arith.constant 0 : index
    %swap3A_30 = arith.constant 0 : index
    %swap3A_31 = vector.load %arg6[%swap3A, %swap3A_30] : memref<512x128xf32, #tpu.memory_space<vmem>>, vector<512x128xf32>
    tpu.vector_store %arg6[%swap3A, %swap3A_30], %mul3A_29 {strides = array<i32>} : memref<512x128xf32, #tpu.memory_space<vmem>>, vector<512x128xf32>,
    return
  }
  func.func @transform_0(%arg0: i32) -> (i32, i32) {
    %c0_i32 = arith.constant 0 : i32
    %c0_i32_0 = arith.constant 0 : i32
    return %arg0, %c0_i32 : i32, i32
  }
  func.func @transform_1(%arg0: i32) -> (i32, i32, i32) {
    %c0_i32 = arith.constant 0 : i32
    %c0_i32_0 = arith.constant 0 : i32
    %c0_i32_1 = arith.constant 0 : i32
    return %c0_i32, %arg0, %c0_i32_0 : i32, i32, i32
  }
  func.func @transform_2(%arg0: i32) -> (i32, i32) {
    %c0_i32 = arith.constant 0 : i32
    %c0_i32_0 = arith.constant 0 : i32
    return %arg0, %c0_i32 : i32, i32
  }
  func.func @transform_3(%arg0: i32) -> (i32, i32) {
    %c0_i32 = arith.constant 0 : i32
    %c0_i32_0 = arith.constant 0 : i32
    %c0_i32_1 = arith.constant 0 : i32
    return %c0_i32, %c0_i32_0 : i32, i32
  }
  func.func @transform_4(%arg0: i32) -> (i32, i32) {
    %c0_i32 = arith.constant 0 : i32
    %c0_i32_0 = arith.constant 0 : i32
    %c0_i32_1 = arith.constant 0 : i32
    return %c0_i32, %c0_i32_0 : i32, i32
  }
  func.func @transform_5(%arg0: i32) -> (i32, i32) {
    %c0_i32 = arith.constant 0 : i32
    %c0_i32_0 = arith.constant 0 : i32
    return %arg0, %c0_i32 : i32, i32
  }
}

module attributes {stable_mosaic.version = 14 : i64} {
  func.func @_tc3_body(%arg0: i32, %arg1: memref<512x128xf32, #tpu.memory_space<vmem>>, %arg2: memref<2x512x128xf32, #tpu.memory_space<vmem>>, %arg3: memref<512x1xf32, #tpu.memory_space<vmem>>, %arg4: memref<1x128xf32, #tpu.memory_space<vmem>>, %arg5: memref<1x1x512xi32, #tpu.memory_space<vmem>>, %arg6: memref<256x256xf32, #tpu.memory_space<vmem>>, %arg7: memref<256x128xf32, #tpu.memory_space<vmem>>, %arg8: memref<1x128xf32, #tpu.memory_space<vmem>>, %arg9: memref<128x128xf32, #tpu.memory_space<vmem>>, %arg10: memref<1x128xf32, #tpu.memory_space<vmem>>, %arg11: memref<256x128xf32, #tpu.memory_space<vmem>>, %arg12: memref<128x128xf32, #tpu.memory_space<vmem>>, %arg13: memref<1x128xf32, #tpu.memory_space<vmem>>, %arg14: memref<256x128xf32, #tpu.memory_space<vmem>>, %arg15: memref<256x128xf32, #tpu.memory_space<vmem>>, %arg16: memref<256x128xf32, #tpu.memory_space<vmem>>, %arg17: memref<256x128xf32, #tpu.memory_space<vmem>>, %arg18: memref<256x128xf32, #tpu.memory_space<vmem>>) attributes {dimension_semantics = [#tpu.dimension_semantics<arbitrary>], iteration_bounds = array<i64: 20>, scalar_prefetch = 0 : i64, scratch_operands = 2 : i64, tpu.core_type = #tpu.core_type<tc>, window_params = [{transform_indices = @transform_0, window_bounds = array<i64: 512, 128>}, {transform_indices = @transform_1, window_bounds = array<i64: 2, 512, 128>}, {transform_indices = @transform_2, window_bounds = array<i64: 512, 1>}, {pipeline_mode = #tpu.pipeline_mode<synchronous>, transform_indices = @transform_3, window_bounds = array<i64: 1, 128>}, {transform_indices = @transform_4, window_bounds = array<i64: 1, 1, 512>}, {pipeline_mode = #tpu.pipeline_mode<synchronous>, transform_indices = @transform_5, window_bounds = array<i64: 256, 256>}, {pipeline_mode = #tpu.pipeline_mode<synchronous>, transform_indices = @transform_6, window_bounds = array<i64: 256, 128>}, {pipeline_mode = #tpu.pipeline_mode<synchronous>, transform_indices = @transform_7, window_bounds = array<i64: 1, 128>}, {pipeline_mode = #tpu.pipeline_mode<synchronous>, transform_indices = @transform_8, window_bounds = array<i64: 128, 128>}, {pipeline_mode = #tpu.pipeline_mode<synchronous>, transform_indices = @transform_9, window_bounds = array<i64: 1, 128>}, {pipeline_mode = #tpu.pipeline_mode<synchronous>, transform_indices = @transform_10, window_bounds = array<i64: 256, 128>}, {pipeline_mode = #tpu.pipeline_mode<synchronous>, transform_indices = @transform_11, window_bounds = array<i64: 128, 128>}, {pipeline_mode = #tpu.pipeline_mode<synchronous>, transform_indices = @transform_12, window_bounds = array<i64: 1, 128>}, {pipeline_mode = #tpu.pipeline_mode<synchronous>, transform_indices = @transform_13, window_bounds = array<i64: 256, 128>}, {pipeline_mode = #tpu.pipeline_mode<synchronous>, transform_indices = @transform_14, window_bounds = array<i64: 256, 128>}, {pipeline_mode = #tpu.pipeline_mode<synchronous>, transform_indices = @transform_15, window_bounds = array<i64: 256, 128>}]} {
    %eq3A = arith.constant 0 : i32
    %eq3A_0 = arith.cmpi eq, %arg0, %eq3A : i32
    %convert_element_type3A = arith.extui %eq3A_0 : i1 to i32
    %cond3A = arith.constant 0 : i32
    %cond3A_1 = arith.cmpi ne, %convert_element_type3A, %cond3A : i32
    scf.if %cond3A_1 {
      %broadcast_in_dim3A_54 = arith.constant 0.000000e+00 : f32
      %broadcast_in_dim3A_55 = vector.broadcast %broadcast_in_dim3A_54 : f32 to vector<256x128xf32>
      %swap3A_56 = arith.constant 0 : index
      %swap3A_57 = arith.constant 0 : index
      %swap3A_58 = vector.load %arg17[%swap3A_56, %swap3A_57] : memref<256x128xf32, #tpu.memory_space<vmem>>, vector<256x128xf32>
      tpu.vector_store %arg17[%swap3A_56, %swap3A_57], %broadcast_in_dim3A_55 {strides = array<i32>} : memref<256x128xf32, #tpu.memory_space<vmem>>, vector<256x128xf32>,
      %broadcast_in_dim3A_59 = arith.constant 0.000000e+00 : f32
      %broadcast_in_dim3A_60 = vector.broadcast %broadcast_in_dim3A_59 : f32 to vector<256x128xf32>
      %swap3A_61 = arith.constant 0 : index
      %swap3A_62 = arith.constant 0 : index
      %swap3A_63 = vector.load %arg18[%swap3A_61, %swap3A_62] : memref<256x128xf32, #tpu.memory_space<vmem>>, vector<256x128xf32>
      tpu.vector_store %arg18[%swap3A_61, %swap3A_62], %broadcast_in_dim3A_60 {strides = array<i32>} : memref<256x128xf32, #tpu.memory_space<vmem>>, vector<256x128xf32>,
    } else {
    }
    %get3A = arith.constant 0 : index
    %get3A_2 = arith.constant 0 : index
    %get3A_3 = vector.load %arg3[%get3A, %get3A_2] : memref<512x1xf32, #tpu.memory_space<vmem>>, vector<512x1xf32>
    %get3A_4 = arith.constant 0 : index
    %get3A_5 = arith.constant 0 : index
    %get3A_6 = arith.constant 0 : index
    %get3A_7 = vector.load %arg2[%get3A_4, %get3A_5, %get3A_6] : memref<2x512x128xf32, #tpu.memory_space<vmem>>, vector<1x512x128xf32>
    %get3A_8 = vector.shape_cast %get3A_7 : vector<1x512x128xf32> to vector<512x128xf32>
    %get3A_9 = arith.constant 1 : index
    %get3A_10 = arith.constant 0 : index
    %get3A_11 = arith.constant 0 : index
    %get3A_12 = vector.load %arg2[%get3A_9, %get3A_10, %get3A_11] : memref<2x512x128xf32, #tpu.memory_space<vmem>>, vector<1x512x128xf32>
    %get3A_13 = vector.shape_cast %get3A_12 : vector<1x512x128xf32> to vector<512x128xf32>
    %add3A = arith.addf %get3A_8, %get3A_13 : vector<512x128xf32>
    %get3A_14 = arith.constant 0 : index
    %get3A_15 = arith.constant 0 : index
    %get3A_16 = vector.load %arg1[%get3A_14, %get3A_15] : memref<512x128xf32, #tpu.memory_space<vmem>>, vector<512x128xf32>
    %add3A_17 = arith.addf %add3A, %get3A_16 : vector<512x128xf32>
    %mul3A = vector.broadcast %get3A_3 : vector<512x1xf32> to vector<512x128xf32>
    %mul3A_18 = arith.mulf %add3A_17, %mul3A : vector<512x128xf32>
    %get3A_19 = arith.constant 0 : index
    %get3A_20 = arith.constant 0 : index
    %get3A_21 = vector.load %arg4[%get3A_19, %get3A_20] : memref<1x128xf32, #tpu.memory_space<vmem>>, vector<1x128xf32>
    %add3A_22 = vector.broadcast %get3A_21 : vector<1x128xf32> to vector<512x128xf32>
    %add3A_23 = arith.addf %mul3A_18, %add3A_22 : vector<512x128xf32>
    %get3A_24 = arith.constant 0 : index
    %get3A_25 = arith.constant 0 : index
    %get3A_26 = arith.constant 0 : index
    %get3A_27 = vector.load %arg5[%get3A_24, %get3A_25, %get3A_26] : memref<1x1x512xi32, #tpu.memory_space<vmem>>, vector<1x1x512xi32>
    %get3A_28 = vector.shape_cast %get3A_27 : vector<1x1x512xi32> to vector<1x512xi32>
    %iota3A = tpu.iota {dimensions = array<i32: 0>} : vector<256x512xi32>
    %eq3A_29 = vector.broadcast %get3A_28 : vector<1x512xi32> to vector<256x512xi32>
    %eq3A_30 = arith.cmpi eq, %eq3A_29, %iota3A : vector<256x512xi32>
    %convert_element_type3A_31 = arith.extui %eq3A_30 : vector<256x512xi1> to vector<256x512xi32>
    %convert_element_type3A_32 = arith.sitofp %convert_element_type3A_31 : vector<256x512xi32> to vector<256x512xf32>
    %get3A_33 = arith.constant 0 : index
    %get3A_34 = arith.constant 0 : index
    %get3A_35 = vector.load %arg17[%get3A_33, %get3A_34] : memref<256x128xf32, #tpu.memory_space<vmem>>, vector<256x128xf32>
    %dot_general3A = arith.constant dense<0.000000e+00> : vector<256x128xf32>
    %dot_general3A_36 = tpu.matmul %convert_element_type3A_32, %add3A_23, %dot_general3A {dimension_numbers = #tpu.dot_dimension_numbers<[1], [0], [0], [1], [0, 0, 1, 1], [], []>, precision = #tpu.contract_precision<fp32>, transpose_lhs_hint = false} : vector<256x512xf32>, vector<512x128xf32>, vector<256x128xf32> -> vector<256x128xf32>
    %add3A_37 = arith.addf %get3A_35, %dot_general3A_36 : vector<256x128xf32>
    %swap3A = arith.constant 0 : index
    %swap3A_38 = arith.constant 0 : index
    %swap3A_39 = vector.load %arg17[%swap3A, %swap3A_38] : memref<256x128xf32, #tpu.memory_space<vmem>>, vector<256x128xf32>
    tpu.vector_store %arg17[%swap3A, %swap3A_38], %add3A_37 {strides = array<i32>} : memref<256x128xf32, #tpu.memory_space<vmem>>, vector<256x128xf32>,
    %get3A_40 = arith.constant 0 : index
    %get3A_41 = arith.constant 0 : index
    %get3A_42 = vector.load %arg18[%get3A_40, %get3A_41] : memref<256x128xf32, #tpu.memory_space<vmem>>, vector<256x128xf32>
    %reduce_sum3A = arith.constant dense<0.000000e+00> : vector<256xf32>
    %reduce_sum3A_43 = vector.multi_reduction <add>, %convert_element_type3A_32, %reduce_sum3A [1] : vector<256x512xf32> to vector<256xf32>
    %broadcast_in_dim3A = vector.shape_cast %reduce_sum3A_43 : vector<256xf32> to vector<256x1xf32>
    %add3A_44 = vector.broadcast %broadcast_in_dim3A : vector<256x1xf32> to vector<256x128xf32>
    %add3A_45 = arith.addf %get3A_42, %add3A_44 : vector<256x128xf32>
    %swap3A_46 = arith.constant 0 : index
    %swap3A_47 = arith.constant 0 : index
    %swap3A_48 = vector.load %arg18[%swap3A_46, %swap3A_47] : memref<256x128xf32, #tpu.memory_space<vmem>>, vector<256x128xf32>
    tpu.vector_store %arg18[%swap3A_46, %swap3A_47], %add3A_45 {strides = array<i32>} : memref<256x128xf32, #tpu.memory_space<vmem>>, vector<256x128xf32>,
    %eq3A_49 = arith.constant 19 : i32
    %eq3A_50 = arith.cmpi eq, %arg0, %eq3A_49 : i32
    %convert_element_type3A_51 = arith.extui %eq3A_50 : i1 to i32
    %cond3A_52 = arith.constant 0 : i32
    %cond3A_53 = arith.cmpi ne, %convert_element_type3A_51, %cond3A_52 : i32
    scf.if %cond3A_53 {
      %get3A_54 = arith.constant 0 : index
      %get3A_55 = arith.constant 0 : index
      %get3A_56 = vector.load %arg18[%get3A_54, %get3A_55] : memref<256x128xf32, #tpu.memory_space<vmem>>, vector<256x1xf32>
      %max3A = arith.constant 1.000000e+00 : f32
      %max3A_57 = vector.broadcast %max3A : f32 to vector<256x1xf32>
      %max3A_58 = arith.maximumf %get3A_56, %max3A_57 : vector<256x1xf32>
      %get3A_59 = arith.constant 0 : index
      %get3A_60 = arith.constant 0 : index
      %get3A_61 = vector.load %arg17[%get3A_59, %get3A_60] : memref<256x128xf32, #tpu.memory_space<vmem>>, vector<256x128xf32>
      %div3A = vector.broadcast %max3A_58 : vector<256x1xf32> to vector<256x128xf32>
      %div3A_62 = arith.divf %get3A_61, %div3A : vector<256x128xf32>
      %get3A_63 = arith.constant 0 : index
      %get3A_64 = arith.constant 0 : index
      %get3A_65 = vector.load %arg6[%get3A_63, %get3A_64] : memref<256x256xf32, #tpu.memory_space<vmem>>, vector<256x256xf32>
      %get3A_66 = arith.constant 0 : index
      %get3A_67 = arith.constant 0 : index
      %get3A_68 = vector.load %arg7[%get3A_66, %get3A_67] : memref<256x128xf32, #tpu.memory_space<vmem>>, vector<256x128xf32>
      %dot_general3A_69 = arith.constant dense<0.000000e+00> : vector<256x128xf32>
      %dot_general3A_70 = tpu.matmul %get3A_65, %get3A_68, %dot_general3A_69 {dimension_numbers = #tpu.dot_dimension_numbers<[1], [0], [0], [1], [0, 0, 1, 1], [], []>, precision = #tpu.contract_precision<fp32>, transpose_lhs_hint = false} : vector<256x256xf32>, vector<256x128xf32>, vector<256x128xf32> -> vector<256x128xf32>
      %get3A_71 = arith.constant 0 : index
      %get3A_72 = arith.constant 0 : index
      %get3A_73 = vector.load %arg8[%get3A_71, %get3A_72] : memref<1x128xf32, #tpu.memory_space<vmem>>, vector<1x128xf32>
      %add3A_74 = vector.broadcast %get3A_73 : vector<1x128xf32> to vector<256x128xf32>
      %add3A_75 = arith.addf %dot_general3A_70, %add3A_74 : vector<256x128xf32>
      %reduce_max3A = arith.constant dense<0xFF800000> : vector<256xf32>
      %reduce_max3A_76 = vector.multi_reduction <maximumf>, %add3A_75, %reduce_max3A [1] : vector<256x128xf32> to vector<256xf32>
      %broadcast_in_dim3A_77 = vector.shape_cast %reduce_max3A_76 : vector<256xf32> to vector<256x1xf32>
      %sub3A = vector.broadcast %broadcast_in_dim3A_77 : vector<256x1xf32> to vector<256x128xf32>
      %sub3A_78 = arith.subf %add3A_75, %sub3A : vector<256x128xf32>
      %exp3A = math.exp %sub3A_78 : vector<256x128xf32>
      %reduce_sum3A_79 = arith.constant dense<0.000000e+00> : vector<256xf32>
      %reduce_sum3A_80 = vector.multi_reduction <add>, %exp3A, %reduce_sum3A_79 [1] : vector<256x128xf32> to vector<256xf32>
      %broadcast_in_dim3A_81 = vector.shape_cast %reduce_sum3A_80 : vector<256xf32> to vector<256x1xf32>
      %log3A = math.log %broadcast_in_dim3A_81 : vector<256x1xf32>
      %sub3A_82 = vector.broadcast %log3A : vector<256x1xf32> to vector<256x128xf32>
      %sub3A_83 = arith.subf %sub3A_78, %sub3A_82 : vector<256x128xf32>
      %swap3A_84 = arith.constant 0 : index
      %swap3A_85 = arith.constant 0 : index
      %swap3A_86 = vector.load %arg14[%swap3A_84, %swap3A_85] : memref<256x128xf32, #tpu.memory_space<vmem>>, vector<256x128xf32>
      tpu.vector_store %arg14[%swap3A_84, %swap3A_85], %sub3A_83 {strides = array<i32>} : memref<256x128xf32, #tpu.memory_space<vmem>>, vector<256x128xf32>,
      %get3A_87 = arith.constant 0 : index
      %get3A_88 = arith.constant 0 : index
      %get3A_89 = vector.load %arg9[%get3A_87, %get3A_88] : memref<128x128xf32, #tpu.memory_space<vmem>>, vector<128x128xf32>
      %dot_general3A_90 = arith.constant dense<0.000000e+00> : vector<256x128xf32>
      %dot_general3A_91 = tpu.matmul %div3A_62, %get3A_89, %dot_general3A_90 {dimension_numbers = #tpu.dot_dimension_numbers<[1], [0], [0], [1], [0, 0, 1, 1], [], []>, precision = #tpu.contract_precision<fp32>, transpose_lhs_hint = false} : vector<256x128xf32>, vector<128x128xf32>, vector<256x128xf32> -> vector<256x128xf32>
      %get3A_92 = arith.constant 0 : index
      %get3A_93 = arith.constant 0 : index
      %get3A_94 = vector.load %arg10[%get3A_92, %get3A_93] : memref<1x128xf32, #tpu.memory_space<vmem>>, vector<1x128xf32>
      %add3A_95 = vector.broadcast %get3A_94 : vector<1x128xf32> to vector<256x128xf32>
      %add3A_96 = arith.addf %dot_general3A_91, %add3A_95 : vector<256x128xf32>
      %reduce_max3A_97 = arith.constant dense<0xFF800000> : vector<256xf32>
      %reduce_max3A_98 = vector.multi_reduction <maximumf>, %add3A_96, %reduce_max3A_97 [1] : vector<256x128xf32> to vector<256xf32>
      %broadcast_in_dim3A_99 = vector.shape_cast %reduce_max3A_98 : vector<256xf32> to vector<256x1xf32>
      %sub3A_100 = vector.broadcast %broadcast_in_dim3A_99 : vector<256x1xf32> to vector<256x128xf32>
      %sub3A_101 = arith.subf %add3A_96, %sub3A_100 : vector<256x128xf32>
      %exp3A_102 = math.exp %sub3A_101 : vector<256x128xf32>
      %reduce_sum3A_103 = arith.constant dense<0.000000e+00> : vector<256xf32>
      %reduce_sum3A_104 = vector.multi_reduction <add>, %exp3A_102, %reduce_sum3A_103 [1] : vector<256x128xf32> to vector<256xf32>
      %broadcast_in_dim3A_105 = vector.shape_cast %reduce_sum3A_104 : vector<256xf32> to vector<256x1xf32>
      %log3A_106 = math.log %broadcast_in_dim3A_105 : vector<256x1xf32>
      %sub3A_107 = vector.broadcast %log3A_106 : vector<256x1xf32> to vector<256x128xf32>
      %sub3A_108 = arith.subf %sub3A_101, %sub3A_107 : vector<256x128xf32>
      %swap3A_109 = arith.constant 0 : index
      %swap3A_110 = arith.constant 0 : index
      %swap3A_111 = vector.load %arg15[%swap3A_109, %swap3A_110] : memref<256x128xf32, #tpu.memory_space<vmem>>, vector<256x128xf32>
      tpu.vector_store %arg15[%swap3A_109, %swap3A_110], %sub3A_108 {strides = array<i32>} : memref<256x128xf32, #tpu.memory_space<vmem>>, vector<256x128xf32>,
      %get3A_112 = arith.constant 0 : index
      %get3A_113 = arith.constant 0 : index
      %get3A_114 = vector.load %arg11[%get3A_112, %get3A_113] : memref<256x128xf32, #tpu.memory_space<vmem>>, vector<256x128xf32>
      %dot_general3A_115 = arith.constant dense<0.000000e+00> : vector<256x128xf32>
      %dot_general3A_116 = tpu.matmul %get3A_65, %get3A_114, %dot_general3A_115 {dimension_numbers = #tpu.dot_dimension_numbers<[1], [0], [0], [1], [0, 0, 1, 1], [], []>, precision = #tpu.contract_precision<fp32>, transpose_lhs_hint = false} : vector<256x256xf32>, vector<256x128xf32>, vector<256x128xf32> -> vector<256x128xf32>
      %get3A_117 = arith.constant 0 : index
      %get3A_118 = arith.constant 0 : index
      %get3A_119 = vector.load %arg12[%get3A_117, %get3A_118] : memref<128x128xf32, #tpu.memory_space<vmem>>, vector<128x128xf32>
      %dot_general3A_120 = arith.constant dense<0.000000e+00> : vector<256x128xf32>
      %dot_general3A_121 = tpu.matmul %div3A_62, %get3A_119, %dot_general3A_120 {dimension_numbers = #tpu.dot_dimension_numbers<[1], [0], [0], [1], [0, 0, 1, 1], [], []>, precision = #tpu.contract_precision<fp32>, transpose_lhs_hint = false} : vector<256x128xf32>, vector<128x128xf32>, vector<256x128xf32> -> vector<256x128xf32>
      %add3A_122 = arith.addf %dot_general3A_116, %dot_general3A_121 : vector<256x128xf32>
      %get3A_123 = arith.constant 0 : index
      %get3A_124 = arith.constant 0 : index
      %get3A_125 = vector.load %arg13[%get3A_123, %get3A_124] : memref<1x128xf32, #tpu.memory_space<vmem>>, vector<1x128xf32>
      %add3A_126 = vector.broadcast %get3A_125 : vector<1x128xf32> to vector<256x128xf32>
      %add3A_127 = arith.addf %add3A_122, %add3A_126 : vector<256x128xf32>
      %reduce_max3A_128 = arith.constant dense<0xFF800000> : vector<256xf32>
      %reduce_max3A_129 = vector.multi_reduction <maximumf>, %add3A_127, %reduce_max3A_128 [1] : vector<256x128xf32> to vector<256xf32>
      %broadcast_in_dim3A_130 = vector.shape_cast %reduce_max3A_129 : vector<256xf32> to vector<256x1xf32>
      %sub3A_131 = vector.broadcast %broadcast_in_dim3A_130 : vector<256x1xf32> to vector<256x128xf32>
      %sub3A_132 = arith.subf %add3A_127, %sub3A_131 : vector<256x128xf32>
      %exp3A_133 = math.exp %sub3A_132 : vector<256x128xf32>
      %reduce_sum3A_134 = arith.constant dense<0.000000e+00> : vector<256xf32>
      %reduce_sum3A_135 = vector.multi_reduction <add>, %exp3A_133, %reduce_sum3A_134 [1] : vector<256x128xf32> to vector<256xf32>
      %broadcast_in_dim3A_136 = vector.shape_cast %reduce_sum3A_135 : vector<256xf32> to vector<256x1xf32>
      %log3A_137 = math.log %broadcast_in_dim3A_136 : vector<256x1xf32>
      %sub3A_138 = vector.broadcast %log3A_137 : vector<256x1xf32> to vector<256x128xf32>
      %sub3A_139 = arith.subf %sub3A_132, %sub3A_138 : vector<256x128xf32>
      %swap3A_140 = arith.constant 0 : index
      %swap3A_141 = arith.constant 0 : index
      %swap3A_142 = vector.load %arg16[%swap3A_140, %swap3A_141] : memref<256x128xf32, #tpu.memory_space<vmem>>, vector<256x128xf32>
      tpu.vector_store %arg16[%swap3A_140, %swap3A_141], %sub3A_139 {strides = array<i32>} : memref<256x128xf32, #tpu.memory_space<vmem>>, vector<256x128xf32>,
    } else {
    }
    return
  }
  func.func @transform_0(%arg0: i32) -> (i32, i32) {
    %c0_i32 = arith.constant 0 : i32
    %c0_i32_0 = arith.constant 0 : i32
    return %arg0, %c0_i32 : i32, i32
  }
  func.func @transform_1(%arg0: i32) -> (i32, i32, i32) {
    %c0_i32 = arith.constant 0 : i32
    %c0_i32_0 = arith.constant 0 : i32
    %c0_i32_1 = arith.constant 0 : i32
    return %c0_i32, %arg0, %c0_i32_0 : i32, i32, i32
  }
  func.func @transform_2(%arg0: i32) -> (i32, i32) {
    %c0_i32 = arith.constant 0 : i32
    %c0_i32_0 = arith.constant 0 : i32
    return %arg0, %c0_i32 : i32, i32
  }
  func.func @transform_3(%arg0: i32) -> (i32, i32) {
    %c0_i32 = arith.constant 0 : i32
    %c0_i32_0 = arith.constant 0 : i32
    %c0_i32_1 = arith.constant 0 : i32
    return %c0_i32, %c0_i32_0 : i32, i32
  }
  func.func @transform_4(%arg0: i32) -> (i32, i32, i32) {
    %c0_i32 = arith.constant 0 : i32
    %c0_i32_0 = arith.constant 0 : i32
    %c0_i32_1 = arith.constant 0 : i32
    return %arg0, %c0_i32, %c0_i32_0 : i32, i32, i32
  }
  func.func @transform_5(%arg0: i32) -> (i32, i32) {
    %c0_i32 = arith.constant 0 : i32
    %c0_i32_0 = arith.constant 0 : i32
    %c0_i32_1 = arith.constant 0 : i32
    return %c0_i32, %c0_i32_0 : i32, i32
  }
  func.func @transform_6(%arg0: i32) -> (i32, i32) {
    %c0_i32 = arith.constant 0 : i32
    %c0_i32_0 = arith.constant 0 : i32
    %c0_i32_1 = arith.constant 0 : i32
    return %c0_i32, %c0_i32_0 : i32, i32
  }
  func.func @transform_7(%arg0: i32) -> (i32, i32) {
    %c0_i32 = arith.constant 0 : i32
    %c0_i32_0 = arith.constant 0 : i32
    %c0_i32_1 = arith.constant 0 : i32
    return %c0_i32, %c0_i32_0 : i32, i32
  }
  func.func @transform_8(%arg0: i32) -> (i32, i32) {
    %c0_i32 = arith.constant 0 : i32
    %c0_i32_0 = arith.constant 0 : i32
    %c0_i32_1 = arith.constant 0 : i32
    return %c0_i32, %c0_i32_0 : i32, i32
  }
  func.func @transform_9(%arg0: i32) -> (i32, i32) {
    %c0_i32 = arith.constant 0 : i32
    %c0_i32_0 = arith.constant 0 : i32
    %c0_i32_1 = arith.constant 0 : i32
    return %c0_i32, %c0_i32_0 : i32, i32
  }
  func.func @transform_10(%arg0: i32) -> (i32, i32) {
    %c0_i32 = arith.constant 0 : i32
    %c0_i32_0 = arith.constant 0 : i32
    %c0_i32_1 = arith.constant 0 : i32
    return %c0_i32, %c0_i32_0 : i32, i32
  }
  func.func @transform_11(%arg0: i32) -> (i32, i32) {
    %c0_i32 = arith.constant 0 : i32
    %c0_i32_0 = arith.constant 0 : i32
    %c0_i32_1 = arith.constant 0 : i32
    return %c0_i32, %c0_i32_0 : i32, i32
  }
  func.func @transform_12(%arg0: i32) -> (i32, i32) {
    %c0_i32 = arith.constant 0 : i32
    %c0_i32_0 = arith.constant 0 : i32
    %c0_i32_1 = arith.constant 0 : i32
    return %c0_i32, %c0_i32_0 : i32, i32
  }
  func.func @transform_13(%arg0: i32) -> (i32, i32) {
    %c0_i32 = arith.constant 0 : i32
    %c0_i32_0 = arith.constant 0 : i32
    %c0_i32_1 = arith.constant 0 : i32
    return %c0_i32, %c0_i32_0 : i32, i32
  }
  func.func @transform_14(%arg0: i32) -> (i32, i32) {
    %c0_i32 = arith.constant 0 : i32
    %c0_i32_0 = arith.constant 0 : i32
    %c0_i32_1 = arith.constant 0 : i32
    return %c0_i32, %c0_i32_0 : i32, i32
  }
  func.func @transform_15(%arg0: i32) -> (i32, i32) {
    %c0_i32 = arith.constant 0 : i32
    %c0_i32_0 = arith.constant 0 : i32
    %c0_i32_1 = arith.constant 0 : i32
    return %c0_i32, %c0_i32_0 : i32, i32
  }
}

</mosaic_0001>

<sc_bundles>
// kernel: kernel.11.cloned.1.call-start
scs
__scs_entry_jumppad:
0x0: {  	(pc) =	sbr.rel $0x88, $3  }
0x1: {  	(tag) =	ssettag $0x0;
	lr =	simm.s32 $0x1  }
0x2: {  	[smem:$0x3F93] =	sst lr;
	_ =	strace $0xD0000000  }
0x3: {  	_ = 	snop  }
0x4: {  	_ = 	snop  }
0x5: {  	_ = 	snop  }
0x6: {  	_ = 	snop  }
0x7: {  	_ = 	snop  }
__scs_overlays_trampoline_lowered:
0x8: {  	[smem:$0x3FA2] =	sst s0  }
0x9: {  	[smem:$0x3FA3] =	sst s1  }
0xa: {  	[smem:$0x3FA4] =	sst s2  }
0xb: {  	[smem:$0x3FA5] =	sst s3  }
0xc: {  	[smem:$0x3FA6] =	sst s4  }
0xd: {  	[smem:$0x3FA7] =	sst s5  }
0xe: {  	[smem:$0x3FA8] =	sst s6  }
0xf: {  	[smem:$0x3FA9] =	sst s7  }
0x10: {  	[smem:$0x3FAA] =	sst s8  }
0x11: {  	[smem:$0x3FAB] =	sst s9;
	s0 =	simm.s32 @!p0 $0x0  }
0x12: {  	s1 =	sld [smem:$0x3F91];
	s0 =	simm.s32 @p0 $0x1  }
0x13: {  	[smem:$0x3FAC] =	sst s0;
	s0 =	simm.s32 @!p1 $0x0  }
0x14: {  	s2 =	sld [smem:$0x3F90];
	s0 =	simm.s32 @p1 $0x1  }
0x15: {  	[smem:$0x3FAD] =	sst s0;
	s0 =	simm.s32 @!p2 $0x0  }
0x16: {  	s3 =	sld [smem:$0x3FDB];
	s0 =	simm.s32 @p2 $0x1  }
0x17: {  	s4 =	simm.s32 $0x1BF5;
	[smem:$0x3FAF] =	sst s0  }
0x18: {  	s0 =	sld [smem:$0x3F92];
	_ =	swait.ge [sflag:s4], $0x0  }
0x19: {  	s7 =	sld [smem:$0x3F93]  }
0x1a: {  	s8 =	sadd.s32 $0xFFFFE003, lr  }
0x1b: {  	s9 =	sadd.s32 $0xFFFFFEF7, lr;
	s5 =	simm.s32 $0xFFFFFFFF;
	p2 =	slt.u32 s8, $0xFFFFF086  }
0x1c: {  	p1 =	slt.u32 s9, $0xF7A;
	s5 =	simm.s32 @!p2 $0x0  }
0x1d: {  	s5 =	simm.s32 @p1 $0x1;
	p0 =	seq.s32 s7, s2  }
0x1e: {  	s7 =	smul.u32 @!p0 $0xF7A, s2;
	p2 =	seq.s32 @!p0 s5, $0x0  }
0x1f: {  	s9 =	smul.u32 $0xF7A, s1;
	s8 =	simm.s32 @!p0 $0x1BF5;
	p2 =	por !p2, p0  }
0x20: {  	[sflag:s8] =	ssyncset.s32 @!p0 $0xFFFFF086;
	s6 =	sadd.s32 @!p0 s3, s7;
	s7 =	simm.s32 @!p0 $0x108  }
0x21: {  	s3 =	sadd.s32 s3, s9;
	s6 =	sadd.s32 @!p0 $0x88, s6;
	s7 =	simm.s32 @p2 $0x1082  }
0x22: {  	[simem:s7], [sflag:s8] =	dma.local @!p0 [hbm:s6], $0xF7A  }
0x23: {  	s9 =	sor.u32 $0xD0000000, s2;
	s6 =	simm.s32 $0x108;
	_ =	swait.ge @!p0 [sflag:s8], $0x0  }
0x24: {  	s3 =	sadd.s32 $0x88, s3;
	s6 =	simm.s32 @!p1 $0x1082;
	[sflag:s4] =	ssyncset.s32 $0xFFFFF086  }
0x25: {  	[simem:s6], [sflag:s4] =	dma.local [hbm:s3], $0xF7A  }
0x26: {  	[smem:$0x3F93] =	sst s1;
	(tag) =	ssettag s2;
	_ =	strace s9  }
0x27: {  	s1 =	sld [smem:$0x3FA3]  }
0x28: {  	s2 =	sld [smem:$0x3FA4]  }
0x29: {  	s4 =	sld [smem:$0x3FA6]  }
0x2a: {  	p0 =	seq.s32 s5, $0x0;
	s5 =	sld [smem:$0x3FA7]  }
0x2b: {  	s6 =	sld [smem:$0x3FA8]  }
0x2c: {  	s7 =	sld [smem:$0x3FA9]  }
0x2d: {  	s3 =	simm.s32 $0x108;
	s8 =	sld [smem:$0x3FAA]  }
0x2e: {  	s3 =	simm.s32 @!p0 $0x1082;
	s9 =	sld [smem:$0x3FAB]  }
0x2f: {  	lr =	sadd.s32 s0, s3;
	s0 =	sld [smem:$0x3FA2]  }
0x30: {  	s3 =	sld [smem:$0x3FA5]  }
0x31: {  	[smem:$0x3FAE] =	sst s10  }
0x32: {  	s10 =	sld [smem:$0x3FAC];
	_ =	sdelay $0x3  }
0x33: {  	p0 =	seq.s32 s10, $0x1;
	s10 =	sld [smem:$0x3FAE];
	_ =	sdelay $0x3  }
0x34: {  	[smem:$0x3FAE] =	sst s10  }
0x35: {  	s10 =	sld [smem:$0x3FAD];
	_ =	sdelay $0x3  }
0x36: {  	p1 =	seq.s32 s10, $0x1;
	s10 =	sld [smem:$0x3FAE];
	_ =	sdelay $0x3  }
0x37: {  	[smem:$0x3FAE] =	sst s10  }
0x38: {  	s10 =	sld [smem:$0x3FAF]  }
0x39: {  	_ = 	snop;
	(pc) =	sbr.ind lr, $3  }
0x3a: {  	_ = 	snop  }
0x3b: {  	_ = 	snop  }
0x3c: {  	p2 =	seq.s32 s10, $0x1;
	s10 =	sld [smem:$0x3FAE]  }
0x3d: {  	_ =	shalt  }
0x3e: {  	_ =	shalt  }
0x3f: {  	_ =	shalt  }
0x40: {  	_ =	shalt  }
0x41: {  	_ =	shalt  }
0x42: {  	_ =	shalt  }
0x43: {  	_ =	shalt  }
0x44: {  	_ =	shalt  }
0x45: {  	_ =	shalt  }
0x46: {  	_ =	shalt  }
0x47: {  	_ =	shalt  }
0x48: {  	_ =	shalt  }
0x49: {  	_ =	shalt  }
0x4a: {  	_ =	shalt  }
0x4b: {  	_ =	shalt  }
0x4c: {  	_ =	shalt  }
0x4d: {  	_ =	shalt  }
0x4e: {  	_ =	shalt  }
0x4f: {  	_ =	shalt  }
0x50: {  	_ =	shalt  }
0x51: {  	_ =	shalt  }
0x52: {  	_ =	shalt  }
0x53: {  	_ =	shalt  }
0x54: {  	_ =	shalt  }
0x55: {  	_ =	shalt  }
0x56: {  	_ =	shalt  }
0x57: {  	_ =	shalt  }
0x58: {  	_ =	shalt  }
0x59: {  	_ =	shalt  }
0x5a: {  	_ =	shalt  }
0x5b: {  	_ =	shalt  }
0x5c: {  	_ =	shalt  }
0x5d: {  	_ =	shalt  }
0x5e: {  	_ =	shalt  }
0x5f: {  	_ =	shalt  }
0x60: {  	_ =	shalt  }
0x61: {  	_ =	shalt  }
0x62: {  	_ =	shalt  }
0x63: {  	_ =	shalt  }
0x64: {  	_ =	shalt  }
0x65: {  	_ =	shalt  }
0x66: {  	_ =	shalt  }
0x67: {  	_ =	shalt  }
0x68: {  	_ =	shalt  }
0x69: {  	_ =	shalt  }
0x6a: {  	_ =	shalt  }
0x6b: {  	_ =	shalt  }
0x6c: {  	_ =	shalt  }
0x6d: {  	_ =	shalt  }
0x6e: {  	_ =	shalt  }
0x6f: {  	_ =	shalt  }
0x70: {  	_ =	shalt  }
0x71: {  	_ =	shalt  }
0x72: {  	_ =	shalt  }
0x73: {  	_ =	shalt  }
0x74: {  	_ =	shalt  }
0x75: {  	_ =	shalt  }
0x76: {  	_ =	shalt  }
0x77: {  	_ =	shalt  }
0x78: {  	_ =	shalt  }
0x79: {  	_ =	shalt  }
0x7a: {  	_ =	shalt  }
0x7b: {  	_ =	shalt  }
0x7c: {  	_ =	shalt  }
0x7d: {  	_ =	shalt  }
0x7e: {  	_ =	shalt  }
0x7f: {  	_ =	shalt  }
0x80: {  	_ =	shalt  }
0x81: {  	_ =	shalt  }
0x82: {  	_ =	shalt  }
0x83: {  	_ =	shalt  }
0x84: {  	_ =	shalt  }
0x85: {  	_ =	shalt  }
0x86: {  	_ =	shalt  }
0x87: {  	_ =	shalt  }
.Lfunc_end0:
.L_simem_size_0:
called_computation.1_lowered:
.L_overlay_start_0:
0x88: {  	s2 =	sld [smem:$0x3FD9]  }
0x89: {  	s3 =	sld [smem:$0x3FFE];
	_ =	sdelay $0x1  }
0x8a: {  	s1 =	srdreg.scid  }
0x8b: {  	s0 =	sand.u32 $0x1, s1  }
0x8c: {  	s16 =	sshll.u32 s0, $0xA;
	s2 =	sadd.s32 s3, s2  }
0x8d: {  	s2 =	sadd.s32 s2, s16  }
0x8e: {  	[smem:$0x3FBA] =	sst s2  }
0x8f: {  	_ = 	snop  }
0x90: {  	(tm) =	ssettm $0x1  }
0x91: {  	s17 =	sld [smem:$0x3FFB];
	_ =	sdelay $0x3  }
0x92: {  	_ =	strace s17  }
0x93: {  	s2 =	sld [smem:$0x3FFC];
	_ =	sdelay $0x3  }
0x94: {  	_ =	strace s2  }
0x95: {  	s2 =	sld [smem:$0x3FFD];
	_ =	sdelay $0x3  }
0x96: {  	_ =	strace s2  }
0x97: {  	_ =	strace $0x8FFFFFFF  }
0x98: {  	s18 =	sld [smem:$0x3FDB];
	_ =	sdelay $0x1  }
0x99: {  	s19 =	simm.s32 $_scs_section_size  }
0x9a: {  	s4 =	simm.s32 $_size__tile_overlayer_lowered;
	s5 =	simm.s32 $_tile_overlayer_lowered  }
0x9b: {  	s22 =	simm.s32 $0x1BFF;
	s21 =	sshll.u32 s5, $0x1;
	s2 =	sadd.s32 s19, s18  }
0x9c: {  	s6 =	simm.s32 $0x0;
	s20 =	sshll.u32 s4, $0x1;
	s4 =	sadd.s32 s21, s2  }
0x9d: {  	[timem:s6], [sflag:s22] =	dma.local [hbm:s4], s20  }
0x9e: {  	_ =	swait.ge [sflag:s22], s20  }
0x9f: {  	s3 =	ssub.s32 $0x0, s20;
	[sflag:s22] =	ssyncset.done $0x0  }
0xa0: {  	[sflag:s22] =	ssyncadd.s32 s3;
	_ =	sdelay $0x1  }
0xa1: {  	s23 =	simm.s32 $0x1B8B  }
0xa2: {  	_ =	swait.ge [sflag:s23], $0x1  }
0xa3: {  	[sflag:s23] =	ssyncset.done $0x0  }
0xa4: {  	s25 =	simm.s32 $0x1B8E;
	s24 =	sld [smem:$0x3FFE];
	[sflag:s23] =	ssyncadd.s32 $0xFFFFFFFF  }
0xa5: {  	s26 =	simm.s32 $execute0_lowered;
	[smem:$0x3FD2] =	sst s25  }
0xa6: {  	s4 =	sshll.u32 s26, $0x1;
	_ =	strace $0x80000049;
	[dreg:$0x1] =	wrdreg $0xFFFFFFFF  }
0xa7: {  	s28 =	simm.s32 $_size_execute0_lowered;
	s2 =	sadd.s32 s2, s4;
	[dreg:$0x0] =	wrdreg $0x0  }
0xa8: {  	s4 =	sshll.u32 s28, $0x1;
	[dreg:$0x2] =	wrdreg s2  }
0xa9: {  	[dreg:$0x3] =	wrdreg s4  }
0xaa: {  	[dreg:$0x4] =	wrdreg $0xC0  }
0xab: {  	_ =	task [dreg:s6], $0x5FFFF  }
0xac: {  	[dreg:$0x1] =	wrdreg $0xFFFFFFFF  }
0xad: {  	[dreg:$0x0] =	wrdreg $0x60  }
0xae: {  	[dreg:$0x2] =	wrdreg s24  }
0xaf: {  	[dreg:$0x3] =	wrdreg $0x8D000  }
0xb0: {  	[dreg:$0x4] =	wrdreg $0x9  }
0xb1: {  	_ =	task.clear_ibuf [dreg:s6], $0x5FFFF;
	_ =	strace $0x90000049  }
0xb2: {  	s29 =	simm.s32 $0x9;
	_ =	strace $0x8000004B  }
0xb3: {  	_ =	swait.ge [sflag:s29], $0x1  }
0xb4: {  	[sflag:s29] =	ssyncadd.s32 $0xFFFFFFFF  }
0xb5: {  	_ =	strace $0x9000004B  }
0xb6: {  	_ =	sfence  }
0xb7: {  	s30 =	sld [smem:$0x0];
	_ =	sdelay $0x2  }
0xb8: {  	s31 =	sshll.u32 s1, $0xD;
	s1 =	sshrl.u32 s1, $0x2  }
0xb9: {  	s3 =	sand.u32 $0x4000, s31;
	s1 =	sadd.s32 s1, s30  }
0xba: {  	s0 =	sor.u32 s3, s0;
	s1 =	sshll.u32 s1, $0x11  }
0xbb: {  	s0 =	sor.u32 s1, s0  }
0xbc: {  	s0 =	sadd.s32 $0x8F2B, s0  }
0xbd: {  	[sflag:s0] =	ssyncadd.remote.s32 $0x1  }
0xbe: {  	_ =	sfence.sel $0xFFFF  }
0xbf: {  	[dreg:$0x0] =	wrdreg $0xFFFFFFFF;
	(pc) =	sbr.abs _section_cstart, $3  }
0xc0: {  	[dreg:$0x1] =	wrdreg $0xFFFFFFFF  }
0xc1: {  	_ =	task.clear_ibuf [dreg:s6], $0x2FFFF;
	_ =	strace $0x9FFFFFFF  }
0xc2: {  	(tm) =	ssettm $0x7FFFFFFF  }
0xc3: {  	_ =	shalt  }
tec
execute0_lowered:
.L_overlay_start_1:
0x0: {  	(tag) =	ssettag $0x1  }
0x1: {  	s0 =	rddreg [dreg:$0x0]  }
0x2: {  	s1 =	rddreg [dreg:$0x1]  }
0x3: {  	s2 =	srdreg.scid;
	s3 =	simm.s32 $0x0;
	s11 =	stileid.u32  }
0x4: {  	s28 =	simm.s32 $0x8400;
	s30 =	simm.s32 $0x8480;
	s6 =	smul.u32 $0x14000, s11  }
0x5: {  	s29 =	simm.s32 $0x4;
	s2 =	sand.u32 $0x1, s2;
	s10 =	smul.u32 $0x50000, s11  }
0x6: {  	s31 =	simm.s32 $0x7;
	[smem:$0x7FF] =	sst s3;
	s5 =	smul.u32 $0x140000, s2  }
0x7: {  	s4 =	sshll.u32 s2, $0x4;
	_ =	strace $0x8000004A;
	s8 =	ssub.s32 $0x2, s2  }
0x8: {  	s2 =	smul.u32 $0x27100, s2;
	s7 =	sor.u32 s11, s4;
	s4 =	sadd.s32 $0x17200, s0  }
0x9: {  	s9 =	sshrl.u32 s8, $0x1;
	s26 =	sshrl.u32 s10, $0x2;
	s11 =	smul.u32 $0x2710, s11  }
0xa: {  	s6 =	sadd.s32 s6, s5;
	s7 =	smul.u32 $0x2710, s7;
	s12 =	sadd.s32 s26, s1  }
0xb: {  	s5 =	sadd.s32 $0x3800, s0;
	s13 =	sadd.s32 $0x2000, s12;
	[dreg:$0x6] =	wrdreg s12  }
0xc: {  	s25 =	ssub.s32 s8, s9;
	s14 =	sadd.s32 $0x4000, s12;
	[dreg:$0x7] =	wrdreg s13  }
0xd: {  	s6 =	sshrl.u32 s6, $0x3;
	s15 =	sadd.s32 $0x6000, s12;
	[dreg:$0x8] =	wrdreg s14  }
0xe: {  	s16 =	sadd.s32 $0x8000, s12;
	s17 =	sadd.s32 $0xA000, s12;
	[dreg:$0x9] =	wrdreg s15  }
0xf: {  	s2 =	sadd.s32 s11, s2;
	s18 =	sadd.s32 $0xC000, s12;
	[dreg:$0xa] =	wrdreg s16  }
0x10: {  	s7 =	sshrl.u32 s7, $0x3;
	s0 =	sadd.s32 s6, s0;
	[dreg:$0xb] =	wrdreg s17  }
0x11: {  	[dreg:$0xc] =	wrdreg s18;
	s19 =	sadd.s32 $0x4E380, s2;
	s6 =	smax.u32 s25, $0x1  }
0x12: {  	s20 =	sadd.s32 $0x1C0, s2;
	s22 =	sadd.s32 $0x180, s2;
	s24 =	sadd.s32 $0x4E300, s2  }
0x13: {  	s26 =	sadd.s32 $0x4E2C0, s2;
	s18 =	smov.u32 s5;
	s13 =	sadd.s32 $0xE000, s12  }
0x14: {  	s14 =	sadd.s32 $0x10000, s12;
	s15 =	sadd.s32 $0x12000, s12;
	[dreg:$0xe] =	wrdreg s6  }
0x15: {  	s8 =	sadd.s32 s5, s7;
	s0 =	sadd.s32 $0x3F200, s0;
	[dreg:$0x11] =	wrdreg s13  }
0x16: {  	s21 =	sshrl.u32 s20, $0x3;
	s23 =	sshrl.u32 s22, $0x3;
	[dreg:$0x12] =	wrdreg s14  }
0x17: {  	s25 =	sshrl.u32 s24, $0x3;
	s6 =	sshrl.u32 s26, $0x3;
	[dreg:$0x13] =	wrdreg s15  }
0x18: {  	s14 =	simm.s32 $0x380;
	s15 =	simm.s32 $0x8;
	[dreg:$0xd] =	wrdreg s0  }
0x19: {  	s7 =	sadd.s32 $0x4E0, s8;
	s10 =	sadd.s32 $0xA120, s8;
	[dreg:$0x3] =	wrdreg s8  }
0x1a: {  	s0 =	sshrl.u32 s19, $0x3;
	s22 =	sadd.s32 s6, s5;
	[dreg:$0x4] =	wrdreg s7  }
0x1b: {  	s16 =	sadd.s32 $0x8, s8;
	s17 =	sadd.s32 $0x10, s8;
	[dreg:$0x5] =	wrdreg s10  }
0x1c: {  	s19 =	sadd.s32 $0x18, s8;
	s20 =	sadd.s32 $0x9C40, s8;
	[dreg:$0x14] =	wrdreg s16  }
0x1d: {  	s26 =	sadd.s32 $0x9C50, s8;
	s6 =	simm.s32 $0x2;
	[dreg:$0x15] =	wrdreg s17  }
0x1e: {  	s0 =	sadd.s32 s0, s5;
	s7 =	sadd.s32 $0x4E340, s2;
	[dreg:$0x16] =	wrdreg s19  }
0x1f: {  	s10 =	sadd.s32 $0x140, s2;
	s2 =	sadd.s32 $0x100, s2;
	[dreg:$0x17] =	wrdreg s20  }
0x20: {  	[dreg:$0x19] =	wrdreg s26;
	s19 =	simm.s32 $0x12;
	s16 =	simm.s32 $0x180  }
0x21: {  	s26 =	simm.s32 $0x40;
	s20 =	simm.s32 $0x100;
	[dreg:$0xf] =	wrdreg s0  }
0x22: {  	s0 =	sadd.s32 s21, s5;
	s21 =	sadd.s32 s25, s5;
	s9 =	sshrl.u32 s7, $0x3  }
0x23: {  	[dreg:$0x10] =	wrdreg s2;
	s11 =	sshrl.u32 s10, $0x3;
	s10 =	simm.s32 $0xB  }
.Ltmp0:
0x24: {  	s2 =	simm.s32 $0xD;
	s7 =	simm.s32 $0xC;
	(pc) =	sbr.rel .LBB2_1-.Ltmp0, $4  }
0x25: {  	[dreg:$0x1a] =	wrdreg s0;
	s0 =	sadd.s32 s23, s5;
	s24 =	sadd.s32 s9, s5  }
0x26: {  	s25 =	sadd.s32 s11, s5;
	s23 =	sadd.s32 $0x9C48, s8;
	s11 =	simm.s32 $0x1  }
0x27: {  	s8 =	simm.s32 $0x6400;
	s9 =	simm.s32 $0x10;
	[dreg:$0x1b] =	wrdreg s0  }
0x28: {  	v0 =	vimm.f32 $0.0e+00;
	s5 =	simm.s32 $0x0;
	[dreg:$0x18] =	wrdreg s23;
	s23 =	simm.s32 $0xE  }
.LBB2_6:
0x29: {  	s0 =	simm.s32 $0x5  }
0x2a: {  	_ =	swait.ge [sflag:s0], $0x2000  }
0x2b: {  	[sflag:s0] =	ssyncset.done $0x0  }
0x2c: {  	s5 =	simm.s32 $0x6;
	[sflag:s0] =	ssyncadd.s32 $0xFFFFE000  }
0x2d: {  	_ =	swait.ge [sflag:s5], $0x2000  }
0x2e: {  	[sflag:s5] =	ssyncset.done $0x0  }
0x2f: {  	[sflag:s5] =	ssyncadd.s32 $0xFFFFE000  }
0x30: {  	_ =	swait.ge [sflag:s31], $0x2000  }
0x31: {  	[sflag:s31] =	ssyncset.done $0x0  }
0x32: {  	[sflag:s31] =	ssyncadd.s32 $0xFFFFE000  }
0x33: {  	_ =	swait.ge [sflag:s15], $0x2000  }
0x34: {  	[sflag:s15] =	ssyncset.done $0x0  }
0x35: {  	s12 =	simm.s32 $0x11;
	[sflag:s15] =	ssyncadd.s32 $0xFFFFE000  }
0x36: {  	_ =	swait.ge [sflag:s12], $0x10  }
0x37: {  	[sflag:s12] =	ssyncset.done $0x0  }
0x38: {  	[sflag:s12] =	ssyncadd.s32 $0xFFFFFFF0  }
0x39: {  	_ =	swait.ge [sflag:s12], $0x10  }
0x3a: {  	[sflag:s12] =	ssyncset.done $0x0  }
0x3b: {  	s28 =	simm.s32 $0x8400;
	s5 =	simm.s32 $0x8500;
	[sflag:s12] =	ssyncadd.s32 $0xFFFFFFF0  }
0x3c: {  	[tilespmem:s5], [sflag:$0x11] =	stream.indirect.gather [hbm4b:s4+s9], $0x80, s28, s9, $0xb8;
	[tilespmem:$0x1CD00] =	vst v63  }
0x3d: {  	_ =	swait.ge [sflag:s12], $0x800  }
0x3e: {  	[sflag:s12] =	ssyncset.done $0x0  }
0x3f: {  	s30 =	simm.s32 $0x8480;
	s19 =	simm.s32 $0x12;
	[sflag:s12] =	ssyncadd.s32 $0xFFFFF800  }
0x40: {  	[spmem:s1] =	stream.indirect.scatter.add.f32 [tilespmem:s5], [sflag:$0x12], $0x80, s30, s9, $0xb8;
	[tilespmem:$0x1CD00] =	vst v63  }
0x41: {  	_ =	swait.ge [sflag:s19], $0x800  }
0x42: {  	[sflag:s19] =	ssyncset.done $0x0  }
0x43: {  	[sflag:s19] =	ssyncadd.s32 $0xFFFFF800  }
0x44: {  	s13 =	stileid.u32;
	[bflag:$0x0] =	sbarrier.arrive $0xFFFF  }
0x45: {  	s0 =	sshll.u32 s13, $0x6;
	s12 =	rddreg [dreg:$0x6]  }
0x46: {  	s0 =	sor.u32 $0x1C12, s0;
	s13 =	rddreg [dreg:$0xd];
	s17 =	sshrl.u32 s12, $0x3  }
0x47: {  	[hbm:s13], [sflag:s0] =	dma.local [spmem:s17], $0x2800  }
0x48: {  	_ =	swait.ge [sflag:s19], $0x2800  }
0x49: {  	s13 =	rddreg [dreg:$0x1c]  }
0x4a: {  	s17 =	rddreg [dreg:$0xe];
	s5 =	sadd.s32 $0x1, s13  }
0x4b: {  	p0 =	sne.s32 s5, s17  }
.Ltmp1:
0x4c: {  	_ = 	snop;
	(pc) =	sbr.rel @!p0 .LBB2_7-.Ltmp1, $3  }
0x4d: {  	_ =	sdelay $0x1  }
0x4e: {  	[sflag:s19] =	ssyncset.done $0x0  }
0x4f: {  	[sflag:s19] =	ssyncadd.s32 $0xFFFFD800  }
.LBB2_1:
0x50: {  	[dreg:$0x1c] =	wrdreg s5;
	s0 =	simm.s32 $0x0;
	s17 =	simm.s32 $0x200  }
.LBB2_2:
0x51: {  	p0 =	sne.s32 s17, $0x7E00;
	[tilespmem:s0+$0x470] =	vst v0  }
0x52: {  	[tilespmem:s0+$0x400] =	vst v0  }
0x53: {  	[tilespmem:s0+$0x410] =	vst v0  }
.Ltmp2:
0x54: {  	[tilespmem:s0+$0x420] =	vst v0;
	(pc) =	sbr.rel @p0 .LBB2_2-.Ltmp2, $4  }
0x55: {  	[tilespmem:s0+$0x430] =	vst v0  }
0x56: {  	[tilespmem:s0+$0x440] =	vst v0  }
0x57: {  	[tilespmem:s0+$0x450] =	vst v0  }
0x58: {  	[tilespmem:s0+$0x460] =	vst v0;
	s0 =	sshra.s32 s17, $0x2;
	s17 =	sadd.s32 $0x200, s17  }
0x59: {  	[tilespmem:s0+$0x470] =	vst v0  }
0x5a: {  	[tilespmem:s0+$0x400] =	vst v0  }
0x5b: {  	[tilespmem:s0+$0x410] =	vst v0  }
0x5c: {  	[tilespmem:s0+$0x420] =	vst v0  }
0x5d: {  	[tilespmem:s0+$0x430] =	vst v0  }
0x5e: {  	[tilespmem:s0+$0x440] =	vst v0  }
0x5f: {  	[tilespmem:s0+$0x450] =	vst v0  }
0x60: {  	[tilespmem:s0+$0x460] =	vst v0;
	s0 =	simm.s32 $0x0;
	s5 =	rddreg [dreg:$0x4]  }
0x61: {  	[tilespmem:s28], [sflag:$0x11] =	stream.linear.gather [hbm4b:s5+s0], $0x10, $0x38;
	[tilespmem:$0x1CD00] =	vst v63  }
0x62: {  	s13 =	rddreg [dreg:$0x5]  }
0x63: {  	[tilespmem:s30], [sflag:$0x11] =	stream.linear.gather [hbm4b:s13+s0], $0x10, $0x38;
	[tilespmem:$0x1CD00] =	vst v63  }
0x64: {  	s13 =	simm.s32 $0x400  }
0x65: {  	[spmem:s12] =	stream.linear.scatter [tilespmem:s13], [sflag:$0x12], $0x2000, $0x38;
	[tilespmem:$0x1CD00] =	vst v63  }
0x66: {  	_ =	swait.ge [sflag:s19], $0x2000  }
0x67: {  	[sflag:s19] =	ssyncset.done $0x0  }
0x68: {  	s17 =	rddreg [dreg:$0x7];
	[sflag:s19] =	ssyncadd.s32 $0xFFFFE000  }
0x69: {  	[spmem:s17] =	stream.linear.scatter [tilespmem:s13], [sflag:$0x12], $0x2000, $0x38;
	[tilespmem:$0x1CD00] =	vst v63  }
0x6a: {  	_ =	swait.ge [sflag:s19], $0x2000  }
0x6b: {  	[sflag:s19] =	ssyncset.done $0x0  }
0x6c: {  	s28 =	rddreg [dreg:$0x8];
	[sflag:s19] =	ssyncadd.s32 $0xFFFFE000  }
0x6d: {  	[spmem:s28] =	stream.linear.scatter [tilespmem:s13], [sflag:$0x12], $0x2000, $0x38;
	[tilespmem:$0x1CD00] =	vst v63  }
0x6e: {  	_ =	swait.ge [sflag:s19], $0x2000  }
0x6f: {  	[sflag:s19] =	ssyncset.done $0x0  }
0x70: {  	s30 =	rddreg [dreg:$0x9];
	[sflag:s19] =	ssyncadd.s32 $0xFFFFE000  }
0x71: {  	[spmem:s30] =	stream.linear.scatter [tilespmem:s13], [sflag:$0x12], $0x2000, $0x38;
	[tilespmem:$0x1CD00] =	vst v63  }
0x72: {  	_ =	swait.ge [sflag:s19], $0x2000  }
0x73: {  	[sflag:s19] =	ssyncset.done $0x0  }
0x74: {  	s12 =	rddreg [dreg:$0xa];
	[sflag:s19] =	ssyncadd.s32 $0xFFFFE000  }
0x75: {  	[spmem:s12] =	stream.linear.scatter [tilespmem:s13], [sflag:$0x12], $0x2000, $0x38;
	[tilespmem:$0x1CD00] =	vst v63  }
0x76: {  	_ =	swait.ge [sflag:s19], $0x2000  }
0x77: {  	[sflag:s19] =	ssyncset.done $0x0  }
0x78: {  	s17 =	rddreg [dreg:$0xb];
	[sflag:s19] =	ssyncadd.s32 $0xFFFFE000  }
0x79: {  	[spmem:s17] =	stream.linear.scatter [tilespmem:s13], [sflag:$0x12], $0x2000, $0x38;
	[tilespmem:$0x1CD00] =	vst v63  }
0x7a: {  	_ =	swait.ge [sflag:s19], $0x2000  }
0x7b: {  	[sflag:s19] =	ssyncset.done $0x0  }
0x7c: {  	s28 =	rddreg [dreg:$0xc];
	[sflag:s19] =	ssyncadd.s32 $0xFFFFE000  }
0x7d: {  	[spmem:s28] =	stream.linear.scatter [tilespmem:s13], [sflag:$0x12], $0x2000, $0x38;
	[tilespmem:$0x1CD00] =	vst v63  }
0x7e: {  	_ =	swait.ge [sflag:s19], $0x2000  }
0x7f: {  	[sflag:s19] =	ssyncset.done $0x0  }
0x80: {  	s30 =	rddreg [dreg:$0x11];
	[sflag:s19] =	ssyncadd.s32 $0xFFFFE000  }
0x81: {  	[spmem:s30] =	stream.linear.scatter [tilespmem:s13], [sflag:$0x12], $0x2000, $0x38;
	[tilespmem:$0x1CD00] =	vst v63  }
0x82: {  	_ =	swait.ge [sflag:s19], $0x2000  }
0x83: {  	[sflag:s19] =	ssyncset.done $0x0  }
0x84: {  	s12 =	rddreg [dreg:$0x12];
	[sflag:s19] =	ssyncadd.s32 $0xFFFFE000  }
0x85: {  	[spmem:s12] =	stream.linear.scatter [tilespmem:s13], [sflag:$0x12], $0x2000, $0x38;
	[tilespmem:$0x1CD00] =	vst v63  }
0x86: {  	_ =	swait.ge [sflag:s19], $0x2000  }
0x87: {  	[sflag:s19] =	ssyncset.done $0x0  }
0x88: {  	s17 =	rddreg [dreg:$0x13];
	[sflag:s19] =	ssyncadd.s32 $0xFFFFE000  }
0x89: {  	[spmem:s17] =	stream.linear.scatter [tilespmem:s13], [sflag:$0x12], $0x2000, $0x38;
	[tilespmem:$0x1CD00] =	vst v63  }
0x8a: {  	_ =	swait.ge [sflag:s19], $0x2000  }
0x8b: {  	[sflag:s19] =	ssyncset.done $0x0  }
0x8c: {  	[sflag:s19] =	ssyncadd.s32 $0xFFFFE000  }
0x8d: {  	[bflag:$0x0] =	sbarrier.arrive $0xFFFF  }
0x8e: {  	s19 =	rddreg [dreg:$0x3]  }
0x8f: {  	[tilespmem:s0], [sflag:$0x9] =	stream.linear.gather [hbm4b:s19+s0], $0x40, $0x38;
	[tilespmem:$0x1CD00] =	vst v63  }
0x90: {  	s12 =	simm.s32 $0x80;
	s28 =	rddreg [dreg:$0x14]  }
0x91: {  	[tilespmem:s12], [sflag:$0xA] =	stream.linear.gather [hbm4b:s28+s0], $0x40, $0x38;
	[tilespmem:$0x1CD00] =	vst v63  }
0x92: {  	s17 =	simm.s32 $0x100;
	s30 =	rddreg [dreg:$0x15]  }
0x93: {  	[tilespmem:s17], [sflag:$0xB] =	stream.linear.gather [hbm4b:s30+s0], $0x40, $0x38;
	[tilespmem:$0x1CD00] =	vst v63  }
0x94: {  	s19 =	rddreg [dreg:$0x16]  }
0x95: {  	[tilespmem:s16], [sflag:$0xC] =	stream.linear.gather [hbm4b:s19+s0], $0x40, $0x38;
	[tilespmem:$0x1CD00] =	vst v63  }
0x96: {  	s28 =	rddreg [dreg:$0x17];
	s30 =	simm.s32 $0x200;
	s19 =	simm.s32 $0x9  }
0x97: {  	[tilespmem:s30], [sflag:$0xD] =	stream.linear.gather [hbm4b:s28+s0], $0x40, $0x38;
	[tilespmem:$0x1CD00] =	vst v63  }
0x98: {  	_ =	swait.ge [sflag:s19], $0x40  }
0x99: {  	[sflag:s19] =	ssyncset.done $0x0  }
0x9a: {  	[sflag:s19] =	ssyncadd.s32 $0xFFFFFFC0  }
0x9b: {  	[tilespmem:s13], [sflag:$0x1] =	stream.indirect.gather [hbm4b:s4+s26], $0x80, s0, s26, $0xb8;
	[tilespmem:$0x1CD00] =	vst v63  }
0x9c: {  	s30 =	simm.s32 $0x280;
	s28 =	rddreg [dreg:$0x18]  }
0x9d: {  	[tilespmem:s30], [sflag:$0xE] =	stream.linear.gather [hbm4b:s28+s0], $0x40, $0x38;
	[tilespmem:$0x1CD00] =	vst v63  }
0x9e: {  	s28 =	simm.s32 $0xA  }
0x9f: {  	_ =	swait.ge [sflag:s28], $0x40  }
0xa0: {  	[sflag:s28] =	ssyncset.done $0x0  }
0xa1: {  	s30 =	simm.s32 $0x2400;
	[sflag:s28] =	ssyncadd.s32 $0xFFFFFFC0  }
0xa2: {  	[tilespmem:s30], [sflag:$0x2] =	stream.indirect.gather [hbm4b:s4+s26], $0x80, s12, s26, $0xb8;
	[tilespmem:$0x1CD00] =	vst v63  }
0xa3: {  	s13 =	rddreg [dreg:$0x19];
	s28 =	simm.s32 $0x300  }
0xa4: {  	[tilespmem:s28], [sflag:$0xF] =	stream.linear.gather [hbm4b:s13+s0], $0x40, $0x38;
	[tilespmem:$0x1CD00] =	vst v63  }
0xa5: {  	_ =	swait.ge [sflag:s10], $0x40  }
0xa6: {  	[sflag:s10] =	ssyncset.done $0x0  }
0xa7: {  	s30 =	simm.s32 $0x4400;
	[sflag:s10] =	ssyncadd.s32 $0xFFFFFFC0  }
0xa8: {  	[tilespmem:s30], [sflag:$0x3] =	stream.indirect.gather [hbm4b:s4+s26], $0x80, s17, s26, $0xb8;
	[tilespmem:$0x1CD00] =	vst v63  }
0xa9: {  	s19 =	simm.s32 $0x400;
	s17 =	rddreg [dreg:$0x10]  }
.LBB2_4:
0xaa: {  	_ =	swait.ge [sflag:s11], $0x2000  }
0xab: {  	[sflag:s11] =	ssyncset.done $0x0  }
0xac: {  	[sflag:s11] =	ssyncadd.s32 $0xFFFFE000  }
0xad: {  	_ =	swait.ge [sflag:s2], $0x40  }
0xae: {  	s5 =	simm.s32 $0x200;
	p0 =	seq.s32 s0, $0x4C0;
	[sflag:s2] =	ssyncset.done $0x0  }
0xaf: {  	s28 =	sshrl.u32 @!p0 s17, $0x3;
	p1 =	seq.s32 @!p0 s0, $0x0;
	[sflag:s2] =	ssyncadd.s32 $0xFFFFFFC0  }
0xb0: {  	[spmem:s1] =	stream.indirect.scatter.add.f32 [tilespmem:s19], [sflag:$0x5], $0x80, s5, s26, $0xb8;
	[tilespmem:$0x1CD00] =	vst v63  }
0xb1: {  	s30 =	sadd.s32 @!p0 s18, s28;
	s28 =	simm.s32 @!p0 $0x0;
	p1 =	por p0, !p1  }
0xb2: {  	[tilespmem:s28], [sflag:$0x9] =	stream.linear.gather @!p0 [hbm4b:s30+s28], $0x40, $0x38;
	[tilespmem:$0x1CD00] =	vst v63  }
0xb3: {  	_ =	swait.ge @p1 [sflag:s15], $0x2000  }
0xb4: {  	[sflag:s15] =	ssyncset.done @p1 $0x0  }
0xb5: {  	[sflag:s15] =	ssyncadd.s32 @p1 $0xFFFFE000  }
0xb6: {  	_ =	swait.ge [sflag:s7], $0x40  }
0xb7: {  	[sflag:s7] =	ssyncset.done $0x0  }
0xb8: {  	[sflag:s7] =	ssyncadd.s32 $0xFFFFFFC0  }
0xb9: {  	[tilespmem:s8], [sflag:$0x4] =	stream.indirect.gather [hbm4b:s4+s26], $0x80, s16, s26, $0xb8;
	[tilespmem:$0x1CD00] =	vst v63  }
0xba: {  	s13 =	sadd.s32 s0, s22  }
0xbb: {  	[tilespmem:s14], [sflag:$0x10] =	stream.linear.gather [hbm4b:s13+s3], $0x40, $0x38;
	[tilespmem:$0x1CD00] =	vst v63  }
0xbc: {  	_ =	swait.ge [sflag:s6], $0x2000  }
0xbd: {  	[sflag:s6] =	ssyncset.done $0x0  }
0xbe: {  	[sflag:s6] =	ssyncadd.s32 $0xFFFFE000  }
0xbf: {  	_ =	swait.ge [sflag:s23], $0x40  }
0xc0: {  	[sflag:s23] =	ssyncset.done $0x0  }
0xc1: {  	s12 =	simm.s32 $0x2400;
	s30 =	simm.s32 $0x280;
	[sflag:s23] =	ssyncadd.s32 $0xFFFFFFC0  }
0xc2: {  	[spmem:s1] =	stream.indirect.scatter.add.f32 [tilespmem:s12], [sflag:$0x6], $0x80, s30, s26, $0xb8;
	[tilespmem:$0x1CD00] =	vst v63  }
0xc3: {  	s30 =	simm.s32 @p0 $0x3  }
0xc4: {  	_ =	swait.ge @p0 [sflag:s30], $0x2000  }
0xc5: {  	[sflag:s30] =	ssyncset.done @p0 $0x0  }
0xc6: {  	[sflag:s30] =	ssyncadd.s32 @p0 $0xFFFFE000;
	s30 =	simm.s32 @p0 $0xF  }
0xc7: {  	_ =	swait.ge @p0 [sflag:s30], $0x40  }
0xc8: {  	s13 =	simm.s32 @p0 $0x300;
	[sflag:s30] =	ssyncset.done @p0 $0x0  }
0xc9: {  	s12 =	simm.s32 @p0 $0x4400;
	[sflag:s30] =	ssyncadd.s32 @p0 $0xFFFFFFC0;
	s30 =	simm.s32 @p0 $0x40  }
0xca: {  	[spmem:s1] =	stream.indirect.scatter.add.f32 @p0 [tilespmem:s12], [sflag:$0x7], $0x80, s13, s30, $0xb8;
	[tilespmem:$0x1CD00] =	vst v63  }
0xcb: {  	s12 =	sadd.s32 @!p0 s0, s25;
	s13 =	simm.s32 @!p0 $0x80  }
0xcc: {  	[tilespmem:s13], [sflag:$0xA] =	stream.linear.gather @!p0 [hbm4b:s12+s28], $0x40, $0x38;
	[tilespmem:$0x1CD00] =	vst v63  }
0xcd: {  	s12 =	simm.s32 @!p0 $0x5  }
0xce: {  	_ =	swait.ge @!p0 [sflag:s12], $0x2000  }
0xcf: {  	[sflag:s12] =	ssyncset.done @!p0 $0x0  }
0xd0: {  	[sflag:s12] =	ssyncadd.s32 @!p0 $0xFFFFE000;
	s12 =	simm.s32 @!p0 $0x9  }
0xd1: {  	_ =	swait.ge @!p0 [sflag:s12], $0x40  }
0xd2: {  	[sflag:s12] =	ssyncset.done @!p0 $0x0  }
0xd3: {  	s30 =	simm.s32 @!p0 $0x400;
	[sflag:s12] =	ssyncadd.s32 @!p0 $0xFFFFFFC0;
	s12 =	simm.s32 @!p0 $0x40  }
0xd4: {  	[tilespmem:s30], [sflag:$0x1] =	stream.indirect.gather @!p0 [hbm4b:s4+s12], $0x80, s28, s12, $0xb8;
	[tilespmem:$0x1CD00] =	vst v63  }
0xd5: {  	s5 =	simm.s32 @!p0 $0x200;
	s30 =	sadd.s32 @!p0 s0, s21  }
0xd6: {  	[tilespmem:s5], [sflag:$0xD] =	stream.linear.gather @!p0 [hbm4b:s30+s28], $0x40, $0x38;
	[tilespmem:$0x1CD00] =	vst v63  }
0xd7: {  	s5 =	simm.s32 @!p0 $0x3  }
0xd8: {  	_ =	swait.ge @!p0 [sflag:s5], $0x2000  }
0xd9: {  	[sflag:s5] =	ssyncset.done @!p0 $0x0  }
0xda: {  	[sflag:s5] =	ssyncadd.s32 @!p0 $0xFFFFE000;
	s5 =	simm.s32 @!p0 $0xF  }
0xdb: {  	_ =	swait.ge @!p0 [sflag:s5], $0x40  }
0xdc: {  	[sflag:s5] =	ssyncset.done @!p0 $0x0  }
0xdd: {  	s30 =	simm.s32 @!p0 $0x4400;
	[sflag:s5] =	ssyncadd.s32 @!p0 $0xFFFFFFC0;
	s5 =	simm.s32 @!p0 $0x300  }
0xde: {  	[spmem:s1] =	stream.indirect.scatter.add.f32 @!p0 [tilespmem:s30], [sflag:$0x7], $0x80, s5, s12, $0xb8;
	[tilespmem:$0x1CD00] =	vst v63  }
0xdf: {  	s5 =	rddreg [dreg:$0x1b]  }
0xe0: {  	s30 =	simm.s32 @!p0 $0x100;
	s5 =	sadd.s32 @!p0 s0, s5  }
0xe1: {  	[tilespmem:s30], [sflag:$0xB] =	stream.linear.gather @!p0 [hbm4b:s5+s28], $0x40, $0x38;
	[tilespmem:$0x1CD00] =	vst v63  }
0xe2: {  	s5 =	simm.s32 @!p0 $0x6  }
0xe3: {  	_ =	swait.ge @!p0 [sflag:s5], $0x2000  }
0xe4: {  	[sflag:s5] =	ssyncset.done @!p0 $0x0  }
0xe5: {  	[sflag:s5] =	ssyncadd.s32 @!p0 $0xFFFFE000;
	s5 =	simm.s32 @!p0 $0xA  }
0xe6: {  	_ =	swait.ge @!p0 [sflag:s5], $0x40  }
0xe7: {  	[sflag:s5] =	ssyncset.done @!p0 $0x0  }
0xe8: {  	[sflag:s5] =	ssyncadd.s32 @!p0 $0xFFFFFFC0;
	s5 =	simm.s32 @!p0 $0x2400  }
0xe9: {  	[tilespmem:s5], [sflag:$0x2] =	stream.indirect.gather @!p0 [hbm4b:s4+s12], $0x80, s13, s12, $0xb8;
	[tilespmem:$0x1CD00] =	vst v63  }
0xea: {  	s5 =	sadd.s32 @!p0 s0, s24;
	s12 =	simm.s32 @!p0 $0x280  }
0xeb: {  	[tilespmem:s12], [sflag:$0xE] =	stream.linear.gather @!p0 [hbm4b:s5+s28], $0x40, $0x38;
	[tilespmem:$0x1CD00] =	vst v63  }
0xec: {  	_ =	swait.ge [sflag:s29], $0x2000  }
0xed: {  	[sflag:s29] =	ssyncset.done $0x0  }
.Ltmp3:
0xee: {  	[sflag:s29] =	ssyncadd.s32 $0xFFFFE000;
	(pc) =	sbr.rel @p0 .LBB2_6-.Ltmp3, $4  }
0xef: {  	_ =	swait.ge [sflag:s9], $0x40  }
0xf0: {  	[sflag:s9] =	ssyncset.done $0x0  }
0xf1: {  	[sflag:s9] =	ssyncadd.s32 $0xFFFFFFC0  }
0xf2: {  	[spmem:s1] =	stream.indirect.scatter.add.f32 [tilespmem:s8], [sflag:$0x8], $0x80, s14, s26, $0xb8;
	[tilespmem:$0x1CD00] =	vst v63  }
0xf3: {  	s5 =	rddreg [dreg:$0x1a]  }
0xf4: {  	s5 =	sadd.s32 s0, s5  }
0xf5: {  	[tilespmem:s16], [sflag:$0xC] =	stream.linear.gather [hbm4b:s5+s3], $0x40, $0x38;
	[tilespmem:$0x1CD00] =	vst v63  }
0xf6: {  	_ =	swait.ge [sflag:s31], $0x2000  }
0xf7: {  	[sflag:s31] =	ssyncset.done $0x0  }
0xf8: {  	[sflag:s31] =	ssyncadd.s32 $0xFFFFE000  }
0xf9: {  	_ =	swait.ge [sflag:s10], $0x40  }
.Ltmp4:
0xfa: {  	s28 =	simm.s32 $0x4400;
	[sflag:s10] =	ssyncset.done $0x0;
	(pc) =	sbr.rel .LBB2_4-.Ltmp4, $4  }
0xfb: {  	s12 =	simm.s32 $0x300;
	s30 =	rddreg [dreg:$0xf];
	[sflag:s10] =	ssyncadd.s32 $0xFFFFFFC0  }
0xfc: {  	[tilespmem:s28], [sflag:$0x3] =	stream.indirect.gather [hbm4b:s4+s26], $0x80, s20, s26, $0xb8;
	[tilespmem:$0x1CD00] =	vst v63  }
0xfd: {  	s17 =	sadd.s32 $0x100, s17;
	s5 =	sadd.s32 s0, s30;
	s0 =	sadd.s32 $0x20, s0  }
0xfe: {  	[tilespmem:s12], [sflag:$0xF] =	stream.linear.gather [hbm4b:s5+s3], $0x40, $0x38;
	[tilespmem:$0x1CD00] =	vst v63  }
.LBB2_7:
0xff: {  	_ =	sfence.sel $0x180000  }
0x100: {  	[bflag:$0x0] =	sbarrier.arrive $0xFFFF  }
0x101: {  	_ =	strace $0x9000004A  }
0x102: {  	s0 =	stileid.u32;
	[bflag:$0x2] =	sbarrier.arrive $0xFFFF  }
0x103: {  	p0 =	sne.s32 s0, $0x0;
	s0 =	rddreg [dreg:$0x2]  }
0x104: {  	s0 =	sadd.s32 @!p0 $0x100000, s0  }
0x105: {  	[sflag:s0] =	ssyncadd.tile.s32 @!p0 $0x1;
	_ =	shalt  }
.Lfunc_end2:
_tile_overlayer_lowered:
.L_overlay_start_2:
0x106: {  	(tag) =	ssettag $0x2  }
0x107: {  	s0 =	rddreg [dreg:$0x0];
	s2 =	stileid.u32  }
0x108: {  	s1 =	rddreg [dreg:$0x1];
	p0 =	sne.s32 s2, $0x0  }
0x109: {  	s3 =	rddreg [dreg:$0x2];
	[bflag:$0x3] =	sbarrier.arrive $0xFFFF;
	s2 =	simm.s32 @!p0 $0x1C12  }
0x10a: {  	[timem:s3], [sflag:s2] =	dma.local @!p0 [hbm:s0], s1  }
0x10b: {  	s0 =	simm.s32 @!p0 $0x12  }
0x10c: {  	_ =	swait.ge @!p0 [sflag:s0], s1  }
0x10d: {  	s1 =	ssub.s32 @!p0 $0x0, s1;
	[sflag:s0] =	ssyncset.done @!p0 $0x0  }
0x10e: {  	[sflag:s0] =	ssyncadd.s32 @!p0 s1  }
0x10f: {  	[bflag:$0x3] =	sbarrier.arrive $0xFFFF  }
0x110: {  	_ =	shalt  }

// kernel: kernel.14.cloned.1.call-start
scs
__scs_entry_jumppad:
0x0: {  	(pc) =	sbr.rel $0x88, $3  }
0x1: {  	(tag) =	ssettag $0x0;
	lr =	simm.s32 $0x1  }
0x2: {  	[smem:$0x3F93] =	sst lr;
	_ =	strace $0xD0000000  }
0x3: {  	_ = 	snop  }
0x4: {  	_ = 	snop  }
0x5: {  	_ = 	snop  }
0x6: {  	_ = 	snop  }
0x7: {  	_ = 	snop  }
__scs_overlays_trampoline_lowered:
0x8: {  	[smem:$0x3FA2] =	sst s0  }
0x9: {  	[smem:$0x3FA3] =	sst s1  }
0xa: {  	[smem:$0x3FA4] =	sst s2  }
0xb: {  	[smem:$0x3FA5] =	sst s3  }
0xc: {  	[smem:$0x3FA6] =	sst s4  }
0xd: {  	[smem:$0x3FA7] =	sst s5  }
0xe: {  	[smem:$0x3FA8] =	sst s6  }
0xf: {  	[smem:$0x3FA9] =	sst s7  }
0x10: {  	[smem:$0x3FAA] =	sst s8  }
0x11: {  	[smem:$0x3FAB] =	sst s9;
	s0 =	simm.s32 @!p0 $0x0  }
0x12: {  	s1 =	sld [smem:$0x3F91];
	s0 =	simm.s32 @p0 $0x1  }
0x13: {  	[smem:$0x3FAC] =	sst s0;
	s0 =	simm.s32 @!p1 $0x0  }
0x14: {  	s2 =	sld [smem:$0x3F90];
	s0 =	simm.s32 @p1 $0x1  }
0x15: {  	[smem:$0x3FAD] =	sst s0;
	s0 =	simm.s32 @!p2 $0x0  }
0x16: {  	s3 =	sld [smem:$0x3FDB];
	s0 =	simm.s32 @p2 $0x1  }
0x17: {  	s4 =	simm.s32 $0x1BF5;
	[smem:$0x3FAF] =	sst s0  }
0x18: {  	s0 =	sld [smem:$0x3F92];
	_ =	swait.ge [sflag:s4], $0x0  }
0x19: {  	s7 =	sld [smem:$0x3F93]  }
0x1a: {  	s8 =	sadd.s32 $0xFFFFE003, lr  }
0x1b: {  	s9 =	sadd.s32 $0xFFFFFEF7, lr;
	s5 =	simm.s32 $0xFFFFFFFF;
	p2 =	slt.u32 s8, $0xFFFFF086  }
0x1c: {  	p1 =	slt.u32 s9, $0xF7A;
	s5 =	simm.s32 @!p2 $0x0  }
0x1d: {  	s5 =	simm.s32 @p1 $0x1;
	p0 =	seq.s32 s7, s2  }
0x1e: {  	s7 =	smul.u32 @!p0 $0xF7A, s2;
	p2 =	seq.s32 @!p0 s5, $0x0  }
0x1f: {  	s9 =	smul.u32 $0xF7A, s1;
	s8 =	simm.s32 @!p0 $0x1BF5;
	p2 =	por !p2, p0  }
0x20: {  	[sflag:s8] =	ssyncset.s32 @!p0 $0xFFFFF086;
	s6 =	sadd.s32 @!p0 s3, s7;
	s7 =	simm.s32 @!p0 $0x108  }
0x21: {  	s3 =	sadd.s32 s3, s9;
	s6 =	sadd.s32 @!p0 $0x88, s6;
	s7 =	simm.s32 @p2 $0x1082  }
0x22: {  	[simem:s7], [sflag:s8] =	dma.local @!p0 [hbm:s6], $0xF7A  }
0x23: {  	s9 =	sor.u32 $0xD0000000, s2;
	s6 =	simm.s32 $0x108;
	_ =	swait.ge @!p0 [sflag:s8], $0x0  }
0x24: {  	s3 =	sadd.s32 $0x88, s3;
	s6 =	simm.s32 @!p1 $0x1082;
	[sflag:s4] =	ssyncset.s32 $0xFFFFF086  }
0x25: {  	[simem:s6], [sflag:s4] =	dma.local [hbm:s3], $0xF7A  }
0x26: {  	[smem:$0x3F93] =	sst s1;
	(tag) =	ssettag s2;
	_ =	strace s9  }
0x27: {  	s1 =	sld [smem:$0x3FA3]  }
0x28: {  	s2 =	sld [smem:$0x3FA4]  }
0x29: {  	s4 =	sld [smem:$0x3FA6]  }
0x2a: {  	p0 =	seq.s32 s5, $0x0;
	s5 =	sld [smem:$0x3FA7]  }
0x2b: {  	s6 =	sld [smem:$0x3FA8]  }
0x2c: {  	s7 =	sld [smem:$0x3FA9]  }
0x2d: {  	s3 =	simm.s32 $0x108;
	s8 =	sld [smem:$0x3FAA]  }
0x2e: {  	s3 =	simm.s32 @!p0 $0x1082;
	s9 =	sld [smem:$0x3FAB]  }
0x2f: {  	lr =	sadd.s32 s0, s3;
	s0 =	sld [smem:$0x3FA2]  }
0x30: {  	s3 =	sld [smem:$0x3FA5]  }
0x31: {  	[smem:$0x3FAE] =	sst s10  }
0x32: {  	s10 =	sld [smem:$0x3FAC];
	_ =	sdelay $0x3  }
0x33: {  	p0 =	seq.s32 s10, $0x1;
	s10 =	sld [smem:$0x3FAE];
	_ =	sdelay $0x3  }
0x34: {  	[smem:$0x3FAE] =	sst s10  }
0x35: {  	s10 =	sld [smem:$0x3FAD];
	_ =	sdelay $0x3  }
0x36: {  	p1 =	seq.s32 s10, $0x1;
	s10 =	sld [smem:$0x3FAE];
	_ =	sdelay $0x3  }
0x37: {  	[smem:$0x3FAE] =	sst s10  }
0x38: {  	s10 =	sld [smem:$0x3FAF]  }
0x39: {  	_ = 	snop;
	(pc) =	sbr.ind lr, $3  }
0x3a: {  	_ = 	snop  }
0x3b: {  	_ = 	snop  }
0x3c: {  	p2 =	seq.s32 s10, $0x1;
	s10 =	sld [smem:$0x3FAE]  }
0x3d: {  	_ =	shalt  }
0x3e: {  	_ =	shalt  }
0x3f: {  	_ =	shalt  }
0x40: {  	_ =	shalt  }
0x41: {  	_ =	shalt  }
0x42: {  	_ =	shalt  }
0x43: {  	_ =	shalt  }
0x44: {  	_ =	shalt  }
0x45: {  	_ =	shalt  }
0x46: {  	_ =	shalt  }
0x47: {  	_ =	shalt  }
0x48: {  	_ =	shalt  }
0x49: {  	_ =	shalt  }
0x4a: {  	_ =	shalt  }
0x4b: {  	_ =	shalt  }
0x4c: {  	_ =	shalt  }
0x4d: {  	_ =	shalt  }
0x4e: {  	_ =	shalt  }
0x4f: {  	_ =	shalt  }
0x50: {  	_ =	shalt  }
0x51: {  	_ =	shalt  }
0x52: {  	_ =	shalt  }
0x53: {  	_ =	shalt  }
0x54: {  	_ =	shalt  }
0x55: {  	_ =	shalt  }
0x56: {  	_ =	shalt  }
0x57: {  	_ =	shalt  }
0x58: {  	_ =	shalt  }
0x59: {  	_ =	shalt  }
0x5a: {  	_ =	shalt  }
0x5b: {  	_ =	shalt  }
0x5c: {  	_ =	shalt  }
0x5d: {  	_ =	shalt  }
0x5e: {  	_ =	shalt  }
0x5f: {  	_ =	shalt  }
0x60: {  	_ =	shalt  }
0x61: {  	_ =	shalt  }
0x62: {  	_ =	shalt  }
0x63: {  	_ =	shalt  }
0x64: {  	_ =	shalt  }
0x65: {  	_ =	shalt  }
0x66: {  	_ =	shalt  }
0x67: {  	_ =	shalt  }
0x68: {  	_ =	shalt  }
0x69: {  	_ =	shalt  }
0x6a: {  	_ =	shalt  }
0x6b: {  	_ =	shalt  }
0x6c: {  	_ =	shalt  }
0x6d: {  	_ =	shalt  }
0x6e: {  	_ =	shalt  }
0x6f: {  	_ =	shalt  }
0x70: {  	_ =	shalt  }
0x71: {  	_ =	shalt  }
0x72: {  	_ =	shalt  }
0x73: {  	_ =	shalt  }
0x74: {  	_ =	shalt  }
0x75: {  	_ =	shalt  }
0x76: {  	_ =	shalt  }
0x77: {  	_ =	shalt  }
0x78: {  	_ =	shalt  }
0x79: {  	_ =	shalt  }
0x7a: {  	_ =	shalt  }
0x7b: {  	_ =	shalt  }
0x7c: {  	_ =	shalt  }
0x7d: {  	_ =	shalt  }
0x7e: {  	_ =	shalt  }
0x7f: {  	_ =	shalt  }
0x80: {  	_ =	shalt  }
0x81: {  	_ =	shalt  }
0x82: {  	_ =	shalt  }
0x83: {  	_ =	shalt  }
0x84: {  	_ =	shalt  }
0x85: {  	_ =	shalt  }
0x86: {  	_ =	shalt  }
0x87: {  	_ =	shalt  }
.Lfunc_end0:
.L_simem_size_0:
called_computation.2_lowered:
.L_overlay_start_0:
0x88: {  	s2 =	sld [smem:$0x3FD9]  }
0x89: {  	s3 =	sld [smem:$0x3FFE];
	_ =	sdelay $0x1  }
0x8a: {  	s1 =	srdreg.scid  }
0x8b: {  	s0 =	sand.u32 $0x1, s1  }
0x8c: {  	s16 =	sshll.u32 s0, $0xA;
	s2 =	sadd.s32 s3, s2  }
0x8d: {  	s2 =	sadd.s32 s2, s16  }
0x8e: {  	[smem:$0x3FBA] =	sst s2  }
0x8f: {  	_ = 	snop  }
0x90: {  	(tm) =	ssettm $0x1  }
0x91: {  	s17 =	sld [smem:$0x3FFB];
	_ =	sdelay $0x3  }
0x92: {  	_ =	strace s17  }
0x93: {  	s2 =	sld [smem:$0x3FFC];
	_ =	sdelay $0x3  }
0x94: {  	_ =	strace s2  }
0x95: {  	s2 =	sld [smem:$0x3FFD];
	_ =	sdelay $0x3  }
0x96: {  	_ =	strace s2  }
0x97: {  	_ =	strace $0x8FFFFFFF  }
0x98: {  	s18 =	sld [smem:$0x3FDB];
	_ =	sdelay $0x1  }
0x99: {  	s19 =	simm.s32 $_scs_section_size  }
0x9a: {  	s4 =	simm.s32 $_size__tile_overlayer_lowered;
	s5 =	simm.s32 $_tile_overlayer_lowered  }
0x9b: {  	s22 =	simm.s32 $0x1BFF;
	s21 =	sshll.u32 s5, $0x1;
	s2 =	sadd.s32 s19, s18  }
0x9c: {  	s6 =	simm.s32 $0x0;
	s20 =	sshll.u32 s4, $0x1;
	s4 =	sadd.s32 s21, s2  }
0x9d: {  	[timem:s6], [sflag:s22] =	dma.local [hbm:s4], s20  }
0x9e: {  	_ =	swait.ge [sflag:s22], s20  }
0x9f: {  	s3 =	ssub.s32 $0x0, s20;
	[sflag:s22] =	ssyncset.done $0x0  }
0xa0: {  	[sflag:s22] =	ssyncadd.s32 s3;
	_ =	sdelay $0x1  }
0xa1: {  	s23 =	simm.s32 $0x1B8B  }
0xa2: {  	_ =	swait.ge [sflag:s23], $0x1  }
0xa3: {  	[sflag:s23] =	ssyncset.done $0x0  }
0xa4: {  	s25 =	simm.s32 $0x1B8E;
	s24 =	sld [smem:$0x3FFE];
	[sflag:s23] =	ssyncadd.s32 $0xFFFFFFFF  }
0xa5: {  	s26 =	simm.s32 $execute0_lowered;
	[smem:$0x3FD2] =	sst s25  }
0xa6: {  	s4 =	sshll.u32 s26, $0x1;
	_ =	strace $0x8000004C;
	[dreg:$0x1] =	wrdreg $0xFFFFFFFF  }
0xa7: {  	s28 =	simm.s32 $_size_execute0_lowered;
	s2 =	sadd.s32 s2, s4;
	[dreg:$0x0] =	wrdreg $0x0  }
0xa8: {  	s4 =	sshll.u32 s28, $0x1;
	[dreg:$0x2] =	wrdreg s2  }
0xa9: {  	[dreg:$0x3] =	wrdreg s4  }
0xaa: {  	[dreg:$0x4] =	wrdreg $0xC0  }
0xab: {  	_ =	task [dreg:s6], $0x5FFFF  }
0xac: {  	[dreg:$0x1] =	wrdreg $0xFFFFFFFF  }
0xad: {  	[dreg:$0x0] =	wrdreg $0x60  }
0xae: {  	[dreg:$0x2] =	wrdreg s24  }
0xaf: {  	[dreg:$0x3] =	wrdreg $0x8D000  }
0xb0: {  	[dreg:$0x4] =	wrdreg $0x9  }
0xb1: {  	_ =	task.clear_ibuf [dreg:s6], $0x5FFFF;
	_ =	strace $0x9000004C  }
0xb2: {  	s29 =	simm.s32 $0x9;
	_ =	strace $0x8000004E  }
0xb3: {  	_ =	swait.ge [sflag:s29], $0x1  }
0xb4: {  	[sflag:s29] =	ssyncadd.s32 $0xFFFFFFFF  }
0xb5: {  	_ =	strace $0x9000004E  }
0xb6: {  	_ =	sfence  }
0xb7: {  	s30 =	sld [smem:$0x0];
	_ =	sdelay $0x2  }
0xb8: {  	s31 =	sshll.u32 s1, $0xD;
	s1 =	sshrl.u32 s1, $0x2  }
0xb9: {  	s3 =	sand.u32 $0x4000, s31;
	s1 =	sadd.s32 s1, s30  }
0xba: {  	s0 =	sor.u32 s3, s0;
	s1 =	sshll.u32 s1, $0x11  }
0xbb: {  	s0 =	sor.u32 s1, s0  }
0xbc: {  	s0 =	sadd.s32 $0x8F2B, s0  }
0xbd: {  	[sflag:s0] =	ssyncadd.remote.s32 $0x1  }
0xbe: {  	_ =	sfence.sel $0xFFFF  }
0xbf: {  	[dreg:$0x0] =	wrdreg $0xFFFFFFFF;
	(pc) =	sbr.abs _section_cstart, $3  }
0xc0: {  	[dreg:$0x1] =	wrdreg $0xFFFFFFFF  }
0xc1: {  	_ =	task.clear_ibuf [dreg:s6], $0x2FFFF;
	_ =	strace $0x9FFFFFFF  }
0xc2: {  	(tm) =	ssettm $0x7FFFFFFF  }
0xc3: {  	_ =	shalt  }
tec
execute0_lowered:
.L_overlay_start_1:
0x0: {  	(tag) =	ssettag $0x1  }
0x1: {  	s0 =	rddreg [dreg:$0x0]  }
0x2: {  	s1 =	rddreg [dreg:$0x1]  }
0x3: {  	s2 =	srdreg.scid;
	s3 =	simm.s32 $0x0;
	s11 =	stileid.u32  }
0x4: {  	s28 =	simm.s32 $0x8400;
	s30 =	simm.s32 $0x8480;
	s6 =	smul.u32 $0x14000, s11  }
0x5: {  	s29 =	simm.s32 $0x4;
	s2 =	sand.u32 $0x1, s2;
	s10 =	smul.u32 $0x50000, s11  }
0x6: {  	s31 =	simm.s32 $0x7;
	[smem:$0x7FF] =	sst s3;
	s5 =	smul.u32 $0x140000, s2  }
0x7: {  	s4 =	sshll.u32 s2, $0x4;
	_ =	strace $0x8000004D;
	s8 =	ssub.s32 $0x2, s2  }
0x8: {  	s2 =	smul.u32 $0x27100, s2;
	s7 =	sor.u32 s11, s4;
	s4 =	sadd.s32 $0x17200, s0  }
0x9: {  	s9 =	sshrl.u32 s8, $0x1;
	s26 =	sshrl.u32 s10, $0x2;
	s11 =	smul.u32 $0x2710, s11  }
0xa: {  	s6 =	sadd.s32 s6, s5;
	s7 =	smul.u32 $0x2710, s7;
	s12 =	sadd.s32 s26, s1  }
0xb: {  	s5 =	sadd.s32 $0x3800, s0;
	s13 =	sadd.s32 $0x2000, s12;
	[dreg:$0x6] =	wrdreg s12  }
0xc: {  	s25 =	ssub.s32 s8, s9;
	s14 =	sadd.s32 $0x4000, s12;
	[dreg:$0x7] =	wrdreg s13  }
0xd: {  	s6 =	sshrl.u32 s6, $0x3;
	s15 =	sadd.s32 $0x6000, s12;
	[dreg:$0x8] =	wrdreg s14  }
0xe: {  	s16 =	sadd.s32 $0x8000, s12;
	s17 =	sadd.s32 $0xA000, s12;
	[dreg:$0x9] =	wrdreg s15  }
0xf: {  	s2 =	sadd.s32 s11, s2;
	s18 =	sadd.s32 $0xC000, s12;
	[dreg:$0xa] =	wrdreg s16  }
0x10: {  	s7 =	sshrl.u32 s7, $0x3;
	s0 =	sadd.s32 s6, s0;
	[dreg:$0xb] =	wrdreg s17  }
0x11: {  	[dreg:$0xc] =	wrdreg s18;
	s19 =	sadd.s32 $0x4E380, s2;
	s6 =	smax.u32 s25, $0x1  }
0x12: {  	s20 =	sadd.s32 $0x1C0, s2;
	s22 =	sadd.s32 $0x180, s2;
	s24 =	sadd.s32 $0x4E300, s2  }
0x13: {  	s26 =	sadd.s32 $0x4E2C0, s2;
	s18 =	smov.u32 s5;
	s13 =	sadd.s32 $0xE000, s12  }
0x14: {  	s14 =	sadd.s32 $0x10000, s12;
	s15 =	sadd.s32 $0x12000, s12;
	[dreg:$0xe] =	wrdreg s6  }
0x15: {  	s8 =	sadd.s32 s5, s7;
	s0 =	sadd.s32 $0x3F200, s0;
	[dreg:$0x11] =	wrdreg s13  }
0x16: {  	s21 =	sshrl.u32 s20, $0x3;
	s23 =	sshrl.u32 s22, $0x3;
	[dreg:$0x12] =	wrdreg s14  }
0x17: {  	s25 =	sshrl.u32 s24, $0x3;
	s6 =	sshrl.u32 s26, $0x3;
	[dreg:$0x13] =	wrdreg s15  }
0x18: {  	s14 =	simm.s32 $0x380;
	s15 =	simm.s32 $0x8;
	[dreg:$0xd] =	wrdreg s0  }
0x19: {  	s7 =	sadd.s32 $0x4E0, s8;
	s10 =	sadd.s32 $0xA120, s8;
	[dreg:$0x3] =	wrdreg s8  }
0x1a: {  	s0 =	sshrl.u32 s19, $0x3;
	s22 =	sadd.s32 s6, s5;
	[dreg:$0x4] =	wrdreg s7  }
0x1b: {  	s16 =	sadd.s32 $0x8, s8;
	s17 =	sadd.s32 $0x10, s8;
	[dreg:$0x5] =	wrdreg s10  }
0x1c: {  	s19 =	sadd.s32 $0x18, s8;
	s20 =	sadd.s32 $0x9C40, s8;
	[dreg:$0x14] =	wrdreg s16  }
0x1d: {  	s26 =	sadd.s32 $0x9C50, s8;
	s6 =	simm.s32 $0x2;
	[dreg:$0x15] =	wrdreg s17  }
0x1e: {  	s0 =	sadd.s32 s0, s5;
	s7 =	sadd.s32 $0x4E340, s2;
	[dreg:$0x16] =	wrdreg s19  }
0x1f: {  	s10 =	sadd.s32 $0x140, s2;
	s2 =	sadd.s32 $0x100, s2;
	[dreg:$0x17] =	wrdreg s20  }
0x20: {  	[dreg:$0x19] =	wrdreg s26;
	s19 =	simm.s32 $0x12;
	s16 =	simm.s32 $0x180  }
0x21: {  	s26 =	simm.s32 $0x40;
	s20 =	simm.s32 $0x100;
	[dreg:$0xf] =	wrdreg s0  }
0x22: {  	s0 =	sadd.s32 s21, s5;
	s21 =	sadd.s32 s25, s5;
	s9 =	sshrl.u32 s7, $0x3  }
0x23: {  	[dreg:$0x10] =	wrdreg s2;
	s11 =	sshrl.u32 s10, $0x3;
	s10 =	simm.s32 $0xB  }
.Ltmp0:
0x24: {  	s2 =	simm.s32 $0xD;
	s7 =	simm.s32 $0xC;
	(pc) =	sbr.rel .LBB2_1-.Ltmp0, $4  }
0x25: {  	[dreg:$0x1a] =	wrdreg s0;
	s0 =	sadd.s32 s23, s5;
	s24 =	sadd.s32 s9, s5  }
0x26: {  	s25 =	sadd.s32 s11, s5;
	s23 =	sadd.s32 $0x9C48, s8;
	s11 =	simm.s32 $0x1  }
0x27: {  	s8 =	simm.s32 $0x6400;
	s9 =	simm.s32 $0x10;
	[dreg:$0x1b] =	wrdreg s0  }
0x28: {  	v0 =	vimm.f32 $0.0e+00;
	s5 =	simm.s32 $0x0;
	[dreg:$0x18] =	wrdreg s23;
	s23 =	simm.s32 $0xE  }
.LBB2_6:
0x29: {  	s0 =	simm.s32 $0x5  }
0x2a: {  	_ =	swait.ge [sflag:s0], $0x2000  }
0x2b: {  	[sflag:s0] =	ssyncset.done $0x0  }
0x2c: {  	s5 =	simm.s32 $0x6;
	[sflag:s0] =	ssyncadd.s32 $0xFFFFE000  }
0x2d: {  	_ =	swait.ge [sflag:s5], $0x2000  }
0x2e: {  	[sflag:s5] =	ssyncset.done $0x0  }
0x2f: {  	[sflag:s5] =	ssyncadd.s32 $0xFFFFE000  }
0x30: {  	_ =	swait.ge [sflag:s31], $0x2000  }
0x31: {  	[sflag:s31] =	ssyncset.done $0x0  }
0x32: {  	[sflag:s31] =	ssyncadd.s32 $0xFFFFE000  }
0x33: {  	_ =	swait.ge [sflag:s15], $0x2000  }
0x34: {  	[sflag:s15] =	ssyncset.done $0x0  }
0x35: {  	s12 =	simm.s32 $0x11;
	[sflag:s15] =	ssyncadd.s32 $0xFFFFE000  }
0x36: {  	_ =	swait.ge [sflag:s12], $0x10  }
0x37: {  	[sflag:s12] =	ssyncset.done $0x0  }
0x38: {  	[sflag:s12] =	ssyncadd.s32 $0xFFFFFFF0  }
0x39: {  	_ =	swait.ge [sflag:s12], $0x10  }
0x3a: {  	[sflag:s12] =	ssyncset.done $0x0  }
0x3b: {  	s28 =	simm.s32 $0x8400;
	s5 =	simm.s32 $0x8500;
	[sflag:s12] =	ssyncadd.s32 $0xFFFFFFF0  }
0x3c: {  	[tilespmem:s5], [sflag:$0x11] =	stream.indirect.gather [hbm4b:s4+s9], $0x80, s28, s9, $0xb8;
	[tilespmem:$0x1CD00] =	vst v63  }
0x3d: {  	_ =	swait.ge [sflag:s12], $0x800  }
0x3e: {  	[sflag:s12] =	ssyncset.done $0x0  }
0x3f: {  	s30 =	simm.s32 $0x8480;
	s19 =	simm.s32 $0x12;
	[sflag:s12] =	ssyncadd.s32 $0xFFFFF800  }
0x40: {  	[spmem:s1] =	stream.indirect.scatter.add.f32 [tilespmem:s5], [sflag:$0x12], $0x80, s30, s9, $0xb8;
	[tilespmem:$0x1CD00] =	vst v63  }
0x41: {  	_ =	swait.ge [sflag:s19], $0x800  }
0x42: {  	[sflag:s19] =	ssyncset.done $0x0  }
0x43: {  	[sflag:s19] =	ssyncadd.s32 $0xFFFFF800  }
0x44: {  	s13 =	stileid.u32;
	[bflag:$0x0] =	sbarrier.arrive $0xFFFF  }
0x45: {  	s0 =	sshll.u32 s13, $0x6;
	s12 =	rddreg [dreg:$0x6]  }
0x46: {  	s0 =	sor.u32 $0x1C12, s0;
	s13 =	rddreg [dreg:$0xd];
	s17 =	sshrl.u32 s12, $0x3  }
0x47: {  	[hbm:s13], [sflag:s0] =	dma.local [spmem:s17], $0x2800  }
0x48: {  	_ =	swait.ge [sflag:s19], $0x2800  }
0x49: {  	s13 =	rddreg [dreg:$0x1c]  }
0x4a: {  	s17 =	rddreg [dreg:$0xe];
	s5 =	sadd.s32 $0x1, s13  }
0x4b: {  	p0 =	sne.s32 s5, s17  }
.Ltmp1:
0x4c: {  	_ = 	snop;
	(pc) =	sbr.rel @!p0 .LBB2_7-.Ltmp1, $3  }
0x4d: {  	_ =	sdelay $0x1  }
0x4e: {  	[sflag:s19] =	ssyncset.done $0x0  }
0x4f: {  	[sflag:s19] =	ssyncadd.s32 $0xFFFFD800  }
.LBB2_1:
0x50: {  	[dreg:$0x1c] =	wrdreg s5;
	s0 =	simm.s32 $0x0;
	s17 =	simm.s32 $0x200  }
.LBB2_2:
0x51: {  	p0 =	sne.s32 s17, $0x7E00;
	[tilespmem:s0+$0x470] =	vst v0  }
0x52: {  	[tilespmem:s0+$0x400] =	vst v0  }
0x53: {  	[tilespmem:s0+$0x410] =	vst v0  }
.Ltmp2:
0x54: {  	[tilespmem:s0+$0x420] =	vst v0;
	(pc) =	sbr.rel @p0 .LBB2_2-.Ltmp2, $4  }
0x55: {  	[tilespmem:s0+$0x430] =	vst v0  }
0x56: {  	[tilespmem:s0+$0x440] =	vst v0  }
0x57: {  	[tilespmem:s0+$0x450] =	vst v0  }
0x58: {  	[tilespmem:s0+$0x460] =	vst v0;
	s0 =	sshra.s32 s17, $0x2;
	s17 =	sadd.s32 $0x200, s17  }
0x59: {  	[tilespmem:s0+$0x470] =	vst v0  }
0x5a: {  	[tilespmem:s0+$0x400] =	vst v0  }
0x5b: {  	[tilespmem:s0+$0x410] =	vst v0  }
0x5c: {  	[tilespmem:s0+$0x420] =	vst v0  }
0x5d: {  	[tilespmem:s0+$0x430] =	vst v0  }
0x5e: {  	[tilespmem:s0+$0x440] =	vst v0  }
0x5f: {  	[tilespmem:s0+$0x450] =	vst v0  }
0x60: {  	[tilespmem:s0+$0x460] =	vst v0;
	s0 =	simm.s32 $0x0;
	s5 =	rddreg [dreg:$0x4]  }
0x61: {  	[tilespmem:s28], [sflag:$0x11] =	stream.linear.gather [hbm4b:s5+s0], $0x10, $0x38;
	[tilespmem:$0x1CD00] =	vst v63  }
0x62: {  	s13 =	rddreg [dreg:$0x5]  }
0x63: {  	[tilespmem:s30], [sflag:$0x11] =	stream.linear.gather [hbm4b:s13+s0], $0x10, $0x38;
	[tilespmem:$0x1CD00] =	vst v63  }
0x64: {  	s13 =	simm.s32 $0x400  }
0x65: {  	[spmem:s12] =	stream.linear.scatter [tilespmem:s13], [sflag:$0x12], $0x2000, $0x38;
	[tilespmem:$0x1CD00] =	vst v63  }
0x66: {  	_ =	swait.ge [sflag:s19], $0x2000  }
0x67: {  	[sflag:s19] =	ssyncset.done $0x0  }
0x68: {  	s17 =	rddreg [dreg:$0x7];
	[sflag:s19] =	ssyncadd.s32 $0xFFFFE000  }
0x69: {  	[spmem:s17] =	stream.linear.scatter [tilespmem:s13], [sflag:$0x12], $0x2000, $0x38;
	[tilespmem:$0x1CD00] =	vst v63  }
0x6a: {  	_ =	swait.ge [sflag:s19], $0x2000  }
0x6b: {  	[sflag:s19] =	ssyncset.done $0x0  }
0x6c: {  	s28 =	rddreg [dreg:$0x8];
	[sflag:s19] =	ssyncadd.s32 $0xFFFFE000  }
0x6d: {  	[spmem:s28] =	stream.linear.scatter [tilespmem:s13], [sflag:$0x12], $0x2000, $0x38;
	[tilespmem:$0x1CD00] =	vst v63  }
0x6e: {  	_ =	swait.ge [sflag:s19], $0x2000  }
0x6f: {  	[sflag:s19] =	ssyncset.done $0x0  }
0x70: {  	s30 =	rddreg [dreg:$0x9];
	[sflag:s19] =	ssyncadd.s32 $0xFFFFE000  }
0x71: {  	[spmem:s30] =	stream.linear.scatter [tilespmem:s13], [sflag:$0x12], $0x2000, $0x38;
	[tilespmem:$0x1CD00] =	vst v63  }
0x72: {  	_ =	swait.ge [sflag:s19], $0x2000  }
0x73: {  	[sflag:s19] =	ssyncset.done $0x0  }
0x74: {  	s12 =	rddreg [dreg:$0xa];
	[sflag:s19] =	ssyncadd.s32 $0xFFFFE000  }
0x75: {  	[spmem:s12] =	stream.linear.scatter [tilespmem:s13], [sflag:$0x12], $0x2000, $0x38;
	[tilespmem:$0x1CD00] =	vst v63  }
0x76: {  	_ =	swait.ge [sflag:s19], $0x2000  }
0x77: {  	[sflag:s19] =	ssyncset.done $0x0  }
0x78: {  	s17 =	rddreg [dreg:$0xb];
	[sflag:s19] =	ssyncadd.s32 $0xFFFFE000  }
0x79: {  	[spmem:s17] =	stream.linear.scatter [tilespmem:s13], [sflag:$0x12], $0x2000, $0x38;
	[tilespmem:$0x1CD00] =	vst v63  }
0x7a: {  	_ =	swait.ge [sflag:s19], $0x2000  }
0x7b: {  	[sflag:s19] =	ssyncset.done $0x0  }
0x7c: {  	s28 =	rddreg [dreg:$0xc];
	[sflag:s19] =	ssyncadd.s32 $0xFFFFE000  }
0x7d: {  	[spmem:s28] =	stream.linear.scatter [tilespmem:s13], [sflag:$0x12], $0x2000, $0x38;
	[tilespmem:$0x1CD00] =	vst v63  }
0x7e: {  	_ =	swait.ge [sflag:s19], $0x2000  }
0x7f: {  	[sflag:s19] =	ssyncset.done $0x0  }
0x80: {  	s30 =	rddreg [dreg:$0x11];
	[sflag:s19] =	ssyncadd.s32 $0xFFFFE000  }
0x81: {  	[spmem:s30] =	stream.linear.scatter [tilespmem:s13], [sflag:$0x12], $0x2000, $0x38;
	[tilespmem:$0x1CD00] =	vst v63  }
0x82: {  	_ =	swait.ge [sflag:s19], $0x2000  }
0x83: {  	[sflag:s19] =	ssyncset.done $0x0  }
0x84: {  	s12 =	rddreg [dreg:$0x12];
	[sflag:s19] =	ssyncadd.s32 $0xFFFFE000  }
0x85: {  	[spmem:s12] =	stream.linear.scatter [tilespmem:s13], [sflag:$0x12], $0x2000, $0x38;
	[tilespmem:$0x1CD00] =	vst v63  }
0x86: {  	_ =	swait.ge [sflag:s19], $0x2000  }
0x87: {  	[sflag:s19] =	ssyncset.done $0x0  }
0x88: {  	s17 =	rddreg [dreg:$0x13];
	[sflag:s19] =	ssyncadd.s32 $0xFFFFE000  }
0x89: {  	[spmem:s17] =	stream.linear.scatter [tilespmem:s13], [sflag:$0x12], $0x2000, $0x38;
	[tilespmem:$0x1CD00] =	vst v63  }
0x8a: {  	_ =	swait.ge [sflag:s19], $0x2000  }
0x8b: {  	[sflag:s19] =	ssyncset.done $0x0  }
0x8c: {  	[sflag:s19] =	ssyncadd.s32 $0xFFFFE000  }
0x8d: {  	[bflag:$0x0] =	sbarrier.arrive $0xFFFF  }
0x8e: {  	s19 =	rddreg [dreg:$0x3]  }
0x8f: {  	[tilespmem:s0], [sflag:$0x9] =	stream.linear.gather [hbm4b:s19+s0], $0x40, $0x38;
	[tilespmem:$0x1CD00] =	vst v63  }
0x90: {  	s12 =	simm.s32 $0x80;
	s28 =	rddreg [dreg:$0x14]  }
0x91: {  	[tilespmem:s12], [sflag:$0xA] =	stream.linear.gather [hbm4b:s28+s0], $0x40, $0x38;
	[tilespmem:$0x1CD00] =	vst v63  }
0x92: {  	s17 =	simm.s32 $0x100;
	s30 =	rddreg [dreg:$0x15]  }
0x93: {  	[tilespmem:s17], [sflag:$0xB] =	stream.linear.gather [hbm4b:s30+s0], $0x40, $0x38;
	[tilespmem:$0x1CD00] =	vst v63  }
0x94: {  	s19 =	rddreg [dreg:$0x16]  }
0x95: {  	[tilespmem:s16], [sflag:$0xC] =	stream.linear.gather [hbm4b:s19+s0], $0x40, $0x38;
	[tilespmem:$0x1CD00] =	vst v63  }
0x96: {  	s28 =	rddreg [dreg:$0x17];
	s30 =	simm.s32 $0x200;
	s19 =	simm.s32 $0x9  }
0x97: {  	[tilespmem:s30], [sflag:$0xD] =	stream.linear.gather [hbm4b:s28+s0], $0x40, $0x38;
	[tilespmem:$0x1CD00] =	vst v63  }
0x98: {  	_ =	swait.ge [sflag:s19], $0x40  }
0x99: {  	[sflag:s19] =	ssyncset.done $0x0  }
0x9a: {  	[sflag:s19] =	ssyncadd.s32 $0xFFFFFFC0  }
0x9b: {  	[tilespmem:s13], [sflag:$0x1] =	stream.indirect.gather [hbm4b:s4+s26], $0x80, s0, s26, $0xb8;
	[tilespmem:$0x1CD00] =	vst v63  }
0x9c: {  	s30 =	simm.s32 $0x280;
	s28 =	rddreg [dreg:$0x18]  }
0x9d: {  	[tilespmem:s30], [sflag:$0xE] =	stream.linear.gather [hbm4b:s28+s0], $0x40, $0x38;
	[tilespmem:$0x1CD00] =	vst v63  }
0x9e: {  	s28 =	simm.s32 $0xA  }
0x9f: {  	_ =	swait.ge [sflag:s28], $0x40  }
0xa0: {  	[sflag:s28] =	ssyncset.done $0x0  }
0xa1: {  	s30 =	simm.s32 $0x2400;
	[sflag:s28] =	ssyncadd.s32 $0xFFFFFFC0  }
0xa2: {  	[tilespmem:s30], [sflag:$0x2] =	stream.indirect.gather [hbm4b:s4+s26], $0x80, s12, s26, $0xb8;
	[tilespmem:$0x1CD00] =	vst v63  }
0xa3: {  	s13 =	rddreg [dreg:$0x19];
	s28 =	simm.s32 $0x300  }
0xa4: {  	[tilespmem:s28], [sflag:$0xF] =	stream.linear.gather [hbm4b:s13+s0], $0x40, $0x38;
	[tilespmem:$0x1CD00] =	vst v63  }
0xa5: {  	_ =	swait.ge [sflag:s10], $0x40  }
0xa6: {  	[sflag:s10] =	ssyncset.done $0x0  }
0xa7: {  	s30 =	simm.s32 $0x4400;
	[sflag:s10] =	ssyncadd.s32 $0xFFFFFFC0  }
0xa8: {  	[tilespmem:s30], [sflag:$0x3] =	stream.indirect.gather [hbm4b:s4+s26], $0x80, s17, s26, $0xb8;
	[tilespmem:$0x1CD00] =	vst v63  }
0xa9: {  	s19 =	simm.s32 $0x400;
	s17 =	rddreg [dreg:$0x10]  }
.LBB2_4:
0xaa: {  	_ =	swait.ge [sflag:s11], $0x2000  }
0xab: {  	[sflag:s11] =	ssyncset.done $0x0  }
0xac: {  	[sflag:s11] =	ssyncadd.s32 $0xFFFFE000  }
0xad: {  	_ =	swait.ge [sflag:s2], $0x40  }
0xae: {  	s5 =	simm.s32 $0x200;
	p0 =	seq.s32 s0, $0x4C0;
	[sflag:s2] =	ssyncset.done $0x0  }
0xaf: {  	s28 =	sshrl.u32 @!p0 s17, $0x3;
	p1 =	seq.s32 @!p0 s0, $0x0;
	[sflag:s2] =	ssyncadd.s32 $0xFFFFFFC0  }
0xb0: {  	[spmem:s1] =	stream.indirect.scatter.add.f32 [tilespmem:s19], [sflag:$0x5], $0x80, s5, s26, $0xb8;
	[tilespmem:$0x1CD00] =	vst v63  }
0xb1: {  	s30 =	sadd.s32 @!p0 s18, s28;
	s28 =	simm.s32 @!p0 $0x0;
	p1 =	por p0, !p1  }
0xb2: {  	[tilespmem:s28], [sflag:$0x9] =	stream.linear.gather @!p0 [hbm4b:s30+s28], $0x40, $0x38;
	[tilespmem:$0x1CD00] =	vst v63  }
0xb3: {  	_ =	swait.ge @p1 [sflag:s15], $0x2000  }
0xb4: {  	[sflag:s15] =	ssyncset.done @p1 $0x0  }
0xb5: {  	[sflag:s15] =	ssyncadd.s32 @p1 $0xFFFFE000  }
0xb6: {  	_ =	swait.ge [sflag:s7], $0x40  }
0xb7: {  	[sflag:s7] =	ssyncset.done $0x0  }
0xb8: {  	[sflag:s7] =	ssyncadd.s32 $0xFFFFFFC0  }
0xb9: {  	[tilespmem:s8], [sflag:$0x4] =	stream.indirect.gather [hbm4b:s4+s26], $0x80, s16, s26, $0xb8;
	[tilespmem:$0x1CD00] =	vst v63  }
0xba: {  	s13 =	sadd.s32 s0, s22  }
0xbb: {  	[tilespmem:s14], [sflag:$0x10] =	stream.linear.gather [hbm4b:s13+s3], $0x40, $0x38;
	[tilespmem:$0x1CD00] =	vst v63  }
0xbc: {  	_ =	swait.ge [sflag:s6], $0x2000  }
0xbd: {  	[sflag:s6] =	ssyncset.done $0x0  }
0xbe: {  	[sflag:s6] =	ssyncadd.s32 $0xFFFFE000  }
0xbf: {  	_ =	swait.ge [sflag:s23], $0x40  }
0xc0: {  	[sflag:s23] =	ssyncset.done $0x0  }
0xc1: {  	s12 =	simm.s32 $0x2400;
	s30 =	simm.s32 $0x280;
	[sflag:s23] =	ssyncadd.s32 $0xFFFFFFC0  }
0xc2: {  	[spmem:s1] =	stream.indirect.scatter.add.f32 [tilespmem:s12], [sflag:$0x6], $0x80, s30, s26, $0xb8;
	[tilespmem:$0x1CD00] =	vst v63  }
0xc3: {  	s30 =	simm.s32 @p0 $0x3  }
0xc4: {  	_ =	swait.ge @p0 [sflag:s30], $0x2000  }
0xc5: {  	[sflag:s30] =	ssyncset.done @p0 $0x0  }
0xc6: {  	[sflag:s30] =	ssyncadd.s32 @p0 $0xFFFFE000;
	s30 =	simm.s32 @p0 $0xF  }
0xc7: {  	_ =	swait.ge @p0 [sflag:s30], $0x40  }
0xc8: {  	s13 =	simm.s32 @p0 $0x300;
	[sflag:s30] =	ssyncset.done @p0 $0x0  }
0xc9: {  	s12 =	simm.s32 @p0 $0x4400;
	[sflag:s30] =	ssyncadd.s32 @p0 $0xFFFFFFC0;
	s30 =	simm.s32 @p0 $0x40  }
0xca: {  	[spmem:s1] =	stream.indirect.scatter.add.f32 @p0 [tilespmem:s12], [sflag:$0x7], $0x80, s13, s30, $0xb8;
	[tilespmem:$0x1CD00] =	vst v63  }
0xcb: {  	s12 =	sadd.s32 @!p0 s0, s25;
	s13 =	simm.s32 @!p0 $0x80  }
0xcc: {  	[tilespmem:s13], [sflag:$0xA] =	stream.linear.gather @!p0 [hbm4b:s12+s28], $0x40, $0x38;
	[tilespmem:$0x1CD00] =	vst v63  }
0xcd: {  	s12 =	simm.s32 @!p0 $0x5  }
0xce: {  	_ =	swait.ge @!p0 [sflag:s12], $0x2000  }
0xcf: {  	[sflag:s12] =	ssyncset.done @!p0 $0x0  }
0xd0: {  	[sflag:s12] =	ssyncadd.s32 @!p0 $0xFFFFE000;
	s12 =	simm.s32 @!p0 $0x9  }
0xd1: {  	_ =	swait.ge @!p0 [sflag:s12], $0x40  }
0xd2: {  	[sflag:s12] =	ssyncset.done @!p0 $0x0  }
0xd3: {  	s30 =	simm.s32 @!p0 $0x400;
	[sflag:s12] =	ssyncadd.s32 @!p0 $0xFFFFFFC0;
	s12 =	simm.s32 @!p0 $0x40  }
0xd4: {  	[tilespmem:s30], [sflag:$0x1] =	stream.indirect.gather @!p0 [hbm4b:s4+s12], $0x80, s28, s12, $0xb8;
	[tilespmem:$0x1CD00] =	vst v63  }
0xd5: {  	s5 =	simm.s32 @!p0 $0x200;
	s30 =	sadd.s32 @!p0 s0, s21  }
0xd6: {  	[tilespmem:s5], [sflag:$0xD] =	stream.linear.gather @!p0 [hbm4b:s30+s28], $0x40, $0x38;
	[tilespmem:$0x1CD00] =	vst v63  }
0xd7: {  	s5 =	simm.s32 @!p0 $0x3  }
0xd8: {  	_ =	swait.ge @!p0 [sflag:s5], $0x2000  }
0xd9: {  	[sflag:s5] =	ssyncset.done @!p0 $0x0  }
0xda: {  	[sflag:s5] =	ssyncadd.s32 @!p0 $0xFFFFE000;
	s5 =	simm.s32 @!p0 $0xF  }
0xdb: {  	_ =	swait.ge @!p0 [sflag:s5], $0x40  }
0xdc: {  	[sflag:s5] =	ssyncset.done @!p0 $0x0  }
0xdd: {  	s30 =	simm.s32 @!p0 $0x4400;
	[sflag:s5] =	ssyncadd.s32 @!p0 $0xFFFFFFC0;
	s5 =	simm.s32 @!p0 $0x300  }
0xde: {  	[spmem:s1] =	stream.indirect.scatter.add.f32 @!p0 [tilespmem:s30], [sflag:$0x7], $0x80, s5, s12, $0xb8;
	[tilespmem:$0x1CD00] =	vst v63  }
0xdf: {  	s5 =	rddreg [dreg:$0x1b]  }
0xe0: {  	s30 =	simm.s32 @!p0 $0x100;
	s5 =	sadd.s32 @!p0 s0, s5  }
0xe1: {  	[tilespmem:s30], [sflag:$0xB] =	stream.linear.gather @!p0 [hbm4b:s5+s28], $0x40, $0x38;
	[tilespmem:$0x1CD00] =	vst v63  }
0xe2: {  	s5 =	simm.s32 @!p0 $0x6  }
0xe3: {  	_ =	swait.ge @!p0 [sflag:s5], $0x2000  }
0xe4: {  	[sflag:s5] =	ssyncset.done @!p0 $0x0  }
0xe5: {  	[sflag:s5] =	ssyncadd.s32 @!p0 $0xFFFFE000;
	s5 =	simm.s32 @!p0 $0xA  }
0xe6: {  	_ =	swait.ge @!p0 [sflag:s5], $0x40  }
0xe7: {  	[sflag:s5] =	ssyncset.done @!p0 $0x0  }
0xe8: {  	[sflag:s5] =	ssyncadd.s32 @!p0 $0xFFFFFFC0;
	s5 =	simm.s32 @!p0 $0x2400  }
0xe9: {  	[tilespmem:s5], [sflag:$0x2] =	stream.indirect.gather @!p0 [hbm4b:s4+s12], $0x80, s13, s12, $0xb8;
	[tilespmem:$0x1CD00] =	vst v63  }
0xea: {  	s5 =	sadd.s32 @!p0 s0, s24;
	s12 =	simm.s32 @!p0 $0x280  }
0xeb: {  	[tilespmem:s12], [sflag:$0xE] =	stream.linear.gather @!p0 [hbm4b:s5+s28], $0x40, $0x38;
	[tilespmem:$0x1CD00] =	vst v63  }
0xec: {  	_ =	swait.ge [sflag:s29], $0x2000  }
0xed: {  	[sflag:s29] =	ssyncset.done $0x0  }
.Ltmp3:
0xee: {  	[sflag:s29] =	ssyncadd.s32 $0xFFFFE000;
	(pc) =	sbr.rel @p0 .LBB2_6-.Ltmp3, $4  }
0xef: {  	_ =	swait.ge [sflag:s9], $0x40  }
0xf0: {  	[sflag:s9] =	ssyncset.done $0x0  }
0xf1: {  	[sflag:s9] =	ssyncadd.s32 $0xFFFFFFC0  }
0xf2: {  	[spmem:s1] =	stream.indirect.scatter.add.f32 [tilespmem:s8], [sflag:$0x8], $0x80, s14, s26, $0xb8;
	[tilespmem:$0x1CD00] =	vst v63  }
0xf3: {  	s5 =	rddreg [dreg:$0x1a]  }
0xf4: {  	s5 =	sadd.s32 s0, s5  }
0xf5: {  	[tilespmem:s16], [sflag:$0xC] =	stream.linear.gather [hbm4b:s5+s3], $0x40, $0x38;
	[tilespmem:$0x1CD00] =	vst v63  }
0xf6: {  	_ =	swait.ge [sflag:s31], $0x2000  }
0xf7: {  	[sflag:s31] =	ssyncset.done $0x0  }
0xf8: {  	[sflag:s31] =	ssyncadd.s32 $0xFFFFE000  }
0xf9: {  	_ =	swait.ge [sflag:s10], $0x40  }
.Ltmp4:
0xfa: {  	s28 =	simm.s32 $0x4400;
	[sflag:s10] =	ssyncset.done $0x0;
	(pc) =	sbr.rel .LBB2_4-.Ltmp4, $4  }
0xfb: {  	s12 =	simm.s32 $0x300;
	s30 =	rddreg [dreg:$0xf];
	[sflag:s10] =	ssyncadd.s32 $0xFFFFFFC0  }
0xfc: {  	[tilespmem:s28], [sflag:$0x3] =	stream.indirect.gather [hbm4b:s4+s26], $0x80, s20, s26, $0xb8;
	[tilespmem:$0x1CD00] =	vst v63  }
0xfd: {  	s17 =	sadd.s32 $0x100, s17;
	s5 =	sadd.s32 s0, s30;
	s0 =	sadd.s32 $0x20, s0  }
0xfe: {  	[tilespmem:s12], [sflag:$0xF] =	stream.linear.gather [hbm4b:s5+s3], $0x40, $0x38;
	[tilespmem:$0x1CD00] =	vst v63  }
.LBB2_7:
0xff: {  	_ =	sfence.sel $0x180000  }
0x100: {  	[bflag:$0x0] =	sbarrier.arrive $0xFFFF  }
0x101: {  	_ =	strace $0x9000004D  }
0x102: {  	s0 =	stileid.u32;
	[bflag:$0x2] =	sbarrier.arrive $0xFFFF  }
0x103: {  	p0 =	sne.s32 s0, $0x0;
	s0 =	rddreg [dreg:$0x2]  }
0x104: {  	s0 =	sadd.s32 @!p0 $0x100000, s0  }
0x105: {  	[sflag:s0] =	ssyncadd.tile.s32 @!p0 $0x1;
	_ =	shalt  }
.Lfunc_end2:
_tile_overlayer_lowered:
.L_overlay_start_2:
0x106: {  	(tag) =	ssettag $0x2  }
0x107: {  	s0 =	rddreg [dreg:$0x0];
	s2 =	stileid.u32  }
0x108: {  	s1 =	rddreg [dreg:$0x1];
	p0 =	sne.s32 s2, $0x0  }
0x109: {  	s3 =	rddreg [dreg:$0x2];
	[bflag:$0x3] =	sbarrier.arrive $0xFFFF;
	s2 =	simm.s32 @!p0 $0x1C12  }
0x10a: {  	[timem:s3], [sflag:s2] =	dma.local @!p0 [hbm:s0], s1  }
0x10b: {  	s0 =	simm.s32 @!p0 $0x12  }
0x10c: {  	_ =	swait.ge @!p0 [sflag:s0], s1  }
0x10d: {  	s1 =	ssub.s32 @!p0 $0x0, s1;
	[sflag:s0] =	ssyncset.done @!p0 $0x0  }
0x10e: {  	[sflag:s0] =	ssyncadd.s32 @!p0 s1  }
0x10f: {  	[bflag:$0x3] =	sbarrier.arrive $0xFFFF  }
0x110: {  	_ =	shalt  }

// kernel: kernel.8.cloned.1.call-start
scs
__scs_entry_jumppad:
0x0: {  	(pc) =	sbr.rel $0x88, $3  }
0x1: {  	(tag) =	ssettag $0x0;
	lr =	simm.s32 $0x1  }
0x2: {  	[smem:$0x3F93] =	sst lr;
	_ =	strace $0xD0000000  }
0x3: {  	_ = 	snop  }
0x4: {  	_ = 	snop  }
0x5: {  	_ = 	snop  }
0x6: {  	_ = 	snop  }
0x7: {  	_ = 	snop  }
__scs_overlays_trampoline_lowered:
0x8: {  	[smem:$0x3FA2] =	sst s0  }
0x9: {  	[smem:$0x3FA3] =	sst s1  }
0xa: {  	[smem:$0x3FA4] =	sst s2  }
0xb: {  	[smem:$0x3FA5] =	sst s3  }
0xc: {  	[smem:$0x3FA6] =	sst s4  }
0xd: {  	[smem:$0x3FA7] =	sst s5  }
0xe: {  	[smem:$0x3FA8] =	sst s6  }
0xf: {  	[smem:$0x3FA9] =	sst s7  }
0x10: {  	[smem:$0x3FAA] =	sst s8  }
0x11: {  	[smem:$0x3FAB] =	sst s9;
	s0 =	simm.s32 @!p0 $0x0  }
0x12: {  	s1 =	sld [smem:$0x3F91];
	s0 =	simm.s32 @p0 $0x1  }
0x13: {  	[smem:$0x3FAC] =	sst s0;
	s0 =	simm.s32 @!p1 $0x0  }
0x14: {  	s2 =	sld [smem:$0x3F90];
	s0 =	simm.s32 @p1 $0x1  }
0x15: {  	[smem:$0x3FAD] =	sst s0;
	s0 =	simm.s32 @!p2 $0x0  }
0x16: {  	s3 =	sld [smem:$0x3FDB];
	s0 =	simm.s32 @p2 $0x1  }
0x17: {  	s4 =	simm.s32 $0x1BF5;
	[smem:$0x3FAF] =	sst s0  }
0x18: {  	s0 =	sld [smem:$0x3F92];
	_ =	swait.ge [sflag:s4], $0x0  }
0x19: {  	s7 =	sld [smem:$0x3F93]  }
0x1a: {  	s8 =	sadd.s32 $0xFFFFE003, lr  }
0x1b: {  	s9 =	sadd.s32 $0xFFFFFEF7, lr;
	s5 =	simm.s32 $0xFFFFFFFF;
	p2 =	slt.u32 s8, $0xFFFFF086  }
0x1c: {  	p1 =	slt.u32 s9, $0xF7A;
	s5 =	simm.s32 @!p2 $0x0  }
0x1d: {  	s5 =	simm.s32 @p1 $0x1;
	p0 =	seq.s32 s7, s2  }
0x1e: {  	s7 =	smul.u32 @!p0 $0xF7A, s2;
	p2 =	seq.s32 @!p0 s5, $0x0  }
0x1f: {  	s9 =	smul.u32 $0xF7A, s1;
	s8 =	simm.s32 @!p0 $0x1BF5;
	p2 =	por !p2, p0  }
0x20: {  	[sflag:s8] =	ssyncset.s32 @!p0 $0xFFFFF086;
	s6 =	sadd.s32 @!p0 s3, s7;
	s7 =	simm.s32 @!p0 $0x108  }
0x21: {  	s3 =	sadd.s32 s3, s9;
	s6 =	sadd.s32 @!p0 $0x88, s6;
	s7 =	simm.s32 @p2 $0x1082  }
0x22: {  	[simem:s7], [sflag:s8] =	dma.local @!p0 [hbm:s6], $0xF7A  }
0x23: {  	s9 =	sor.u32 $0xD0000000, s2;
	s6 =	simm.s32 $0x108;
	_ =	swait.ge @!p0 [sflag:s8], $0x0  }
0x24: {  	s3 =	sadd.s32 $0x88, s3;
	s6 =	simm.s32 @!p1 $0x1082;
	[sflag:s4] =	ssyncset.s32 $0xFFFFF086  }
0x25: {  	[simem:s6], [sflag:s4] =	dma.local [hbm:s3], $0xF7A  }
0x26: {  	[smem:$0x3F93] =	sst s1;
	(tag) =	ssettag s2;
	_ =	strace s9  }
0x27: {  	s1 =	sld [smem:$0x3FA3]  }
0x28: {  	s2 =	sld [smem:$0x3FA4]  }
0x29: {  	s4 =	sld [smem:$0x3FA6]  }
0x2a: {  	p0 =	seq.s32 s5, $0x0;
	s5 =	sld [smem:$0x3FA7]  }
0x2b: {  	s6 =	sld [smem:$0x3FA8]  }
0x2c: {  	s7 =	sld [smem:$0x3FA9]  }
0x2d: {  	s3 =	simm.s32 $0x108;
	s8 =	sld [smem:$0x3FAA]  }
0x2e: {  	s3 =	simm.s32 @!p0 $0x1082;
	s9 =	sld [smem:$0x3FAB]  }
0x2f: {  	lr =	sadd.s32 s0, s3;
	s0 =	sld [smem:$0x3FA2]  }
0x30: {  	s3 =	sld [smem:$0x3FA5]  }
0x31: {  	[smem:$0x3FAE] =	sst s10  }
0x32: {  	s10 =	sld [smem:$0x3FAC];
	_ =	sdelay $0x3  }
0x33: {  	p0 =	seq.s32 s10, $0x1;
	s10 =	sld [smem:$0x3FAE];
	_ =	sdelay $0x3  }
0x34: {  	[smem:$0x3FAE] =	sst s10  }
0x35: {  	s10 =	sld [smem:$0x3FAD];
	_ =	sdelay $0x3  }
0x36: {  	p1 =	seq.s32 s10, $0x1;
	s10 =	sld [smem:$0x3FAE];
	_ =	sdelay $0x3  }
0x37: {  	[smem:$0x3FAE] =	sst s10  }
0x38: {  	s10 =	sld [smem:$0x3FAF]  }
0x39: {  	_ = 	snop;
	(pc) =	sbr.ind lr, $3  }
0x3a: {  	_ = 	snop  }
0x3b: {  	_ = 	snop  }
0x3c: {  	p2 =	seq.s32 s10, $0x1;
	s10 =	sld [smem:$0x3FAE]  }
0x3d: {  	_ =	shalt  }
0x3e: {  	_ =	shalt  }
0x3f: {  	_ =	shalt  }
0x40: {  	_ =	shalt  }
0x41: {  	_ =	shalt  }
0x42: {  	_ =	shalt  }
0x43: {  	_ =	shalt  }
0x44: {  	_ =	shalt  }
0x45: {  	_ =	shalt  }
0x46: {  	_ =	shalt  }
0x47: {  	_ =	shalt  }
0x48: {  	_ =	shalt  }
0x49: {  	_ =	shalt  }
0x4a: {  	_ =	shalt  }
0x4b: {  	_ =	shalt  }
0x4c: {  	_ =	shalt  }
0x4d: {  	_ =	shalt  }
0x4e: {  	_ =	shalt  }
0x4f: {  	_ =	shalt  }
0x50: {  	_ =	shalt  }
0x51: {  	_ =	shalt  }
0x52: {  	_ =	shalt  }
0x53: {  	_ =	shalt  }
0x54: {  	_ =	shalt  }
0x55: {  	_ =	shalt  }
0x56: {  	_ =	shalt  }
0x57: {  	_ =	shalt  }
0x58: {  	_ =	shalt  }
0x59: {  	_ =	shalt  }
0x5a: {  	_ =	shalt  }
0x5b: {  	_ =	shalt  }
0x5c: {  	_ =	shalt  }
0x5d: {  	_ =	shalt  }
0x5e: {  	_ =	shalt  }
0x5f: {  	_ =	shalt  }
0x60: {  	_ =	shalt  }
0x61: {  	_ =	shalt  }
0x62: {  	_ =	shalt  }
0x63: {  	_ =	shalt  }
0x64: {  	_ =	shalt  }
0x65: {  	_ =	shalt  }
0x66: {  	_ =	shalt  }
0x67: {  	_ =	shalt  }
0x68: {  	_ =	shalt  }
0x69: {  	_ =	shalt  }
0x6a: {  	_ =	shalt  }
0x6b: {  	_ =	shalt  }
0x6c: {  	_ =	shalt  }
0x6d: {  	_ =	shalt  }
0x6e: {  	_ =	shalt  }
0x6f: {  	_ =	shalt  }
0x70: {  	_ =	shalt  }
0x71: {  	_ =	shalt  }
0x72: {  	_ =	shalt  }
0x73: {  	_ =	shalt  }
0x74: {  	_ =	shalt  }
0x75: {  	_ =	shalt  }
0x76: {  	_ =	shalt  }
0x77: {  	_ =	shalt  }
0x78: {  	_ =	shalt  }
0x79: {  	_ =	shalt  }
0x7a: {  	_ =	shalt  }
0x7b: {  	_ =	shalt  }
0x7c: {  	_ =	shalt  }
0x7d: {  	_ =	shalt  }
0x7e: {  	_ =	shalt  }
0x7f: {  	_ =	shalt  }
0x80: {  	_ =	shalt  }
0x81: {  	_ =	shalt  }
0x82: {  	_ =	shalt  }
0x83: {  	_ =	shalt  }
0x84: {  	_ =	shalt  }
0x85: {  	_ =	shalt  }
0x86: {  	_ =	shalt  }
0x87: {  	_ =	shalt  }
.Lfunc_end0:
.L_simem_size_0:
called_computation_lowered:
.L_overlay_start_0:
0x88: {  	s2 =	sld [smem:$0x3FD9]  }
0x89: {  	s3 =	sld [smem:$0x3FFE];
	_ =	sdelay $0x1  }
0x8a: {  	s1 =	srdreg.scid  }
0x8b: {  	s0 =	sand.u32 $0x1, s1  }
0x8c: {  	s14 =	sshll.u32 s0, $0xA;
	s2 =	sadd.s32 s3, s2  }
0x8d: {  	s2 =	sadd.s32 s2, s14  }
0x8e: {  	[smem:$0x3FBA] =	sst s2  }
0x8f: {  	_ = 	snop  }
0x90: {  	s2 =	sld [smem:$0x3FD0];
	_ =	sdelay $0x2  }
0x91: {  	s15 =	simm.s32 $0xA;
	s4 =	simm.s32 $0x10  }
0x92: {  	[smem:s4], [sflag:s15] =	dma.local [hbm:s2], $0x1  }
0x93: {  	_ =	swait.eq [sflag:s15], $0x1  }
0x94: {  	[sflag:s15] =	ssyncset.done $0x0  }
0x95: {  	[sflag:s15] =	ssyncadd.s32 $0xFFFFFFFF  }
0x96: {  	s16 =	sld [smem:$0x12];
	(tm) =	ssettm $0x1  }
0x97: {  	s17 =	sld [smem:$0x3FFB];
	_ =	sdelay $0x3  }
0x98: {  	_ =	strace s17  }
0x99: {  	s3 =	sld [smem:$0x3FFC];
	_ =	sdelay $0x3  }
0x9a: {  	_ =	strace s3  }
0x9b: {  	s3 =	sld [smem:$0x3FFD];
	_ =	sdelay $0x3  }
0x9c: {  	_ =	strace s3  }
0x9d: {  	_ =	strace $0x8FFFFFFF  }
0x9e: {  	s18 =	sld [smem:$0x3FDB];
	_ =	sdelay $0x1  }
0x9f: {  	s19 =	simm.s32 $_scs_section_size  }
0xa0: {  	s5 =	simm.s32 $_size__tile_overlayer_lowered;
	s6 =	simm.s32 $_tile_overlayer_lowered  }
0xa1: {  	s22 =	simm.s32 $0x1BFF;
	s21 =	sshll.u32 s6, $0x1;
	s3 =	sadd.s32 s19, s18  }
0xa2: {  	s7 =	simm.s32 $0x0;
	s20 =	sshll.u32 s5, $0x1;
	s5 =	sadd.s32 s21, s3  }
0xa3: {  	[timem:s7], [sflag:s22] =	dma.local [hbm:s5], s20  }
0xa4: {  	_ =	swait.ge [sflag:s22], s20  }
0xa5: {  	s4 =	ssub.s32 $0x0, s20;
	[sflag:s22] =	ssyncset.done $0x0  }
0xa6: {  	[sflag:s22] =	ssyncadd.s32 s4;
	_ =	sdelay $0x1  }
0xa7: {  	s23 =	simm.s32 $0x1B8B  }
0xa8: {  	_ =	swait.ge [sflag:s23], $0x1  }
0xa9: {  	[sflag:s23] =	ssyncset.done $0x0  }
0xaa: {  	s25 =	simm.s32 $0x1B8E;
	s24 =	sld [smem:$0x3FFE];
	[sflag:s23] =	ssyncadd.s32 $0xFFFFFFFF  }
0xab: {  	s26 =	simm.s32 $execute0_lowered;
	[smem:$0x3FD2] =	sst s25  }
0xac: {  	s5 =	sshll.u32 s26, $0x1;
	_ =	strace $0x80000046;
	[dreg:$0x1] =	wrdreg $0xFFFFFFFF  }
0xad: {  	s28 =	simm.s32 $_size_execute0_lowered;
	s3 =	sadd.s32 s3, s5;
	[dreg:$0x0] =	wrdreg $0x0  }
0xae: {  	s5 =	sshll.u32 s28, $0x1;
	[dreg:$0x2] =	wrdreg s3  }
0xaf: {  	[dreg:$0x3] =	wrdreg s5  }
0xb0: {  	[dreg:$0x4] =	wrdreg $0xC0  }
0xb1: {  	_ =	task [dreg:s7], $0x5FFFF  }
0xb2: {  	[dreg:$0x1] =	wrdreg $0xFFFFFFFF  }
0xb3: {  	[dreg:$0x0] =	wrdreg $0x60  }
0xb4: {  	[dreg:$0x2] =	wrdreg s24  }
0xb5: {  	[dreg:$0x3] =	wrdreg s16  }
0xb6: {  	[dreg:$0x4] =	wrdreg $0x77800  }
0xb7: {  	[dreg:$0x5] =	wrdreg $0x9  }
0xb8: {  	_ =	task.clear_ibuf [dreg:s7], $0x6FFFF;
	_ =	strace $0x90000046  }
0xb9: {  	s29 =	simm.s32 $0x9;
	_ =	strace $0x80000048  }
0xba: {  	_ =	swait.ge [sflag:s29], $0x1  }
0xbb: {  	[sflag:s29] =	ssyncadd.s32 $0xFFFFFFFF  }
0xbc: {  	_ =	strace $0x90000048  }
0xbd: {  	_ =	sfence  }
0xbe: {  	s30 =	sld [smem:$0x0];
	_ =	sdelay $0x2  }
0xbf: {  	s31 =	sshll.u32 s1, $0xD;
	s1 =	sshrl.u32 s1, $0x2  }
0xc0: {  	s3 =	sand.u32 $0x4000, s31;
	s1 =	sadd.s32 s1, s30  }
0xc1: {  	s0 =	sor.u32 s3, s0;
	s1 =	sshll.u32 s1, $0x11  }
0xc2: {  	s0 =	sor.u32 s1, s0  }
0xc3: {  	s0 =	sadd.s32 $0x8F2B, s0  }
0xc4: {  	[sflag:s0] =	ssyncadd.remote.s32 $0x1  }
0xc5: {  	_ =	sfence.sel $0xFFFF  }
0xc6: {  	[dreg:$0x0] =	wrdreg $0xFFFFFFFF;
	(pc) =	sbr.abs _section_cstart, $3  }
0xc7: {  	[dreg:$0x1] =	wrdreg $0xFFFFFFFF  }
0xc8: {  	_ =	task.clear_ibuf [dreg:s7], $0x2FFFF;
	_ =	strace $0x9FFFFFFF  }
0xc9: {  	(tm) =	ssettm $0x7FFFFFFF  }
tec
execute0_lowered:
.L_overlay_start_1:
0x0: {  	(tag) =	ssettag $0x1  }
0x1: {  	s0 =	rddreg [dreg:$0x0]  }
0x2: {  	s1 =	rddreg [dreg:$0x1]  }
0x3: {  	s3 =	rddreg [dreg:$0x2];
	s2 =	srdreg.scid  }
0x4: {  	s9 =	stileid.u32;
	s4 =	sand.u32 $0x1, s2;
	s2 =	simm.s32 $0x0  }
0x5: {  	s7 =	sshrl.u32 s9, $0x3;
	s26 =	smul.u32 $0x5000, s9;
	s5 =	sshll.u32 s4, $0x4  }
0x6: {  	s6 =	ssub.s32 $0x2, s4;
	s7 =	smul.u32 $0x50000, s7;
	s5 =	sor.u32 s9, s5  }
0x7: {  	[smem:$0x7FF] =	sst s2;
	s8 =	sshrl.u32 s6, $0x1;
	s5 =	smul.u32 $0x2710, s5  }
0x8: {  	s10 =	sshll.u32 s9, $0x7;
	_ =	strace $0x80000047;
	s6 =	ssub.s32 s6, s8  }
0x9: {  	s7 =	sshrl.u32 s7, $0x2;
	s8 =	sshrl.u32 s26, $0x2;
	s5 =	sshrl.u32 s5, $0x3  }
0xa: {  	s7 =	sadd.s32 s7, s3;
	s6 =	smax.u32 s6, $0x1;
	s0 =	sadd.s32 s0, s5  }
0xb: {  	[dreg:$0x16] =	wrdreg s6;
	s5 =	sand.u32 $0x380, s10;
	s0 =	sadd.s32 $0xD440, s0  }
0xc: {  	s11 =	sadd.s32 s5, s7;
	s5 =	sadd.s32 s8, s3;
	[dreg:$0x4] =	wrdreg s0  }
0xd: {  	[dreg:$0x5] =	wrdreg s11;
	s12 =	sadd.s32 $0x80, s5  }
0xe: {  	s13 =	sadd.s32 $0x100, s5;
	[dreg:$0x6] =	wrdreg s12  }
0xf: {  	s14 =	sadd.s32 $0x180, s5;
	[dreg:$0x7] =	wrdreg s13  }
0x10: {  	s15 =	sadd.s32 $0x200, s5;
	[dreg:$0x8] =	wrdreg s14  }
0x11: {  	s16 =	sadd.s32 $0x280, s5;
	[dreg:$0x9] =	wrdreg s15  }
0x12: {  	s17 =	sadd.s32 $0x300, s5;
	[dreg:$0xa] =	wrdreg s16  }
0x13: {  	s18 =	sadd.s32 $0x380, s5;
	[dreg:$0xb] =	wrdreg s17  }
0x14: {  	s19 =	sadd.s32 $0x14000, s5;
	[dreg:$0xc] =	wrdreg s18  }
0x15: {  	s3 =	sadd.s32 $0x14080, s5;
	[dreg:$0xd] =	wrdreg s19  }
0x16: {  	s21 =	sadd.s32 $0x14100, s5;
	[dreg:$0xe] =	wrdreg s3  }
0x17: {  	s23 =	sadd.s32 $0x14180, s5;
	[dreg:$0xf] =	wrdreg s21  }
0x18: {  	s24 =	sadd.s32 $0x14200, s5;
	[dreg:$0x10] =	wrdreg s23  }
0x19: {  	s25 =	sadd.s32 $0x14280, s5;
	[dreg:$0x11] =	wrdreg s24  }
0x1a: {  	s26 =	sadd.s32 $0x14300, s5;
	[dreg:$0x12] =	wrdreg s25  }
0x1b: {  	s22 =	sshll.u32 s4, $0x7;
	s4 =	sadd.s32 $0x14380, s5;
	[dreg:$0x13] =	wrdreg s26  }
0x1c: {  	s7 =	sadd.s32 $0x400, s5;
	[dreg:$0x14] =	wrdreg s4  }
0x1d: {  	s8 =	sadd.s32 $0x800, s5;
	[dreg:$0x17] =	wrdreg s7  }
0x1e: {  	s20 =	smul.u32 $0x500, s9;
	s9 =	sadd.s32 $0xC00, s5;
	[dreg:$0x18] =	wrdreg s8  }
0x1f: {  	s10 =	sadd.s32 $0x1000, s5;
	[dreg:$0x19] =	wrdreg s9  }
0x20: {  	s11 =	sadd.s32 $0x480, s5;
	[dreg:$0x1a] =	wrdreg s10  }
0x21: {  	s0 =	sor.u32 s22, s20;
	s20 =	sadd.s32 $0x980, s5;
	[dreg:$0x1b] =	wrdreg s11  }
0x22: {  	s22 =	sadd.s32 $0x1180, s5;
	[smem:$0x7DF] =	sst s20  }
0x23: {  	s6 =	sadd.s32 $0x1280, s5;
	[smem:$0x7E1] =	sst s22  }
0x24: {  	s12 =	sadd.s32 $0x880, s5;
	[smem:$0x7E9] =	sst s6  }
0x25: {  	s13 =	sadd.s32 $0xC80, s5;
	[dreg:$0x1c] =	wrdreg s12  }
0x26: {  	s14 =	sadd.s32 $0x1080, s5;
	[dreg:$0x1d] =	wrdreg s13  }
0x27: {  	s15 =	sadd.s32 $0x500, s5;
	[dreg:$0x1e] =	wrdreg s14  }
0x28: {  	s16 =	sadd.s32 $0x900, s5;
	[dreg:$0x1f] =	wrdreg s15  }
0x29: {  	s17 =	sadd.s32 $0xD00, s5;
	[smem:$0x7DB] =	sst s16  }
0x2a: {  	s18 =	sadd.s32 $0x1100, s5;
	[smem:$0x7DC] =	sst s17  }
0x2b: {  	s19 =	sadd.s32 $0x580, s5;
	[smem:$0x7DD] =	sst s18  }
0x2c: {  	s21 =	sadd.s32 $0xD80, s5;
	[smem:$0x7DE] =	sst s19  }
0x2d: {  	s23 =	sadd.s32 $0x600, s5;
	[smem:$0x7E0] =	sst s21  }
0x2e: {  	s24 =	sadd.s32 $0xA00, s5;
	[smem:$0x7E2] =	sst s23  }
0x2f: {  	s25 =	sadd.s32 $0xE00, s5;
	[smem:$0x7E3] =	sst s24  }
0x30: {  	s26 =	sadd.s32 $0x1200, s5;
	[smem:$0x7E4] =	sst s25  }
0x31: {  	s3 =	sadd.s32 $0xA80, s5;
	[smem:$0x7E5] =	sst s26  }
0x32: {  	s4 =	sadd.s32 $0xE80, s5;
	[smem:$0x7E7] =	sst s3  }
0x33: {  	s7 =	sadd.s32 $0x700, s5;
	[smem:$0x7E8] =	sst s4  }
0x34: {  	s8 =	sadd.s32 $0xB00, s5;
	[smem:$0x7EA] =	sst s7  }
0x35: {  	s9 =	sadd.s32 $0xF00, s5;
	[smem:$0x7EB] =	sst s8  }
0x36: {  	s10 =	sadd.s32 $0x1300, s5;
	[smem:$0x7EC] =	sst s9  }
0x37: {  	s11 =	sadd.s32 $0x780, s5;
	[smem:$0x7ED] =	sst s10  }
0x38: {  	s20 =	sadd.s32 $0x14880, s5;
	[smem:$0x7EE] =	sst s11  }
0x39: {  	s0 =	sshrl.u32 s0, $0x3;
	s22 =	sadd.s32 $0x15080, s5;
	[smem:$0x7F7] =	sst s20  }
0x3a: {  	s0 =	sadd.s32 s1, s0;
	[smem:$0x7F9] =	sst s22  }
0x3b: {  	s1 =	sadd.s32 $0x680, s5;
	[dreg:$0x15] =	wrdreg s0  }
0x3c: {  	s12 =	sadd.s32 $0xB80, s5;
	[smem:$0x7E6] =	sst s1  }
0x3d: {  	s13 =	sadd.s32 $0xF80, s5;
	[smem:$0x7EF] =	sst s12  }
0x3e: {  	s14 =	sadd.s32 $0x1380, s5;
	[smem:$0x7F0] =	sst s13  }
0x3f: {  	s15 =	sadd.s32 $0x14400, s5;
	[smem:$0x7F1] =	sst s14  }
0x40: {  	s16 =	sadd.s32 $0x14800, s5;
	[smem:$0x7F2] =	sst s15  }
0x41: {  	s17 =	sadd.s32 $0x14C00, s5;
	[smem:$0x7F3] =	sst s16  }
0x42: {  	s30 =	simm.s32 $0x2;
	s18 =	sadd.s32 $0x15000, s5;
	[smem:$0x7F4] =	sst s17  }
0x43: {  	s31 =	simm.s32 $0x2780;
	s19 =	sadd.s32 $0x14480, s5;
	[smem:$0x7F5] =	sst s18  }
0x44: {  	s28 =	sadd.s32 $0x14F80, s5;
	s21 =	sadd.s32 $0x14C80, s5;
	[smem:$0x7F6] =	sst s19  }
0x45: {  	s29 =	sadd.s32 $0x15380, s5;
	s23 =	sadd.s32 $0x14500, s5;
	[smem:$0x7F8] =	sst s21  }
0x46: {  	s24 =	sadd.s32 $0x14900, s5;
	s25 =	sadd.s32 $0x14D00, s5;
	[smem:$0x7FA] =	sst s23  }
0x47: {  	s26 =	sadd.s32 $0x15100, s5;
	s9 =	sadd.s32 $0x14580, s5;
	[smem:$0x7FB] =	sst s24  }
0x48: {  	s10 =	sadd.s32 $0x14980, s5;
	s11 =	sadd.s32 $0x14D80, s5;
	[smem:$0x7FC] =	sst s25  }
0x49: {  	s20 =	sadd.s32 $0x15280, s5;
	s22 =	sadd.s32 $0x14B00, s5;
	[smem:$0x7FD] =	sst s26  }
0x4a: {  	s12 =	sadd.s32 $0x15180, s5;
	s13 =	sadd.s32 $0x14600, s5;
	s14 =	sadd.s32 $0x14A00, s5  }
0x4b: {  	s15 =	sadd.s32 $0x14E00, s5;
	s16 =	sadd.s32 $0x15200, s5;
	s17 =	sadd.s32 $0x14680, s5  }
0x4c: {  	s18 =	sadd.s32 $0x14A80, s5;
	s19 =	sadd.s32 $0x14E80, s5;
	s21 =	sadd.s32 $0x14700, s5  }
0x4d: {  	s23 =	sadd.s32 $0x14F00, s5;
	s24 =	sadd.s32 $0x15300, s5;
	s25 =	sadd.s32 $0x14780, s5  }
0x4e: {  	v0 =	vimm.f32 $0.0e+00;
	v1 =	vimm.f32 $1.000000000e+00;
	s26 =	sadd.s32 $0x14B80, s5;
	s0 =	simm.s32 $0x80;
	s1 =	simm.s32 $0x1  }
.LBB2_1:
0x4f: {  	s3 =	simm.s32 $0x40;
	s4 =	simm.s32 $0x0  }
.LBB2_2:
0x50: {  	p0 =	sne.s32 s3, $0x9FC0;
	[tilespmem:s4+$0x2780] =	vst v0;
	s4 =	smov.u32 s3;
	s3 =	sadd.s32 $0x40, s3  }
.Ltmp0:
0x51: {  	(pc) =	sbr.rel @p0 .LBB2_2-.Ltmp0, $2  }
0x52: {  	_ =	sdelay $0x2  }
0x53: {  	s4 =	sshra.s32 s4, $0x2  }
0x54: {  	[tilespmem:s4+$0x2780] =	vst v0;
	s3 =	simm.s32 $0x0;
	s8 =	rddreg [dreg:$0x4]  }
0x55: {  	[tilespmem:s3], [sflag:$0x2] =	stream.linear.gather [hbm4b:s8+s3], $0x2710, $0x38;
	[tilespmem:$0x9F80] =	vst v63  }
0x56: {  	_ =	swait.ge [sflag:s30], $0x2710  }
0x57: {  	[sflag:s30] =	ssyncset.done $0x0  }
0x58: {  	[sflag:s30] =	ssyncadd.s32 $0xFFFFD8F0  }
.LBB2_4:
0x59: {  	s4 =	sshra.s32 s3, $0x2  }
0x5a: {  	v2 =	vld [tilespmem:s4+$0x0];
	_ =	sdelay $0x7  }
0x5b: {  	[tilespmem:v2+s31+$0x0] =	vst.idx.add.f32.msk $0xffff, v1  }
0x5c: {  	v2 =	vld [tilespmem:s4+$0x10];
	_ =	sdelay $0x7  }
0x5d: {  	[tilespmem:v2+s31+$0x0] =	vst.idx.add.f32.msk $0xffff, v1  }
0x5e: {  	v2 =	vld [tilespmem:s4+$0x20];
	_ =	sdelay $0x7  }
0x5f: {  	[tilespmem:v2+s31+$0x0] =	vst.idx.add.f32.msk $0xffff, v1  }
0x60: {  	v2 =	vld [tilespmem:s4+$0x30];
	_ =	sdelay $0x7  }
0x61: {  	[tilespmem:v2+s31+$0x0] =	vst.idx.add.f32.msk $0xffff, v1  }
0x62: {  	v2 =	vld [tilespmem:s4+$0x40];
	_ =	sdelay $0x2  }
0x63: {  	p0 =	sne.s32 s3, $0x9B00  }
.Ltmp1:
0x64: {  	_ = 	snop;
	(pc) =	sbr.rel @p0 .LBB2_4-.Ltmp1, $2  }
0x65: {  	_ =	sdelay $0x2  }
0x66: {  	s3 =	sadd.s32 $0x140, s3;
	[tilespmem:v2+s31+$0x0] =	vst.idx.add.f32.msk $0xffff, v1  }
0x67: {  	s3 =	simm.s32 $0x2780;
	s4 =	rddreg [dreg:$0x5];
	s6 =	simm.s32 $0x400  }
0x68: {  	[spmem:s4] =	stream.strided.scatter [tilespmem:s3], [sflag:$0x2], $0x2800, s6, s0, $0x38;
	[tilespmem:$0x9F80] =	vst v63  }
0x69: {  	_ =	swait.ge [sflag:s30], $0x2800  }
0x6a: {  	[sflag:s30] =	ssyncset.done $0x0  }
0x6b: {  	[sflag:s30] =	ssyncadd.s32 $0xFFFFD800  }
0x6c: {  	s6 =	simm.s32 $0x4F80;
	[bflag:$0x0] =	sbarrier.arrive $0xFFFF  }
0x6d: {  	[tilespmem:s6], [sflag:$0x1] =	stream.linear.gather [spmem:s5], $0x80, $0x38;
	[tilespmem:$0x9F80] =	vst v63  }
0x6e: {  	s8 =	simm.s32 $0x5380;
	s7 =	rddreg [dreg:$0x17]  }
0x6f: {  	[tilespmem:s8], [sflag:$0x1] =	stream.linear.gather [spmem:s7], $0x80, $0x38;
	[tilespmem:$0x9F80] =	vst v63  }
0x70: {  	s7 =	rddreg [dreg:$0x18];
	s8 =	simm.s32 $0x5780  }
0x71: {  	[tilespmem:s8], [sflag:$0x1] =	stream.linear.gather [spmem:s7], $0x80, $0x38;
	[tilespmem:$0x9F80] =	vst v63  }
0x72: {  	s7 =	rddreg [dreg:$0x19];
	s8 =	simm.s32 $0x5B80  }
0x73: {  	[tilespmem:s8], [sflag:$0x1] =	stream.linear.gather [spmem:s7], $0x80, $0x38;
	[tilespmem:$0x9F80] =	vst v63  }
0x74: {  	s7 =	rddreg [dreg:$0x1a];
	s8 =	simm.s32 $0x5F80  }
0x75: {  	[tilespmem:s8], [sflag:$0x1] =	stream.linear.gather [spmem:s7], $0x80, $0x38;
	[tilespmem:$0x9F80] =	vst v63  }
0x76: {  	s7 =	rddreg [dreg:$0x6];
	s8 =	simm.s32 $0x5000  }
0x77: {  	[tilespmem:s8], [sflag:$0x1] =	stream.linear.gather [spmem:s7], $0x80, $0x38;
	[tilespmem:$0x9F80] =	vst v63  }
0x78: {  	s7 =	rddreg [dreg:$0x1b];
	s8 =	simm.s32 $0x5400  }
0x79: {  	[tilespmem:s8], [sflag:$0x1] =	stream.linear.gather [spmem:s7], $0x80, $0x38;
	[tilespmem:$0x9F80] =	vst v63  }
0x7a: {  	s7 =	rddreg [dreg:$0x1c];
	s8 =	simm.s32 $0x5800  }
0x7b: {  	[tilespmem:s8], [sflag:$0x1] =	stream.linear.gather [spmem:s7], $0x80, $0x38;
	[tilespmem:$0x9F80] =	vst v63  }
0x7c: {  	s7 =	rddreg [dreg:$0x1d];
	s8 =	simm.s32 $0x5C00  }
0x7d: {  	[tilespmem:s8], [sflag:$0x1] =	stream.linear.gather [spmem:s7], $0x80, $0x38;
	[tilespmem:$0x9F80] =	vst v63  }
0x7e: {  	s7 =	rddreg [dreg:$0x1e];
	s8 =	simm.s32 $0x6000  }
0x7f: {  	[tilespmem:s8], [sflag:$0x1] =	stream.linear.gather [spmem:s7], $0x80, $0x38;
	[tilespmem:$0x9F80] =	vst v63  }
0x80: {  	s7 =	rddreg [dreg:$0x7];
	s8 =	simm.s32 $0x5080  }
0x81: {  	[tilespmem:s8], [sflag:$0x1] =	stream.linear.gather [spmem:s7], $0x80, $0x38;
	[tilespmem:$0x9F80] =	vst v63  }
0x82: {  	s7 =	rddreg [dreg:$0x1f];
	s8 =	simm.s32 $0x5480  }
0x83: {  	[tilespmem:s8], [sflag:$0x1] =	stream.linear.gather [spmem:s7], $0x80, $0x38;
	[tilespmem:$0x9F80] =	vst v63  }
0x84: {  	s7 =	sld [smem:$0x7DB];
	_ =	sdelay $0x1  }
0x85: {  	s8 =	simm.s32 $0x5880  }
0x86: {  	[tilespmem:s8], [sflag:$0x1] =	stream.linear.gather [spmem:s7], $0x80, $0x38;
	[tilespmem:$0x9F80] =	vst v63  }
0x87: {  	s7 =	sld [smem:$0x7DC];
	_ =	sdelay $0x1  }
0x88: {  	s8 =	simm.s32 $0x5C80  }
0x89: {  	[tilespmem:s8], [sflag:$0x1] =	stream.linear.gather [spmem:s7], $0x80, $0x38;
	[tilespmem:$0x9F80] =	vst v63  }
0x8a: {  	s7 =	sld [smem:$0x7DD];
	_ =	sdelay $0x1  }
0x8b: {  	s8 =	simm.s32 $0x6080  }
0x8c: {  	[tilespmem:s8], [sflag:$0x1] =	stream.linear.gather [spmem:s7], $0x80, $0x38;
	[tilespmem:$0x9F80] =	vst v63  }
0x8d: {  	s7 =	rddreg [dreg:$0x8];
	s8 =	simm.s32 $0x5100  }
0x8e: {  	[tilespmem:s8], [sflag:$0x1] =	stream.linear.gather [spmem:s7], $0x80, $0x38;
	[tilespmem:$0x9F80] =	vst v63  }
0x8f: {  	s7 =	sld [smem:$0x7DE];
	_ =	sdelay $0x1  }
0x90: {  	s8 =	simm.s32 $0x5500  }
0x91: {  	[tilespmem:s8], [sflag:$0x1] =	stream.linear.gather [spmem:s7], $0x80, $0x38;
	[tilespmem:$0x9F80] =	vst v63  }
0x92: {  	s7 =	sld [smem:$0x7DF];
	_ =	sdelay $0x1  }
0x93: {  	s8 =	simm.s32 $0x5900  }
0x94: {  	[tilespmem:s8], [sflag:$0x1] =	stream.linear.gather [spmem:s7], $0x80, $0x38;
	[tilespmem:$0x9F80] =	vst v63  }
0x95: {  	s7 =	sld [smem:$0x7E0];
	_ =	sdelay $0x1  }
0x96: {  	s8 =	simm.s32 $0x5D00  }
0x97: {  	[tilespmem:s8], [sflag:$0x1] =	stream.linear.gather [spmem:s7], $0x80, $0x38;
	[tilespmem:$0x9F80] =	vst v63  }
0x98: {  	s7 =	sld [smem:$0x7E1];
	_ =	sdelay $0x1  }
0x99: {  	s8 =	simm.s32 $0x6100  }
0x9a: {  	[tilespmem:s8], [sflag:$0x1] =	stream.linear.gather [spmem:s7], $0x80, $0x38;
	[tilespmem:$0x9F80] =	vst v63  }
0x9b: {  	s7 =	rddreg [dreg:$0x9];
	s8 =	simm.s32 $0x5180  }
0x9c: {  	[tilespmem:s8], [sflag:$0x1] =	stream.linear.gather [spmem:s7], $0x80, $0x38;
	[tilespmem:$0x9F80] =	vst v63  }
0x9d: {  	s7 =	sld [smem:$0x7E2];
	_ =	sdelay $0x1  }
0x9e: {  	s8 =	simm.s32 $0x5580  }
0x9f: {  	[tilespmem:s8], [sflag:$0x1] =	stream.linear.gather [spmem:s7], $0x80, $0x38;
	[tilespmem:$0x9F80] =	vst v63  }
0xa0: {  	s7 =	sld [smem:$0x7E3];
	_ =	sdelay $0x1  }
0xa1: {  	s8 =	simm.s32 $0x5980  }
0xa2: {  	[tilespmem:s8], [sflag:$0x1] =	stream.linear.gather [spmem:s7], $0x80, $0x38;
	[tilespmem:$0x9F80] =	vst v63  }
0xa3: {  	s7 =	sld [smem:$0x7E4];
	_ =	sdelay $0x1  }
0xa4: {  	s8 =	simm.s32 $0x5D80  }
0xa5: {  	[tilespmem:s8], [sflag:$0x1] =	stream.linear.gather [spmem:s7], $0x80, $0x38;
	[tilespmem:$0x9F80] =	vst v63  }
0xa6: {  	s7 =	sld [smem:$0x7E5];
	_ =	sdelay $0x1  }
0xa7: {  	s8 =	simm.s32 $0x6180  }
0xa8: {  	[tilespmem:s8], [sflag:$0x1] =	stream.linear.gather [spmem:s7], $0x80, $0x38;
	[tilespmem:$0x9F80] =	vst v63  }
0xa9: {  	s7 =	rddreg [dreg:$0xa];
	s8 =	simm.s32 $0x5200  }
0xaa: {  	[tilespmem:s8], [sflag:$0x1] =	stream.linear.gather [spmem:s7], $0x80, $0x38;
	[tilespmem:$0x9F80] =	vst v63  }
0xab: {  	s7 =	sld [smem:$0x7E6];
	_ =	sdelay $0x1  }
0xac: {  	s8 =	simm.s32 $0x5600  }
0xad: {  	[tilespmem:s8], [sflag:$0x1] =	stream.linear.gather [spmem:s7], $0x80, $0x38;
	[tilespmem:$0x9F80] =	vst v63  }
0xae: {  	s7 =	sld [smem:$0x7E7];
	_ =	sdelay $0x1  }
0xaf: {  	s8 =	simm.s32 $0x5A00  }
0xb0: {  	[tilespmem:s8], [sflag:$0x1] =	stream.linear.gather [spmem:s7], $0x80, $0x38;
	[tilespmem:$0x9F80] =	vst v63  }
0xb1: {  	s7 =	sld [smem:$0x7E8];
	_ =	sdelay $0x1  }
0xb2: {  	s8 =	simm.s32 $0x5E00  }
0xb3: {  	[tilespmem:s8], [sflag:$0x1] =	stream.linear.gather [spmem:s7], $0x80, $0x38;
	[tilespmem:$0x9F80] =	vst v63  }
0xb4: {  	s7 =	sld [smem:$0x7E9];
	_ =	sdelay $0x1  }
0xb5: {  	s8 =	simm.s32 $0x6200  }
0xb6: {  	[tilespmem:s8], [sflag:$0x1] =	stream.linear.gather [spmem:s7], $0x80, $0x38;
	[tilespmem:$0x9F80] =	vst v63  }
0xb7: {  	s7 =	rddreg [dreg:$0xb];
	s8 =	simm.s32 $0x5280  }
0xb8: {  	[tilespmem:s8], [sflag:$0x1] =	stream.linear.gather [spmem:s7], $0x80, $0x38;
	[tilespmem:$0x9F80] =	vst v63  }
0xb9: {  	s7 =	sld [smem:$0x7EA];
	_ =	sdelay $0x1  }
0xba: {  	s8 =	simm.s32 $0x5680  }
0xbb: {  	[tilespmem:s8], [sflag:$0x1] =	stream.linear.gather [spmem:s7], $0x80, $0x38;
	[tilespmem:$0x9F80] =	vst v63  }
0xbc: {  	s7 =	sld [smem:$0x7EB];
	_ =	sdelay $0x1  }
0xbd: {  	s8 =	simm.s32 $0x5A80  }
0xbe: {  	[tilespmem:s8], [sflag:$0x1] =	stream.linear.gather [spmem:s7], $0x80, $0x38;
	[tilespmem:$0x9F80] =	vst v63  }
0xbf: {  	s7 =	sld [smem:$0x7EC];
	_ =	sdelay $0x1  }
0xc0: {  	s8 =	simm.s32 $0x5E80  }
0xc1: {  	[tilespmem:s8], [sflag:$0x1] =	stream.linear.gather [spmem:s7], $0x80, $0x38;
	[tilespmem:$0x9F80] =	vst v63  }
0xc2: {  	s7 =	sld [smem:$0x7ED];
	_ =	sdelay $0x1  }
0xc3: {  	s8 =	simm.s32 $0x6280  }
0xc4: {  	[tilespmem:s8], [sflag:$0x1] =	stream.linear.gather [spmem:s7], $0x80, $0x38;
	[tilespmem:$0x9F80] =	vst v63  }
0xc5: {  	s7 =	rddreg [dreg:$0xc];
	s8 =	simm.s32 $0x5300  }
0xc6: {  	[tilespmem:s8], [sflag:$0x1] =	stream.linear.gather [spmem:s7], $0x80, $0x38;
	[tilespmem:$0x9F80] =	vst v63  }
0xc7: {  	s7 =	sld [smem:$0x7EE];
	_ =	sdelay $0x1  }
0xc8: {  	s8 =	simm.s32 $0x5700  }
0xc9: {  	[tilespmem:s8], [sflag:$0x1] =	stream.linear.gather [spmem:s7], $0x80, $0x38;
	[tilespmem:$0x9F80] =	vst v63  }
0xca: {  	s7 =	sld [smem:$0x7EF];
	_ =	sdelay $0x1  }
0xcb: {  	s8 =	simm.s32 $0x5B00  }
0xcc: {  	[tilespmem:s8], [sflag:$0x1] =	stream.linear.gather [spmem:s7], $0x80, $0x38;
	[tilespmem:$0x9F80] =	vst v63  }
0xcd: {  	s7 =	sld [smem:$0x7F0];
	_ =	sdelay $0x1  }
0xce: {  	s8 =	simm.s32 $0x5F00  }
0xcf: {  	[tilespmem:s8], [sflag:$0x1] =	stream.linear.gather [spmem:s7], $0x80, $0x38;
	[tilespmem:$0x9F80] =	vst v63  }
0xd0: {  	s7 =	sld [smem:$0x7F1];
	_ =	sdelay $0x1  }
0xd1: {  	s8 =	simm.s32 $0x6300  }
0xd2: {  	[tilespmem:s8], [sflag:$0x1] =	stream.linear.gather [spmem:s7], $0x80, $0x38;
	[tilespmem:$0x9F80] =	vst v63  }
0xd3: {  	s7 =	rddreg [dreg:$0xd];
	s8 =	simm.s32 $0x6380  }
0xd4: {  	[tilespmem:s8], [sflag:$0x1] =	stream.linear.gather [spmem:s7], $0x80, $0x38;
	[tilespmem:$0x9F80] =	vst v63  }
0xd5: {  	s7 =	sld [smem:$0x7F2];
	_ =	sdelay $0x1  }
0xd6: {  	s8 =	simm.s32 $0x6780  }
0xd7: {  	[tilespmem:s8], [sflag:$0x1] =	stream.linear.gather [spmem:s7], $0x80, $0x38;
	[tilespmem:$0x9F80] =	vst v63  }
0xd8: {  	s7 =	sld [smem:$0x7F3];
	_ =	sdelay $0x1  }
0xd9: {  	s8 =	simm.s32 $0x6B80  }
0xda: {  	[tilespmem:s8], [sflag:$0x1] =	stream.linear.gather [spmem:s7], $0x80, $0x38;
	[tilespmem:$0x9F80] =	vst v63  }
0xdb: {  	s7 =	sld [smem:$0x7F4];
	_ =	sdelay $0x1  }
0xdc: {  	s8 =	simm.s32 $0x6F80  }
0xdd: {  	[tilespmem:s8], [sflag:$0x1] =	stream.linear.gather [spmem:s7], $0x80, $0x38;
	[tilespmem:$0x9F80] =	vst v63  }
0xde: {  	s7 =	sld [smem:$0x7F5];
	_ =	sdelay $0x1  }
0xdf: {  	s8 =	simm.s32 $0x7380  }
0xe0: {  	[tilespmem:s8], [sflag:$0x1] =	stream.linear.gather [spmem:s7], $0x80, $0x38;
	[tilespmem:$0x9F80] =	vst v63  }
0xe1: {  	s7 =	rddreg [dreg:$0xe];
	s8 =	simm.s32 $0x6400  }
0xe2: {  	[tilespmem:s8], [sflag:$0x1] =	stream.linear.gather [spmem:s7], $0x80, $0x38;
	[tilespmem:$0x9F80] =	vst v63  }
0xe3: {  	s7 =	sld [smem:$0x7F6];
	_ =	sdelay $0x1  }
0xe4: {  	s8 =	simm.s32 $0x6800  }
0xe5: {  	[tilespmem:s8], [sflag:$0x1] =	stream.linear.gather [spmem:s7], $0x80, $0x38;
	[tilespmem:$0x9F80] =	vst v63  }
0xe6: {  	s7 =	sld [smem:$0x7F7];
	_ =	sdelay $0x1  }
0xe7: {  	s8 =	simm.s32 $0x6C00  }
0xe8: {  	[tilespmem:s8], [sflag:$0x1] =	stream.linear.gather [spmem:s7], $0x80, $0x38;
	[tilespmem:$0x9F80] =	vst v63  }
0xe9: {  	s7 =	sld [smem:$0x7F8];
	_ =	sdelay $0x1  }
0xea: {  	s8 =	simm.s32 $0x7000  }
0xeb: {  	[tilespmem:s8], [sflag:$0x1] =	stream.linear.gather [spmem:s7], $0x80, $0x38;
	[tilespmem:$0x9F80] =	vst v63  }
0xec: {  	s7 =	sld [smem:$0x7F9];
	_ =	sdelay $0x1  }
0xed: {  	s8 =	simm.s32 $0x7400  }
0xee: {  	[tilespmem:s8], [sflag:$0x1] =	stream.linear.gather [spmem:s7], $0x80, $0x38;
	[tilespmem:$0x9F80] =	vst v63  }
0xef: {  	s7 =	rddreg [dreg:$0xf];
	s8 =	simm.s32 $0x6480  }
0xf0: {  	[tilespmem:s8], [sflag:$0x1] =	stream.linear.gather [spmem:s7], $0x80, $0x38;
	[tilespmem:$0x9F80] =	vst v63  }
0xf1: {  	s7 =	sld [smem:$0x7FA];
	_ =	sdelay $0x1  }
0xf2: {  	s8 =	simm.s32 $0x6880  }
0xf3: {  	[tilespmem:s8], [sflag:$0x1] =	stream.linear.gather [spmem:s7], $0x80, $0x38;
	[tilespmem:$0x9F80] =	vst v63  }
0xf4: {  	s7 =	sld [smem:$0x7FB];
	_ =	sdelay $0x1  }
0xf5: {  	s8 =	simm.s32 $0x6C80  }
0xf6: {  	[tilespmem:s8], [sflag:$0x1] =	stream.linear.gather [spmem:s7], $0x80, $0x38;
	[tilespmem:$0x9F80] =	vst v63  }
0xf7: {  	s7 =	sld [smem:$0x7FC];
	_ =	sdelay $0x1  }
0xf8: {  	s8 =	simm.s32 $0x7080  }
0xf9: {  	[tilespmem:s8], [sflag:$0x1] =	stream.linear.gather [spmem:s7], $0x80, $0x38;
	[tilespmem:$0x9F80] =	vst v63  }
0xfa: {  	s7 =	sld [smem:$0x7FD];
	_ =	sdelay $0x1  }
0xfb: {  	s8 =	simm.s32 $0x7480  }
0xfc: {  	[tilespmem:s8], [sflag:$0x1] =	stream.linear.gather [spmem:s7], $0x80, $0x38;
	[tilespmem:$0x9F80] =	vst v63  }
0xfd: {  	s6 =	rddreg [dreg:$0x10];
	s7 =	simm.s32 $0x6500  }
0xfe: {  	[tilespmem:s7], [sflag:$0x1] =	stream.linear.gather [spmem:s6], $0x80, $0x38;
	[tilespmem:$0x9F80] =	vst v63  }
0xff: {  	s8 =	simm.s32 $0x6900  }
0x100: {  	[tilespmem:s8], [sflag:$0x1] =	stream.linear.gather [spmem:s9], $0x80, $0x38;
	[tilespmem:$0x9F80] =	vst v63  }
0x101: {  	s6 =	simm.s32 $0x6D00  }
0x102: {  	[tilespmem:s6], [sflag:$0x1] =	stream.linear.gather [spmem:s10], $0x80, $0x38;
	[tilespmem:$0x9F80] =	vst v63  }
0x103: {  	s7 =	simm.s32 $0x7100  }
0x104: {  	[tilespmem:s7], [sflag:$0x1] =	stream.linear.gather [spmem:s11], $0x80, $0x38;
	[tilespmem:$0x9F80] =	vst v63  }
0x105: {  	s8 =	simm.s32 $0x7500  }
0x106: {  	[tilespmem:s8], [sflag:$0x1] =	stream.linear.gather [spmem:s12], $0x80, $0x38;
	[tilespmem:$0x9F80] =	vst v63  }
0x107: {  	s6 =	rddreg [dreg:$0x11];
	s7 =	simm.s32 $0x6580  }
0x108: {  	[tilespmem:s7], [sflag:$0x1] =	stream.linear.gather [spmem:s6], $0x80, $0x38;
	[tilespmem:$0x9F80] =	vst v63  }
0x109: {  	s8 =	simm.s32 $0x6980  }
0x10a: {  	[tilespmem:s8], [sflag:$0x1] =	stream.linear.gather [spmem:s13], $0x80, $0x38;
	[tilespmem:$0x9F80] =	vst v63  }
0x10b: {  	s6 =	simm.s32 $0x6D80  }
0x10c: {  	[tilespmem:s6], [sflag:$0x1] =	stream.linear.gather [spmem:s14], $0x80, $0x38;
	[tilespmem:$0x9F80] =	vst v63  }
0x10d: {  	s7 =	simm.s32 $0x7180  }
0x10e: {  	[tilespmem:s7], [sflag:$0x1] =	stream.linear.gather [spmem:s15], $0x80, $0x38;
	[tilespmem:$0x9F80] =	vst v63  }
0x10f: {  	s8 =	simm.s32 $0x7580  }
0x110: {  	[tilespmem:s8], [sflag:$0x1] =	stream.linear.gather [spmem:s16], $0x80, $0x38;
	[tilespmem:$0x9F80] =	vst v63  }
0x111: {  	s6 =	rddreg [dreg:$0x12];
	s7 =	simm.s32 $0x6600  }
0x112: {  	[tilespmem:s7], [sflag:$0x1] =	stream.linear.gather [spmem:s6], $0x80, $0x38;
	[tilespmem:$0x9F80] =	vst v63  }
0x113: {  	s8 =	simm.s32 $0x6A00  }
0x114: {  	[tilespmem:s8], [sflag:$0x1] =	stream.linear.gather [spmem:s17], $0x80, $0x38;
	[tilespmem:$0x9F80] =	vst v63  }
0x115: {  	s6 =	simm.s32 $0x6E00  }
0x116: {  	[tilespmem:s6], [sflag:$0x1] =	stream.linear.gather [spmem:s18], $0x80, $0x38;
	[tilespmem:$0x9F80] =	vst v63  }
0x117: {  	s7 =	simm.s32 $0x7200  }
0x118: {  	[tilespmem:s7], [sflag:$0x1] =	stream.linear.gather [spmem:s19], $0x80, $0x38;
	[tilespmem:$0x9F80] =	vst v63  }
0x119: {  	s8 =	simm.s32 $0x7600  }
0x11a: {  	[tilespmem:s8], [sflag:$0x1] =	stream.linear.gather [spmem:s20], $0x80, $0x38;
	[tilespmem:$0x9F80] =	vst v63  }
0x11b: {  	s6 =	rddreg [dreg:$0x13];
	s7 =	simm.s32 $0x6680  }
0x11c: {  	[tilespmem:s7], [sflag:$0x1] =	stream.linear.gather [spmem:s6], $0x80, $0x38;
	[tilespmem:$0x9F80] =	vst v63  }
0x11d: {  	s8 =	simm.s32 $0x6A80  }
0x11e: {  	[tilespmem:s8], [sflag:$0x1] =	stream.linear.gather [spmem:s21], $0x80, $0x38;
	[tilespmem:$0x9F80] =	vst v63  }
0x11f: {  	s6 =	simm.s32 $0x6E80  }
0x120: {  	[tilespmem:s6], [sflag:$0x1] =	stream.linear.gather [spmem:s22], $0x80, $0x38;
	[tilespmem:$0x9F80] =	vst v63  }
0x121: {  	s7 =	simm.s32 $0x7280  }
0x122: {  	[tilespmem:s7], [sflag:$0x1] =	stream.linear.gather [spmem:s23], $0x80, $0x38;
	[tilespmem:$0x9F80] =	vst v63  }
0x123: {  	s8 =	simm.s32 $0x7680  }
0x124: {  	[tilespmem:s8], [sflag:$0x1] =	stream.linear.gather [spmem:s24], $0x80, $0x38;
	[tilespmem:$0x9F80] =	vst v63  }
0x125: {  	s6 =	rddreg [dreg:$0x14];
	s7 =	simm.s32 $0x6700  }
0x126: {  	[tilespmem:s7], [sflag:$0x1] =	stream.linear.gather [spmem:s6], $0x80, $0x38;
	[tilespmem:$0x9F80] =	vst v63  }
0x127: {  	s8 =	simm.s32 $0x6B00  }
0x128: {  	[tilespmem:s8], [sflag:$0x1] =	stream.linear.gather [spmem:s25], $0x80, $0x38;
	[tilespmem:$0x9F80] =	vst v63  }
0x129: {  	s6 =	simm.s32 $0x6F00  }
0x12a: {  	[tilespmem:s6], [sflag:$0x1] =	stream.linear.gather [spmem:s26], $0x80, $0x38;
	[tilespmem:$0x9F80] =	vst v63  }
0x12b: {  	s7 =	simm.s32 $0x7300  }
0x12c: {  	[tilespmem:s7], [sflag:$0x1] =	stream.linear.gather [spmem:s28], $0x80, $0x38;
	[tilespmem:$0x9F80] =	vst v63  }
0x12d: {  	s8 =	simm.s32 $0x7700  }
0x12e: {  	[tilespmem:s8], [sflag:$0x1] =	stream.linear.gather [spmem:s29], $0x80, $0x38;
	[tilespmem:$0x9F80] =	vst v63  }
0x12f: {  	_ =	swait.ge [sflag:s1], $0x280  }
0x130: {  	[sflag:s1] =	ssyncset.done $0x0  }
0x131: {  	[sflag:s1] =	ssyncadd.s32 $0xFFFFFD80  }
0x132: {  	_ =	swait.ge [sflag:s1], $0x280  }
0x133: {  	[sflag:s1] =	ssyncset.done $0x0  }
0x134: {  	[sflag:s1] =	ssyncadd.s32 $0xFFFFFD80  }
0x135: {  	_ =	swait.ge [sflag:s1], $0x280  }
0x136: {  	[sflag:s1] =	ssyncset.done $0x0  }
0x137: {  	[sflag:s1] =	ssyncadd.s32 $0xFFFFFD80  }
0x138: {  	_ =	swait.ge [sflag:s1], $0x280  }
0x139: {  	[sflag:s1] =	ssyncset.done $0x0  }
0x13a: {  	[sflag:s1] =	ssyncadd.s32 $0xFFFFFD80  }
0x13b: {  	_ =	swait.ge [sflag:s1], $0x280  }
0x13c: {  	[sflag:s1] =	ssyncset.done $0x0  }
0x13d: {  	[sflag:s1] =	ssyncadd.s32 $0xFFFFFD80  }
0x13e: {  	_ =	swait.ge [sflag:s1], $0x280  }
0x13f: {  	[sflag:s1] =	ssyncset.done $0x0  }
0x140: {  	[sflag:s1] =	ssyncadd.s32 $0xFFFFFD80  }
0x141: {  	_ =	swait.ge [sflag:s1], $0x280  }
0x142: {  	[sflag:s1] =	ssyncset.done $0x0  }
0x143: {  	[sflag:s1] =	ssyncadd.s32 $0xFFFFFD80  }
0x144: {  	_ =	swait.ge [sflag:s1], $0x280  }
0x145: {  	[sflag:s1] =	ssyncset.done $0x0  }
0x146: {  	[sflag:s1] =	ssyncadd.s32 $0xFFFFFD80  }
0x147: {  	_ =	swait.ge [sflag:s1], $0x280  }
0x148: {  	[sflag:s1] =	ssyncset.done $0x0  }
0x149: {  	[sflag:s1] =	ssyncadd.s32 $0xFFFFFD80  }
0x14a: {  	_ =	swait.ge [sflag:s1], $0x280  }
0x14b: {  	[sflag:s1] =	ssyncset.done $0x0  }
0x14c: {  	[sflag:s1] =	ssyncadd.s32 $0xFFFFFD80  }
0x14d: {  	_ =	swait.ge [sflag:s1], $0x280  }
0x14e: {  	[sflag:s1] =	ssyncset.done $0x0  }
0x14f: {  	[sflag:s1] =	ssyncadd.s32 $0xFFFFFD80  }
0x150: {  	_ =	swait.ge [sflag:s1], $0x280  }
0x151: {  	[sflag:s1] =	ssyncset.done $0x0  }
0x152: {  	[sflag:s1] =	ssyncadd.s32 $0xFFFFFD80  }
0x153: {  	_ =	swait.ge [sflag:s1], $0x280  }
0x154: {  	[sflag:s1] =	ssyncset.done $0x0  }
0x155: {  	[sflag:s1] =	ssyncadd.s32 $0xFFFFFD80  }
0x156: {  	_ =	swait.ge [sflag:s1], $0x280  }
0x157: {  	[sflag:s1] =	ssyncset.done $0x0  }
0x158: {  	[sflag:s1] =	ssyncadd.s32 $0xFFFFFD80  }
0x159: {  	_ =	swait.ge [sflag:s1], $0x280  }
0x15a: {  	[sflag:s1] =	ssyncset.done $0x0  }
0x15b: {  	[sflag:s1] =	ssyncadd.s32 $0xFFFFFD80  }
0x15c: {  	s6 =	simm.s32 $0x0;
	_ =	swait.ge [sflag:s1], $0x280  }
0x15d: {  	s4 =	sand.u32 $0x1C00, s6;
	s7 =	sand.u32 $0x70, s6;
	[sflag:s1] =	ssyncset.done $0x0  }
0x15e: {  	s4 =	sor.u32 s7, s4;
	[sflag:s1] =	ssyncadd.s32 $0xFFFFFD80  }
0x15f: {  	v2 =	vld [tilespmem:s4+$0x5000]  }
0x160: {  	v3 =	vld [tilespmem:s4+$0x4F80];
	_ =	sdelay $0x1  }
0x161: {  	v4 =	vld [tilespmem:s4+$0x5080];
	_ =	sdelay $0x1  }
0x162: {  	v5 =	vld [tilespmem:s4+$0x5100]  }
0x163: {  	v2 =	vadd.f32 v2, v3  }
0x164: {  	v3 =	vld [tilespmem:s4+$0x5180]  }
0x165: {  	v2 =	vadd.f32 v4, v2  }
0x166: {  	v56 =	vld [tilespmem:s4+$0x5200]  }
0x167: {  	v2 =	vadd.f32 v5, v2  }
0x168: {  	v57 =	vld [tilespmem:s4+$0x5280]  }
0x169: {  	v2 =	vadd.f32 v3, v2  }
0x16a: {  	v3 =	vld [tilespmem:s4+$0x5300]  }
0x16b: {  	v2 =	vadd.f32 v56, v2  }
0x16c: {  	v58 =	vld [tilespmem:s4+$0x6380]  }
0x16d: {  	v2 =	vadd.f32 v57, v2  }
0x16e: {  	v59 =	vld [tilespmem:s4+$0x6400]  }
0x16f: {  	v2 =	vadd.f32 v3, v2  }
0x170: {  	v3 =	vld [tilespmem:s4+$0x6480]  }
0x171: {  	v2 =	vadd.f32 v58, v2  }
0x172: {  	v60 =	vld [tilespmem:s4+$0x6500]  }
0x173: {  	v2 =	vadd.f32 v59, v2  }
0x174: {  	v61 =	vld [tilespmem:s4+$0x6580]  }
0x175: {  	v2 =	vadd.f32 v3, v2  }
0x176: {  	v3 =	vld [tilespmem:s4+$0x6600]  }
0x177: {  	v2 =	vadd.f32 v60, v2  }
0x178: {  	v62 =	vld [tilespmem:s4+$0x6680]  }
0x179: {  	v2 =	vadd.f32 v61, v2  }
0x17a: {  	v63 =	vld [tilespmem:s4+$0x6700]  }
0x17b: {  	v2 =	vadd.f32 v3, v2;
	_ =	sdelay $0x1  }
0x17c: {  	v2 =	vadd.f32 v62, v2;
	_ =	sdelay $0x1  }
0x17d: {  	s6 =	simm.s32 $0x80;
	s8 =	simm.s32 $0x10;
	v2 =	vadd.f32 v63, v2  }
0x17e: {  	s7 =	sand.u32 $0x1C00, s6;
	s4 =	sand.u32 $0x70, s8  }
0x17f: {  	s4 =	sor.u32 s4, s7;
	s7 =	simm.s32 $0x20;
	[tilespmem:s3+$0x0] =	vst v2  }
.LBB2_6:
0x180: {  	p0 =	sne.s32 s7, $0x270;
	v2 =	vld [tilespmem:s4+$0x5000]  }
0x181: {  	v3 =	vld [tilespmem:s4+$0x4F80];
	_ =	sdelay $0x1  }
0x182: {  	v4 =	vld [tilespmem:s4+$0x5080];
	_ =	sdelay $0x1  }
0x183: {  	v5 =	vld [tilespmem:s4+$0x5100]  }
0x184: {  	v2 =	vadd.f32 v2, v3  }
0x185: {  	v3 =	vld [tilespmem:s4+$0x5180]  }
0x186: {  	v2 =	vadd.f32 v4, v2  }
0x187: {  	v4 =	vld [tilespmem:s4+$0x5200]  }
0x188: {  	v2 =	vadd.f32 v5, v2  }
0x189: {  	v5 =	vld [tilespmem:s4+$0x5280]  }
0x18a: {  	v2 =	vadd.f32 v3, v2  }
0x18b: {  	v3 =	vld [tilespmem:s4+$0x5300]  }
0x18c: {  	v2 =	vadd.f32 v4, v2  }
0x18d: {  	v4 =	vld [tilespmem:s4+$0x6380]  }
0x18e: {  	v2 =	vadd.f32 v5, v2  }
0x18f: {  	v5 =	vld [tilespmem:s4+$0x6400]  }
0x190: {  	v2 =	vadd.f32 v3, v2  }
0x191: {  	v3 =	vld [tilespmem:s4+$0x6480]  }
0x192: {  	v2 =	vadd.f32 v4, v2  }
0x193: {  	v4 =	vld [tilespmem:s4+$0x6500]  }
0x194: {  	v2 =	vadd.f32 v5, v2  }
0x195: {  	v5 =	vld [tilespmem:s4+$0x6580]  }
0x196: {  	v2 =	vadd.f32 v3, v2  }
0x197: {  	v3 =	vld [tilespmem:s4+$0x6600]  }
0x198: {  	v2 =	vadd.f32 v4, v2  }
0x199: {  	v4 =	vld [tilespmem:s4+$0x6680]  }
0x19a: {  	v2 =	vadd.f32 v5, v2  }
0x19b: {  	v5 =	vld [tilespmem:s4+$0x6700]  }
0x19c: {  	v2 =	vadd.f32 v3, v2;
	_ =	sdelay $0x1  }
.Ltmp2:
0x19d: {  	v2 =	vadd.f32 v4, v2;
	(pc) =	sbr.rel @p0 .LBB2_6-.Ltmp2, $4  }
0x19e: {  	_ = 	snop  }
0x19f: {  	s6 =	sadd.s32 $0x80, s6;
	v2 =	vadd.f32 v5, v2  }
0x1a0: {  	s3 =	sadd.s32 $0x10, s3;
	s8 =	sand.u32 $0x1C00, s6;
	s4 =	sand.u32 $0x70, s7  }
0x1a1: {  	s7 =	sadd.s32 $0x10, s7;
	s4 =	sor.u32 s4, s8;
	[tilespmem:s3+$0x0] =	vst v2  }
0x1a2: {  	v2 =	vld [tilespmem:s4+$0x5000]  }
0x1a3: {  	v3 =	vld [tilespmem:s4+$0x4F80];
	_ =	sdelay $0x1  }
0x1a4: {  	v4 =	vld [tilespmem:s4+$0x5080];
	_ =	sdelay $0x1  }
0x1a5: {  	v5 =	vld [tilespmem:s4+$0x5100]  }
0x1a6: {  	v2 =	vadd.f32 v2, v3  }
0x1a7: {  	v3 =	vld [tilespmem:s4+$0x5180]  }
0x1a8: {  	v2 =	vadd.f32 v4, v2  }
0x1a9: {  	v56 =	vld [tilespmem:s4+$0x5200]  }
0x1aa: {  	v2 =	vadd.f32 v5, v2  }
0x1ab: {  	v57 =	vld [tilespmem:s4+$0x5280]  }
0x1ac: {  	v2 =	vadd.f32 v3, v2  }
0x1ad: {  	v3 =	vld [tilespmem:s4+$0x5300]  }
0x1ae: {  	v2 =	vadd.f32 v56, v2  }
0x1af: {  	v58 =	vld [tilespmem:s4+$0x6380]  }
0x1b0: {  	v2 =	vadd.f32 v57, v2  }
0x1b1: {  	v59 =	vld [tilespmem:s4+$0x6400]  }
0x1b2: {  	v2 =	vadd.f32 v3, v2  }
0x1b3: {  	v3 =	vld [tilespmem:s4+$0x6480]  }
0x1b4: {  	v2 =	vadd.f32 v58, v2  }
0x1b5: {  	v60 =	vld [tilespmem:s4+$0x6500]  }
0x1b6: {  	v2 =	vadd.f32 v59, v2  }
0x1b7: {  	v61 =	vld [tilespmem:s4+$0x6580]  }
0x1b8: {  	v2 =	vadd.f32 v3, v2  }
0x1b9: {  	v3 =	vld [tilespmem:s4+$0x6600]  }
0x1ba: {  	v2 =	vadd.f32 v60, v2  }
0x1bb: {  	v62 =	vld [tilespmem:s4+$0x6680]  }
0x1bc: {  	v2 =	vadd.f32 v61, v2  }
0x1bd: {  	v63 =	vld [tilespmem:s4+$0x6700]  }
0x1be: {  	v2 =	vadd.f32 v3, v2;
	_ =	sdelay $0x1  }
0x1bf: {  	v2 =	vadd.f32 v62, v2;
	_ =	sdelay $0x1  }
0x1c0: {  	v2 =	vadd.f32 v63, v2  }
0x1c1: {  	s3 =	sadd.s32 $0x10, s3  }
0x1c2: {  	s6 =	rddreg [dreg:$0x15];
	s7 =	simm.s32 $0x100;
	[tilespmem:s3+$0x0] =	vst v2  }
0x1c3: {  	[hbm4b:s6+s0] =	stream.strided.scatter [tilespmem:s31], [sflag:$0x2], $0x280, s7, s0, $0x38;
	[tilespmem:$0x9F80] =	vst v63  }
0x1c4: {  	_ =	swait.ge [sflag:s30], $0x280  }
0x1c5: {  	s2 =	sadd.s32 $0x1, s2;
	s8 =	rddreg [dreg:$0x16]  }
0x1c6: {  	p0 =	sne.s32 s2, s8  }
.Ltmp3:
0x1c7: {  	_ = 	snop;
	(pc) =	sbr.rel @p0 .LBB2_1-.Ltmp3, $3  }
0x1c8: {  	_ =	sdelay $0x1  }
0x1c9: {  	[sflag:s30] =	ssyncset.done $0x0  }
0x1ca: {  	[sflag:s30] =	ssyncadd.s32 $0xFFFFFD80  }
0x1cb: {  	_ =	sfence.sel $0x180000  }
0x1cc: {  	[bflag:$0x0] =	sbarrier.arrive $0xFFFF  }
0x1cd: {  	_ =	strace $0x90000047  }
0x1ce: {  	s0 =	stileid.u32;
	[bflag:$0x2] =	sbarrier.arrive $0xFFFF  }
0x1cf: {  	p0 =	sne.s32 s0, $0x0;
	s0 =	rddreg [dreg:$0x3]  }
0x1d0: {  	s0 =	sadd.s32 @!p0 $0x100000, s0  }
0x1d1: {  	[sflag:s0] =	ssyncadd.tile.s32 @!p0 $0x1;
	_ =	shalt  }
.Lfunc_end2:
_tile_overlayer_lowered:
.L_overlay_start_2:
0x1d2: {  	(tag) =	ssettag $0x2  }
0x1d3: {  	s0 =	rddreg [dreg:$0x0];
	s2 =	stileid.u32  }
0x1d4: {  	s1 =	rddreg [dreg:$0x1];
	p0 =	sne.s32 s2, $0x0  }
0x1d5: {  	s3 =	rddreg [dreg:$0x2];
	[bflag:$0x3] =	sbarrier.arrive $0xFFFF;
	s2 =	simm.s32 @!p0 $0x1C02  }
0x1d6: {  	[timem:s3], [sflag:s2] =	dma.local @!p0 [hbm:s0], s1  }
0x1d7: {  	s0 =	simm.s32 @!p0 $0x2  }
0x1d8: {  	_ =	swait.ge @!p0 [sflag:s0], s1  }
0x1d9: {  	s1 =	ssub.s32 @!p0 $0x0, s1;
	[sflag:s0] =	ssyncset.done @!p0 $0x0  }
0x1da: {  	[sflag:s0] =	ssyncadd.s32 @!p0 s1  }
0x1db: {  	[bflag:$0x3] =	sbarrier.arrive $0xFFFF  }
0x1dc: {  	_ =	shalt  }

</sc_bundles>
